<compile_context>
chip_gen: v7x
topology: tpu7x:2x2x1
jax: 0.10.2.dev20260603
libtpu: 0.0.44.dev20260713+nightly
codegen_flags: <defaults>
</compile_context>

<pallas_src>
import jax
import jax.numpy as jnp
from jax import lax
from jax.experimental import pallas as pl
from jax.experimental.pallas import tpu as pltpu
from jax.experimental.pallas import tpu_sc as plsc

_N_EMBED = 64
_BATCH = 4096
_HIST = 50

_N_TOT = _BATCH * _HIST
_NW = 32
_PER_W = _N_TOT // _NW
_CHUNK = 128
_NCH = _PER_W // _CHUNK
_SUP = 5
_NS = _NCH // _SUP
_SROWS = _SUP * _CHUNK
_LANES = 16
_GRPS = _SROWS // _LANES


def _zero_fix(idx_v, buf, s):
    acc = idx_v[_SUP * s, pl.ds(0, _LANES)]
    for g in range(1, _GRPS):
        j = _SUP * s + g // 8
        acc = jnp.minimum(acc, idx_v[j, pl.ds((g % 8) * _LANES, _LANES)])
    cnt = plsc.all_reduce_population_count(acc == 0)

    @pl.when(cnt[0] > 0)
    def _():
        zeros = jnp.zeros((_LANES,), jnp.float32)

        def grp(g, carry):
            j = _SUP * s + g // 8
            col = (g % 8) * _LANES
            idxs = idx_v[j, pl.ds(col, _LANES)]
            msk = idxs == 0
            gcnt = plsc.all_reduce_population_count(msk)

            @pl.when(gcnt[0] > 0)
            def _():
                rowpos = g * _LANES + lax.iota(jnp.int32, 16)

                def colloop(c, carry2):
                    colpos = jnp.full((_LANES,), c, jnp.int32)
                    plsc.store_scatter(buf, [rowpos, colpos], zeros,
                                       mask=msk)
                    return carry2

                lax.fori_loop(0, _N_EMBED, colloop, 0)
            return carry

        lax.fori_loop(0, _GRPS, grp, 0)


def _emb_body(x_hbm, w_hbm, out_hbm, idx_v, buf0, buf1, gsem0, gsem1, osem):
    wid = lax.axis_index("s") * 2 + lax.axis_index("c")
    bufs = (buf0, buf1)
    gsems = (gsem0, gsem1)
    pltpu.sync_copy(x_hbm.at[wid], idx_v)

    def issue_gathers(s):
        b = bufs[s % 2]
        hs = []
        for k in range(_SUP):
            hs.append(pltpu.async_copy(
                w_hbm.at[idx_v.at[_SUP * s + k]],
                b.at[pl.ds(k * _CHUNK, _CHUNK)], gsems[s % 2]))
        return hs

    gh = {0: issue_gathers(0)}
    oh = {}
    for s in range(_NS):
        b = bufs[s % 2]
        if s + 1 < _NS:
            if s - 1 >= 0:
                oh[s - 1].wait()
            gh[s + 1] = issue_gathers(s + 1)
        for h in gh.pop(s):
            h.wait()
        _zero_fix(idx_v, b, s)
        oh[s] = pltpu.async_copy(b, out_hbm.at[wid, s], osem)
    oh[_NS - 2].wait()
    oh[_NS - 1].wait()


@jax.jit
def kernel(x, W):
    x_flat = x.reshape(_NW, _NCH, _CHUNK)
    call = pl.kernel(
        _emb_body,
        out_type=jax.ShapeDtypeStruct((_NW, _NS, _SROWS, _N_EMBED),
                                      jnp.float32),
        mesh=plsc.VectorSubcoreMesh(core_axis_name="c", subcore_axis_name="s"),
        scratch_types=[
            pltpu.VMEM((_NCH, _CHUNK), jnp.int32),
            pltpu.VMEM((_SROWS, _N_EMBED), jnp.float32),
            pltpu.VMEM((_SROWS, _N_EMBED), jnp.float32),
            pltpu.SemaphoreType.DMA,
            pltpu.SemaphoreType.DMA,
            pltpu.SemaphoreType.DMA,
        ],
        compiler_params=pltpu.CompilerParams(
            use_tc_tiling_on_sc=False,
            needs_layout_passes=False,
        ),
    )
    out = call(x_flat, W)
    return out.reshape(_BATCH, _HIST, _N_EMBED)

# --- scband reference (transcript-rebuilt; emitter-appended) ---
"""Pipeline reference for scband-word-embedding-45414984188421 (READ-ONLY COPY).

The authoritative reference and input builder live on the scoring server;
editing this copy changes nothing except your own understanding.
"""

import jax, jax.numpy as jnp
import numpy as np

N_VOCAB = 1000000
N_EMBED = 64
BATCH = 4096
HIST = 50

def setup_inputs(seed: int = 0) -> dict:
    key = jax.random.key(seed)
    k_idx, k_w = jax.random.split(key)
    x = jax.random.randint(k_idx, (BATCH, HIST), 0, N_VOCAB, dtype=jnp.int64 if jax.config.jax_enable_x64 else jnp.int32).astype(jnp.int32)
    W = jax.random.normal(k_w, (N_VOCAB, N_EMBED), dtype=jnp.float32)
    return {"x": x, "W": W}

def reference(x, W):
    # WordEmbedding with n_hidden=0, position=False, dropout=0.0:
    # forward is nn.Embedding(n_vocab, n_embed, padding_idx=0) lookup.
    # padding_idx=0 => row 0 of the table acts as zeros.
    W_eff = W.at[0].set(jnp.zeros((N_EMBED,), dtype=W.dtype))
    h = jnp.take(W_eff, x, axis=0)  # [BATCH, HIST, N_EMBED]
    # dropout p=0.0 is identity
    return h

if __name__ == "__main__":
    import jax
    _d = setup_inputs()
    print(jax.jit(kernel)(*tuple(_d.values())))

</pallas_src>

<mosaic_0001>
#map = affine_map<(d0, d1) -> (0, 0, 0)>
#map1 = affine_map<(d0, d1) -> (0, 0)>
#map2 = affine_map<(d0, d1) -> (0, 0, 0, 0)>
module attributes {stable_mosaic.version = 14 : i64} {
  func.func @_emb_body(%arg0: i32, %arg1: i32, %arg2: memref<32x50x128xi32, #tpu.memory_space<hbm>>, %arg3: memref<1000000x64xf32, #tpu.memory_space<hbm>>, %arg4: memref<32x10x640x64xf32, #tpu.memory_space<hbm>>, %arg5: memref<50x128xi32, #tpu.memory_space<vmem>>, %arg6: memref<640x64xf32, #tpu.memory_space<vmem>>, %arg7: memref<640x64xf32, #tpu.memory_space<vmem>>, %arg8: memref<!tpu.dma_semaphore, #tpu.memory_space<semaphore_mem>>, %arg9: memref<!tpu.dma_semaphore, #tpu.memory_space<semaphore_mem>>, %arg10: memref<!tpu.dma_semaphore, #tpu.memory_space<semaphore_mem>>) attributes {dimension_semantics = [#tpu.dimension_semantics<core_parallel>, #tpu.dimension_semantics<subcore_parallel>], iteration_bounds = array<i64: 2, 16>, scalar_prefetch = 0 : i64, scratch_operands = 6 : i64, tpu.core_type = #tpu.core_type<sc_vector_subcore>, window_params = [{transform_indices = #map}, {transform_indices = #map1}, {transform_indices = #map2}]} {
    %mul3A = arith.constant 2 : i32
    %mul3A_0 = arith.muli %arg1, %mul3A : i32
    %add3A = arith.addi %mul3A_0, %arg0 : i32
    "tpu.region"() ({
      %run_scoped3A = tpu.sem_alloc : memref<!tpu.dma_semaphore, #tpu.memory_space<semaphore_mem>>
      %dma_start3A_3270 = arith.constant 0 : i32
      %dma_start3A_3271 = arith.constant 0 : i32
      %dma_start3A_3272 = tpu.memref_slice %arg2[%add3A, %dma_start3A_3270, %dma_start3A_3271] : memref<32x50x128xi32, #tpu.memory_space<hbm>> -> memref<1x50x128xi32, #tpu.memory_space<hbm>>
      %dma_start3A_3273 = tpu.memref_squeeze %dma_start3A_3272 : memref<1x50x128xi32, #tpu.memory_space<hbm>> -> memref<50x128xi32, #tpu.memory_space<hbm>>
      %dma_start3A_3274 = arith.constant 0 : i32
      %dma_start3A_3275 = arith.constant 0 : i32
      %dma_start3A_3276 = tpu.memref_slice %arg2[%add3A, %dma_start3A_3274, %dma_start3A_3275] : memref<32x50x128xi32, #tpu.memory_space<hbm>> -> memref<1x50x128xi32, #tpu.memory_space<hbm>>
      %dma_start3A_3277 = tpu.memref_squeeze %dma_start3A_3276 : memref<1x50x128xi32, #tpu.memory_space<hbm>> -> memref<50x128xi32, #tpu.memory_space<hbm>>
      tpu.enqueue_dma source(%dma_start3A_3277 : memref<50x128xi32, #tpu.memory_space<hbm>>) target(%arg5 : memref<50x128xi32, #tpu.memory_space<vmem>>) target_semaphore(%run_scoped3A : memref<!tpu.dma_semaphore, #tpu.memory_space<semaphore_mem>>)
      %dma_wait3A_3278 = arith.constant 0 : i32
      %dma_wait3A_3279 = arith.constant 0 : i32
      %dma_wait3A_3280 = tpu.memref_slice %arg2[%add3A, %dma_wait3A_3278, %dma_wait3A_3279] : memref<32x50x128xi32, #tpu.memory_space<hbm>> -> memref<1x50x128xi32, #tpu.memory_space<hbm>>
      %dma_wait3A_3281 = tpu.memref_squeeze %dma_wait3A_3280 : memref<1x50x128xi32, #tpu.memory_space<hbm>> -> memref<50x128xi32, #tpu.memory_space<hbm>>
      %dma_wait3A_3282 = arith.constant 0 : i32
      %dma_wait3A_3283 = arith.constant 0 : i32
      %dma_wait3A_3284 = tpu.memref_slice %arg2[%add3A, %dma_wait3A_3282, %dma_wait3A_3283] : memref<32x50x128xi32, #tpu.memory_space<hbm>> -> memref<1x50x128xi32, #tpu.memory_space<hbm>>
      %dma_wait3A_3285 = tpu.memref_squeeze %dma_wait3A_3284 : memref<1x50x128xi32, #tpu.memory_space<hbm>> -> memref<50x128xi32, #tpu.memory_space<hbm>>
      tpu.wait_dma2 semaphore(%run_scoped3A : memref<!tpu.dma_semaphore, #tpu.memory_space<semaphore_mem>>) src(%dma_wait3A_3285 : memref<50x128xi32, #tpu.memory_space<hbm>>) dst(%arg5 : memref<50x128xi32, #tpu.memory_space<vmem>>)
      tpu.yield
    }) : () -> ()
    %dma_start3A = arith.constant 0 : i32
    %dma_start3A_1 = arith.constant 0 : i32
    %dma_start3A_2 = arith.constant 0 : i32
    %dma_start3A_3 = tpu.memref_slice %arg6[%dma_start3A_1, %dma_start3A_2] : memref<640x64xf32, #tpu.memory_space<vmem>> -> memref<128x64xf32, #tpu.memory_space<vmem>>
    %dma_start3A_4 = arith.constant 0 : i32
    %dma_start3A_5 = tpu.memref_slice %arg5[%dma_start3A, %dma_start3A_4] : memref<50x128xi32, #tpu.memory_space<vmem>> -> memref<1x128xi32, #tpu.memory_space<vmem>>
    %dma_start3A_6 = tpu.memref_squeeze %dma_start3A_5 : memref<1x128xi32, #tpu.memory_space<vmem>> -> memref<128xi32, #tpu.memory_space<vmem>>
    %dma_start3A_7 = arith.constant 0 : i32
    %dma_start3A_8 = arith.constant 0 : i32
    %dma_start3A_9 = tpu.memref_slice %arg3[%dma_start3A_7, %dma_start3A_8] : memref<1000000x64xf32, #tpu.memory_space<hbm>> -> memref<1000000x64xf32, #tpu.memory_space<hbm>>
    tpu.enqueue_indirect_dma source(%dma_start3A_9 : memref<1000000x64xf32, #tpu.memory_space<hbm>>) target(%dma_start3A_3 : memref<128x64xf32, #tpu.memory_space<vmem>>) offsets(%dma_start3A_6 : memref<128xi32, #tpu.memory_space<vmem>>) semaphore(%arg8 : memref<!tpu.dma_semaphore, #tpu.memory_space<semaphore_mem>>)
    %dma_start3A_10 = arith.constant 1 : i32
    %dma_start3A_11 = arith.constant 128 : i32
    %dma_start3A_12 = arith.constant 0 : i32
    %dma_start3A_13 = tpu.memref_slice %arg6[%dma_start3A_11, %dma_start3A_12] : memref<640x64xf32, #tpu.memory_space<vmem>> -> memref<128x64xf32, #tpu.memory_space<vmem>>
    %dma_start3A_14 = arith.constant 0 : i32
    %dma_start3A_15 = tpu.memref_slice %arg5[%dma_start3A_10, %dma_start3A_14] : memref<50x128xi32, #tpu.memory_space<vmem>> -> memref<1x128xi32, #tpu.memory_space<vmem>>
    %dma_start3A_16 = tpu.memref_squeeze %dma_start3A_15 : memref<1x128xi32, #tpu.memory_space<vmem>> -> memref<128xi32, #tpu.memory_space<vmem>>
    %dma_start3A_17 = arith.constant 0 : i32
    %dma_start3A_18 = arith.constant 0 : i32
    %dma_start3A_19 = tpu.memref_slice %arg3[%dma_start3A_17, %dma_start3A_18] : memref<1000000x64xf32, #tpu.memory_space<hbm>> -> memref<1000000x64xf32, #tpu.memory_space<hbm>>
    tpu.enqueue_indirect_dma source(%dma_start3A_19 : memref<1000000x64xf32, #tpu.memory_space<hbm>>) target(%dma_start3A_13 : memref<128x64xf32, #tpu.memory_space<vmem>>) offsets(%dma_start3A_16 : memref<128xi32, #tpu.memory_space<vmem>>) semaphore(%arg8 : memref<!tpu.dma_semaphore, #tpu.memory_space<semaphore_mem>>)
    %dma_start3A_20 = arith.constant 2 : i32
    %dma_start3A_21 = arith.constant 256 : i32
    %dma_start3A_22 = arith.constant 0 : i32
    %dma_start3A_23 = tpu.memref_slice %arg6[%dma_start3A_21, %dma_start3A_22] : memref<640x64xf32, #tpu.memory_space<vmem>> -> memref<128x64xf32, #tpu.memory_space<vmem>>
    %dma_start3A_24 = arith.constant 0 : i32
    %dma_start3A_25 = tpu.memref_slice %arg5[%dma_start3A_20, %dma_start3A_24] : memref<50x128xi32, #tpu.memory_space<vmem>> -> memref<1x128xi32, #tpu.memory_space<vmem>>
    %dma_start3A_26 = tpu.memref_squeeze %dma_start3A_25 : memref<1x128xi32, #tpu.memory_space<vmem>> -> memref<128xi32, #tpu.memory_space<vmem>>
    %dma_start3A_27 = arith.constant 0 : i32
    %dma_start3A_28 = arith.constant 0 : i32
    %dma_start3A_29 = tpu.memref_slice %arg3[%dma_start3A_27, %dma_start3A_28] : memref<1000000x64xf32, #tpu.memory_space<hbm>> -> memref<1000000x64xf32, #tpu.memory_space<hbm>>
    tpu.enqueue_indirect_dma source(%dma_start3A_29 : memref<1000000x64xf32, #tpu.memory_space<hbm>>) target(%dma_start3A_23 : memref<128x64xf32, #tpu.memory_space<vmem>>) offsets(%dma_start3A_26 : memref<128xi32, #tpu.memory_space<vmem>>) semaphore(%arg8 : memref<!tpu.dma_semaphore, #tpu.memory_space<semaphore_mem>>)
    %dma_start3A_30 = arith.constant 3 : i32
    %dma_start3A_31 = arith.constant 384 : i32
    %dma_start3A_32 = arith.constant 0 : i32
    %dma_start3A_33 = tpu.memref_slice %arg6[%dma_start3A_31, %dma_start3A_32] : memref<640x64xf32, #tpu.memory_space<vmem>> -> memref<128x64xf32, #tpu.memory_space<vmem>>
    %dma_start3A_34 = arith.constant 0 : i32
    %dma_start3A_35 = tpu.memref_slice %arg5[%dma_start3A_30, %dma_start3A_34] : memref<50x128xi32, #tpu.memory_space<vmem>> -> memref<1x128xi32, #tpu.memory_space<vmem>>
    %dma_start3A_36 = tpu.memref_squeeze %dma_start3A_35 : memref<1x128xi32, #tpu.memory_space<vmem>> -> memref<128xi32, #tpu.memory_space<vmem>>
    %dma_start3A_37 = arith.constant 0 : i32
    %dma_start3A_38 = arith.constant 0 : i32
    %dma_start3A_39 = tpu.memref_slice %arg3[%dma_start3A_37, %dma_start3A_38] : memref<1000000x64xf32, #tpu.memory_space<hbm>> -> memref<1000000x64xf32, #tpu.memory_space<hbm>>
    tpu.enqueue_indirect_dma source(%dma_start3A_39 : memref<1000000x64xf32, #tpu.memory_space<hbm>>) target(%dma_start3A_33 : memref<128x64xf32, #tpu.memory_space<vmem>>) offsets(%dma_start3A_36 : memref<128xi32, #tpu.memory_space<vmem>>) semaphore(%arg8 : memref<!tpu.dma_semaphore, #tpu.memory_space<semaphore_mem>>)
    %dma_start3A_40 = arith.constant 4 : i32
    %dma_start3A_41 = arith.constant 512 : i32
    %dma_start3A_42 = arith.constant 0 : i32
    %dma_start3A_43 = tpu.memref_slice %arg6[%dma_start3A_41, %dma_start3A_42] : memref<640x64xf32, #tpu.memory_space<vmem>> -> memref<128x64xf32, #tpu.memory_space<vmem>>
    %dma_start3A_44 = arith.constant 0 : i32
    %dma_start3A_45 = tpu.memref_slice %arg5[%dma_start3A_40, %dma_start3A_44] : memref<50x128xi32, #tpu.memory_space<vmem>> -> memref<1x128xi32, #tpu.memory_space<vmem>>
    %dma_start3A_46 = tpu.memref_squeeze %dma_start3A_45 : memref<1x128xi32, #tpu.memory_space<vmem>> -> memref<128xi32, #tpu.memory_space<vmem>>
    %dma_start3A_47 = arith.constant 0 : i32
    %dma_start3A_48 = arith.constant 0 : i32
    %dma_start3A_49 = tpu.memref_slice %arg3[%dma_start3A_47, %dma_start3A_48] : memref<1000000x64xf32, #tpu.memory_space<hbm>> -> memref<1000000x64xf32, #tpu.memory_space<hbm>>
    tpu.enqueue_indirect_dma source(%dma_start3A_49 : memref<1000000x64xf32, #tpu.memory_space<hbm>>) target(%dma_start3A_43 : memref<128x64xf32, #tpu.memory_space<vmem>>) offsets(%dma_start3A_46 : memref<128xi32, #tpu.memory_space<vmem>>) semaphore(%arg8 : memref<!tpu.dma_semaphore, #tpu.memory_space<semaphore_mem>>)
    %dma_start3A_50 = arith.constant 5 : i32
    %dma_start3A_51 = arith.constant 0 : i32
    %dma_start3A_52 = arith.constant 0 : i32
    %dma_start3A_53 = tpu.memref_slice %arg7[%dma_start3A_51, %dma_start3A_52] : memref<640x64xf32, #tpu.memory_space<vmem>> -> memref<128x64xf32, #tpu.memory_space<vmem>>
    %dma_start3A_54 = arith.constant 0 : i32
    %dma_start3A_55 = tpu.memref_slice %arg5[%dma_start3A_50, %dma_start3A_54] : memref<50x128xi32, #tpu.memory_space<vmem>> -> memref<1x128xi32, #tpu.memory_space<vmem>>
    %dma_start3A_56 = tpu.memref_squeeze %dma_start3A_55 : memref<1x128xi32, #tpu.memory_space<vmem>> -> memref<128xi32, #tpu.memory_space<vmem>>
    %dma_start3A_57 = arith.constant 0 : i32
    %dma_start3A_58 = arith.constant 0 : i32
    %dma_start3A_59 = tpu.memref_slice %arg3[%dma_start3A_57, %dma_start3A_58] : memref<1000000x64xf32, #tpu.memory_space<hbm>> -> memref<1000000x64xf32, #tpu.memory_space<hbm>>
    tpu.enqueue_indirect_dma source(%dma_start3A_59 : memref<1000000x64xf32, #tpu.memory_space<hbm>>) target(%dma_start3A_53 : memref<128x64xf32, #tpu.memory_space<vmem>>) offsets(%dma_start3A_56 : memref<128xi32, #tpu.memory_space<vmem>>) semaphore(%arg9 : memref<!tpu.dma_semaphore, #tpu.memory_space<semaphore_mem>>)
    %dma_start3A_60 = arith.constant 6 : i32
    %dma_start3A_61 = arith.constant 128 : i32
    %dma_start3A_62 = arith.constant 0 : i32
    %dma_start3A_63 = tpu.memref_slice %arg7[%dma_start3A_61, %dma_start3A_62] : memref<640x64xf32, #tpu.memory_space<vmem>> -> memref<128x64xf32, #tpu.memory_space<vmem>>
    %dma_start3A_64 = arith.constant 0 : i32
    %dma_start3A_65 = tpu.memref_slice %arg5[%dma_start3A_60, %dma_start3A_64] : memref<50x128xi32, #tpu.memory_space<vmem>> -> memref<1x128xi32, #tpu.memory_space<vmem>>
    %dma_start3A_66 = tpu.memref_squeeze %dma_start3A_65 : memref<1x128xi32, #tpu.memory_space<vmem>> -> memref<128xi32, #tpu.memory_space<vmem>>
    %dma_start3A_67 = arith.constant 0 : i32
    %dma_start3A_68 = arith.constant 0 : i32
    %dma_start3A_69 = tpu.memref_slice %arg3[%dma_start3A_67, %dma_start3A_68] : memref<1000000x64xf32, #tpu.memory_space<hbm>> -> memref<1000000x64xf32, #tpu.memory_space<hbm>>
    tpu.enqueue_indirect_dma source(%dma_start3A_69 : memref<1000000x64xf32, #tpu.memory_space<hbm>>) target(%dma_start3A_63 : memref<128x64xf32, #tpu.memory_space<vmem>>) offsets(%dma_start3A_66 : memref<128xi32, #tpu.memory_space<vmem>>) semaphore(%arg9 : memref<!tpu.dma_semaphore, #tpu.memory_space<semaphore_mem>>)
    %dma_start3A_70 = arith.constant 7 : i32
    %dma_start3A_71 = arith.constant 256 : i32
    %dma_start3A_72 = arith.constant 0 : i32
    %dma_start3A_73 = tpu.memref_slice %arg7[%dma_start3A_71, %dma_start3A_72] : memref<640x64xf32, #tpu.memory_space<vmem>> -> memref<128x64xf32, #tpu.memory_space<vmem>>
    %dma_start3A_74 = arith.constant 0 : i32
    %dma_start3A_75 = tpu.memref_slice %arg5[%dma_start3A_70, %dma_start3A_74] : memref<50x128xi32, #tpu.memory_space<vmem>> -> memref<1x128xi32, #tpu.memory_space<vmem>>
    %dma_start3A_76 = tpu.memref_squeeze %dma_start3A_75 : memref<1x128xi32, #tpu.memory_space<vmem>> -> memref<128xi32, #tpu.memory_space<vmem>>
    %dma_start3A_77 = arith.constant 0 : i32
    %dma_start3A_78 = arith.constant 0 : i32
    %dma_start3A_79 = tpu.memref_slice %arg3[%dma_start3A_77, %dma_start3A_78] : memref<1000000x64xf32, #tpu.memory_space<hbm>> -> memref<1000000x64xf32, #tpu.memory_space<hbm>>
    tpu.enqueue_indirect_dma source(%dma_start3A_79 : memref<1000000x64xf32, #tpu.memory_space<hbm>>) target(%dma_start3A_73 : memref<128x64xf32, #tpu.memory_space<vmem>>) offsets(%dma_start3A_76 : memref<128xi32, #tpu.memory_space<vmem>>) semaphore(%arg9 : memref<!tpu.dma_semaphore, #tpu.memory_space<semaphore_mem>>)
    %dma_start3A_80 = arith.constant 8 : i32
    %dma_start3A_81 = arith.constant 384 : i32
    %dma_start3A_82 = arith.constant 0 : i32
    %dma_start3A_83 = tpu.memref_slice %arg7[%dma_start3A_81, %dma_start3A_82] : memref<640x64xf32, #tpu.memory_space<vmem>> -> memref<128x64xf32, #tpu.memory_space<vmem>>
    %dma_start3A_84 = arith.constant 0 : i32
    %dma_start3A_85 = tpu.memref_slice %arg5[%dma_start3A_80, %dma_start3A_84] : memref<50x128xi32, #tpu.memory_space<vmem>> -> memref<1x128xi32, #tpu.memory_space<vmem>>
    %dma_start3A_86 = tpu.memref_squeeze %dma_start3A_85 : memref<1x128xi32, #tpu.memory_space<vmem>> -> memref<128xi32, #tpu.memory_space<vmem>>
    %dma_start3A_87 = arith.constant 0 : i32
    %dma_start3A_88 = arith.constant 0 : i32
    %dma_start3A_89 = tpu.memref_slice %arg3[%dma_start3A_87, %dma_start3A_88] : memref<1000000x64xf32, #tpu.memory_space<hbm>> -> memref<1000000x64xf32, #tpu.memory_space<hbm>>
    tpu.enqueue_indirect_dma source(%dma_start3A_89 : memref<1000000x64xf32, #tpu.memory_space<hbm>>) target(%dma_start3A_83 : memref<128x64xf32, #tpu.memory_space<vmem>>) offsets(%dma_start3A_86 : memref<128xi32, #tpu.memory_space<vmem>>) semaphore(%arg9 : memref<!tpu.dma_semaphore, #tpu.memory_space<semaphore_mem>>)
    %dma_start3A_90 = arith.constant 9 : i32
    %dma_start3A_91 = arith.constant 512 : i32
    %dma_start3A_92 = arith.constant 0 : i32
    %dma_start3A_93 = tpu.memref_slice %arg7[%dma_start3A_91, %dma_start3A_92] : memref<640x64xf32, #tpu.memory_space<vmem>> -> memref<128x64xf32, #tpu.memory_space<vmem>>
    %dma_start3A_94 = arith.constant 0 : i32
    %dma_start3A_95 = tpu.memref_slice %arg5[%dma_start3A_90, %dma_start3A_94] : memref<50x128xi32, #tpu.memory_space<vmem>> -> memref<1x128xi32, #tpu.memory_space<vmem>>
    %dma_start3A_96 = tpu.memref_squeeze %dma_start3A_95 : memref<1x128xi32, #tpu.memory_space<vmem>> -> memref<128xi32, #tpu.memory_space<vmem>>
    %dma_start3A_97 = arith.constant 0 : i32
    %dma_start3A_98 = arith.constant 0 : i32
    %dma_start3A_99 = tpu.memref_slice %arg3[%dma_start3A_97, %dma_start3A_98] : memref<1000000x64xf32, #tpu.memory_space<hbm>> -> memref<1000000x64xf32, #tpu.memory_space<hbm>>
    tpu.enqueue_indirect_dma source(%dma_start3A_99 : memref<1000000x64xf32, #tpu.memory_space<hbm>>) target(%dma_start3A_93 : memref<128x64xf32, #tpu.memory_space<vmem>>) offsets(%dma_start3A_96 : memref<128xi32, #tpu.memory_space<vmem>>) semaphore(%arg9 : memref<!tpu.dma_semaphore, #tpu.memory_space<semaphore_mem>>)
    %dma_wait3A = arith.constant 0 : i32
    %dma_wait3A_100 = arith.constant 0 : i32
    %dma_wait3A_101 = arith.constant 0 : i32
    %dma_wait3A_102 = tpu.memref_slice %arg6[%dma_wait3A_100, %dma_wait3A_101] : memref<640x64xf32, #tpu.memory_space<vmem>> -> memref<128x64xf32, #tpu.memory_space<vmem>>
    %dma_wait3A_103 = arith.constant 0 : i32
    %dma_wait3A_104 = tpu.memref_slice %arg5[%dma_wait3A, %dma_wait3A_103] : memref<50x128xi32, #tpu.memory_space<vmem>> -> memref<1x128xi32, #tpu.memory_space<vmem>>
    %dma_wait3A_105 = tpu.memref_squeeze %dma_wait3A_104 : memref<1x128xi32, #tpu.memory_space<vmem>> -> memref<128xi32, #tpu.memory_space<vmem>>
    %dma_wait3A_106 = arith.constant 0 : i32
    %dma_wait3A_107 = arith.constant 0 : i32
    %dma_wait3A_108 = tpu.memref_slice %arg3[%dma_wait3A_106, %dma_wait3A_107] : memref<1000000x64xf32, #tpu.memory_space<hbm>> -> memref<1000000x64xf32, #tpu.memory_space<hbm>>
    tpu.wait_indirect_dma semaphore(%arg8 : memref<!tpu.dma_semaphore, #tpu.memory_space<semaphore_mem>>) src(%dma_wait3A_108 : memref<1000000x64xf32, #tpu.memory_space<hbm>>) dst(%dma_wait3A_102 : memref<128x64xf32, #tpu.memory_space<vmem>>)
    %dma_wait3A_109 = arith.constant 1 : i32
    %dma_wait3A_110 = arith.constant 128 : i32
    %dma_wait3A_111 = arith.constant 0 : i32
    %dma_wait3A_112 = tpu.memref_slice %arg6[%dma_wait3A_110, %dma_wait3A_111] : memref<640x64xf32, #tpu.memory_space<vmem>> -> memref<128x64xf32, #tpu.memory_space<vmem>>
    %dma_wait3A_113 = arith.constant 0 : i32
    %dma_wait3A_114 = tpu.memref_slice %arg5[%dma_wait3A_109, %dma_wait3A_113] : memref<50x128xi32, #tpu.memory_space<vmem>> -> memref<1x128xi32, #tpu.memory_space<vmem>>
    %dma_wait3A_115 = tpu.memref_squeeze %dma_wait3A_114 : memref<1x128xi32, #tpu.memory_space<vmem>> -> memref<128xi32, #tpu.memory_space<vmem>>
    %dma_wait3A_116 = arith.constant 0 : i32
    %dma_wait3A_117 = arith.constant 0 : i32
    %dma_wait3A_118 = tpu.memref_slice %arg3[%dma_wait3A_116, %dma_wait3A_117] : memref<1000000x64xf32, #tpu.memory_space<hbm>> -> memref<1000000x64xf32, #tpu.memory_space<hbm>>
    tpu.wait_indirect_dma semaphore(%arg8 : memref<!tpu.dma_semaphore, #tpu.memory_space<semaphore_mem>>) src(%dma_wait3A_118 : memref<1000000x64xf32, #tpu.memory_space<hbm>>) dst(%dma_wait3A_112 : memref<128x64xf32, #tpu.memory_space<vmem>>)
    %dma_wait3A_119 = arith.constant 2 : i32
    %dma_wait3A_120 = arith.constant 256 : i32
    %dma_wait3A_121 = arith.constant 0 : i32
    %dma_wait3A_122 = tpu.memref_slice %arg6[%dma_wait3A_120, %dma_wait3A_121] : memref<640x64xf32, #tpu.memory_space<vmem>> -> memref<128x64xf32, #tpu.memory_space<vmem>>
    %dma_wait3A_123 = arith.constant 0 : i32
    %dma_wait3A_124 = tpu.memref_slice %arg5[%dma_wait3A_119, %dma_wait3A_123] : memref<50x128xi32, #tpu.memory_space<vmem>> -> memref<1x128xi32, #tpu.memory_space<vmem>>
    %dma_wait3A_125 = tpu.memref_squeeze %dma_wait3A_124 : memref<1x128xi32, #tpu.memory_space<vmem>> -> memref<128xi32, #tpu.memory_space<vmem>>
    %dma_wait3A_126 = arith.constant 0 : i32
    %dma_wait3A_127 = arith.constant 0 : i32
    %dma_wait3A_128 = tpu.memref_slice %arg3[%dma_wait3A_126, %dma_wait3A_127] : memref<1000000x64xf32, #tpu.memory_space<hbm>> -> memref<1000000x64xf32, #tpu.memory_space<hbm>>
    tpu.wait_indirect_dma semaphore(%arg8 : memref<!tpu.dma_semaphore, #tpu.memory_space<semaphore_mem>>) src(%dma_wait3A_128 : memref<1000000x64xf32, #tpu.memory_space<hbm>>) dst(%dma_wait3A_122 : memref<128x64xf32, #tpu.memory_space<vmem>>)
    %dma_wait3A_129 = arith.constant 3 : i32
    %dma_wait3A_130 = arith.constant 384 : i32
    %dma_wait3A_131 = arith.constant 0 : i32
    %dma_wait3A_132 = tpu.memref_slice %arg6[%dma_wait3A_130, %dma_wait3A_131] : memref<640x64xf32, #tpu.memory_space<vmem>> -> memref<128x64xf32, #tpu.memory_space<vmem>>
    %dma_wait3A_133 = arith.constant 0 : i32
    %dma_wait3A_134 = tpu.memref_slice %arg5[%dma_wait3A_129, %dma_wait3A_133] : memref<50x128xi32, #tpu.memory_space<vmem>> -> memref<1x128xi32, #tpu.memory_space<vmem>>
    %dma_wait3A_135 = tpu.memref_squeeze %dma_wait3A_134 : memref<1x128xi32, #tpu.memory_space<vmem>> -> memref<128xi32, #tpu.memory_space<vmem>>
    %dma_wait3A_136 = arith.constant 0 : i32
    %dma_wait3A_137 = arith.constant 0 : i32
    %dma_wait3A_138 = tpu.memref_slice %arg3[%dma_wait3A_136, %dma_wait3A_137] : memref<1000000x64xf32, #tpu.memory_space<hbm>> -> memref<1000000x64xf32, #tpu.memory_space<hbm>>
    tpu.wait_indirect_dma semaphore(%arg8 : memref<!tpu.dma_semaphore, #tpu.memory_space<semaphore_mem>>) src(%dma_wait3A_138 : memref<1000000x64xf32, #tpu.memory_space<hbm>>) dst(%dma_wait3A_132 : memref<128x64xf32, #tpu.memory_space<vmem>>)
    %dma_wait3A_139 = arith.constant 4 : i32
    %dma_wait3A_140 = arith.constant 512 : i32
    %dma_wait3A_141 = arith.constant 0 : i32
    %dma_wait3A_142 = tpu.memref_slice %arg6[%dma_wait3A_140, %dma_wait3A_141] : memref<640x64xf32, #tpu.memory_space<vmem>> -> memref<128x64xf32, #tpu.memory_space<vmem>>
    %dma_wait3A_143 = arith.constant 0 : i32
    %dma_wait3A_144 = tpu.memref_slice %arg5[%dma_wait3A_139, %dma_wait3A_143] : memref<50x128xi32, #tpu.memory_space<vmem>> -> memref<1x128xi32, #tpu.memory_space<vmem>>
    %dma_wait3A_145 = tpu.memref_squeeze %dma_wait3A_144 : memref<1x128xi32, #tpu.memory_space<vmem>> -> memref<128xi32, #tpu.memory_space<vmem>>
    %dma_wait3A_146 = arith.constant 0 : i32
    %dma_wait3A_147 = arith.constant 0 : i32
    %dma_wait3A_148 = tpu.memref_slice %arg3[%dma_wait3A_146, %dma_wait3A_147] : memref<1000000x64xf32, #tpu.memory_space<hbm>> -> memref<1000000x64xf32, #tpu.memory_space<hbm>>
    tpu.wait_indirect_dma semaphore(%arg8 : memref<!tpu.dma_semaphore, #tpu.memory_space<semaphore_mem>>) src(%dma_wait3A_148 : memref<1000000x64xf32, #tpu.memory_space<hbm>>) dst(%dma_wait3A_142 : memref<128x64xf32, #tpu.memory_space<vmem>>)
    %get3A = arith.constant 0 : i32
    %get3A_149 = arith.index_cast %get3A : i32 to index
    %get3A_150 = arith.constant 0 : index
    %get3A_151 = tpu.vector_load %arg5[%get3A_149, %get3A_150] {strides = array<i32>} : memref<50x128xi32, #tpu.memory_space<vmem>>, vector<16xi32>,
    %get3A_152 = arith.constant 0 : i32
    %get3A_153 = arith.index_cast %get3A_152 : i32 to index
    %get3A_154 = arith.constant 16 : index
    %get3A_155 = tpu.vector_load %arg5[%get3A_153, %get3A_154] {strides = array<i32>} : memref<50x128xi32, #tpu.memory_space<vmem>>, vector<16xi32>,
    %min3A = arith.minsi %get3A_151, %get3A_155 : vector<16xi32>
    %get3A_156 = arith.constant 0 : i32
    %get3A_157 = arith.index_cast %get3A_156 : i32 to index
    %get3A_158 = arith.constant 32 : index
    %get3A_159 = tpu.vector_load %arg5[%get3A_157, %get3A_158] {strides = array<i32>} : memref<50x128xi32, #tpu.memory_space<vmem>>, vector<16xi32>,
    %min3A_160 = arith.minsi %min3A, %get3A_159 : vector<16xi32>
    %get3A_161 = arith.constant 0 : i32
    %get3A_162 = arith.index_cast %get3A_161 : i32 to index
    %get3A_163 = arith.constant 48 : index
    %get3A_164 = tpu.vector_load %arg5[%get3A_162, %get3A_163] {strides = array<i32>} : memref<50x128xi32, #tpu.memory_space<vmem>>, vector<16xi32>,
    %min3A_165 = arith.minsi %min3A_160, %get3A_164 : vector<16xi32>
    %get3A_166 = arith.constant 0 : i32
    %get3A_167 = arith.index_cast %get3A_166 : i32 to index
    %get3A_168 = arith.constant 64 : index
    %get3A_169 = tpu.vector_load %arg5[%get3A_167, %get3A_168] {strides = array<i32>} : memref<50x128xi32, #tpu.memory_space<vmem>>, vector<16xi32>,
    %min3A_170 = arith.minsi %min3A_165, %get3A_169 : vector<16xi32>
    %get3A_171 = arith.constant 0 : i32
    %get3A_172 = arith.index_cast %get3A_171 : i32 to index
    %get3A_173 = arith.constant 80 : index
    %get3A_174 = tpu.vector_load %arg5[%get3A_172, %get3A_173] {strides = array<i32>} : memref<50x128xi32, #tpu.memory_space<vmem>>, vector<16xi32>,
    %min3A_175 = arith.minsi %min3A_170, %get3A_174 : vector<16xi32>
    %get3A_176 = arith.constant 0 : i32
    %get3A_177 = arith.index_cast %get3A_176 : i32 to index
    %get3A_178 = arith.constant 96 : index
    %get3A_179 = tpu.vector_load %arg5[%get3A_177, %get3A_178] {strides = array<i32>} : memref<50x128xi32, #tpu.memory_space<vmem>>, vector<16xi32>,
    %min3A_180 = arith.minsi %min3A_175, %get3A_179 : vector<16xi32>
    %get3A_181 = arith.constant 0 : i32
    %get3A_182 = arith.index_cast %get3A_181 : i32 to index
    %get3A_183 = arith.constant 112 : index
    %get3A_184 = tpu.vector_load %arg5[%get3A_182, %get3A_183] {strides = array<i32>} : memref<50x128xi32, #tpu.memory_space<vmem>>, vector<16xi32>,
    %min3A_185 = arith.minsi %min3A_180, %get3A_184 : vector<16xi32>
    %get3A_186 = arith.constant 1 : i32
    %get3A_187 = arith.index_cast %get3A_186 : i32 to index
    %get3A_188 = arith.constant 0 : index
    %get3A_189 = tpu.vector_load %arg5[%get3A_187, %get3A_188] {strides = array<i32>} : memref<50x128xi32, #tpu.memory_space<vmem>>, vector<16xi32>,
    %min3A_190 = arith.minsi %min3A_185, %get3A_189 : vector<16xi32>
    %get3A_191 = arith.constant 1 : i32
    %get3A_192 = arith.index_cast %get3A_191 : i32 to index
    %get3A_193 = arith.constant 16 : index
    %get3A_194 = tpu.vector_load %arg5[%get3A_192, %get3A_193] {strides = array<i32>} : memref<50x128xi32, #tpu.memory_space<vmem>>, vector<16xi32>,
    %min3A_195 = arith.minsi %min3A_190, %get3A_194 : vector<16xi32>
    %get3A_196 = arith.constant 1 : i32
    %get3A_197 = arith.index_cast %get3A_196 : i32 to index
    %get3A_198 = arith.constant 32 : index
    %get3A_199 = tpu.vector_load %arg5[%get3A_197, %get3A_198] {strides = array<i32>} : memref<50x128xi32, #tpu.memory_space<vmem>>, vector<16xi32>,
    %min3A_200 = arith.minsi %min3A_195, %get3A_199 : vector<16xi32>
    %get3A_201 = arith.constant 1 : i32
    %get3A_202 = arith.index_cast %get3A_201 : i32 to index
    %get3A_203 = arith.constant 48 : index
    %get3A_204 = tpu.vector_load %arg5[%get3A_202, %get3A_203] {strides = array<i32>} : memref<50x128xi32, #tpu.memory_space<vmem>>, vector<16xi32>,
    %min3A_205 = arith.minsi %min3A_200, %get3A_204 : vector<16xi32>
    %get3A_206 = arith.constant 1 : i32
    %get3A_207 = arith.index_cast %get3A_206 : i32 to index
    %get3A_208 = arith.constant 64 : index
    %get3A_209 = tpu.vector_load %arg5[%get3A_207, %get3A_208] {strides = array<i32>} : memref<50x128xi32, #tpu.memory_space<vmem>>, vector<16xi32>,
    %min3A_210 = arith.minsi %min3A_205, %get3A_209 : vector<16xi32>
    %get3A_211 = arith.constant 1 : i32
    %get3A_212 = arith.index_cast %get3A_211 : i32 to index
    %get3A_213 = arith.constant 80 : index
    %get3A_214 = tpu.vector_load %arg5[%get3A_212, %get3A_213] {strides = array<i32>} : memref<50x128xi32, #tpu.memory_space<vmem>>, vector<16xi32>,
    %min3A_215 = arith.minsi %min3A_210, %get3A_214 : vector<16xi32>
    %get3A_216 = arith.constant 1 : i32
    %get3A_217 = arith.index_cast %get3A_216 : i32 to index
    %get3A_218 = arith.constant 96 : index
    %get3A_219 = tpu.vector_load %arg5[%get3A_217, %get3A_218] {strides = array<i32>} : memref<50x128xi32, #tpu.memory_space<vmem>>, vector<16xi32>,
    %min3A_220 = arith.minsi %min3A_215, %get3A_219 : vector<16xi32>
    %get3A_221 = arith.constant 1 : i32
    %get3A_222 = arith.index_cast %get3A_221 : i32 to index
    %get3A_223 = arith.constant 112 : index
    %get3A_224 = tpu.vector_load %arg5[%get3A_222, %get3A_223] {strides = array<i32>} : memref<50x128xi32, #tpu.memory_space<vmem>>, vector<16xi32>,
    %min3A_225 = arith.minsi %min3A_220, %get3A_224 : vector<16xi32>
    %get3A_226 = arith.constant 2 : i32
    %get3A_227 = arith.index_cast %get3A_226 : i32 to index
    %get3A_228 = arith.constant 0 : index
    %get3A_229 = tpu.vector_load %arg5[%get3A_227, %get3A_228] {strides = array<i32>} : memref<50x128xi32, #tpu.memory_space<vmem>>, vector<16xi32>,
    %min3A_230 = arith.minsi %min3A_225, %get3A_229 : vector<16xi32>
    %get3A_231 = arith.constant 2 : i32
    %get3A_232 = arith.index_cast %get3A_231 : i32 to index
    %get3A_233 = arith.constant 16 : index
    %get3A_234 = tpu.vector_load %arg5[%get3A_232, %get3A_233] {strides = array<i32>} : memref<50x128xi32, #tpu.memory_space<vmem>>, vector<16xi32>,
    %min3A_235 = arith.minsi %min3A_230, %get3A_234 : vector<16xi32>
    %get3A_236 = arith.constant 2 : i32
    %get3A_237 = arith.index_cast %get3A_236 : i32 to index
    %get3A_238 = arith.constant 32 : index
    %get3A_239 = tpu.vector_load %arg5[%get3A_237, %get3A_238] {strides = array<i32>} : memref<50x128xi32, #tpu.memory_space<vmem>>, vector<16xi32>,
    %min3A_240 = arith.minsi %min3A_235, %get3A_239 : vector<16xi32>
    %get3A_241 = arith.constant 2 : i32
    %get3A_242 = arith.index_cast %get3A_241 : i32 to index
    %get3A_243 = arith.constant 48 : index
    %get3A_244 = tpu.vector_load %arg5[%get3A_242, %get3A_243] {strides = array<i32>} : memref<50x128xi32, #tpu.memory_space<vmem>>, vector<16xi32>,
    %min3A_245 = arith.minsi %min3A_240, %get3A_244 : vector<16xi32>
    %get3A_246 = arith.constant 2 : i32
    %get3A_247 = arith.index_cast %get3A_246 : i32 to index
    %get3A_248 = arith.constant 64 : index
    %get3A_249 = tpu.vector_load %arg5[%get3A_247, %get3A_248] {strides = array<i32>} : memref<50x128xi32, #tpu.memory_space<vmem>>, vector<16xi32>,
    %min3A_250 = arith.minsi %min3A_245, %get3A_249 : vector<16xi32>
    %get3A_251 = arith.constant 2 : i32
    %get3A_252 = arith.index_cast %get3A_251 : i32 to index
    %get3A_253 = arith.constant 80 : index
    %get3A_254 = tpu.vector_load %arg5[%get3A_252, %get3A_253] {strides = array<i32>} : memref<50x128xi32, #tpu.memory_space<vmem>>, vector<16xi32>,
    %min3A_255 = arith.minsi %min3A_250, %get3A_254 : vector<16xi32>
    %get3A_256 = arith.constant 2 : i32
    %get3A_257 = arith.index_cast %get3A_256 : i32 to index
    %get3A_258 = arith.constant 96 : index
    %get3A_259 = tpu.vector_load %arg5[%get3A_257, %get3A_258] {strides = array<i32>} : memref<50x128xi32, #tpu.memory_space<vmem>>, vector<16xi32>,
    %min3A_260 = arith.minsi %min3A_255, %get3A_259 : vector<16xi32>
    %get3A_261 = arith.constant 2 : i32
    %get3A_262 = arith.index_cast %get3A_261 : i32 to index
    %get3A_263 = arith.constant 112 : index
    %get3A_264 = tpu.vector_load %arg5[%get3A_262, %get3A_263] {strides = array<i32>} : memref<50x128xi32, #tpu.memory_space<vmem>>, vector<16xi32>,
    %min3A_265 = arith.minsi %min3A_260, %get3A_264 : vector<16xi32>
    %get3A_266 = arith.constant 3 : i32
    %get3A_267 = arith.index_cast %get3A_266 : i32 to index
    %get3A_268 = arith.constant 0 : index
    %get3A_269 = tpu.vector_load %arg5[%get3A_267, %get3A_268] {strides = array<i32>} : memref<50x128xi32, #tpu.memory_space<vmem>>, vector<16xi32>,
    %min3A_270 = arith.minsi %min3A_265, %get3A_269 : vector<16xi32>
    %get3A_271 = arith.constant 3 : i32
    %get3A_272 = arith.index_cast %get3A_271 : i32 to index
    %get3A_273 = arith.constant 16 : index
    %get3A_274 = tpu.vector_load %arg5[%get3A_272, %get3A_273] {strides = array<i32>} : memref<50x128xi32, #tpu.memory_space<vmem>>, vector<16xi32>,
    %min3A_275 = arith.minsi %min3A_270, %get3A_274 : vector<16xi32>
    %get3A_276 = arith.constant 3 : i32
    %get3A_277 = arith.index_cast %get3A_276 : i32 to index
    %get3A_278 = arith.constant 32 : index
    %get3A_279 = tpu.vector_load %arg5[%get3A_277, %get3A_278] {strides = array<i32>} : memref<50x128xi32, #tpu.memory_space<vmem>>, vector<16xi32>,
    %min3A_280 = arith.minsi %min3A_275, %get3A_279 : vector<16xi32>
    %get3A_281 = arith.constant 3 : i32
    %get3A_282 = arith.index_cast %get3A_281 : i32 to index
    %get3A_283 = arith.constant 48 : index
    %get3A_284 = tpu.vector_load %arg5[%get3A_282, %get3A_283] {strides = array<i32>} : memref<50x128xi32, #tpu.memory_space<vmem>>, vector<16xi32>,
    %min3A_285 = arith.minsi %min3A_280, %get3A_284 : vector<16xi32>
    %get3A_286 = arith.constant 3 : i32
    %get3A_287 = arith.index_cast %get3A_286 : i32 to index
    %get3A_288 = arith.constant 64 : index
    %get3A_289 = tpu.vector_load %arg5[%get3A_287, %get3A_288] {strides = array<i32>} : memref<50x128xi32, #tpu.memory_space<vmem>>, vector<16xi32>,
    %min3A_290 = arith.minsi %min3A_285, %get3A_289 : vector<16xi32>
    %get3A_291 = arith.constant 3 : i32
    %get3A_292 = arith.index_cast %get3A_291 : i32 to index
    %get3A_293 = arith.constant 80 : index
    %get3A_294 = tpu.vector_load %arg5[%get3A_292, %get3A_293] {strides = array<i32>} : memref<50x128xi32, #tpu.memory_space<vmem>>, vector<16xi32>,
    %min3A_295 = arith.minsi %min3A_290, %get3A_294 : vector<16xi32>
    %get3A_296 = arith.constant 3 : i32
    %get3A_297 = arith.index_cast %get3A_296 : i32 to index
    %get3A_298 = arith.constant 96 : index
    %get3A_299 = tpu.vector_load %arg5[%get3A_297, %get3A_298] {strides = array<i32>} : memref<50x128xi32, #tpu.memory_space<vmem>>, vector<16xi32>,
    %min3A_300 = arith.minsi %min3A_295, %get3A_299 : vector<16xi32>
    %get3A_301 = arith.constant 3 : i32
    %get3A_302 = arith.index_cast %get3A_301 : i32 to index
    %get3A_303 = arith.constant 112 : index
    %get3A_304 = tpu.vector_load %arg5[%get3A_302, %get3A_303] {strides = array<i32>} : memref<50x128xi32, #tpu.memory_space<vmem>>, vector<16xi32>,
    %min3A_305 = arith.minsi %min3A_300, %get3A_304 : vector<16xi32>
    %get3A_306 = arith.constant 4 : i32
    %get3A_307 = arith.index_cast %get3A_306 : i32 to index
    %get3A_308 = arith.constant 0 : index
    %get3A_309 = tpu.vector_load %arg5[%get3A_307, %get3A_308] {strides = array<i32>} : memref<50x128xi32, #tpu.memory_space<vmem>>, vector<16xi32>,
    %min3A_310 = arith.minsi %min3A_305, %get3A_309 : vector<16xi32>
    %get3A_311 = arith.constant 4 : i32
    %get3A_312 = arith.index_cast %get3A_311 : i32 to index
    %get3A_313 = arith.constant 16 : index
    %get3A_314 = tpu.vector_load %arg5[%get3A_312, %get3A_313] {strides = array<i32>} : memref<50x128xi32, #tpu.memory_space<vmem>>, vector<16xi32>,
    %min3A_315 = arith.minsi %min3A_310, %get3A_314 : vector<16xi32>
    %get3A_316 = arith.constant 4 : i32
    %get3A_317 = arith.index_cast %get3A_316 : i32 to index
    %get3A_318 = arith.constant 32 : index
    %get3A_319 = tpu.vector_load %arg5[%get3A_317, %get3A_318] {strides = array<i32>} : memref<50x128xi32, #tpu.memory_space<vmem>>, vector<16xi32>,
    %min3A_320 = arith.minsi %min3A_315, %get3A_319 : vector<16xi32>
    %get3A_321 = arith.constant 4 : i32
    %get3A_322 = arith.index_cast %get3A_321 : i32 to index
    %get3A_323 = arith.constant 48 : index
    %get3A_324 = tpu.vector_load %arg5[%get3A_322, %get3A_323] {strides = array<i32>} : memref<50x128xi32, #tpu.memory_space<vmem>>, vector<16xi32>,
    %min3A_325 = arith.minsi %min3A_320, %get3A_324 : vector<16xi32>
    %get3A_326 = arith.constant 4 : i32
    %get3A_327 = arith.index_cast %get3A_326 : i32 to index
    %get3A_328 = arith.constant 64 : index
    %get3A_329 = tpu.vector_load %arg5[%get3A_327, %get3A_328] {strides = array<i32>} : memref<50x128xi32, #tpu.memory_space<vmem>>, vector<16xi32>,
    %min3A_330 = arith.minsi %min3A_325, %get3A_329 : vector<16xi32>
    %get3A_331 = arith.constant 4 : i32
    %get3A_332 = arith.index_cast %get3A_331 : i32 to index
    %get3A_333 = arith.constant 80 : index
    %get3A_334 = tpu.vector_load %arg5[%get3A_332, %get3A_333] {strides = array<i32>} : memref<50x128xi32, #tpu.memory_space<vmem>>, vector<16xi32>,
    %min3A_335 = arith.minsi %min3A_330, %get3A_334 : vector<16xi32>
    %get3A_336 = arith.constant 4 : i32
    %get3A_337 = arith.index_cast %get3A_336 : i32 to index
    %get3A_338 = arith.constant 96 : index
    %get3A_339 = tpu.vector_load %arg5[%get3A_337, %get3A_338] {strides = array<i32>} : memref<50x128xi32, #tpu.memory_space<vmem>>, vector<16xi32>,
    %min3A_340 = arith.minsi %min3A_335, %get3A_339 : vector<16xi32>
    %get3A_341 = arith.constant 4 : i32
    %get3A_342 = arith.index_cast %get3A_341 : i32 to index
    %get3A_343 = arith.constant 112 : index
    %get3A_344 = tpu.vector_load %arg5[%get3A_342, %get3A_343] {strides = array<i32>} : memref<50x128xi32, #tpu.memory_space<vmem>>, vector<16xi32>,
    %min3A_345 = arith.minsi %min3A_340, %get3A_344 : vector<16xi32>
    %eq3A = arith.constant 0 : i32
    %eq3A_346 = vector.broadcast %eq3A : i32 to vector<16xi32>
    %eq3A_347 = arith.cmpi eq, %min3A_345, %eq3A_346 : vector<16xi32>
    %all_reduce_population_count3A = tpu.all_reduce %eq3A_347 {dim = 0 : i64, kind = #tpu.reduction_kind<sum>} : vector<16xi1> -> vector<16xi32>
    %slice3A = vector.extract_strided_slice %all_reduce_population_count3A {offsets = [0], sizes = [1], strides = [1]} : vector<16xi32> to vector<1xi32>
    %squeeze3A = vector.extract %slice3A[0] : i32 from vector<1xi32>
    %gt3A = arith.constant 0 : i32
    %gt3A_348 = arith.cmpi sgt, %squeeze3A, %gt3A : i32
    %convert_element_type3A = arith.extui %gt3A_348 : i1 to i32
    %cond3A = arith.constant 0 : i32
    %cond3A_349 = arith.cmpi ne, %convert_element_type3A, %cond3A : i32
    scf.if %cond3A_349 {
      %broadcast_in_dim3A = arith.constant 0.000000e+00 : f32
      %broadcast_in_dim3A_3270 = vector.broadcast %broadcast_in_dim3A : f32 to vector<16xf32>
      %scan3A = arith.constant 0 : i32
      %scan3A_3271 = arith.constant 0 : i32
      %scan3A_3272 = arith.constant 40 : i32
      %scan3A_3273 = arith.addi %scan3A_3271, %scan3A_3272 : i32
      %scan3A_3274 = arith.constant 1 : i32
      scf.for %scan3A_3276 = %scan3A_3271 to %scan3A_3273 step %scan3A_3274  : i32 {
        %jit3A = arith.constant 8 : i32
        %div3A = arith.divsi %scan3A_3276, %jit3A : i32
        %sign3A = arith.constant 0 : i32
        %sign3A_3277 = arith.cmpi sgt, %scan3A_3276, %sign3A : i32
        %sign3A_3278 = arith.extui %sign3A_3277 : i1 to i32
        %sign3A_3279 = arith.constant 0 : i32
        %sign3A_3280 = arith.cmpi slt, %scan3A_3276, %sign3A_3279 : i32
        %sign3A_3281 = arith.extui %sign3A_3280 : i1 to i32
        %sign3A_3282 = arith.subi %sign3A_3278, %sign3A_3281 : i32
        %sign3A_3283 = arith.constant 0 : i32
        %sign3A_3284 = arith.cmpi sgt, %jit3A, %sign3A_3283 : i32
        %sign3A_3285 = arith.extui %sign3A_3284 : i1 to i32
        %sign3A_3286 = arith.constant 0 : i32
        %sign3A_3287 = arith.cmpi slt, %jit3A, %sign3A_3286 : i32
        %sign3A_3288 = arith.extui %sign3A_3287 : i1 to i32
        %sign3A_3289 = arith.subi %sign3A_3285, %sign3A_3288 : i32
        %ne3A = arith.cmpi ne, %sign3A_3282, %sign3A_3289 : i32
        %rem3A = arith.remsi %scan3A_3276, %jit3A : i32
        %ne3A_3290 = arith.constant 0 : i32
        %ne3A_3291 = arith.cmpi ne, %rem3A, %ne3A_3290 : i32
        %and3A = arith.andi %ne3A, %ne3A_3291 : i1
        %sub3A = arith.constant 1 : i32
        %sub3A_3292 = arith.subi %div3A, %sub3A : i32
        %select_n3A = arith.select %and3A, %sub3A_3292, %div3A : i32
        %add3A_3293 = arith.constant 0 : i32
        %add3A_3294 = arith.addi %add3A_3293, %select_n3A : i32
        %jit3A_3295 = arith.constant 8 : i32
        %eq3A_3296 = arith.constant 0 : i32
        %eq3A_3297 = arith.cmpi eq, %jit3A_3295, %eq3A_3296 : i32
        %jit3A_3298 = arith.constant 1 : i32
        %select_n3A_3299 = arith.select %eq3A_3297, %jit3A_3298, %jit3A_3295 : i32
        %rem3A_3300 = arith.remsi %scan3A_3276, %select_n3A_3299 : i32
        %ne3A_3301 = arith.constant 0 : i32
        %ne3A_3302 = arith.cmpi ne, %rem3A_3300, %ne3A_3301 : i32
        %lt3A = arith.constant 0 : i32
        %lt3A_3303 = arith.cmpi slt, %rem3A_3300, %lt3A : i32
        %lt3A_3304 = arith.constant 0 : i32
        %lt3A_3305 = arith.cmpi slt, %select_n3A_3299, %lt3A_3304 : i32
        %ne3A_3306 = arith.xori %lt3A_3303, %lt3A_3305 : i1
        %and3A_3307 = arith.andi %ne3A_3306, %ne3A_3302 : i1
        %add3A_3308 = arith.addi %rem3A_3300, %select_n3A_3299 : i32
        %select_n3A_3309 = arith.select %and3A_3307, %add3A_3308, %rem3A_3300 : i32
        %mul3A_3310 = arith.constant 16 : i32
        %mul3A_3311 = arith.muli %select_n3A_3309, %mul3A_3310 : i32
        %get3A_3312 = arith.index_cast %add3A_3294 : i32 to index
        %get3A_3313 = arith.index_cast %mul3A_3311 : i32 to index
        %get3A_3314 = tpu.vector_load %arg5[%get3A_3312, %get3A_3313] {strides = array<i32>} : memref<50x128xi32, #tpu.memory_space<vmem>>, vector<16xi32>,
        %eq3A_3315 = arith.constant 0 : i32
        %eq3A_3316 = vector.broadcast %eq3A_3315 : i32 to vector<16xi32>
        %eq3A_3317 = arith.cmpi eq, %get3A_3314, %eq3A_3316 : vector<16xi32>
        %all_reduce_population_count3A_3318 = tpu.all_reduce %eq3A_3317 {dim = 0 : i64, kind = #tpu.reduction_kind<sum>} : vector<16xi1> -> vector<16xi32>
        %slice3A_3319 = vector.extract_strided_slice %all_reduce_population_count3A_3318 {offsets = [0], sizes = [1], strides = [1]} : vector<16xi32> to vector<1xi32>
        %squeeze3A_3320 = vector.extract %slice3A_3319[0] : i32 from vector<1xi32>
        %gt3A_3321 = arith.constant 0 : i32
        %gt3A_3322 = arith.cmpi sgt, %squeeze3A_3320, %gt3A_3321 : i32
        %convert_element_type3A_3323 = arith.extui %gt3A_3322 : i1 to i32
        %cond3A_3324 = arith.constant 0 : i32
        %cond3A_3325 = arith.cmpi ne, %convert_element_type3A_3323, %cond3A_3324 : i32
        scf.if %cond3A_3325 {
          %mul3A_3326 = arith.constant 16 : i32
          %mul3A_3327 = arith.muli %scan3A_3276, %mul3A_3326 : i32
          %iota3A = tpu.iota {dimensions = array<i32: 0>} : vector<16xi32>
          %add3A_3328 = vector.broadcast %mul3A_3327 : i32 to vector<16xi32>
          %add3A_3329 = arith.addi %add3A_3328, %iota3A : vector<16xi32>
          %scan3A_3330 = arith.constant 0 : i32
          %scan3A_3331 = arith.constant 0 : i32
          %scan3A_3332 = arith.constant 64 : i32
          %scan3A_3333 = arith.addi %scan3A_3331, %scan3A_3332 : i32
          %scan3A_3334 = arith.constant 1 : i32
          scf.for %scan3A_3336 = %scan3A_3331 to %scan3A_3333 step %scan3A_3334  : i32 {
            %broadcast_in_dim3A_3337 = vector.broadcast %scan3A_3336 : i32 to vector<16xi32>
            tpu.vector_store_idx %arg6[%add3A_3329, %broadcast_in_dim3A_3337], %broadcast_in_dim3A_3270 masked %eq3A_3317 : memref<640x64xf32, #tpu.memory_space<vmem>>[vector<16xi32>, vector<16xi32>], vector<16xf32>, vector<16xi1>
          }
          %scan3A_3335 = arith.constant 64 : i32
        } else {
        }
      }
      %scan3A_3275 = arith.constant 40 : i32
    } else {
    }
    %dma_start3A_350 = arith.constant 0 : i32
    %dma_start3A_351 = arith.constant 0 : i32
    %dma_start3A_352 = arith.constant 0 : i32
    %dma_start3A_353 = tpu.memref_slice %arg4[%add3A, %dma_start3A_350, %dma_start3A_351, %dma_start3A_352] : memref<32x10x640x64xf32, #tpu.memory_space<hbm>> -> memref<1x1x640x64xf32, #tpu.memory_space<hbm>>
    %dma_start3A_354 = tpu.memref_squeeze %dma_start3A_353 : memref<1x1x640x64xf32, #tpu.memory_space<hbm>> -> memref<640x64xf32, #tpu.memory_space<hbm>>
    %dma_start3A_355 = arith.constant 0 : i32
    %dma_start3A_356 = arith.constant 0 : i32
    %dma_start3A_357 = tpu.memref_slice %arg4[%add3A, %dma_start3A_350, %dma_start3A_355, %dma_start3A_356] : memref<32x10x640x64xf32, #tpu.memory_space<hbm>> -> memref<1x1x640x64xf32, #tpu.memory_space<hbm>>
    %dma_start3A_358 = tpu.memref_squeeze %dma_start3A_357 : memref<1x1x640x64xf32, #tpu.memory_space<hbm>> -> memref<640x64xf32, #tpu.memory_space<hbm>>
    tpu.enqueue_dma source(%arg6 : memref<640x64xf32, #tpu.memory_space<vmem>>) target(%dma_start3A_358 : memref<640x64xf32, #tpu.memory_space<hbm>>) target_semaphore(%arg10 : memref<!tpu.dma_semaphore, #tpu.memory_space<semaphore_mem>>)
    %dma_wait3A_359 = arith.constant 0 : i32
    %dma_wait3A_360 = arith.constant 0 : i32
    %dma_wait3A_361 = arith.constant 0 : i32
    %dma_wait3A_362 = tpu.memref_slice %arg4[%add3A, %dma_wait3A_359, %dma_wait3A_360, %dma_wait3A_361] : memref<32x10x640x64xf32, #tpu.memory_space<hbm>> -> memref<1x1x640x64xf32, #tpu.memory_space<hbm>>
    %dma_wait3A_363 = tpu.memref_squeeze %dma_wait3A_362 : memref<1x1x640x64xf32, #tpu.memory_space<hbm>> -> memref<640x64xf32, #tpu.memory_space<hbm>>
    %dma_wait3A_364 = arith.constant 0 : i32
    %dma_wait3A_365 = arith.constant 0 : i32
    %dma_wait3A_366 = tpu.memref_slice %arg4[%add3A, %dma_wait3A_359, %dma_wait3A_364, %dma_wait3A_365] : memref<32x10x640x64xf32, #tpu.memory_space<hbm>> -> memref<1x1x640x64xf32, #tpu.memory_space<hbm>>
    %dma_wait3A_367 = tpu.memref_squeeze %dma_wait3A_366 : memref<1x1x640x64xf32, #tpu.memory_space<hbm>> -> memref<640x64xf32, #tpu.memory_space<hbm>>
    tpu.wait_dma2 semaphore(%arg10 : memref<!tpu.dma_semaphore, #tpu.memory_space<semaphore_mem>>) src(%arg6 : memref<640x64xf32, #tpu.memory_space<vmem>>) dst(%dma_wait3A_367 : memref<640x64xf32, #tpu.memory_space<hbm>>)
    %dma_start3A_368 = arith.constant 10 : i32
    %dma_start3A_369 = arith.constant 0 : i32
    %dma_start3A_370 = arith.constant 0 : i32
    %dma_start3A_371 = tpu.memref_slice %arg6[%dma_start3A_369, %dma_start3A_370] : memref<640x64xf32, #tpu.memory_space<vmem>> -> memref<128x64xf32, #tpu.memory_space<vmem>>
    %dma_start3A_372 = arith.constant 0 : i32
    %dma_start3A_373 = tpu.memref_slice %arg5[%dma_start3A_368, %dma_start3A_372] : memref<50x128xi32, #tpu.memory_space<vmem>> -> memref<1x128xi32, #tpu.memory_space<vmem>>
    %dma_start3A_374 = tpu.memref_squeeze %dma_start3A_373 : memref<1x128xi32, #tpu.memory_space<vmem>> -> memref<128xi32, #tpu.memory_space<vmem>>
    %dma_start3A_375 = arith.constant 0 : i32
    %dma_start3A_376 = arith.constant 0 : i32
    %dma_start3A_377 = tpu.memref_slice %arg3[%dma_start3A_375, %dma_start3A_376] : memref<1000000x64xf32, #tpu.memory_space<hbm>> -> memref<1000000x64xf32, #tpu.memory_space<hbm>>
    tpu.enqueue_indirect_dma source(%dma_start3A_377 : memref<1000000x64xf32, #tpu.memory_space<hbm>>) target(%dma_start3A_371 : memref<128x64xf32, #tpu.memory_space<vmem>>) offsets(%dma_start3A_374 : memref<128xi32, #tpu.memory_space<vmem>>) semaphore(%arg8 : memref<!tpu.dma_semaphore, #tpu.memory_space<semaphore_mem>>)
    %dma_start3A_378 = arith.constant 11 : i32
    %dma_start3A_379 = arith.constant 128 : i32
    %dma_start3A_380 = arith.constant 0 : i32
    %dma_start3A_381 = tpu.memref_slice %arg6[%dma_start3A_379, %dma_start3A_380] : memref<640x64xf32, #tpu.memory_space<vmem>> -> memref<128x64xf32, #tpu.memory_space<vmem>>
    %dma_start3A_382 = arith.constant 0 : i32
    %dma_start3A_383 = tpu.memref_slice %arg5[%dma_start3A_378, %dma_start3A_382] : memref<50x128xi32, #tpu.memory_space<vmem>> -> memref<1x128xi32, #tpu.memory_space<vmem>>
    %dma_start3A_384 = tpu.memref_squeeze %dma_start3A_383 : memref<1x128xi32, #tpu.memory_space<vmem>> -> memref<128xi32, #tpu.memory_space<vmem>>
    %dma_start3A_385 = arith.constant 0 : i32
    %dma_start3A_386 = arith.constant 0 : i32
    %dma_start3A_387 = tpu.memref_slice %arg3[%dma_start3A_385, %dma_start3A_386] : memref<1000000x64xf32, #tpu.memory_space<hbm>> -> memref<1000000x64xf32, #tpu.memory_space<hbm>>
    tpu.enqueue_indirect_dma source(%dma_start3A_387 : memref<1000000x64xf32, #tpu.memory_space<hbm>>) target(%dma_start3A_381 : memref<128x64xf32, #tpu.memory_space<vmem>>) offsets(%dma_start3A_384 : memref<128xi32, #tpu.memory_space<vmem>>) semaphore(%arg8 : memref<!tpu.dma_semaphore, #tpu.memory_space<semaphore_mem>>)
    %dma_start3A_388 = arith.constant 12 : i32
    %dma_start3A_389 = arith.constant 256 : i32
    %dma_start3A_390 = arith.constant 0 : i32
    %dma_start3A_391 = tpu.memref_slice %arg6[%dma_start3A_389, %dma_start3A_390] : memref<640x64xf32, #tpu.memory_space<vmem>> -> memref<128x64xf32, #tpu.memory_space<vmem>>
    %dma_start3A_392 = arith.constant 0 : i32
    %dma_start3A_393 = tpu.memref_slice %arg5[%dma_start3A_388, %dma_start3A_392] : memref<50x128xi32, #tpu.memory_space<vmem>> -> memref<1x128xi32, #tpu.memory_space<vmem>>
    %dma_start3A_394 = tpu.memref_squeeze %dma_start3A_393 : memref<1x128xi32, #tpu.memory_space<vmem>> -> memref<128xi32, #tpu.memory_space<vmem>>
    %dma_start3A_395 = arith.constant 0 : i32
    %dma_start3A_396 = arith.constant 0 : i32
    %dma_start3A_397 = tpu.memref_slice %arg3[%dma_start3A_395, %dma_start3A_396] : memref<1000000x64xf32, #tpu.memory_space<hbm>> -> memref<1000000x64xf32, #tpu.memory_space<hbm>>
    tpu.enqueue_indirect_dma source(%dma_start3A_397 : memref<1000000x64xf32, #tpu.memory_space<hbm>>) target(%dma_start3A_391 : memref<128x64xf32, #tpu.memory_space<vmem>>) offsets(%dma_start3A_394 : memref<128xi32, #tpu.memory_space<vmem>>) semaphore(%arg8 : memref<!tpu.dma_semaphore, #tpu.memory_space<semaphore_mem>>)
    %dma_start3A_398 = arith.constant 13 : i32
    %dma_start3A_399 = arith.constant 384 : i32
    %dma_start3A_400 = arith.constant 0 : i32
    %dma_start3A_401 = tpu.memref_slice %arg6[%dma_start3A_399, %dma_start3A_400] : memref<640x64xf32, #tpu.memory_space<vmem>> -> memref<128x64xf32, #tpu.memory_space<vmem>>
    %dma_start3A_402 = arith.constant 0 : i32
    %dma_start3A_403 = tpu.memref_slice %arg5[%dma_start3A_398, %dma_start3A_402] : memref<50x128xi32, #tpu.memory_space<vmem>> -> memref<1x128xi32, #tpu.memory_space<vmem>>
    %dma_start3A_404 = tpu.memref_squeeze %dma_start3A_403 : memref<1x128xi32, #tpu.memory_space<vmem>> -> memref<128xi32, #tpu.memory_space<vmem>>
    %dma_start3A_405 = arith.constant 0 : i32
    %dma_start3A_406 = arith.constant 0 : i32
    %dma_start3A_407 = tpu.memref_slice %arg3[%dma_start3A_405, %dma_start3A_406] : memref<1000000x64xf32, #tpu.memory_space<hbm>> -> memref<1000000x64xf32, #tpu.memory_space<hbm>>
    tpu.enqueue_indirect_dma source(%dma_start3A_407 : memref<1000000x64xf32, #tpu.memory_space<hbm>>) target(%dma_start3A_401 : memref<128x64xf32, #tpu.memory_space<vmem>>) offsets(%dma_start3A_404 : memref<128xi32, #tpu.memory_space<vmem>>) semaphore(%arg8 : memref<!tpu.dma_semaphore, #tpu.memory_space<semaphore_mem>>)
    %dma_start3A_408 = arith.constant 14 : i32
    %dma_start3A_409 = arith.constant 512 : i32
    %dma_start3A_410 = arith.constant 0 : i32
    %dma_start3A_411 = tpu.memref_slice %arg6[%dma_start3A_409, %dma_start3A_410] : memref<640x64xf32, #tpu.memory_space<vmem>> -> memref<128x64xf32, #tpu.memory_space<vmem>>
    %dma_start3A_412 = arith.constant 0 : i32
    %dma_start3A_413 = tpu.memref_slice %arg5[%dma_start3A_408, %dma_start3A_412] : memref<50x128xi32, #tpu.memory_space<vmem>> -> memref<1x128xi32, #tpu.memory_space<vmem>>
    %dma_start3A_414 = tpu.memref_squeeze %dma_start3A_413 : memref<1x128xi32, #tpu.memory_space<vmem>> -> memref<128xi32, #tpu.memory_space<vmem>>
    %dma_start3A_415 = arith.constant 0 : i32
    %dma_start3A_416 = arith.constant 0 : i32
    %dma_start3A_417 = tpu.memref_slice %arg3[%dma_start3A_415, %dma_start3A_416] : memref<1000000x64xf32, #tpu.memory_space<hbm>> -> memref<1000000x64xf32, #tpu.memory_space<hbm>>
    tpu.enqueue_indirect_dma source(%dma_start3A_417 : memref<1000000x64xf32, #tpu.memory_space<hbm>>) target(%dma_start3A_411 : memref<128x64xf32, #tpu.memory_space<vmem>>) offsets(%dma_start3A_414 : memref<128xi32, #tpu.memory_space<vmem>>) semaphore(%arg8 : memref<!tpu.dma_semaphore, #tpu.memory_space<semaphore_mem>>)
    %dma_wait3A_418 = arith.constant 5 : i32
    %dma_wait3A_419 = arith.constant 0 : i32
    %dma_wait3A_420 = arith.constant 0 : i32
    %dma_wait3A_421 = tpu.memref_slice %arg7[%dma_wait3A_419, %dma_wait3A_420] : memref<640x64xf32, #tpu.memory_space<vmem>> -> memref<128x64xf32, #tpu.memory_space<vmem>>
    %dma_wait3A_422 = arith.constant 0 : i32
    %dma_wait3A_423 = tpu.memref_slice %arg5[%dma_wait3A_418, %dma_wait3A_422] : memref<50x128xi32, #tpu.memory_space<vmem>> -> memref<1x128xi32, #tpu.memory_space<vmem>>
    %dma_wait3A_424 = tpu.memref_squeeze %dma_wait3A_423 : memref<1x128xi32, #tpu.memory_space<vmem>> -> memref<128xi32, #tpu.memory_space<vmem>>
    %dma_wait3A_425 = arith.constant 0 : i32
    %dma_wait3A_426 = arith.constant 0 : i32
    %dma_wait3A_427 = tpu.memref_slice %arg3[%dma_wait3A_425, %dma_wait3A_426] : memref<1000000x64xf32, #tpu.memory_space<hbm>> -> memref<1000000x64xf32, #tpu.memory_space<hbm>>
    tpu.wait_indirect_dma semaphore(%arg9 : memref<!tpu.dma_semaphore, #tpu.memory_space<semaphore_mem>>) src(%dma_wait3A_427 : memref<1000000x64xf32, #tpu.memory_space<hbm>>) dst(%dma_wait3A_421 : memref<128x64xf32, #tpu.memory_space<vmem>>)
    %dma_wait3A_428 = arith.constant 6 : i32
    %dma_wait3A_429 = arith.constant 128 : i32
    %dma_wait3A_430 = arith.constant 0 : i32
    %dma_wait3A_431 = tpu.memref_slice %arg7[%dma_wait3A_429, %dma_wait3A_430] : memref<640x64xf32, #tpu.memory_space<vmem>> -> memref<128x64xf32, #tpu.memory_space<vmem>>
    %dma_wait3A_432 = arith.constant 0 : i32
    %dma_wait3A_433 = tpu.memref_slice %arg5[%dma_wait3A_428, %dma_wait3A_432] : memref<50x128xi32, #tpu.memory_space<vmem>> -> memref<1x128xi32, #tpu.memory_space<vmem>>
    %dma_wait3A_434 = tpu.memref_squeeze %dma_wait3A_433 : memref<1x128xi32, #tpu.memory_space<vmem>> -> memref<128xi32, #tpu.memory_space<vmem>>
    %dma_wait3A_435 = arith.constant 0 : i32
    %dma_wait3A_436 = arith.constant 0 : i32
    %dma_wait3A_437 = tpu.memref_slice %arg3[%dma_wait3A_435, %dma_wait3A_436] : memref<1000000x64xf32, #tpu.memory_space<hbm>> -> memref<1000000x64xf32, #tpu.memory_space<hbm>>
    tpu.wait_indirect_dma semaphore(%arg9 : memref<!tpu.dma_semaphore, #tpu.memory_space<semaphore_mem>>) src(%dma_wait3A_437 : memref<1000000x64xf32, #tpu.memory_space<hbm>>) dst(%dma_wait3A_431 : memref<128x64xf32, #tpu.memory_space<vmem>>)
    %dma_wait3A_438 = arith.constant 7 : i32
    %dma_wait3A_439 = arith.constant 256 : i32
    %dma_wait3A_440 = arith.constant 0 : i32
    %dma_wait3A_441 = tpu.memref_slice %arg7[%dma_wait3A_439, %dma_wait3A_440] : memref<640x64xf32, #tpu.memory_space<vmem>> -> memref<128x64xf32, #tpu.memory_space<vmem>>
    %dma_wait3A_442 = arith.constant 0 : i32
    %dma_wait3A_443 = tpu.memref_slice %arg5[%dma_wait3A_438, %dma_wait3A_442] : memref<50x128xi32, #tpu.memory_space<vmem>> -> memref<1x128xi32, #tpu.memory_space<vmem>>
    %dma_wait3A_444 = tpu.memref_squeeze %dma_wait3A_443 : memref<1x128xi32, #tpu.memory_space<vmem>> -> memref<128xi32, #tpu.memory_space<vmem>>
    %dma_wait3A_445 = arith.constant 0 : i32
    %dma_wait3A_446 = arith.constant 0 : i32
    %dma_wait3A_447 = tpu.memref_slice %arg3[%dma_wait3A_445, %dma_wait3A_446] : memref<1000000x64xf32, #tpu.memory_space<hbm>> -> memref<1000000x64xf32, #tpu.memory_space<hbm>>
    tpu.wait_indirect_dma semaphore(%arg9 : memref<!tpu.dma_semaphore, #tpu.memory_space<semaphore_mem>>) src(%dma_wait3A_447 : memref<1000000x64xf32, #tpu.memory_space<hbm>>) dst(%dma_wait3A_441 : memref<128x64xf32, #tpu.memory_space<vmem>>)
    %dma_wait3A_448 = arith.constant 8 : i32
    %dma_wait3A_449 = arith.constant 384 : i32
    %dma_wait3A_450 = arith.constant 0 : i32
    %dma_wait3A_451 = tpu.memref_slice %arg7[%dma_wait3A_449, %dma_wait3A_450] : memref<640x64xf32, #tpu.memory_space<vmem>> -> memref<128x64xf32, #tpu.memory_space<vmem>>
    %dma_wait3A_452 = arith.constant 0 : i32
    %dma_wait3A_453 = tpu.memref_slice %arg5[%dma_wait3A_448, %dma_wait3A_452] : memref<50x128xi32, #tpu.memory_space<vmem>> -> memref<1x128xi32, #tpu.memory_space<vmem>>
    %dma_wait3A_454 = tpu.memref_squeeze %dma_wait3A_453 : memref<1x128xi32, #tpu.memory_space<vmem>> -> memref<128xi32, #tpu.memory_space<vmem>>
    %dma_wait3A_455 = arith.constant 0 : i32
    %dma_wait3A_456 = arith.constant 0 : i32
    %dma_wait3A_457 = tpu.memref_slice %arg3[%dma_wait3A_455, %dma_wait3A_456] : memref<1000000x64xf32, #tpu.memory_space<hbm>> -> memref<1000000x64xf32, #tpu.memory_space<hbm>>
    tpu.wait_indirect_dma semaphore(%arg9 : memref<!tpu.dma_semaphore, #tpu.memory_space<semaphore_mem>>) src(%dma_wait3A_457 : memref<1000000x64xf32, #tpu.memory_space<hbm>>) dst(%dma_wait3A_451 : memref<128x64xf32, #tpu.memory_space<vmem>>)
    %dma_wait3A_458 = arith.constant 9 : i32
    %dma_wait3A_459 = arith.constant 512 : i32
    %dma_wait3A_460 = arith.constant 0 : i32
    %dma_wait3A_461 = tpu.memref_slice %arg7[%dma_wait3A_459, %dma_wait3A_460] : memref<640x64xf32, #tpu.memory_space<vmem>> -> memref<128x64xf32, #tpu.memory_space<vmem>>
    %dma_wait3A_462 = arith.constant 0 : i32
    %dma_wait3A_463 = tpu.memref_slice %arg5[%dma_wait3A_458, %dma_wait3A_462] : memref<50x128xi32, #tpu.memory_space<vmem>> -> memref<1x128xi32, #tpu.memory_space<vmem>>
    %dma_wait3A_464 = tpu.memref_squeeze %dma_wait3A_463 : memref<1x128xi32, #tpu.memory_space<vmem>> -> memref<128xi32, #tpu.memory_space<vmem>>
    %dma_wait3A_465 = arith.constant 0 : i32
    %dma_wait3A_466 = arith.constant 0 : i32
    %dma_wait3A_467 = tpu.memref_slice %arg3[%dma_wait3A_465, %dma_wait3A_466] : memref<1000000x64xf32, #tpu.memory_space<hbm>> -> memref<1000000x64xf32, #tpu.memory_space<hbm>>
    tpu.wait_indirect_dma semaphore(%arg9 : memref<!tpu.dma_semaphore, #tpu.memory_space<semaphore_mem>>) src(%dma_wait3A_467 : memref<1000000x64xf32, #tpu.memory_space<hbm>>) dst(%dma_wait3A_461 : memref<128x64xf32, #tpu.memory_space<vmem>>)
    %get3A_468 = arith.constant 5 : i32
    %get3A_469 = arith.index_cast %get3A_468 : i32 to index
    %get3A_470 = arith.constant 0 : index
    %get3A_471 = tpu.vector_load %arg5[%get3A_469, %get3A_470] {strides = array<i32>} : memref<50x128xi32, #tpu.memory_space<vmem>>, vector<16xi32>,
    %get3A_472 = arith.constant 5 : i32
    %get3A_473 = arith.index_cast %get3A_472 : i32 to index
    %get3A_474 = arith.constant 16 : index
    %get3A_475 = tpu.vector_load %arg5[%get3A_473, %get3A_474] {strides = array<i32>} : memref<50x128xi32, #tpu.memory_space<vmem>>, vector<16xi32>,
    %min3A_476 = arith.minsi %get3A_471, %get3A_475 : vector<16xi32>
    %get3A_477 = arith.constant 5 : i32
    %get3A_478 = arith.index_cast %get3A_477 : i32 to index
    %get3A_479 = arith.constant 32 : index
    %get3A_480 = tpu.vector_load %arg5[%get3A_478, %get3A_479] {strides = array<i32>} : memref<50x128xi32, #tpu.memory_space<vmem>>, vector<16xi32>,
    %min3A_481 = arith.minsi %min3A_476, %get3A_480 : vector<16xi32>
    %get3A_482 = arith.constant 5 : i32
    %get3A_483 = arith.index_cast %get3A_482 : i32 to index
    %get3A_484 = arith.constant 48 : index
    %get3A_485 = tpu.vector_load %arg5[%get3A_483, %get3A_484] {strides = array<i32>} : memref<50x128xi32, #tpu.memory_space<vmem>>, vector<16xi32>,
    %min3A_486 = arith.minsi %min3A_481, %get3A_485 : vector<16xi32>
    %get3A_487 = arith.constant 5 : i32
    %get3A_488 = arith.index_cast %get3A_487 : i32 to index
    %get3A_489 = arith.constant 64 : index
    %get3A_490 = tpu.vector_load %arg5[%get3A_488, %get3A_489] {strides = array<i32>} : memref<50x128xi32, #tpu.memory_space<vmem>>, vector<16xi32>,
    %min3A_491 = arith.minsi %min3A_486, %get3A_490 : vector<16xi32>
    %get3A_492 = arith.constant 5 : i32
    %get3A_493 = arith.index_cast %get3A_492 : i32 to index
    %get3A_494 = arith.constant 80 : index
    %get3A_495 = tpu.vector_load %arg5[%get3A_493, %get3A_494] {strides = array<i32>} : memref<50x128xi32, #tpu.memory_space<vmem>>, vector<16xi32>,
    %min3A_496 = arith.minsi %min3A_491, %get3A_495 : vector<16xi32>
    %get3A_497 = arith.constant 5 : i32
    %get3A_498 = arith.index_cast %get3A_497 : i32 to index
    %get3A_499 = arith.constant 96 : index
    %get3A_500 = tpu.vector_load %arg5[%get3A_498, %get3A_499] {strides = array<i32>} : memref<50x128xi32, #tpu.memory_space<vmem>>, vector<16xi32>,
    %min3A_501 = arith.minsi %min3A_496, %get3A_500 : vector<16xi32>
    %get3A_502 = arith.constant 5 : i32
    %get3A_503 = arith.index_cast %get3A_502 : i32 to index
    %get3A_504 = arith.constant 112 : index
    %get3A_505 = tpu.vector_load %arg5[%get3A_503, %get3A_504] {strides = array<i32>} : memref<50x128xi32, #tpu.memory_space<vmem>>, vector<16xi32>,
    %min3A_506 = arith.minsi %min3A_501, %get3A_505 : vector<16xi32>
    %get3A_507 = arith.constant 6 : i32
    %get3A_508 = arith.index_cast %get3A_507 : i32 to index
    %get3A_509 = arith.constant 0 : index
    %get3A_510 = tpu.vector_load %arg5[%get3A_508, %get3A_509] {strides = array<i32>} : memref<50x128xi32, #tpu.memory_space<vmem>>, vector<16xi32>,
    %min3A_511 = arith.minsi %min3A_506, %get3A_510 : vector<16xi32>
    %get3A_512 = arith.constant 6 : i32
    %get3A_513 = arith.index_cast %get3A_512 : i32 to index
    %get3A_514 = arith.constant 16 : index
    %get3A_515 = tpu.vector_load %arg5[%get3A_513, %get3A_514] {strides = array<i32>} : memref<50x128xi32, #tpu.memory_space<vmem>>, vector<16xi32>,
    %min3A_516 = arith.minsi %min3A_511, %get3A_515 : vector<16xi32>
    %get3A_517 = arith.constant 6 : i32
    %get3A_518 = arith.index_cast %get3A_517 : i32 to index
    %get3A_519 = arith.constant 32 : index
    %get3A_520 = tpu.vector_load %arg5[%get3A_518, %get3A_519] {strides = array<i32>} : memref<50x128xi32, #tpu.memory_space<vmem>>, vector<16xi32>,
    %min3A_521 = arith.minsi %min3A_516, %get3A_520 : vector<16xi32>
    %get3A_522 = arith.constant 6 : i32
    %get3A_523 = arith.index_cast %get3A_522 : i32 to index
    %get3A_524 = arith.constant 48 : index
    %get3A_525 = tpu.vector_load %arg5[%get3A_523, %get3A_524] {strides = array<i32>} : memref<50x128xi32, #tpu.memory_space<vmem>>, vector<16xi32>,
    %min3A_526 = arith.minsi %min3A_521, %get3A_525 : vector<16xi32>
    %get3A_527 = arith.constant 6 : i32
    %get3A_528 = arith.index_cast %get3A_527 : i32 to index
    %get3A_529 = arith.constant 64 : index
    %get3A_530 = tpu.vector_load %arg5[%get3A_528, %get3A_529] {strides = array<i32>} : memref<50x128xi32, #tpu.memory_space<vmem>>, vector<16xi32>,
    %min3A_531 = arith.minsi %min3A_526, %get3A_530 : vector<16xi32>
    %get3A_532 = arith.constant 6 : i32
    %get3A_533 = arith.index_cast %get3A_532 : i32 to index
    %get3A_534 = arith.constant 80 : index
    %get3A_535 = tpu.vector_load %arg5[%get3A_533, %get3A_534] {strides = array<i32>} : memref<50x128xi32, #tpu.memory_space<vmem>>, vector<16xi32>,
    %min3A_536 = arith.minsi %min3A_531, %get3A_535 : vector<16xi32>
    %get3A_537 = arith.constant 6 : i32
    %get3A_538 = arith.index_cast %get3A_537 : i32 to index
    %get3A_539 = arith.constant 96 : index
    %get3A_540 = tpu.vector_load %arg5[%get3A_538, %get3A_539] {strides = array<i32>} : memref<50x128xi32, #tpu.memory_space<vmem>>, vector<16xi32>,
    %min3A_541 = arith.minsi %min3A_536, %get3A_540 : vector<16xi32>
    %get3A_542 = arith.constant 6 : i32
    %get3A_543 = arith.index_cast %get3A_542 : i32 to index
    %get3A_544 = arith.constant 112 : index
    %get3A_545 = tpu.vector_load %arg5[%get3A_543, %get3A_544] {strides = array<i32>} : memref<50x128xi32, #tpu.memory_space<vmem>>, vector<16xi32>,
    %min3A_546 = arith.minsi %min3A_541, %get3A_545 : vector<16xi32>
    %get3A_547 = arith.constant 7 : i32
    %get3A_548 = arith.index_cast %get3A_547 : i32 to index
    %get3A_549 = arith.constant 0 : index
    %get3A_550 = tpu.vector_load %arg5[%get3A_548, %get3A_549] {strides = array<i32>} : memref<50x128xi32, #tpu.memory_space<vmem>>, vector<16xi32>,
    %min3A_551 = arith.minsi %min3A_546, %get3A_550 : vector<16xi32>
    %get3A_552 = arith.constant 7 : i32
    %get3A_553 = arith.index_cast %get3A_552 : i32 to index
    %get3A_554 = arith.constant 16 : index
    %get3A_555 = tpu.vector_load %arg5[%get3A_553, %get3A_554] {strides = array<i32>} : memref<50x128xi32, #tpu.memory_space<vmem>>, vector<16xi32>,
    %min3A_556 = arith.minsi %min3A_551, %get3A_555 : vector<16xi32>
    %get3A_557 = arith.constant 7 : i32
    %get3A_558 = arith.index_cast %get3A_557 : i32 to index
    %get3A_559 = arith.constant 32 : index
    %get3A_560 = tpu.vector_load %arg5[%get3A_558, %get3A_559] {strides = array<i32>} : memref<50x128xi32, #tpu.memory_space<vmem>>, vector<16xi32>,
    %min3A_561 = arith.minsi %min3A_556, %get3A_560 : vector<16xi32>
    %get3A_562 = arith.constant 7 : i32
    %get3A_563 = arith.index_cast %get3A_562 : i32 to index
    %get3A_564 = arith.constant 48 : index
    %get3A_565 = tpu.vector_load %arg5[%get3A_563, %get3A_564] {strides = array<i32>} : memref<50x128xi32, #tpu.memory_space<vmem>>, vector<16xi32>,
    %min3A_566 = arith.minsi %min3A_561, %get3A_565 : vector<16xi32>
    %get3A_567 = arith.constant 7 : i32
    %get3A_568 = arith.index_cast %get3A_567 : i32 to index
    %get3A_569 = arith.constant 64 : index
    %get3A_570 = tpu.vector_load %arg5[%get3A_568, %get3A_569] {strides = array<i32>} : memref<50x128xi32, #tpu.memory_space<vmem>>, vector<16xi32>,
    %min3A_571 = arith.minsi %min3A_566, %get3A_570 : vector<16xi32>
    %get3A_572 = arith.constant 7 : i32
    %get3A_573 = arith.index_cast %get3A_572 : i32 to index
    %get3A_574 = arith.constant 80 : index
    %get3A_575 = tpu.vector_load %arg5[%get3A_573, %get3A_574] {strides = array<i32>} : memref<50x128xi32, #tpu.memory_space<vmem>>, vector<16xi32>,
    %min3A_576 = arith.minsi %min3A_571, %get3A_575 : vector<16xi32>
    %get3A_577 = arith.constant 7 : i32
    %get3A_578 = arith.index_cast %get3A_577 : i32 to index
    %get3A_579 = arith.constant 96 : index
    %get3A_580 = tpu.vector_load %arg5[%get3A_578, %get3A_579] {strides = array<i32>} : memref<50x128xi32, #tpu.memory_space<vmem>>, vector<16xi32>,
    %min3A_581 = arith.minsi %min3A_576, %get3A_580 : vector<16xi32>
    %get3A_582 = arith.constant 7 : i32
    %get3A_583 = arith.index_cast %get3A_582 : i32 to index
    %get3A_584 = arith.constant 112 : index
    %get3A_585 = tpu.vector_load %arg5[%get3A_583, %get3A_584] {strides = array<i32>} : memref<50x128xi32, #tpu.memory_space<vmem>>, vector<16xi32>,
    %min3A_586 = arith.minsi %min3A_581, %get3A_585 : vector<16xi32>
    %get3A_587 = arith.constant 8 : i32
    %get3A_588 = arith.index_cast %get3A_587 : i32 to index
    %get3A_589 = arith.constant 0 : index
    %get3A_590 = tpu.vector_load %arg5[%get3A_588, %get3A_589] {strides = array<i32>} : memref<50x128xi32, #tpu.memory_space<vmem>>, vector<16xi32>,
    %min3A_591 = arith.minsi %min3A_586, %get3A_590 : vector<16xi32>
    %get3A_592 = arith.constant 8 : i32
    %get3A_593 = arith.index_cast %get3A_592 : i32 to index
    %get3A_594 = arith.constant 16 : index
    %get3A_595 = tpu.vector_load %arg5[%get3A_593, %get3A_594] {strides = array<i32>} : memref<50x128xi32, #tpu.memory_space<vmem>>, vector<16xi32>,
    %min3A_596 = arith.minsi %min3A_591, %get3A_595 : vector<16xi32>
    %get3A_597 = arith.constant 8 : i32
    %get3A_598 = arith.index_cast %get3A_597 : i32 to index
    %get3A_599 = arith.constant 32 : index
    %get3A_600 = tpu.vector_load %arg5[%get3A_598, %get3A_599] {strides = array<i32>} : memref<50x128xi32, #tpu.memory_space<vmem>>, vector<16xi32>,
    %min3A_601 = arith.minsi %min3A_596, %get3A_600 : vector<16xi32>
    %get3A_602 = arith.constant 8 : i32
    %get3A_603 = arith.index_cast %get3A_602 : i32 to index
    %get3A_604 = arith.constant 48 : index
    %get3A_605 = tpu.vector_load %arg5[%get3A_603, %get3A_604] {strides = array<i32>} : memref<50x128xi32, #tpu.memory_space<vmem>>, vector<16xi32>,
    %min3A_606 = arith.minsi %min3A_601, %get3A_605 : vector<16xi32>
    %get3A_607 = arith.constant 8 : i32
    %get3A_608 = arith.index_cast %get3A_607 : i32 to index
    %get3A_609 = arith.constant 64 : index
    %get3A_610 = tpu.vector_load %arg5[%get3A_608, %get3A_609] {strides = array<i32>} : memref<50x128xi32, #tpu.memory_space<vmem>>, vector<16xi32>,
    %min3A_611 = arith.minsi %min3A_606, %get3A_610 : vector<16xi32>
    %get3A_612 = arith.constant 8 : i32
    %get3A_613 = arith.index_cast %get3A_612 : i32 to index
    %get3A_614 = arith.constant 80 : index
    %get3A_615 = tpu.vector_load %arg5[%get3A_613, %get3A_614] {strides = array<i32>} : memref<50x128xi32, #tpu.memory_space<vmem>>, vector<16xi32>,
    %min3A_616 = arith.minsi %min3A_611, %get3A_615 : vector<16xi32>
    %get3A_617 = arith.constant 8 : i32
    %get3A_618 = arith.index_cast %get3A_617 : i32 to index
    %get3A_619 = arith.constant 96 : index
    %get3A_620 = tpu.vector_load %arg5[%get3A_618, %get3A_619] {strides = array<i32>} : memref<50x128xi32, #tpu.memory_space<vmem>>, vector<16xi32>,
    %min3A_621 = arith.minsi %min3A_616, %get3A_620 : vector<16xi32>
    %get3A_622 = arith.constant 8 : i32
    %get3A_623 = arith.index_cast %get3A_622 : i32 to index
    %get3A_624 = arith.constant 112 : index
    %get3A_625 = tpu.vector_load %arg5[%get3A_623, %get3A_624] {strides = array<i32>} : memref<50x128xi32, #tpu.memory_space<vmem>>, vector<16xi32>,
    %min3A_626 = arith.minsi %min3A_621, %get3A_625 : vector<16xi32>
    %get3A_627 = arith.constant 9 : i32
    %get3A_628 = arith.index_cast %get3A_627 : i32 to index
    %get3A_629 = arith.constant 0 : index
    %get3A_630 = tpu.vector_load %arg5[%get3A_628, %get3A_629] {strides = array<i32>} : memref<50x128xi32, #tpu.memory_space<vmem>>, vector<16xi32>,
    %min3A_631 = arith.minsi %min3A_626, %get3A_630 : vector<16xi32>
    %get3A_632 = arith.constant 9 : i32
    %get3A_633 = arith.index_cast %get3A_632 : i32 to index
    %get3A_634 = arith.constant 16 : index
    %get3A_635 = tpu.vector_load %arg5[%get3A_633, %get3A_634] {strides = array<i32>} : memref<50x128xi32, #tpu.memory_space<vmem>>, vector<16xi32>,
    %min3A_636 = arith.minsi %min3A_631, %get3A_635 : vector<16xi32>
    %get3A_637 = arith.constant 9 : i32
    %get3A_638 = arith.index_cast %get3A_637 : i32 to index
    %get3A_639 = arith.constant 32 : index
    %get3A_640 = tpu.vector_load %arg5[%get3A_638, %get3A_639] {strides = array<i32>} : memref<50x128xi32, #tpu.memory_space<vmem>>, vector<16xi32>,
    %min3A_641 = arith.minsi %min3A_636, %get3A_640 : vector<16xi32>
    %get3A_642 = arith.constant 9 : i32
    %get3A_643 = arith.index_cast %get3A_642 : i32 to index
    %get3A_644 = arith.constant 48 : index
    %get3A_645 = tpu.vector_load %arg5[%get3A_643, %get3A_644] {strides = array<i32>} : memref<50x128xi32, #tpu.memory_space<vmem>>, vector<16xi32>,
    %min3A_646 = arith.minsi %min3A_641, %get3A_645 : vector<16xi32>
    %get3A_647 = arith.constant 9 : i32
    %get3A_648 = arith.index_cast %get3A_647 : i32 to index
    %get3A_649 = arith.constant 64 : index
    %get3A_650 = tpu.vector_load %arg5[%get3A_648, %get3A_649] {strides = array<i32>} : memref<50x128xi32, #tpu.memory_space<vmem>>, vector<16xi32>,
    %min3A_651 = arith.minsi %min3A_646, %get3A_650 : vector<16xi32>
    %get3A_652 = arith.constant 9 : i32
    %get3A_653 = arith.index_cast %get3A_652 : i32 to index
    %get3A_654 = arith.constant 80 : index
    %get3A_655 = tpu.vector_load %arg5[%get3A_653, %get3A_654] {strides = array<i32>} : memref<50x128xi32, #tpu.memory_space<vmem>>, vector<16xi32>,
    %min3A_656 = arith.minsi %min3A_651, %get3A_655 : vector<16xi32>
    %get3A_657 = arith.constant 9 : i32
    %get3A_658 = arith.index_cast %get3A_657 : i32 to index
    %get3A_659 = arith.constant 96 : index
    %get3A_660 = tpu.vector_load %arg5[%get3A_658, %get3A_659] {strides = array<i32>} : memref<50x128xi32, #tpu.memory_space<vmem>>, vector<16xi32>,
    %min3A_661 = arith.minsi %min3A_656, %get3A_660 : vector<16xi32>
    %get3A_662 = arith.constant 9 : i32
    %get3A_663 = arith.index_cast %get3A_662 : i32 to index
    %get3A_664 = arith.constant 112 : index
    %get3A_665 = tpu.vector_load %arg5[%get3A_663, %get3A_664] {strides = array<i32>} : memref<50x128xi32, #tpu.memory_space<vmem>>, vector<16xi32>,
    %min3A_666 = arith.minsi %min3A_661, %get3A_665 : vector<16xi32>
    %eq3A_667 = arith.constant 0 : i32
    %eq3A_668 = vector.broadcast %eq3A_667 : i32 to vector<16xi32>
    %eq3A_669 = arith.cmpi eq, %min3A_666, %eq3A_668 : vector<16xi32>
    %all_reduce_population_count3A_670 = tpu.all_reduce %eq3A_669 {dim = 0 : i64, kind = #tpu.reduction_kind<sum>} : vector<16xi1> -> vector<16xi32>
    %slice3A_671 = vector.extract_strided_slice %all_reduce_population_count3A_670 {offsets = [0], sizes = [1], strides = [1]} : vector<16xi32> to vector<1xi32>
    %squeeze3A_672 = vector.extract %slice3A_671[0] : i32 from vector<1xi32>
    %gt3A_673 = arith.constant 0 : i32
    %gt3A_674 = arith.cmpi sgt, %squeeze3A_672, %gt3A_673 : i32
    %convert_element_type3A_675 = arith.extui %gt3A_674 : i1 to i32
    %cond3A_676 = arith.constant 0 : i32
    %cond3A_677 = arith.cmpi ne, %convert_element_type3A_675, %cond3A_676 : i32
    scf.if %cond3A_677 {
      %broadcast_in_dim3A = arith.constant 0.000000e+00 : f32
      %broadcast_in_dim3A_3270 = vector.broadcast %broadcast_in_dim3A : f32 to vector<16xf32>
      %scan3A = arith.constant 0 : i32
      %scan3A_3271 = arith.constant 0 : i32
      %scan3A_3272 = arith.constant 40 : i32
      %scan3A_3273 = arith.addi %scan3A_3271, %scan3A_3272 : i32
      %scan3A_3274 = arith.constant 1 : i32
      scf.for %scan3A_3276 = %scan3A_3271 to %scan3A_3273 step %scan3A_3274  : i32 {
        %jit3A = arith.constant 8 : i32
        %div3A = arith.divsi %scan3A_3276, %jit3A : i32
        %sign3A = arith.constant 0 : i32
        %sign3A_3277 = arith.cmpi sgt, %scan3A_3276, %sign3A : i32
        %sign3A_3278 = arith.extui %sign3A_3277 : i1 to i32
        %sign3A_3279 = arith.constant 0 : i32
        %sign3A_3280 = arith.cmpi slt, %scan3A_3276, %sign3A_3279 : i32
        %sign3A_3281 = arith.extui %sign3A_3280 : i1 to i32
        %sign3A_3282 = arith.subi %sign3A_3278, %sign3A_3281 : i32
        %sign3A_3283 = arith.constant 0 : i32
        %sign3A_3284 = arith.cmpi sgt, %jit3A, %sign3A_3283 : i32
        %sign3A_3285 = arith.extui %sign3A_3284 : i1 to i32
        %sign3A_3286 = arith.constant 0 : i32
        %sign3A_3287 = arith.cmpi slt, %jit3A, %sign3A_3286 : i32
        %sign3A_3288 = arith.extui %sign3A_3287 : i1 to i32
        %sign3A_3289 = arith.subi %sign3A_3285, %sign3A_3288 : i32
        %ne3A = arith.cmpi ne, %sign3A_3282, %sign3A_3289 : i32
        %rem3A = arith.remsi %scan3A_3276, %jit3A : i32
        %ne3A_3290 = arith.constant 0 : i32
        %ne3A_3291 = arith.cmpi ne, %rem3A, %ne3A_3290 : i32
        %and3A = arith.andi %ne3A, %ne3A_3291 : i1
        %sub3A = arith.constant 1 : i32
        %sub3A_3292 = arith.subi %div3A, %sub3A : i32
        %select_n3A = arith.select %and3A, %sub3A_3292, %div3A : i32
        %add3A_3293 = arith.constant 5 : i32
        %add3A_3294 = arith.addi %add3A_3293, %select_n3A : i32
        %jit3A_3295 = arith.constant 8 : i32
        %eq3A_3296 = arith.constant 0 : i32
        %eq3A_3297 = arith.cmpi eq, %jit3A_3295, %eq3A_3296 : i32
        %jit3A_3298 = arith.constant 1 : i32
        %select_n3A_3299 = arith.select %eq3A_3297, %jit3A_3298, %jit3A_3295 : i32
        %rem3A_3300 = arith.remsi %scan3A_3276, %select_n3A_3299 : i32
        %ne3A_3301 = arith.constant 0 : i32
        %ne3A_3302 = arith.cmpi ne, %rem3A_3300, %ne3A_3301 : i32
        %lt3A = arith.constant 0 : i32
        %lt3A_3303 = arith.cmpi slt, %rem3A_3300, %lt3A : i32
        %lt3A_3304 = arith.constant 0 : i32
        %lt3A_3305 = arith.cmpi slt, %select_n3A_3299, %lt3A_3304 : i32
        %ne3A_3306 = arith.xori %lt3A_3303, %lt3A_3305 : i1
        %and3A_3307 = arith.andi %ne3A_3306, %ne3A_3302 : i1
        %add3A_3308 = arith.addi %rem3A_3300, %select_n3A_3299 : i32
        %select_n3A_3309 = arith.select %and3A_3307, %add3A_3308, %rem3A_3300 : i32
        %mul3A_3310 = arith.constant 16 : i32
        %mul3A_3311 = arith.muli %select_n3A_3309, %mul3A_3310 : i32
        %get3A_3312 = arith.index_cast %add3A_3294 : i32 to index
        %get3A_3313 = arith.index_cast %mul3A_3311 : i32 to index
        %get3A_3314 = tpu.vector_load %arg5[%get3A_3312, %get3A_3313] {strides = array<i32>} : memref<50x128xi32, #tpu.memory_space<vmem>>, vector<16xi32>,
        %eq3A_3315 = arith.constant 0 : i32
        %eq3A_3316 = vector.broadcast %eq3A_3315 : i32 to vector<16xi32>
        %eq3A_3317 = arith.cmpi eq, %get3A_3314, %eq3A_3316 : vector<16xi32>
        %all_reduce_population_count3A_3318 = tpu.all_reduce %eq3A_3317 {dim = 0 : i64, kind = #tpu.reduction_kind<sum>} : vector<16xi1> -> vector<16xi32>
        %slice3A_3319 = vector.extract_strided_slice %all_reduce_population_count3A_3318 {offsets = [0], sizes = [1], strides = [1]} : vector<16xi32> to vector<1xi32>
        %squeeze3A_3320 = vector.extract %slice3A_3319[0] : i32 from vector<1xi32>
        %gt3A_3321 = arith.constant 0 : i32
        %gt3A_3322 = arith.cmpi sgt, %squeeze3A_3320, %gt3A_3321 : i32
        %convert_element_type3A_3323 = arith.extui %gt3A_3322 : i1 to i32
        %cond3A_3324 = arith.constant 0 : i32
        %cond3A_3325 = arith.cmpi ne, %convert_element_type3A_3323, %cond3A_3324 : i32
        scf.if %cond3A_3325 {
          %mul3A_3326 = arith.constant 16 : i32
          %mul3A_3327 = arith.muli %scan3A_3276, %mul3A_3326 : i32
          %iota3A = tpu.iota {dimensions = array<i32: 0>} : vector<16xi32>
          %add3A_3328 = vector.broadcast %mul3A_3327 : i32 to vector<16xi32>
          %add3A_3329 = arith.addi %add3A_3328, %iota3A : vector<16xi32>
          %scan3A_3330 = arith.constant 0 : i32
          %scan3A_3331 = arith.constant 0 : i32
          %scan3A_3332 = arith.constant 64 : i32
          %scan3A_3333 = arith.addi %scan3A_3331, %scan3A_3332 : i32
          %scan3A_3334 = arith.constant 1 : i32
          scf.for %scan3A_3336 = %scan3A_3331 to %scan3A_3333 step %scan3A_3334  : i32 {
            %broadcast_in_dim3A_3337 = vector.broadcast %scan3A_3336 : i32 to vector<16xi32>
            tpu.vector_store_idx %arg7[%add3A_3329, %broadcast_in_dim3A_3337], %broadcast_in_dim3A_3270 masked %eq3A_3317 : memref<640x64xf32, #tpu.memory_space<vmem>>[vector<16xi32>, vector<16xi32>], vector<16xf32>, vector<16xi1>
          }
          %scan3A_3335 = arith.constant 64 : i32
        } else {
        }
      }
      %scan3A_3275 = arith.constant 40 : i32
    } else {
    }
    %dma_start3A_678 = arith.constant 1 : i32
    %dma_start3A_679 = arith.constant 0 : i32
    %dma_start3A_680 = arith.constant 0 : i32
    %dma_start3A_681 = tpu.memref_slice %arg4[%add3A, %dma_start3A_678, %dma_start3A_679, %dma_start3A_680] : memref<32x10x640x64xf32, #tpu.memory_space<hbm>> -> memref<1x1x640x64xf32, #tpu.memory_space<hbm>>
    %dma_start3A_682 = tpu.memref_squeeze %dma_start3A_681 : memref<1x1x640x64xf32, #tpu.memory_space<hbm>> -> memref<640x64xf32, #tpu.memory_space<hbm>>
    %dma_start3A_683 = arith.constant 0 : i32
    %dma_start3A_684 = arith.constant 0 : i32
    %dma_start3A_685 = tpu.memref_slice %arg4[%add3A, %dma_start3A_678, %dma_start3A_683, %dma_start3A_684] : memref<32x10x640x64xf32, #tpu.memory_space<hbm>> -> memref<1x1x640x64xf32, #tpu.memory_space<hbm>>
    %dma_start3A_686 = tpu.memref_squeeze %dma_start3A_685 : memref<1x1x640x64xf32, #tpu.memory_space<hbm>> -> memref<640x64xf32, #tpu.memory_space<hbm>>
    tpu.enqueue_dma source(%arg7 : memref<640x64xf32, #tpu.memory_space<vmem>>) target(%dma_start3A_686 : memref<640x64xf32, #tpu.memory_space<hbm>>) target_semaphore(%arg10 : memref<!tpu.dma_semaphore, #tpu.memory_space<semaphore_mem>>)
    %dma_wait3A_687 = arith.constant 1 : i32
    %dma_wait3A_688 = arith.constant 0 : i32
    %dma_wait3A_689 = arith.constant 0 : i32
    %dma_wait3A_690 = tpu.memref_slice %arg4[%add3A, %dma_wait3A_687, %dma_wait3A_688, %dma_wait3A_689] : memref<32x10x640x64xf32, #tpu.memory_space<hbm>> -> memref<1x1x640x64xf32, #tpu.memory_space<hbm>>
    %dma_wait3A_691 = tpu.memref_squeeze %dma_wait3A_690 : memref<1x1x640x64xf32, #tpu.memory_space<hbm>> -> memref<640x64xf32, #tpu.memory_space<hbm>>
    %dma_wait3A_692 = arith.constant 0 : i32
    %dma_wait3A_693 = arith.constant 0 : i32
    %dma_wait3A_694 = tpu.memref_slice %arg4[%add3A, %dma_wait3A_687, %dma_wait3A_692, %dma_wait3A_693] : memref<32x10x640x64xf32, #tpu.memory_space<hbm>> -> memref<1x1x640x64xf32, #tpu.memory_space<hbm>>
    %dma_wait3A_695 = tpu.memref_squeeze %dma_wait3A_694 : memref<1x1x640x64xf32, #tpu.memory_space<hbm>> -> memref<640x64xf32, #tpu.memory_space<hbm>>
    tpu.wait_dma2 semaphore(%arg10 : memref<!tpu.dma_semaphore, #tpu.memory_space<semaphore_mem>>) src(%arg7 : memref<640x64xf32, #tpu.memory_space<vmem>>) dst(%dma_wait3A_695 : memref<640x64xf32, #tpu.memory_space<hbm>>)
    %dma_start3A_696 = arith.constant 15 : i32
    %dma_start3A_697 = arith.constant 0 : i32
    %dma_start3A_698 = arith.constant 0 : i32
    %dma_start3A_699 = tpu.memref_slice %arg7[%dma_start3A_697, %dma_start3A_698] : memref<640x64xf32, #tpu.memory_space<vmem>> -> memref<128x64xf32, #tpu.memory_space<vmem>>
    %dma_start3A_700 = arith.constant 0 : i32
    %dma_start3A_701 = tpu.memref_slice %arg5[%dma_start3A_696, %dma_start3A_700] : memref<50x128xi32, #tpu.memory_space<vmem>> -> memref<1x128xi32, #tpu.memory_space<vmem>>
    %dma_start3A_702 = tpu.memref_squeeze %dma_start3A_701 : memref<1x128xi32, #tpu.memory_space<vmem>> -> memref<128xi32, #tpu.memory_space<vmem>>
    %dma_start3A_703 = arith.constant 0 : i32
    %dma_start3A_704 = arith.constant 0 : i32
    %dma_start3A_705 = tpu.memref_slice %arg3[%dma_start3A_703, %dma_start3A_704] : memref<1000000x64xf32, #tpu.memory_space<hbm>> -> memref<1000000x64xf32, #tpu.memory_space<hbm>>
    tpu.enqueue_indirect_dma source(%dma_start3A_705 : memref<1000000x64xf32, #tpu.memory_space<hbm>>) target(%dma_start3A_699 : memref<128x64xf32, #tpu.memory_space<vmem>>) offsets(%dma_start3A_702 : memref<128xi32, #tpu.memory_space<vmem>>) semaphore(%arg9 : memref<!tpu.dma_semaphore, #tpu.memory_space<semaphore_mem>>)
    %dma_start3A_706 = arith.constant 16 : i32
    %dma_start3A_707 = arith.constant 128 : i32
    %dma_start3A_708 = arith.constant 0 : i32
    %dma_start3A_709 = tpu.memref_slice %arg7[%dma_start3A_707, %dma_start3A_708] : memref<640x64xf32, #tpu.memory_space<vmem>> -> memref<128x64xf32, #tpu.memory_space<vmem>>
    %dma_start3A_710 = arith.constant 0 : i32
    %dma_start3A_711 = tpu.memref_slice %arg5[%dma_start3A_706, %dma_start3A_710] : memref<50x128xi32, #tpu.memory_space<vmem>> -> memref<1x128xi32, #tpu.memory_space<vmem>>
    %dma_start3A_712 = tpu.memref_squeeze %dma_start3A_711 : memref<1x128xi32, #tpu.memory_space<vmem>> -> memref<128xi32, #tpu.memory_space<vmem>>
    %dma_start3A_713 = arith.constant 0 : i32
    %dma_start3A_714 = arith.constant 0 : i32
    %dma_start3A_715 = tpu.memref_slice %arg3[%dma_start3A_713, %dma_start3A_714] : memref<1000000x64xf32, #tpu.memory_space<hbm>> -> memref<1000000x64xf32, #tpu.memory_space<hbm>>
    tpu.enqueue_indirect_dma source(%dma_start3A_715 : memref<1000000x64xf32, #tpu.memory_space<hbm>>) target(%dma_start3A_709 : memref<128x64xf32, #tpu.memory_space<vmem>>) offsets(%dma_start3A_712 : memref<128xi32, #tpu.memory_space<vmem>>) semaphore(%arg9 : memref<!tpu.dma_semaphore, #tpu.memory_space<semaphore_mem>>)
    %dma_start3A_716 = arith.constant 17 : i32
    %dma_start3A_717 = arith.constant 256 : i32
    %dma_start3A_718 = arith.constant 0 : i32
    %dma_start3A_719 = tpu.memref_slice %arg7[%dma_start3A_717, %dma_start3A_718] : memref<640x64xf32, #tpu.memory_space<vmem>> -> memref<128x64xf32, #tpu.memory_space<vmem>>
    %dma_start3A_720 = arith.constant 0 : i32
    %dma_start3A_721 = tpu.memref_slice %arg5[%dma_start3A_716, %dma_start3A_720] : memref<50x128xi32, #tpu.memory_space<vmem>> -> memref<1x128xi32, #tpu.memory_space<vmem>>
    %dma_start3A_722 = tpu.memref_squeeze %dma_start3A_721 : memref<1x128xi32, #tpu.memory_space<vmem>> -> memref<128xi32, #tpu.memory_space<vmem>>
    %dma_start3A_723 = arith.constant 0 : i32
    %dma_start3A_724 = arith.constant 0 : i32
    %dma_start3A_725 = tpu.memref_slice %arg3[%dma_start3A_723, %dma_start3A_724] : memref<1000000x64xf32, #tpu.memory_space<hbm>> -> memref<1000000x64xf32, #tpu.memory_space<hbm>>
    tpu.enqueue_indirect_dma source(%dma_start3A_725 : memref<1000000x64xf32, #tpu.memory_space<hbm>>) target(%dma_start3A_719 : memref<128x64xf32, #tpu.memory_space<vmem>>) offsets(%dma_start3A_722 : memref<128xi32, #tpu.memory_space<vmem>>) semaphore(%arg9 : memref<!tpu.dma_semaphore, #tpu.memory_space<semaphore_mem>>)
    %dma_start3A_726 = arith.constant 18 : i32
    %dma_start3A_727 = arith.constant 384 : i32
    %dma_start3A_728 = arith.constant 0 : i32
    %dma_start3A_729 = tpu.memref_slice %arg7[%dma_start3A_727, %dma_start3A_728] : memref<640x64xf32, #tpu.memory_space<vmem>> -> memref<128x64xf32, #tpu.memory_space<vmem>>
    %dma_start3A_730 = arith.constant 0 : i32
    %dma_start3A_731 = tpu.memref_slice %arg5[%dma_start3A_726, %dma_start3A_730] : memref<50x128xi32, #tpu.memory_space<vmem>> -> memref<1x128xi32, #tpu.memory_space<vmem>>
    %dma_start3A_732 = tpu.memref_squeeze %dma_start3A_731 : memref<1x128xi32, #tpu.memory_space<vmem>> -> memref<128xi32, #tpu.memory_space<vmem>>
    %dma_start3A_733 = arith.constant 0 : i32
    %dma_start3A_734 = arith.constant 0 : i32
    %dma_start3A_735 = tpu.memref_slice %arg3[%dma_start3A_733, %dma_start3A_734] : memref<1000000x64xf32, #tpu.memory_space<hbm>> -> memref<1000000x64xf32, #tpu.memory_space<hbm>>
    tpu.enqueue_indirect_dma source(%dma_start3A_735 : memref<1000000x64xf32, #tpu.memory_space<hbm>>) target(%dma_start3A_729 : memref<128x64xf32, #tpu.memory_space<vmem>>) offsets(%dma_start3A_732 : memref<128xi32, #tpu.memory_space<vmem>>) semaphore(%arg9 : memref<!tpu.dma_semaphore, #tpu.memory_space<semaphore_mem>>)
    %dma_start3A_736 = arith.constant 19 : i32
    %dma_start3A_737 = arith.constant 512 : i32
    %dma_start3A_738 = arith.constant 0 : i32
    %dma_start3A_739 = tpu.memref_slice %arg7[%dma_start3A_737, %dma_start3A_738] : memref<640x64xf32, #tpu.memory_space<vmem>> -> memref<128x64xf32, #tpu.memory_space<vmem>>
    %dma_start3A_740 = arith.constant 0 : i32
    %dma_start3A_741 = tpu.memref_slice %arg5[%dma_start3A_736, %dma_start3A_740] : memref<50x128xi32, #tpu.memory_space<vmem>> -> memref<1x128xi32, #tpu.memory_space<vmem>>
    %dma_start3A_742 = tpu.memref_squeeze %dma_start3A_741 : memref<1x128xi32, #tpu.memory_space<vmem>> -> memref<128xi32, #tpu.memory_space<vmem>>
    %dma_start3A_743 = arith.constant 0 : i32
    %dma_start3A_744 = arith.constant 0 : i32
    %dma_start3A_745 = tpu.memref_slice %arg3[%dma_start3A_743, %dma_start3A_744] : memref<1000000x64xf32, #tpu.memory_space<hbm>> -> memref<1000000x64xf32, #tpu.memory_space<hbm>>
    tpu.enqueue_indirect_dma source(%dma_start3A_745 : memref<1000000x64xf32, #tpu.memory_space<hbm>>) target(%dma_start3A_739 : memref<128x64xf32, #tpu.memory_space<vmem>>) offsets(%dma_start3A_742 : memref<128xi32, #tpu.memory_space<vmem>>) semaphore(%arg9 : memref<!tpu.dma_semaphore, #tpu.memory_space<semaphore_mem>>)
    %dma_wait3A_746 = arith.constant 10 : i32
    %dma_wait3A_747 = arith.constant 0 : i32
    %dma_wait3A_748 = arith.constant 0 : i32
    %dma_wait3A_749 = tpu.memref_slice %arg6[%dma_wait3A_747, %dma_wait3A_748] : memref<640x64xf32, #tpu.memory_space<vmem>> -> memref<128x64xf32, #tpu.memory_space<vmem>>
    %dma_wait3A_750 = arith.constant 0 : i32
    %dma_wait3A_751 = tpu.memref_slice %arg5[%dma_wait3A_746, %dma_wait3A_750] : memref<50x128xi32, #tpu.memory_space<vmem>> -> memref<1x128xi32, #tpu.memory_space<vmem>>
    %dma_wait3A_752 = tpu.memref_squeeze %dma_wait3A_751 : memref<1x128xi32, #tpu.memory_space<vmem>> -> memref<128xi32, #tpu.memory_space<vmem>>
    %dma_wait3A_753 = arith.constant 0 : i32
    %dma_wait3A_754 = arith.constant 0 : i32
    %dma_wait3A_755 = tpu.memref_slice %arg3[%dma_wait3A_753, %dma_wait3A_754] : memref<1000000x64xf32, #tpu.memory_space<hbm>> -> memref<1000000x64xf32, #tpu.memory_space<hbm>>
    tpu.wait_indirect_dma semaphore(%arg8 : memref<!tpu.dma_semaphore, #tpu.memory_space<semaphore_mem>>) src(%dma_wait3A_755 : memref<1000000x64xf32, #tpu.memory_space<hbm>>) dst(%dma_wait3A_749 : memref<128x64xf32, #tpu.memory_space<vmem>>)
    %dma_wait3A_756 = arith.constant 11 : i32
    %dma_wait3A_757 = arith.constant 128 : i32
    %dma_wait3A_758 = arith.constant 0 : i32
    %dma_wait3A_759 = tpu.memref_slice %arg6[%dma_wait3A_757, %dma_wait3A_758] : memref<640x64xf32, #tpu.memory_space<vmem>> -> memref<128x64xf32, #tpu.memory_space<vmem>>
    %dma_wait3A_760 = arith.constant 0 : i32
    %dma_wait3A_761 = tpu.memref_slice %arg5[%dma_wait3A_756, %dma_wait3A_760] : memref<50x128xi32, #tpu.memory_space<vmem>> -> memref<1x128xi32, #tpu.memory_space<vmem>>
    %dma_wait3A_762 = tpu.memref_squeeze %dma_wait3A_761 : memref<1x128xi32, #tpu.memory_space<vmem>> -> memref<128xi32, #tpu.memory_space<vmem>>
    %dma_wait3A_763 = arith.constant 0 : i32
    %dma_wait3A_764 = arith.constant 0 : i32
    %dma_wait3A_765 = tpu.memref_slice %arg3[%dma_wait3A_763, %dma_wait3A_764] : memref<1000000x64xf32, #tpu.memory_space<hbm>> -> memref<1000000x64xf32, #tpu.memory_space<hbm>>
    tpu.wait_indirect_dma semaphore(%arg8 : memref<!tpu.dma_semaphore, #tpu.memory_space<semaphore_mem>>) src(%dma_wait3A_765 : memref<1000000x64xf32, #tpu.memory_space<hbm>>) dst(%dma_wait3A_759 : memref<128x64xf32, #tpu.memory_space<vmem>>)
    %dma_wait3A_766 = arith.constant 12 : i32
    %dma_wait3A_767 = arith.constant 256 : i32
    %dma_wait3A_768 = arith.constant 0 : i32
    %dma_wait3A_769 = tpu.memref_slice %arg6[%dma_wait3A_767, %dma_wait3A_768] : memref<640x64xf32, #tpu.memory_space<vmem>> -> memref<128x64xf32, #tpu.memory_space<vmem>>
    %dma_wait3A_770 = arith.constant 0 : i32
    %dma_wait3A_771 = tpu.memref_slice %arg5[%dma_wait3A_766, %dma_wait3A_770] : memref<50x128xi32, #tpu.memory_space<vmem>> -> memref<1x128xi32, #tpu.memory_space<vmem>>
    %dma_wait3A_772 = tpu.memref_squeeze %dma_wait3A_771 : memref<1x128xi32, #tpu.memory_space<vmem>> -> memref<128xi32, #tpu.memory_space<vmem>>
    %dma_wait3A_773 = arith.constant 0 : i32
    %dma_wait3A_774 = arith.constant 0 : i32
    %dma_wait3A_775 = tpu.memref_slice %arg3[%dma_wait3A_773, %dma_wait3A_774] : memref<1000000x64xf32, #tpu.memory_space<hbm>> -> memref<1000000x64xf32, #tpu.memory_space<hbm>>
    tpu.wait_indirect_dma semaphore(%arg8 : memref<!tpu.dma_semaphore, #tpu.memory_space<semaphore_mem>>) src(%dma_wait3A_775 : memref<1000000x64xf32, #tpu.memory_space<hbm>>) dst(%dma_wait3A_769 : memref<128x64xf32, #tpu.memory_space<vmem>>)
    %dma_wait3A_776 = arith.constant 13 : i32
    %dma_wait3A_777 = arith.constant 384 : i32
    %dma_wait3A_778 = arith.constant 0 : i32
    %dma_wait3A_779 = tpu.memref_slice %arg6[%dma_wait3A_777, %dma_wait3A_778] : memref<640x64xf32, #tpu.memory_space<vmem>> -> memref<128x64xf32, #tpu.memory_space<vmem>>
    %dma_wait3A_780 = arith.constant 0 : i32
    %dma_wait3A_781 = tpu.memref_slice %arg5[%dma_wait3A_776, %dma_wait3A_780] : memref<50x128xi32, #tpu.memory_space<vmem>> -> memref<1x128xi32, #tpu.memory_space<vmem>>
    %dma_wait3A_782 = tpu.memref_squeeze %dma_wait3A_781 : memref<1x128xi32, #tpu.memory_space<vmem>> -> memref<128xi32, #tpu.memory_space<vmem>>
    %dma_wait3A_783 = arith.constant 0 : i32
    %dma_wait3A_784 = arith.constant 0 : i32
    %dma_wait3A_785 = tpu.memref_slice %arg3[%dma_wait3A_783, %dma_wait3A_784] : memref<1000000x64xf32, #tpu.memory_space<hbm>> -> memref<1000000x64xf32, #tpu.memory_space<hbm>>
    tpu.wait_indirect_dma semaphore(%arg8 : memref<!tpu.dma_semaphore, #tpu.memory_space<semaphore_mem>>) src(%dma_wait3A_785 : memref<1000000x64xf32, #tpu.memory_space<hbm>>) dst(%dma_wait3A_779 : memref<128x64xf32, #tpu.memory_space<vmem>>)
    %dma_wait3A_786 = arith.constant 14 : i32
    %dma_wait3A_787 = arith.constant 512 : i32
    %dma_wait3A_788 = arith.constant 0 : i32
    %dma_wait3A_789 = tpu.memref_slice %arg6[%dma_wait3A_787, %dma_wait3A_788] : memref<640x64xf32, #tpu.memory_space<vmem>> -> memref<128x64xf32, #tpu.memory_space<vmem>>
    %dma_wait3A_790 = arith.constant 0 : i32
    %dma_wait3A_791 = tpu.memref_slice %arg5[%dma_wait3A_786, %dma_wait3A_790] : memref<50x128xi32, #tpu.memory_space<vmem>> -> memref<1x128xi32, #tpu.memory_space<vmem>>
    %dma_wait3A_792 = tpu.memref_squeeze %dma_wait3A_791 : memref<1x128xi32, #tpu.memory_space<vmem>> -> memref<128xi32, #tpu.memory_space<vmem>>
    %dma_wait3A_793 = arith.constant 0 : i32
    %dma_wait3A_794 = arith.constant 0 : i32
    %dma_wait3A_795 = tpu.memref_slice %arg3[%dma_wait3A_793, %dma_wait3A_794] : memref<1000000x64xf32, #tpu.memory_space<hbm>> -> memref<1000000x64xf32, #tpu.memory_space<hbm>>
    tpu.wait_indirect_dma semaphore(%arg8 : memref<!tpu.dma_semaphore, #tpu.memory_space<semaphore_mem>>) src(%dma_wait3A_795 : memref<1000000x64xf32, #tpu.memory_space<hbm>>) dst(%dma_wait3A_789 : memref<128x64xf32, #tpu.memory_space<vmem>>)
    %get3A_796 = arith.constant 10 : i32
    %get3A_797 = arith.index_cast %get3A_796 : i32 to index
    %get3A_798 = arith.constant 0 : index
    %get3A_799 = tpu.vector_load %arg5[%get3A_797, %get3A_798] {strides = array<i32>} : memref<50x128xi32, #tpu.memory_space<vmem>>, vector<16xi32>,
    %get3A_800 = arith.constant 10 : i32
    %get3A_801 = arith.index_cast %get3A_800 : i32 to index
    %get3A_802 = arith.constant 16 : index
    %get3A_803 = tpu.vector_load %arg5[%get3A_801, %get3A_802] {strides = array<i32>} : memref<50x128xi32, #tpu.memory_space<vmem>>, vector<16xi32>,
    %min3A_804 = arith.minsi %get3A_799, %get3A_803 : vector<16xi32>
    %get3A_805 = arith.constant 10 : i32
    %get3A_806 = arith.index_cast %get3A_805 : i32 to index
    %get3A_807 = arith.constant 32 : index
    %get3A_808 = tpu.vector_load %arg5[%get3A_806, %get3A_807] {strides = array<i32>} : memref<50x128xi32, #tpu.memory_space<vmem>>, vector<16xi32>,
    %min3A_809 = arith.minsi %min3A_804, %get3A_808 : vector<16xi32>
    %get3A_810 = arith.constant 10 : i32
    %get3A_811 = arith.index_cast %get3A_810 : i32 to index
    %get3A_812 = arith.constant 48 : index
    %get3A_813 = tpu.vector_load %arg5[%get3A_811, %get3A_812] {strides = array<i32>} : memref<50x128xi32, #tpu.memory_space<vmem>>, vector<16xi32>,
    %min3A_814 = arith.minsi %min3A_809, %get3A_813 : vector<16xi32>
    %get3A_815 = arith.constant 10 : i32
    %get3A_816 = arith.index_cast %get3A_815 : i32 to index
    %get3A_817 = arith.constant 64 : index
    %get3A_818 = tpu.vector_load %arg5[%get3A_816, %get3A_817] {strides = array<i32>} : memref<50x128xi32, #tpu.memory_space<vmem>>, vector<16xi32>,
    %min3A_819 = arith.minsi %min3A_814, %get3A_818 : vector<16xi32>
    %get3A_820 = arith.constant 10 : i32
    %get3A_821 = arith.index_cast %get3A_820 : i32 to index
    %get3A_822 = arith.constant 80 : index
    %get3A_823 = tpu.vector_load %arg5[%get3A_821, %get3A_822] {strides = array<i32>} : memref<50x128xi32, #tpu.memory_space<vmem>>, vector<16xi32>,
    %min3A_824 = arith.minsi %min3A_819, %get3A_823 : vector<16xi32>
    %get3A_825 = arith.constant 10 : i32
    %get3A_826 = arith.index_cast %get3A_825 : i32 to index
    %get3A_827 = arith.constant 96 : index
    %get3A_828 = tpu.vector_load %arg5[%get3A_826, %get3A_827] {strides = array<i32>} : memref<50x128xi32, #tpu.memory_space<vmem>>, vector<16xi32>,
    %min3A_829 = arith.minsi %min3A_824, %get3A_828 : vector<16xi32>
    %get3A_830 = arith.constant 10 : i32
    %get3A_831 = arith.index_cast %get3A_830 : i32 to index
    %get3A_832 = arith.constant 112 : index
    %get3A_833 = tpu.vector_load %arg5[%get3A_831, %get3A_832] {strides = array<i32>} : memref<50x128xi32, #tpu.memory_space<vmem>>, vector<16xi32>,
    %min3A_834 = arith.minsi %min3A_829, %get3A_833 : vector<16xi32>
    %get3A_835 = arith.constant 11 : i32
    %get3A_836 = arith.index_cast %get3A_835 : i32 to index
    %get3A_837 = arith.constant 0 : index
    %get3A_838 = tpu.vector_load %arg5[%get3A_836, %get3A_837] {strides = array<i32>} : memref<50x128xi32, #tpu.memory_space<vmem>>, vector<16xi32>,
    %min3A_839 = arith.minsi %min3A_834, %get3A_838 : vector<16xi32>
    %get3A_840 = arith.constant 11 : i32
    %get3A_841 = arith.index_cast %get3A_840 : i32 to index
    %get3A_842 = arith.constant 16 : index
    %get3A_843 = tpu.vector_load %arg5[%get3A_841, %get3A_842] {strides = array<i32>} : memref<50x128xi32, #tpu.memory_space<vmem>>, vector<16xi32>,
    %min3A_844 = arith.minsi %min3A_839, %get3A_843 : vector<16xi32>
    %get3A_845 = arith.constant 11 : i32
    %get3A_846 = arith.index_cast %get3A_845 : i32 to index
    %get3A_847 = arith.constant 32 : index
    %get3A_848 = tpu.vector_load %arg5[%get3A_846, %get3A_847] {strides = array<i32>} : memref<50x128xi32, #tpu.memory_space<vmem>>, vector<16xi32>,
    %min3A_849 = arith.minsi %min3A_844, %get3A_848 : vector<16xi32>
    %get3A_850 = arith.constant 11 : i32
    %get3A_851 = arith.index_cast %get3A_850 : i32 to index
    %get3A_852 = arith.constant 48 : index
    %get3A_853 = tpu.vector_load %arg5[%get3A_851, %get3A_852] {strides = array<i32>} : memref<50x128xi32, #tpu.memory_space<vmem>>, vector<16xi32>,
    %min3A_854 = arith.minsi %min3A_849, %get3A_853 : vector<16xi32>
    %get3A_855 = arith.constant 11 : i32
    %get3A_856 = arith.index_cast %get3A_855 : i32 to index
    %get3A_857 = arith.constant 64 : index
    %get3A_858 = tpu.vector_load %arg5[%get3A_856, %get3A_857] {strides = array<i32>} : memref<50x128xi32, #tpu.memory_space<vmem>>, vector<16xi32>,
    %min3A_859 = arith.minsi %min3A_854, %get3A_858 : vector<16xi32>
    %get3A_860 = arith.constant 11 : i32
    %get3A_861 = arith.index_cast %get3A_860 : i32 to index
    %get3A_862 = arith.constant 80 : index
    %get3A_863 = tpu.vector_load %arg5[%get3A_861, %get3A_862] {strides = array<i32>} : memref<50x128xi32, #tpu.memory_space<vmem>>, vector<16xi32>,
    %min3A_864 = arith.minsi %min3A_859, %get3A_863 : vector<16xi32>
    %get3A_865 = arith.constant 11 : i32
    %get3A_866 = arith.index_cast %get3A_865 : i32 to index
    %get3A_867 = arith.constant 96 : index
    %get3A_868 = tpu.vector_load %arg5[%get3A_866, %get3A_867] {strides = array<i32>} : memref<50x128xi32, #tpu.memory_space<vmem>>, vector<16xi32>,
    %min3A_869 = arith.minsi %min3A_864, %get3A_868 : vector<16xi32>
    %get3A_870 = arith.constant 11 : i32
    %get3A_871 = arith.index_cast %get3A_870 : i32 to index
    %get3A_872 = arith.constant 112 : index
    %get3A_873 = tpu.vector_load %arg5[%get3A_871, %get3A_872] {strides = array<i32>} : memref<50x128xi32, #tpu.memory_space<vmem>>, vector<16xi32>,
    %min3A_874 = arith.minsi %min3A_869, %get3A_873 : vector<16xi32>
    %get3A_875 = arith.constant 12 : i32
    %get3A_876 = arith.index_cast %get3A_875 : i32 to index
    %get3A_877 = arith.constant 0 : index
    %get3A_878 = tpu.vector_load %arg5[%get3A_876, %get3A_877] {strides = array<i32>} : memref<50x128xi32, #tpu.memory_space<vmem>>, vector<16xi32>,
    %min3A_879 = arith.minsi %min3A_874, %get3A_878 : vector<16xi32>
    %get3A_880 = arith.constant 12 : i32
    %get3A_881 = arith.index_cast %get3A_880 : i32 to index
    %get3A_882 = arith.constant 16 : index
    %get3A_883 = tpu.vector_load %arg5[%get3A_881, %get3A_882] {strides = array<i32>} : memref<50x128xi32, #tpu.memory_space<vmem>>, vector<16xi32>,
    %min3A_884 = arith.minsi %min3A_879, %get3A_883 : vector<16xi32>
    %get3A_885 = arith.constant 12 : i32
    %get3A_886 = arith.index_cast %get3A_885 : i32 to index
    %get3A_887 = arith.constant 32 : index
    %get3A_888 = tpu.vector_load %arg5[%get3A_886, %get3A_887] {strides = array<i32>} : memref<50x128xi32, #tpu.memory_space<vmem>>, vector<16xi32>,
    %min3A_889 = arith.minsi %min3A_884, %get3A_888 : vector<16xi32>
    %get3A_890 = arith.constant 12 : i32
    %get3A_891 = arith.index_cast %get3A_890 : i32 to index
    %get3A_892 = arith.constant 48 : index
    %get3A_893 = tpu.vector_load %arg5[%get3A_891, %get3A_892] {strides = array<i32>} : memref<50x128xi32, #tpu.memory_space<vmem>>, vector<16xi32>,
    %min3A_894 = arith.minsi %min3A_889, %get3A_893 : vector<16xi32>
    %get3A_895 = arith.constant 12 : i32
    %get3A_896 = arith.index_cast %get3A_895 : i32 to index
    %get3A_897 = arith.constant 64 : index
    %get3A_898 = tpu.vector_load %arg5[%get3A_896, %get3A_897] {strides = array<i32>} : memref<50x128xi32, #tpu.memory_space<vmem>>, vector<16xi32>,
    %min3A_899 = arith.minsi %min3A_894, %get3A_898 : vector<16xi32>
    %get3A_900 = arith.constant 12 : i32
    %get3A_901 = arith.index_cast %get3A_900 : i32 to index
    %get3A_902 = arith.constant 80 : index
    %get3A_903 = tpu.vector_load %arg5[%get3A_901, %get3A_902] {strides = array<i32>} : memref<50x128xi32, #tpu.memory_space<vmem>>, vector<16xi32>,
    %min3A_904 = arith.minsi %min3A_899, %get3A_903 : vector<16xi32>
    %get3A_905 = arith.constant 12 : i32
    %get3A_906 = arith.index_cast %get3A_905 : i32 to index
    %get3A_907 = arith.constant 96 : index
    %get3A_908 = tpu.vector_load %arg5[%get3A_906, %get3A_907] {strides = array<i32>} : memref<50x128xi32, #tpu.memory_space<vmem>>, vector<16xi32>,
    %min3A_909 = arith.minsi %min3A_904, %get3A_908 : vector<16xi32>
    %get3A_910 = arith.constant 12 : i32
    %get3A_911 = arith.index_cast %get3A_910 : i32 to index
    %get3A_912 = arith.constant 112 : index
    %get3A_913 = tpu.vector_load %arg5[%get3A_911, %get3A_912] {strides = array<i32>} : memref<50x128xi32, #tpu.memory_space<vmem>>, vector<16xi32>,
    %min3A_914 = arith.minsi %min3A_909, %get3A_913 : vector<16xi32>
    %get3A_915 = arith.constant 13 : i32
    %get3A_916 = arith.index_cast %get3A_915 : i32 to index
    %get3A_917 = arith.constant 0 : index
    %get3A_918 = tpu.vector_load %arg5[%get3A_916, %get3A_917] {strides = array<i32>} : memref<50x128xi32, #tpu.memory_space<vmem>>, vector<16xi32>,
    %min3A_919 = arith.minsi %min3A_914, %get3A_918 : vector<16xi32>
    %get3A_920 = arith.constant 13 : i32
    %get3A_921 = arith.index_cast %get3A_920 : i32 to index
    %get3A_922 = arith.constant 16 : index
    %get3A_923 = tpu.vector_load %arg5[%get3A_921, %get3A_922] {strides = array<i32>} : memref<50x128xi32, #tpu.memory_space<vmem>>, vector<16xi32>,
    %min3A_924 = arith.minsi %min3A_919, %get3A_923 : vector<16xi32>
    %get3A_925 = arith.constant 13 : i32
    %get3A_926 = arith.index_cast %get3A_925 : i32 to index
    %get3A_927 = arith.constant 32 : index
    %get3A_928 = tpu.vector_load %arg5[%get3A_926, %get3A_927] {strides = array<i32>} : memref<50x128xi32, #tpu.memory_space<vmem>>, vector<16xi32>,
    %min3A_929 = arith.minsi %min3A_924, %get3A_928 : vector<16xi32>
    %get3A_930 = arith.constant 13 : i32
    %get3A_931 = arith.index_cast %get3A_930 : i32 to index
    %get3A_932 = arith.constant 48 : index
    %get3A_933 = tpu.vector_load %arg5[%get3A_931, %get3A_932] {strides = array<i32>} : memref<50x128xi32, #tpu.memory_space<vmem>>, vector<16xi32>,
    %min3A_934 = arith.minsi %min3A_929, %get3A_933 : vector<16xi32>
    %get3A_935 = arith.constant 13 : i32
    %get3A_936 = arith.index_cast %get3A_935 : i32 to index
    %get3A_937 = arith.constant 64 : index
    %get3A_938 = tpu.vector_load %arg5[%get3A_936, %get3A_937] {strides = array<i32>} : memref<50x128xi32, #tpu.memory_space<vmem>>, vector<16xi32>,
    %min3A_939 = arith.minsi %min3A_934, %get3A_938 : vector<16xi32>
    %get3A_940 = arith.constant 13 : i32
    %get3A_941 = arith.index_cast %get3A_940 : i32 to index
    %get3A_942 = arith.constant 80 : index
    %get3A_943 = tpu.vector_load %arg5[%get3A_941, %get3A_942] {strides = array<i32>} : memref<50x128xi32, #tpu.memory_space<vmem>>, vector<16xi32>,
    %min3A_944 = arith.minsi %min3A_939, %get3A_943 : vector<16xi32>
    %get3A_945 = arith.constant 13 : i32
    %get3A_946 = arith.index_cast %get3A_945 : i32 to index
    %get3A_947 = arith.constant 96 : index
    %get3A_948 = tpu.vector_load %arg5[%get3A_946, %get3A_947] {strides = array<i32>} : memref<50x128xi32, #tpu.memory_space<vmem>>, vector<16xi32>,
    %min3A_949 = arith.minsi %min3A_944, %get3A_948 : vector<16xi32>
    %get3A_950 = arith.constant 13 : i32
    %get3A_951 = arith.index_cast %get3A_950 : i32 to index
    %get3A_952 = arith.constant 112 : index
    %get3A_953 = tpu.vector_load %arg5[%get3A_951, %get3A_952] {strides = array<i32>} : memref<50x128xi32, #tpu.memory_space<vmem>>, vector<16xi32>,
    %min3A_954 = arith.minsi %min3A_949, %get3A_953 : vector<16xi32>
    %get3A_955 = arith.constant 14 : i32
    %get3A_956 = arith.index_cast %get3A_955 : i32 to index
    %get3A_957 = arith.constant 0 : index
    %get3A_958 = tpu.vector_load %arg5[%get3A_956, %get3A_957] {strides = array<i32>} : memref<50x128xi32, #tpu.memory_space<vmem>>, vector<16xi32>,
    %min3A_959 = arith.minsi %min3A_954, %get3A_958 : vector<16xi32>
    %get3A_960 = arith.constant 14 : i32
    %get3A_961 = arith.index_cast %get3A_960 : i32 to index
    %get3A_962 = arith.constant 16 : index
    %get3A_963 = tpu.vector_load %arg5[%get3A_961, %get3A_962] {strides = array<i32>} : memref<50x128xi32, #tpu.memory_space<vmem>>, vector<16xi32>,
    %min3A_964 = arith.minsi %min3A_959, %get3A_963 : vector<16xi32>
    %get3A_965 = arith.constant 14 : i32
    %get3A_966 = arith.index_cast %get3A_965 : i32 to index
    %get3A_967 = arith.constant 32 : index
    %get3A_968 = tpu.vector_load %arg5[%get3A_966, %get3A_967] {strides = array<i32>} : memref<50x128xi32, #tpu.memory_space<vmem>>, vector<16xi32>,
    %min3A_969 = arith.minsi %min3A_964, %get3A_968 : vector<16xi32>
    %get3A_970 = arith.constant 14 : i32
    %get3A_971 = arith.index_cast %get3A_970 : i32 to index
    %get3A_972 = arith.constant 48 : index
    %get3A_973 = tpu.vector_load %arg5[%get3A_971, %get3A_972] {strides = array<i32>} : memref<50x128xi32, #tpu.memory_space<vmem>>, vector<16xi32>,
    %min3A_974 = arith.minsi %min3A_969, %get3A_973 : vector<16xi32>
    %get3A_975 = arith.constant 14 : i32
    %get3A_976 = arith.index_cast %get3A_975 : i32 to index
    %get3A_977 = arith.constant 64 : index
    %get3A_978 = tpu.vector_load %arg5[%get3A_976, %get3A_977] {strides = array<i32>} : memref<50x128xi32, #tpu.memory_space<vmem>>, vector<16xi32>,
    %min3A_979 = arith.minsi %min3A_974, %get3A_978 : vector<16xi32>
    %get3A_980 = arith.constant 14 : i32
    %get3A_981 = arith.index_cast %get3A_980 : i32 to index
    %get3A_982 = arith.constant 80 : index
    %get3A_983 = tpu.vector_load %arg5[%get3A_981, %get3A_982] {strides = array<i32>} : memref<50x128xi32, #tpu.memory_space<vmem>>, vector<16xi32>,
    %min3A_984 = arith.minsi %min3A_979, %get3A_983 : vector<16xi32>
    %get3A_985 = arith.constant 14 : i32
    %get3A_986 = arith.index_cast %get3A_985 : i32 to index
    %get3A_987 = arith.constant 96 : index
    %get3A_988 = tpu.vector_load %arg5[%get3A_986, %get3A_987] {strides = array<i32>} : memref<50x128xi32, #tpu.memory_space<vmem>>, vector<16xi32>,
    %min3A_989 = arith.minsi %min3A_984, %get3A_988 : vector<16xi32>
    %get3A_990 = arith.constant 14 : i32
    %get3A_991 = arith.index_cast %get3A_990 : i32 to index
    %get3A_992 = arith.constant 112 : index
    %get3A_993 = tpu.vector_load %arg5[%get3A_991, %get3A_992] {strides = array<i32>} : memref<50x128xi32, #tpu.memory_space<vmem>>, vector<16xi32>,
    %min3A_994 = arith.minsi %min3A_989, %get3A_993 : vector<16xi32>
    %eq3A_995 = arith.constant 0 : i32
    %eq3A_996 = vector.broadcast %eq3A_995 : i32 to vector<16xi32>
    %eq3A_997 = arith.cmpi eq, %min3A_994, %eq3A_996 : vector<16xi32>
    %all_reduce_population_count3A_998 = tpu.all_reduce %eq3A_997 {dim = 0 : i64, kind = #tpu.reduction_kind<sum>} : vector<16xi1> -> vector<16xi32>
    %slice3A_999 = vector.extract_strided_slice %all_reduce_population_count3A_998 {offsets = [0], sizes = [1], strides = [1]} : vector<16xi32> to vector<1xi32>
    %squeeze3A_1000 = vector.extract %slice3A_999[0] : i32 from vector<1xi32>
    %gt3A_1001 = arith.constant 0 : i32
    %gt3A_1002 = arith.cmpi sgt, %squeeze3A_1000, %gt3A_1001 : i32
    %convert_element_type3A_1003 = arith.extui %gt3A_1002 : i1 to i32
    %cond3A_1004 = arith.constant 0 : i32
    %cond3A_1005 = arith.cmpi ne, %convert_element_type3A_1003, %cond3A_1004 : i32
    scf.if %cond3A_1005 {
      %broadcast_in_dim3A = arith.constant 0.000000e+00 : f32
      %broadcast_in_dim3A_3270 = vector.broadcast %broadcast_in_dim3A : f32 to vector<16xf32>
      %scan3A = arith.constant 0 : i32
      %scan3A_3271 = arith.constant 0 : i32
      %scan3A_3272 = arith.constant 40 : i32
      %scan3A_3273 = arith.addi %scan3A_3271, %scan3A_3272 : i32
      %scan3A_3274 = arith.constant 1 : i32
      scf.for %scan3A_3276 = %scan3A_3271 to %scan3A_3273 step %scan3A_3274  : i32 {
        %jit3A = arith.constant 8 : i32
        %div3A = arith.divsi %scan3A_3276, %jit3A : i32
        %sign3A = arith.constant 0 : i32
        %sign3A_3277 = arith.cmpi sgt, %scan3A_3276, %sign3A : i32
        %sign3A_3278 = arith.extui %sign3A_3277 : i1 to i32
        %sign3A_3279 = arith.constant 0 : i32
        %sign3A_3280 = arith.cmpi slt, %scan3A_3276, %sign3A_3279 : i32
        %sign3A_3281 = arith.extui %sign3A_3280 : i1 to i32
        %sign3A_3282 = arith.subi %sign3A_3278, %sign3A_3281 : i32
        %sign3A_3283 = arith.constant 0 : i32
        %sign3A_3284 = arith.cmpi sgt, %jit3A, %sign3A_3283 : i32
        %sign3A_3285 = arith.extui %sign3A_3284 : i1 to i32
        %sign3A_3286 = arith.constant 0 : i32
        %sign3A_3287 = arith.cmpi slt, %jit3A, %sign3A_3286 : i32
        %sign3A_3288 = arith.extui %sign3A_3287 : i1 to i32
        %sign3A_3289 = arith.subi %sign3A_3285, %sign3A_3288 : i32
        %ne3A = arith.cmpi ne, %sign3A_3282, %sign3A_3289 : i32
        %rem3A = arith.remsi %scan3A_3276, %jit3A : i32
        %ne3A_3290 = arith.constant 0 : i32
        %ne3A_3291 = arith.cmpi ne, %rem3A, %ne3A_3290 : i32
        %and3A = arith.andi %ne3A, %ne3A_3291 : i1
        %sub3A = arith.constant 1 : i32
        %sub3A_3292 = arith.subi %div3A, %sub3A : i32
        %select_n3A = arith.select %and3A, %sub3A_3292, %div3A : i32
        %add3A_3293 = arith.constant 10 : i32
        %add3A_3294 = arith.addi %add3A_3293, %select_n3A : i32
        %jit3A_3295 = arith.constant 8 : i32
        %eq3A_3296 = arith.constant 0 : i32
        %eq3A_3297 = arith.cmpi eq, %jit3A_3295, %eq3A_3296 : i32
        %jit3A_3298 = arith.constant 1 : i32
        %select_n3A_3299 = arith.select %eq3A_3297, %jit3A_3298, %jit3A_3295 : i32
        %rem3A_3300 = arith.remsi %scan3A_3276, %select_n3A_3299 : i32
        %ne3A_3301 = arith.constant 0 : i32
        %ne3A_3302 = arith.cmpi ne, %rem3A_3300, %ne3A_3301 : i32
        %lt3A = arith.constant 0 : i32
        %lt3A_3303 = arith.cmpi slt, %rem3A_3300, %lt3A : i32
        %lt3A_3304 = arith.constant 0 : i32
        %lt3A_3305 = arith.cmpi slt, %select_n3A_3299, %lt3A_3304 : i32
        %ne3A_3306 = arith.xori %lt3A_3303, %lt3A_3305 : i1
        %and3A_3307 = arith.andi %ne3A_3306, %ne3A_3302 : i1
        %add3A_3308 = arith.addi %rem3A_3300, %select_n3A_3299 : i32
        %select_n3A_3309 = arith.select %and3A_3307, %add3A_3308, %rem3A_3300 : i32
        %mul3A_3310 = arith.constant 16 : i32
        %mul3A_3311 = arith.muli %select_n3A_3309, %mul3A_3310 : i32
        %get3A_3312 = arith.index_cast %add3A_3294 : i32 to index
        %get3A_3313 = arith.index_cast %mul3A_3311 : i32 to index
        %get3A_3314 = tpu.vector_load %arg5[%get3A_3312, %get3A_3313] {strides = array<i32>} : memref<50x128xi32, #tpu.memory_space<vmem>>, vector<16xi32>,
        %eq3A_3315 = arith.constant 0 : i32
        %eq3A_3316 = vector.broadcast %eq3A_3315 : i32 to vector<16xi32>
        %eq3A_3317 = arith.cmpi eq, %get3A_3314, %eq3A_3316 : vector<16xi32>
        %all_reduce_population_count3A_3318 = tpu.all_reduce %eq3A_3317 {dim = 0 : i64, kind = #tpu.reduction_kind<sum>} : vector<16xi1> -> vector<16xi32>
        %slice3A_3319 = vector.extract_strided_slice %all_reduce_population_count3A_3318 {offsets = [0], sizes = [1], strides = [1]} : vector<16xi32> to vector<1xi32>
        %squeeze3A_3320 = vector.extract %slice3A_3319[0] : i32 from vector<1xi32>
        %gt3A_3321 = arith.constant 0 : i32
        %gt3A_3322 = arith.cmpi sgt, %squeeze3A_3320, %gt3A_3321 : i32
        %convert_element_type3A_3323 = arith.extui %gt3A_3322 : i1 to i32
        %cond3A_3324 = arith.constant 0 : i32
        %cond3A_3325 = arith.cmpi ne, %convert_element_type3A_3323, %cond3A_3324 : i32
        scf.if %cond3A_3325 {
          %mul3A_3326 = arith.constant 16 : i32
          %mul3A_3327 = arith.muli %scan3A_3276, %mul3A_3326 : i32
          %iota3A = tpu.iota {dimensions = array<i32: 0>} : vector<16xi32>
          %add3A_3328 = vector.broadcast %mul3A_3327 : i32 to vector<16xi32>
          %add3A_3329 = arith.addi %add3A_3328, %iota3A : vector<16xi32>
          %scan3A_3330 = arith.constant 0 : i32
          %scan3A_3331 = arith.constant 0 : i32
          %scan3A_3332 = arith.constant 64 : i32
          %scan3A_3333 = arith.addi %scan3A_3331, %scan3A_3332 : i32
          %scan3A_3334 = arith.constant 1 : i32
          scf.for %scan3A_3336 = %scan3A_3331 to %scan3A_3333 step %scan3A_3334  : i32 {
            %broadcast_in_dim3A_3337 = vector.broadcast %scan3A_3336 : i32 to vector<16xi32>
            tpu.vector_store_idx %arg6[%add3A_3329, %broadcast_in_dim3A_3337], %broadcast_in_dim3A_3270 masked %eq3A_3317 : memref<640x64xf32, #tpu.memory_space<vmem>>[vector<16xi32>, vector<16xi32>], vector<16xf32>, vector<16xi1>
          }
          %scan3A_3335 = arith.constant 64 : i32
        } else {
        }
      }
      %scan3A_3275 = arith.constant 40 : i32
    } else {
    }
    %dma_start3A_1006 = arith.constant 2 : i32
    %dma_start3A_1007 = arith.constant 0 : i32
    %dma_start3A_1008 = arith.constant 0 : i32
    %dma_start3A_1009 = tpu.memref_slice %arg4[%add3A, %dma_start3A_1006, %dma_start3A_1007, %dma_start3A_1008] : memref<32x10x640x64xf32, #tpu.memory_space<hbm>> -> memref<1x1x640x64xf32, #tpu.memory_space<hbm>>
    %dma_start3A_1010 = tpu.memref_squeeze %dma_start3A_1009 : memref<1x1x640x64xf32, #tpu.memory_space<hbm>> -> memref<640x64xf32, #tpu.memory_space<hbm>>
    %dma_start3A_1011 = arith.constant 0 : i32
    %dma_start3A_1012 = arith.constant 0 : i32
    %dma_start3A_1013 = tpu.memref_slice %arg4[%add3A, %dma_start3A_1006, %dma_start3A_1011, %dma_start3A_1012] : memref<32x10x640x64xf32, #tpu.memory_space<hbm>> -> memref<1x1x640x64xf32, #tpu.memory_space<hbm>>
    %dma_start3A_1014 = tpu.memref_squeeze %dma_start3A_1013 : memref<1x1x640x64xf32, #tpu.memory_space<hbm>> -> memref<640x64xf32, #tpu.memory_space<hbm>>
    tpu.enqueue_dma source(%arg6 : memref<640x64xf32, #tpu.memory_space<vmem>>) target(%dma_start3A_1014 : memref<640x64xf32, #tpu.memory_space<hbm>>) target_semaphore(%arg10 : memref<!tpu.dma_semaphore, #tpu.memory_space<semaphore_mem>>)
    %dma_wait3A_1015 = arith.constant 2 : i32
    %dma_wait3A_1016 = arith.constant 0 : i32
    %dma_wait3A_1017 = arith.constant 0 : i32
    %dma_wait3A_1018 = tpu.memref_slice %arg4[%add3A, %dma_wait3A_1015, %dma_wait3A_1016, %dma_wait3A_1017] : memref<32x10x640x64xf32, #tpu.memory_space<hbm>> -> memref<1x1x640x64xf32, #tpu.memory_space<hbm>>
    %dma_wait3A_1019 = tpu.memref_squeeze %dma_wait3A_1018 : memref<1x1x640x64xf32, #tpu.memory_space<hbm>> -> memref<640x64xf32, #tpu.memory_space<hbm>>
    %dma_wait3A_1020 = arith.constant 0 : i32
    %dma_wait3A_1021 = arith.constant 0 : i32
    %dma_wait3A_1022 = tpu.memref_slice %arg4[%add3A, %dma_wait3A_1015, %dma_wait3A_1020, %dma_wait3A_1021] : memref<32x10x640x64xf32, #tpu.memory_space<hbm>> -> memref<1x1x640x64xf32, #tpu.memory_space<hbm>>
    %dma_wait3A_1023 = tpu.memref_squeeze %dma_wait3A_1022 : memref<1x1x640x64xf32, #tpu.memory_space<hbm>> -> memref<640x64xf32, #tpu.memory_space<hbm>>
    tpu.wait_dma2 semaphore(%arg10 : memref<!tpu.dma_semaphore, #tpu.memory_space<semaphore_mem>>) src(%arg6 : memref<640x64xf32, #tpu.memory_space<vmem>>) dst(%dma_wait3A_1023 : memref<640x64xf32, #tpu.memory_space<hbm>>)
    %dma_start3A_1024 = arith.constant 20 : i32
    %dma_start3A_1025 = arith.constant 0 : i32
    %dma_start3A_1026 = arith.constant 0 : i32
    %dma_start3A_1027 = tpu.memref_slice %arg6[%dma_start3A_1025, %dma_start3A_1026] : memref<640x64xf32, #tpu.memory_space<vmem>> -> memref<128x64xf32, #tpu.memory_space<vmem>>
    %dma_start3A_1028 = arith.constant 0 : i32
    %dma_start3A_1029 = tpu.memref_slice %arg5[%dma_start3A_1024, %dma_start3A_1028] : memref<50x128xi32, #tpu.memory_space<vmem>> -> memref<1x128xi32, #tpu.memory_space<vmem>>
    %dma_start3A_1030 = tpu.memref_squeeze %dma_start3A_1029 : memref<1x128xi32, #tpu.memory_space<vmem>> -> memref<128xi32, #tpu.memory_space<vmem>>
    %dma_start3A_1031 = arith.constant 0 : i32
    %dma_start3A_1032 = arith.constant 0 : i32
    %dma_start3A_1033 = tpu.memref_slice %arg3[%dma_start3A_1031, %dma_start3A_1032] : memref<1000000x64xf32, #tpu.memory_space<hbm>> -> memref<1000000x64xf32, #tpu.memory_space<hbm>>
    tpu.enqueue_indirect_dma source(%dma_start3A_1033 : memref<1000000x64xf32, #tpu.memory_space<hbm>>) target(%dma_start3A_1027 : memref<128x64xf32, #tpu.memory_space<vmem>>) offsets(%dma_start3A_1030 : memref<128xi32, #tpu.memory_space<vmem>>) semaphore(%arg8 : memref<!tpu.dma_semaphore, #tpu.memory_space<semaphore_mem>>)
    %dma_start3A_1034 = arith.constant 21 : i32
    %dma_start3A_1035 = arith.constant 128 : i32
    %dma_start3A_1036 = arith.constant 0 : i32
    %dma_start3A_1037 = tpu.memref_slice %arg6[%dma_start3A_1035, %dma_start3A_1036] : memref<640x64xf32, #tpu.memory_space<vmem>> -> memref<128x64xf32, #tpu.memory_space<vmem>>
    %dma_start3A_1038 = arith.constant 0 : i32
    %dma_start3A_1039 = tpu.memref_slice %arg5[%dma_start3A_1034, %dma_start3A_1038] : memref<50x128xi32, #tpu.memory_space<vmem>> -> memref<1x128xi32, #tpu.memory_space<vmem>>
    %dma_start3A_1040 = tpu.memref_squeeze %dma_start3A_1039 : memref<1x128xi32, #tpu.memory_space<vmem>> -> memref<128xi32, #tpu.memory_space<vmem>>
    %dma_start3A_1041 = arith.constant 0 : i32
    %dma_start3A_1042 = arith.constant 0 : i32
    %dma_start3A_1043 = tpu.memref_slice %arg3[%dma_start3A_1041, %dma_start3A_1042] : memref<1000000x64xf32, #tpu.memory_space<hbm>> -> memref<1000000x64xf32, #tpu.memory_space<hbm>>
    tpu.enqueue_indirect_dma source(%dma_start3A_1043 : memref<1000000x64xf32, #tpu.memory_space<hbm>>) target(%dma_start3A_1037 : memref<128x64xf32, #tpu.memory_space<vmem>>) offsets(%dma_start3A_1040 : memref<128xi32, #tpu.memory_space<vmem>>) semaphore(%arg8 : memref<!tpu.dma_semaphore, #tpu.memory_space<semaphore_mem>>)
    %dma_start3A_1044 = arith.constant 22 : i32
    %dma_start3A_1045 = arith.constant 256 : i32
    %dma_start3A_1046 = arith.constant 0 : i32
    %dma_start3A_1047 = tpu.memref_slice %arg6[%dma_start3A_1045, %dma_start3A_1046] : memref<640x64xf32, #tpu.memory_space<vmem>> -> memref<128x64xf32, #tpu.memory_space<vmem>>
    %dma_start3A_1048 = arith.constant 0 : i32
    %dma_start3A_1049 = tpu.memref_slice %arg5[%dma_start3A_1044, %dma_start3A_1048] : memref<50x128xi32, #tpu.memory_space<vmem>> -> memref<1x128xi32, #tpu.memory_space<vmem>>
    %dma_start3A_1050 = tpu.memref_squeeze %dma_start3A_1049 : memref<1x128xi32, #tpu.memory_space<vmem>> -> memref<128xi32, #tpu.memory_space<vmem>>
    %dma_start3A_1051 = arith.constant 0 : i32
    %dma_start3A_1052 = arith.constant 0 : i32
    %dma_start3A_1053 = tpu.memref_slice %arg3[%dma_start3A_1051, %dma_start3A_1052] : memref<1000000x64xf32, #tpu.memory_space<hbm>> -> memref<1000000x64xf32, #tpu.memory_space<hbm>>
    tpu.enqueue_indirect_dma source(%dma_start3A_1053 : memref<1000000x64xf32, #tpu.memory_space<hbm>>) target(%dma_start3A_1047 : memref<128x64xf32, #tpu.memory_space<vmem>>) offsets(%dma_start3A_1050 : memref<128xi32, #tpu.memory_space<vmem>>) semaphore(%arg8 : memref<!tpu.dma_semaphore, #tpu.memory_space<semaphore_mem>>)
    %dma_start3A_1054 = arith.constant 23 : i32
    %dma_start3A_1055 = arith.constant 384 : i32
    %dma_start3A_1056 = arith.constant 0 : i32
    %dma_start3A_1057 = tpu.memref_slice %arg6[%dma_start3A_1055, %dma_start3A_1056] : memref<640x64xf32, #tpu.memory_space<vmem>> -> memref<128x64xf32, #tpu.memory_space<vmem>>
    %dma_start3A_1058 = arith.constant 0 : i32
    %dma_start3A_1059 = tpu.memref_slice %arg5[%dma_start3A_1054, %dma_start3A_1058] : memref<50x128xi32, #tpu.memory_space<vmem>> -> memref<1x128xi32, #tpu.memory_space<vmem>>
    %dma_start3A_1060 = tpu.memref_squeeze %dma_start3A_1059 : memref<1x128xi32, #tpu.memory_space<vmem>> -> memref<128xi32, #tpu.memory_space<vmem>>
    %dma_start3A_1061 = arith.constant 0 : i32
    %dma_start3A_1062 = arith.constant 0 : i32
    %dma_start3A_1063 = tpu.memref_slice %arg3[%dma_start3A_1061, %dma_start3A_1062] : memref<1000000x64xf32, #tpu.memory_space<hbm>> -> memref<1000000x64xf32, #tpu.memory_space<hbm>>
    tpu.enqueue_indirect_dma source(%dma_start3A_1063 : memref<1000000x64xf32, #tpu.memory_space<hbm>>) target(%dma_start3A_1057 : memref<128x64xf32, #tpu.memory_space<vmem>>) offsets(%dma_start3A_1060 : memref<128xi32, #tpu.memory_space<vmem>>) semaphore(%arg8 : memref<!tpu.dma_semaphore, #tpu.memory_space<semaphore_mem>>)
    %dma_start3A_1064 = arith.constant 24 : i32
    %dma_start3A_1065 = arith.constant 512 : i32
    %dma_start3A_1066 = arith.constant 0 : i32
    %dma_start3A_1067 = tpu.memref_slice %arg6[%dma_start3A_1065, %dma_start3A_1066] : memref<640x64xf32, #tpu.memory_space<vmem>> -> memref<128x64xf32, #tpu.memory_space<vmem>>
    %dma_start3A_1068 = arith.constant 0 : i32
    %dma_start3A_1069 = tpu.memref_slice %arg5[%dma_start3A_1064, %dma_start3A_1068] : memref<50x128xi32, #tpu.memory_space<vmem>> -> memref<1x128xi32, #tpu.memory_space<vmem>>
    %dma_start3A_1070 = tpu.memref_squeeze %dma_start3A_1069 : memref<1x128xi32, #tpu.memory_space<vmem>> -> memref<128xi32, #tpu.memory_space<vmem>>
    %dma_start3A_1071 = arith.constant 0 : i32
    %dma_start3A_1072 = arith.constant 0 : i32
    %dma_start3A_1073 = tpu.memref_slice %arg3[%dma_start3A_1071, %dma_start3A_1072] : memref<1000000x64xf32, #tpu.memory_space<hbm>> -> memref<1000000x64xf32, #tpu.memory_space<hbm>>
    tpu.enqueue_indirect_dma source(%dma_start3A_1073 : memref<1000000x64xf32, #tpu.memory_space<hbm>>) target(%dma_start3A_1067 : memref<128x64xf32, #tpu.memory_space<vmem>>) offsets(%dma_start3A_1070 : memref<128xi32, #tpu.memory_space<vmem>>) semaphore(%arg8 : memref<!tpu.dma_semaphore, #tpu.memory_space<semaphore_mem>>)
    %dma_wait3A_1074 = arith.constant 15 : i32
    %dma_wait3A_1075 = arith.constant 0 : i32
    %dma_wait3A_1076 = arith.constant 0 : i32
    %dma_wait3A_1077 = tpu.memref_slice %arg7[%dma_wait3A_1075, %dma_wait3A_1076] : memref<640x64xf32, #tpu.memory_space<vmem>> -> memref<128x64xf32, #tpu.memory_space<vmem>>
    %dma_wait3A_1078 = arith.constant 0 : i32
    %dma_wait3A_1079 = tpu.memref_slice %arg5[%dma_wait3A_1074, %dma_wait3A_1078] : memref<50x128xi32, #tpu.memory_space<vmem>> -> memref<1x128xi32, #tpu.memory_space<vmem>>
    %dma_wait3A_1080 = tpu.memref_squeeze %dma_wait3A_1079 : memref<1x128xi32, #tpu.memory_space<vmem>> -> memref<128xi32, #tpu.memory_space<vmem>>
    %dma_wait3A_1081 = arith.constant 0 : i32
    %dma_wait3A_1082 = arith.constant 0 : i32
    %dma_wait3A_1083 = tpu.memref_slice %arg3[%dma_wait3A_1081, %dma_wait3A_1082] : memref<1000000x64xf32, #tpu.memory_space<hbm>> -> memref<1000000x64xf32, #tpu.memory_space<hbm>>
    tpu.wait_indirect_dma semaphore(%arg9 : memref<!tpu.dma_semaphore, #tpu.memory_space<semaphore_mem>>) src(%dma_wait3A_1083 : memref<1000000x64xf32, #tpu.memory_space<hbm>>) dst(%dma_wait3A_1077 : memref<128x64xf32, #tpu.memory_space<vmem>>)
    %dma_wait3A_1084 = arith.constant 16 : i32
    %dma_wait3A_1085 = arith.constant 128 : i32
    %dma_wait3A_1086 = arith.constant 0 : i32
    %dma_wait3A_1087 = tpu.memref_slice %arg7[%dma_wait3A_1085, %dma_wait3A_1086] : memref<640x64xf32, #tpu.memory_space<vmem>> -> memref<128x64xf32, #tpu.memory_space<vmem>>
    %dma_wait3A_1088 = arith.constant 0 : i32
    %dma_wait3A_1089 = tpu.memref_slice %arg5[%dma_wait3A_1084, %dma_wait3A_1088] : memref<50x128xi32, #tpu.memory_space<vmem>> -> memref<1x128xi32, #tpu.memory_space<vmem>>
    %dma_wait3A_1090 = tpu.memref_squeeze %dma_wait3A_1089 : memref<1x128xi32, #tpu.memory_space<vmem>> -> memref<128xi32, #tpu.memory_space<vmem>>
    %dma_wait3A_1091 = arith.constant 0 : i32
    %dma_wait3A_1092 = arith.constant 0 : i32
    %dma_wait3A_1093 = tpu.memref_slice %arg3[%dma_wait3A_1091, %dma_wait3A_1092] : memref<1000000x64xf32, #tpu.memory_space<hbm>> -> memref<1000000x64xf32, #tpu.memory_space<hbm>>
    tpu.wait_indirect_dma semaphore(%arg9 : memref<!tpu.dma_semaphore, #tpu.memory_space<semaphore_mem>>) src(%dma_wait3A_1093 : memref<1000000x64xf32, #tpu.memory_space<hbm>>) dst(%dma_wait3A_1087 : memref<128x64xf32, #tpu.memory_space<vmem>>)
    %dma_wait3A_1094 = arith.constant 17 : i32
    %dma_wait3A_1095 = arith.constant 256 : i32
    %dma_wait3A_1096 = arith.constant 0 : i32
    %dma_wait3A_1097 = tpu.memref_slice %arg7[%dma_wait3A_1095, %dma_wait3A_1096] : memref<640x64xf32, #tpu.memory_space<vmem>> -> memref<128x64xf32, #tpu.memory_space<vmem>>
    %dma_wait3A_1098 = arith.constant 0 : i32
    %dma_wait3A_1099 = tpu.memref_slice %arg5[%dma_wait3A_1094, %dma_wait3A_1098] : memref<50x128xi32, #tpu.memory_space<vmem>> -> memref<1x128xi32, #tpu.memory_space<vmem>>
    %dma_wait3A_1100 = tpu.memref_squeeze %dma_wait3A_1099 : memref<1x128xi32, #tpu.memory_space<vmem>> -> memref<128xi32, #tpu.memory_space<vmem>>
    %dma_wait3A_1101 = arith.constant 0 : i32
    %dma_wait3A_1102 = arith.constant 0 : i32
    %dma_wait3A_1103 = tpu.memref_slice %arg3[%dma_wait3A_1101, %dma_wait3A_1102] : memref<1000000x64xf32, #tpu.memory_space<hbm>> -> memref<1000000x64xf32, #tpu.memory_space<hbm>>
    tpu.wait_indirect_dma semaphore(%arg9 : memref<!tpu.dma_semaphore, #tpu.memory_space<semaphore_mem>>) src(%dma_wait3A_1103 : memref<1000000x64xf32, #tpu.memory_space<hbm>>) dst(%dma_wait3A_1097 : memref<128x64xf32, #tpu.memory_space<vmem>>)
    %dma_wait3A_1104 = arith.constant 18 : i32
    %dma_wait3A_1105 = arith.constant 384 : i32
    %dma_wait3A_1106 = arith.constant 0 : i32
    %dma_wait3A_1107 = tpu.memref_slice %arg7[%dma_wait3A_1105, %dma_wait3A_1106] : memref<640x64xf32, #tpu.memory_space<vmem>> -> memref<128x64xf32, #tpu.memory_space<vmem>>
    %dma_wait3A_1108 = arith.constant 0 : i32
    %dma_wait3A_1109 = tpu.memref_slice %arg5[%dma_wait3A_1104, %dma_wait3A_1108] : memref<50x128xi32, #tpu.memory_space<vmem>> -> memref<1x128xi32, #tpu.memory_space<vmem>>
    %dma_wait3A_1110 = tpu.memref_squeeze %dma_wait3A_1109 : memref<1x128xi32, #tpu.memory_space<vmem>> -> memref<128xi32, #tpu.memory_space<vmem>>
    %dma_wait3A_1111 = arith.constant 0 : i32
    %dma_wait3A_1112 = arith.constant 0 : i32
    %dma_wait3A_1113 = tpu.memref_slice %arg3[%dma_wait3A_1111, %dma_wait3A_1112] : memref<1000000x64xf32, #tpu.memory_space<hbm>> -> memref<1000000x64xf32, #tpu.memory_space<hbm>>
    tpu.wait_indirect_dma semaphore(%arg9 : memref<!tpu.dma_semaphore, #tpu.memory_space<semaphore_mem>>) src(%dma_wait3A_1113 : memref<1000000x64xf32, #tpu.memory_space<hbm>>) dst(%dma_wait3A_1107 : memref<128x64xf32, #tpu.memory_space<vmem>>)
    %dma_wait3A_1114 = arith.constant 19 : i32
    %dma_wait3A_1115 = arith.constant 512 : i32
    %dma_wait3A_1116 = arith.constant 0 : i32
    %dma_wait3A_1117 = tpu.memref_slice %arg7[%dma_wait3A_1115, %dma_wait3A_1116] : memref<640x64xf32, #tpu.memory_space<vmem>> -> memref<128x64xf32, #tpu.memory_space<vmem>>
    %dma_wait3A_1118 = arith.constant 0 : i32
    %dma_wait3A_1119 = tpu.memref_slice %arg5[%dma_wait3A_1114, %dma_wait3A_1118] : memref<50x128xi32, #tpu.memory_space<vmem>> -> memref<1x128xi32, #tpu.memory_space<vmem>>
    %dma_wait3A_1120 = tpu.memref_squeeze %dma_wait3A_1119 : memref<1x128xi32, #tpu.memory_space<vmem>> -> memref<128xi32, #tpu.memory_space<vmem>>
    %dma_wait3A_1121 = arith.constant 0 : i32
    %dma_wait3A_1122 = arith.constant 0 : i32
    %dma_wait3A_1123 = tpu.memref_slice %arg3[%dma_wait3A_1121, %dma_wait3A_1122] : memref<1000000x64xf32, #tpu.memory_space<hbm>> -> memref<1000000x64xf32, #tpu.memory_space<hbm>>
    tpu.wait_indirect_dma semaphore(%arg9 : memref<!tpu.dma_semaphore, #tpu.memory_space<semaphore_mem>>) src(%dma_wait3A_1123 : memref<1000000x64xf32, #tpu.memory_space<hbm>>) dst(%dma_wait3A_1117 : memref<128x64xf32, #tpu.memory_space<vmem>>)
    %get3A_1124 = arith.constant 15 : i32
    %get3A_1125 = arith.index_cast %get3A_1124 : i32 to index
    %get3A_1126 = arith.constant 0 : index
    %get3A_1127 = tpu.vector_load %arg5[%get3A_1125, %get3A_1126] {strides = array<i32>} : memref<50x128xi32, #tpu.memory_space<vmem>>, vector<16xi32>,
    %get3A_1128 = arith.constant 15 : i32
    %get3A_1129 = arith.index_cast %get3A_1128 : i32 to index
    %get3A_1130 = arith.constant 16 : index
    %get3A_1131 = tpu.vector_load %arg5[%get3A_1129, %get3A_1130] {strides = array<i32>} : memref<50x128xi32, #tpu.memory_space<vmem>>, vector<16xi32>,
    %min3A_1132 = arith.minsi %get3A_1127, %get3A_1131 : vector<16xi32>
    %get3A_1133 = arith.constant 15 : i32
    %get3A_1134 = arith.index_cast %get3A_1133 : i32 to index
    %get3A_1135 = arith.constant 32 : index
    %get3A_1136 = tpu.vector_load %arg5[%get3A_1134, %get3A_1135] {strides = array<i32>} : memref<50x128xi32, #tpu.memory_space<vmem>>, vector<16xi32>,
    %min3A_1137 = arith.minsi %min3A_1132, %get3A_1136 : vector<16xi32>
    %get3A_1138 = arith.constant 15 : i32
    %get3A_1139 = arith.index_cast %get3A_1138 : i32 to index
    %get3A_1140 = arith.constant 48 : index
    %get3A_1141 = tpu.vector_load %arg5[%get3A_1139, %get3A_1140] {strides = array<i32>} : memref<50x128xi32, #tpu.memory_space<vmem>>, vector<16xi32>,
    %min3A_1142 = arith.minsi %min3A_1137, %get3A_1141 : vector<16xi32>
    %get3A_1143 = arith.constant 15 : i32
    %get3A_1144 = arith.index_cast %get3A_1143 : i32 to index
    %get3A_1145 = arith.constant 64 : index
    %get3A_1146 = tpu.vector_load %arg5[%get3A_1144, %get3A_1145] {strides = array<i32>} : memref<50x128xi32, #tpu.memory_space<vmem>>, vector<16xi32>,
    %min3A_1147 = arith.minsi %min3A_1142, %get3A_1146 : vector<16xi32>
    %get3A_1148 = arith.constant 15 : i32
    %get3A_1149 = arith.index_cast %get3A_1148 : i32 to index
    %get3A_1150 = arith.constant 80 : index
    %get3A_1151 = tpu.vector_load %arg5[%get3A_1149, %get3A_1150] {strides = array<i32>} : memref<50x128xi32, #tpu.memory_space<vmem>>, vector<16xi32>,
    %min3A_1152 = arith.minsi %min3A_1147, %get3A_1151 : vector<16xi32>
    %get3A_1153 = arith.constant 15 : i32
    %get3A_1154 = arith.index_cast %get3A_1153 : i32 to index
    %get3A_1155 = arith.constant 96 : index
    %get3A_1156 = tpu.vector_load %arg5[%get3A_1154, %get3A_1155] {strides = array<i32>} : memref<50x128xi32, #tpu.memory_space<vmem>>, vector<16xi32>,
    %min3A_1157 = arith.minsi %min3A_1152, %get3A_1156 : vector<16xi32>
    %get3A_1158 = arith.constant 15 : i32
    %get3A_1159 = arith.index_cast %get3A_1158 : i32 to index
    %get3A_1160 = arith.constant 112 : index
    %get3A_1161 = tpu.vector_load %arg5[%get3A_1159, %get3A_1160] {strides = array<i32>} : memref<50x128xi32, #tpu.memory_space<vmem>>, vector<16xi32>,
    %min3A_1162 = arith.minsi %min3A_1157, %get3A_1161 : vector<16xi32>
    %get3A_1163 = arith.constant 16 : i32
    %get3A_1164 = arith.index_cast %get3A_1163 : i32 to index
    %get3A_1165 = arith.constant 0 : index
    %get3A_1166 = tpu.vector_load %arg5[%get3A_1164, %get3A_1165] {strides = array<i32>} : memref<50x128xi32, #tpu.memory_space<vmem>>, vector<16xi32>,
    %min3A_1167 = arith.minsi %min3A_1162, %get3A_1166 : vector<16xi32>
    %get3A_1168 = arith.constant 16 : i32
    %get3A_1169 = arith.index_cast %get3A_1168 : i32 to index
    %get3A_1170 = arith.constant 16 : index
    %get3A_1171 = tpu.vector_load %arg5[%get3A_1169, %get3A_1170] {strides = array<i32>} : memref<50x128xi32, #tpu.memory_space<vmem>>, vector<16xi32>,
    %min3A_1172 = arith.minsi %min3A_1167, %get3A_1171 : vector<16xi32>
    %get3A_1173 = arith.constant 16 : i32
    %get3A_1174 = arith.index_cast %get3A_1173 : i32 to index
    %get3A_1175 = arith.constant 32 : index
    %get3A_1176 = tpu.vector_load %arg5[%get3A_1174, %get3A_1175] {strides = array<i32>} : memref<50x128xi32, #tpu.memory_space<vmem>>, vector<16xi32>,
    %min3A_1177 = arith.minsi %min3A_1172, %get3A_1176 : vector<16xi32>
    %get3A_1178 = arith.constant 16 : i32
    %get3A_1179 = arith.index_cast %get3A_1178 : i32 to index
    %get3A_1180 = arith.constant 48 : index
    %get3A_1181 = tpu.vector_load %arg5[%get3A_1179, %get3A_1180] {strides = array<i32>} : memref<50x128xi32, #tpu.memory_space<vmem>>, vector<16xi32>,
    %min3A_1182 = arith.minsi %min3A_1177, %get3A_1181 : vector<16xi32>
    %get3A_1183 = arith.constant 16 : i32
    %get3A_1184 = arith.index_cast %get3A_1183 : i32 to index
    %get3A_1185 = arith.constant 64 : index
    %get3A_1186 = tpu.vector_load %arg5[%get3A_1184, %get3A_1185] {strides = array<i32>} : memref<50x128xi32, #tpu.memory_space<vmem>>, vector<16xi32>,
    %min3A_1187 = arith.minsi %min3A_1182, %get3A_1186 : vector<16xi32>
    %get3A_1188 = arith.constant 16 : i32
    %get3A_1189 = arith.index_cast %get3A_1188 : i32 to index
    %get3A_1190 = arith.constant 80 : index
    %get3A_1191 = tpu.vector_load %arg5[%get3A_1189, %get3A_1190] {strides = array<i32>} : memref<50x128xi32, #tpu.memory_space<vmem>>, vector<16xi32>,
    %min3A_1192 = arith.minsi %min3A_1187, %get3A_1191 : vector<16xi32>
    %get3A_1193 = arith.constant 16 : i32
    %get3A_1194 = arith.index_cast %get3A_1193 : i32 to index
    %get3A_1195 = arith.constant 96 : index
    %get3A_1196 = tpu.vector_load %arg5[%get3A_1194, %get3A_1195] {strides = array<i32>} : memref<50x128xi32, #tpu.memory_space<vmem>>, vector<16xi32>,
    %min3A_1197 = arith.minsi %min3A_1192, %get3A_1196 : vector<16xi32>
    %get3A_1198 = arith.constant 16 : i32
    %get3A_1199 = arith.index_cast %get3A_1198 : i32 to index
    %get3A_1200 = arith.constant 112 : index
    %get3A_1201 = tpu.vector_load %arg5[%get3A_1199, %get3A_1200] {strides = array<i32>} : memref<50x128xi32, #tpu.memory_space<vmem>>, vector<16xi32>,
    %min3A_1202 = arith.minsi %min3A_1197, %get3A_1201 : vector<16xi32>
    %get3A_1203 = arith.constant 17 : i32
    %get3A_1204 = arith.index_cast %get3A_1203 : i32 to index
    %get3A_1205 = arith.constant 0 : index
    %get3A_1206 = tpu.vector_load %arg5[%get3A_1204, %get3A_1205] {strides = array<i32>} : memref<50x128xi32, #tpu.memory_space<vmem>>, vector<16xi32>,
    %min3A_1207 = arith.minsi %min3A_1202, %get3A_1206 : vector<16xi32>
    %get3A_1208 = arith.constant 17 : i32
    %get3A_1209 = arith.index_cast %get3A_1208 : i32 to index
    %get3A_1210 = arith.constant 16 : index
    %get3A_1211 = tpu.vector_load %arg5[%get3A_1209, %get3A_1210] {strides = array<i32>} : memref<50x128xi32, #tpu.memory_space<vmem>>, vector<16xi32>,
    %min3A_1212 = arith.minsi %min3A_1207, %get3A_1211 : vector<16xi32>
    %get3A_1213 = arith.constant 17 : i32
    %get3A_1214 = arith.index_cast %get3A_1213 : i32 to index
    %get3A_1215 = arith.constant 32 : index
    %get3A_1216 = tpu.vector_load %arg5[%get3A_1214, %get3A_1215] {strides = array<i32>} : memref<50x128xi32, #tpu.memory_space<vmem>>, vector<16xi32>,
    %min3A_1217 = arith.minsi %min3A_1212, %get3A_1216 : vector<16xi32>
    %get3A_1218 = arith.constant 17 : i32
    %get3A_1219 = arith.index_cast %get3A_1218 : i32 to index
    %get3A_1220 = arith.constant 48 : index
    %get3A_1221 = tpu.vector_load %arg5[%get3A_1219, %get3A_1220] {strides = array<i32>} : memref<50x128xi32, #tpu.memory_space<vmem>>, vector<16xi32>,
    %min3A_1222 = arith.minsi %min3A_1217, %get3A_1221 : vector<16xi32>
    %get3A_1223 = arith.constant 17 : i32
    %get3A_1224 = arith.index_cast %get3A_1223 : i32 to index
    %get3A_1225 = arith.constant 64 : index
    %get3A_1226 = tpu.vector_load %arg5[%get3A_1224, %get3A_1225] {strides = array<i32>} : memref<50x128xi32, #tpu.memory_space<vmem>>, vector<16xi32>,
    %min3A_1227 = arith.minsi %min3A_1222, %get3A_1226 : vector<16xi32>
    %get3A_1228 = arith.constant 17 : i32
    %get3A_1229 = arith.index_cast %get3A_1228 : i32 to index
    %get3A_1230 = arith.constant 80 : index
    %get3A_1231 = tpu.vector_load %arg5[%get3A_1229, %get3A_1230] {strides = array<i32>} : memref<50x128xi32, #tpu.memory_space<vmem>>, vector<16xi32>,
    %min3A_1232 = arith.minsi %min3A_1227, %get3A_1231 : vector<16xi32>
    %get3A_1233 = arith.constant 17 : i32
    %get3A_1234 = arith.index_cast %get3A_1233 : i32 to index
    %get3A_1235 = arith.constant 96 : index
    %get3A_1236 = tpu.vector_load %arg5[%get3A_1234, %get3A_1235] {strides = array<i32>} : memref<50x128xi32, #tpu.memory_space<vmem>>, vector<16xi32>,
    %min3A_1237 = arith.minsi %min3A_1232, %get3A_1236 : vector<16xi32>
    %get3A_1238 = arith.constant 17 : i32
    %get3A_1239 = arith.index_cast %get3A_1238 : i32 to index
    %get3A_1240 = arith.constant 112 : index
    %get3A_1241 = tpu.vector_load %arg5[%get3A_1239, %get3A_1240] {strides = array<i32>} : memref<50x128xi32, #tpu.memory_space<vmem>>, vector<16xi32>,
    %min3A_1242 = arith.minsi %min3A_1237, %get3A_1241 : vector<16xi32>
    %get3A_1243 = arith.constant 18 : i32
    %get3A_1244 = arith.index_cast %get3A_1243 : i32 to index
    %get3A_1245 = arith.constant 0 : index
    %get3A_1246 = tpu.vector_load %arg5[%get3A_1244, %get3A_1245] {strides = array<i32>} : memref<50x128xi32, #tpu.memory_space<vmem>>, vector<16xi32>,
    %min3A_1247 = arith.minsi %min3A_1242, %get3A_1246 : vector<16xi32>
    %get3A_1248 = arith.constant 18 : i32
    %get3A_1249 = arith.index_cast %get3A_1248 : i32 to index
    %get3A_1250 = arith.constant 16 : index
    %get3A_1251 = tpu.vector_load %arg5[%get3A_1249, %get3A_1250] {strides = array<i32>} : memref<50x128xi32, #tpu.memory_space<vmem>>, vector<16xi32>,
    %min3A_1252 = arith.minsi %min3A_1247, %get3A_1251 : vector<16xi32>
    %get3A_1253 = arith.constant 18 : i32
    %get3A_1254 = arith.index_cast %get3A_1253 : i32 to index
    %get3A_1255 = arith.constant 32 : index
    %get3A_1256 = tpu.vector_load %arg5[%get3A_1254, %get3A_1255] {strides = array<i32>} : memref<50x128xi32, #tpu.memory_space<vmem>>, vector<16xi32>,
    %min3A_1257 = arith.minsi %min3A_1252, %get3A_1256 : vector<16xi32>
    %get3A_1258 = arith.constant 18 : i32
    %get3A_1259 = arith.index_cast %get3A_1258 : i32 to index
    %get3A_1260 = arith.constant 48 : index
    %get3A_1261 = tpu.vector_load %arg5[%get3A_1259, %get3A_1260] {strides = array<i32>} : memref<50x128xi32, #tpu.memory_space<vmem>>, vector<16xi32>,
    %min3A_1262 = arith.minsi %min3A_1257, %get3A_1261 : vector<16xi32>
    %get3A_1263 = arith.constant 18 : i32
    %get3A_1264 = arith.index_cast %get3A_1263 : i32 to index
    %get3A_1265 = arith.constant 64 : index
    %get3A_1266 = tpu.vector_load %arg5[%get3A_1264, %get3A_1265] {strides = array<i32>} : memref<50x128xi32, #tpu.memory_space<vmem>>, vector<16xi32>,
    %min3A_1267 = arith.minsi %min3A_1262, %get3A_1266 : vector<16xi32>
    %get3A_1268 = arith.constant 18 : i32
    %get3A_1269 = arith.index_cast %get3A_1268 : i32 to index
    %get3A_1270 = arith.constant 80 : index
    %get3A_1271 = tpu.vector_load %arg5[%get3A_1269, %get3A_1270] {strides = array<i32>} : memref<50x128xi32, #tpu.memory_space<vmem>>, vector<16xi32>,
    %min3A_1272 = arith.minsi %min3A_1267, %get3A_1271 : vector<16xi32>
    %get3A_1273 = arith.constant 18 : i32
    %get3A_1274 = arith.index_cast %get3A_1273 : i32 to index
    %get3A_1275 = arith.constant 96 : index
    %get3A_1276 = tpu.vector_load %arg5[%get3A_1274, %get3A_1275] {strides = array<i32>} : memref<50x128xi32, #tpu.memory_space<vmem>>, vector<16xi32>,
    %min3A_1277 = arith.minsi %min3A_1272, %get3A_1276 : vector<16xi32>
    %get3A_1278 = arith.constant 18 : i32
    %get3A_1279 = arith.index_cast %get3A_1278 : i32 to index
    %get3A_1280 = arith.constant 112 : index
    %get3A_1281 = tpu.vector_load %arg5[%get3A_1279, %get3A_1280] {strides = array<i32>} : memref<50x128xi32, #tpu.memory_space<vmem>>, vector<16xi32>,
    %min3A_1282 = arith.minsi %min3A_1277, %get3A_1281 : vector<16xi32>
    %get3A_1283 = arith.constant 19 : i32
    %get3A_1284 = arith.index_cast %get3A_1283 : i32 to index
    %get3A_1285 = arith.constant 0 : index
    %get3A_1286 = tpu.vector_load %arg5[%get3A_1284, %get3A_1285] {strides = array<i32>} : memref<50x128xi32, #tpu.memory_space<vmem>>, vector<16xi32>,
    %min3A_1287 = arith.minsi %min3A_1282, %get3A_1286 : vector<16xi32>
    %get3A_1288 = arith.constant 19 : i32
    %get3A_1289 = arith.index_cast %get3A_1288 : i32 to index
    %get3A_1290 = arith.constant 16 : index
    %get3A_1291 = tpu.vector_load %arg5[%get3A_1289, %get3A_1290] {strides = array<i32>} : memref<50x128xi32, #tpu.memory_space<vmem>>, vector<16xi32>,
    %min3A_1292 = arith.minsi %min3A_1287, %get3A_1291 : vector<16xi32>
    %get3A_1293 = arith.constant 19 : i32
    %get3A_1294 = arith.index_cast %get3A_1293 : i32 to index
    %get3A_1295 = arith.constant 32 : index
    %get3A_1296 = tpu.vector_load %arg5[%get3A_1294, %get3A_1295] {strides = array<i32>} : memref<50x128xi32, #tpu.memory_space<vmem>>, vector<16xi32>,
    %min3A_1297 = arith.minsi %min3A_1292, %get3A_1296 : vector<16xi32>
    %get3A_1298 = arith.constant 19 : i32
    %get3A_1299 = arith.index_cast %get3A_1298 : i32 to index
    %get3A_1300 = arith.constant 48 : index
    %get3A_1301 = tpu.vector_load %arg5[%get3A_1299, %get3A_1300] {strides = array<i32>} : memref<50x128xi32, #tpu.memory_space<vmem>>, vector<16xi32>,
    %min3A_1302 = arith.minsi %min3A_1297, %get3A_1301 : vector<16xi32>
    %get3A_1303 = arith.constant 19 : i32
    %get3A_1304 = arith.index_cast %get3A_1303 : i32 to index
    %get3A_1305 = arith.constant 64 : index
    %get3A_1306 = tpu.vector_load %arg5[%get3A_1304, %get3A_1305] {strides = array<i32>} : memref<50x128xi32, #tpu.memory_space<vmem>>, vector<16xi32>,
    %min3A_1307 = arith.minsi %min3A_1302, %get3A_1306 : vector<16xi32>
    %get3A_1308 = arith.constant 19 : i32
    %get3A_1309 = arith.index_cast %get3A_1308 : i32 to index
    %get3A_1310 = arith.constant 80 : index
    %get3A_1311 = tpu.vector_load %arg5[%get3A_1309, %get3A_1310] {strides = array<i32>} : memref<50x128xi32, #tpu.memory_space<vmem>>, vector<16xi32>,
    %min3A_1312 = arith.minsi %min3A_1307, %get3A_1311 : vector<16xi32>
    %get3A_1313 = arith.constant 19 : i32
    %get3A_1314 = arith.index_cast %get3A_1313 : i32 to index
    %get3A_1315 = arith.constant 96 : index
    %get3A_1316 = tpu.vector_load %arg5[%get3A_1314, %get3A_1315] {strides = array<i32>} : memref<50x128xi32, #tpu.memory_space<vmem>>, vector<16xi32>,
    %min3A_1317 = arith.minsi %min3A_1312, %get3A_1316 : vector<16xi32>
    %get3A_1318 = arith.constant 19 : i32
    %get3A_1319 = arith.index_cast %get3A_1318 : i32 to index
    %get3A_1320 = arith.constant 112 : index
    %get3A_1321 = tpu.vector_load %arg5[%get3A_1319, %get3A_1320] {strides = array<i32>} : memref<50x128xi32, #tpu.memory_space<vmem>>, vector<16xi32>,
    %min3A_1322 = arith.minsi %min3A_1317, %get3A_1321 : vector<16xi32>
    %eq3A_1323 = arith.constant 0 : i32
    %eq3A_1324 = vector.broadcast %eq3A_1323 : i32 to vector<16xi32>
    %eq3A_1325 = arith.cmpi eq, %min3A_1322, %eq3A_1324 : vector<16xi32>
    %all_reduce_population_count3A_1326 = tpu.all_reduce %eq3A_1325 {dim = 0 : i64, kind = #tpu.reduction_kind<sum>} : vector<16xi1> -> vector<16xi32>
    %slice3A_1327 = vector.extract_strided_slice %all_reduce_population_count3A_1326 {offsets = [0], sizes = [1], strides = [1]} : vector<16xi32> to vector<1xi32>
    %squeeze3A_1328 = vector.extract %slice3A_1327[0] : i32 from vector<1xi32>
    %gt3A_1329 = arith.constant 0 : i32
    %gt3A_1330 = arith.cmpi sgt, %squeeze3A_1328, %gt3A_1329 : i32
    %convert_element_type3A_1331 = arith.extui %gt3A_1330 : i1 to i32
    %cond3A_1332 = arith.constant 0 : i32
    %cond3A_1333 = arith.cmpi ne, %convert_element_type3A_1331, %cond3A_1332 : i32
    scf.if %cond3A_1333 {
      %broadcast_in_dim3A = arith.constant 0.000000e+00 : f32
      %broadcast_in_dim3A_3270 = vector.broadcast %broadcast_in_dim3A : f32 to vector<16xf32>
      %scan3A = arith.constant 0 : i32
      %scan3A_3271 = arith.constant 0 : i32
      %scan3A_3272 = arith.constant 40 : i32
      %scan3A_3273 = arith.addi %scan3A_3271, %scan3A_3272 : i32
      %scan3A_3274 = arith.constant 1 : i32
      scf.for %scan3A_3276 = %scan3A_3271 to %scan3A_3273 step %scan3A_3274  : i32 {
        %jit3A = arith.constant 8 : i32
        %div3A = arith.divsi %scan3A_3276, %jit3A : i32
        %sign3A = arith.constant 0 : i32
        %sign3A_3277 = arith.cmpi sgt, %scan3A_3276, %sign3A : i32
        %sign3A_3278 = arith.extui %sign3A_3277 : i1 to i32
        %sign3A_3279 = arith.constant 0 : i32
        %sign3A_3280 = arith.cmpi slt, %scan3A_3276, %sign3A_3279 : i32
        %sign3A_3281 = arith.extui %sign3A_3280 : i1 to i32
        %sign3A_3282 = arith.subi %sign3A_3278, %sign3A_3281 : i32
        %sign3A_3283 = arith.constant 0 : i32
        %sign3A_3284 = arith.cmpi sgt, %jit3A, %sign3A_3283 : i32
        %sign3A_3285 = arith.extui %sign3A_3284 : i1 to i32
        %sign3A_3286 = arith.constant 0 : i32
        %sign3A_3287 = arith.cmpi slt, %jit3A, %sign3A_3286 : i32
        %sign3A_3288 = arith.extui %sign3A_3287 : i1 to i32
        %sign3A_3289 = arith.subi %sign3A_3285, %sign3A_3288 : i32
        %ne3A = arith.cmpi ne, %sign3A_3282, %sign3A_3289 : i32
        %rem3A = arith.remsi %scan3A_3276, %jit3A : i32
        %ne3A_3290 = arith.constant 0 : i32
        %ne3A_3291 = arith.cmpi ne, %rem3A, %ne3A_3290 : i32
        %and3A = arith.andi %ne3A, %ne3A_3291 : i1
        %sub3A = arith.constant 1 : i32
        %sub3A_3292 = arith.subi %div3A, %sub3A : i32
        %select_n3A = arith.select %and3A, %sub3A_3292, %div3A : i32
        %add3A_3293 = arith.constant 15 : i32
        %add3A_3294 = arith.addi %add3A_3293, %select_n3A : i32
        %jit3A_3295 = arith.constant 8 : i32
        %eq3A_3296 = arith.constant 0 : i32
        %eq3A_3297 = arith.cmpi eq, %jit3A_3295, %eq3A_3296 : i32
        %jit3A_3298 = arith.constant 1 : i32
        %select_n3A_3299 = arith.select %eq3A_3297, %jit3A_3298, %jit3A_3295 : i32
        %rem3A_3300 = arith.remsi %scan3A_3276, %select_n3A_3299 : i32
        %ne3A_3301 = arith.constant 0 : i32
        %ne3A_3302 = arith.cmpi ne, %rem3A_3300, %ne3A_3301 : i32
        %lt3A = arith.constant 0 : i32
        %lt3A_3303 = arith.cmpi slt, %rem3A_3300, %lt3A : i32
        %lt3A_3304 = arith.constant 0 : i32
        %lt3A_3305 = arith.cmpi slt, %select_n3A_3299, %lt3A_3304 : i32
        %ne3A_3306 = arith.xori %lt3A_3303, %lt3A_3305 : i1
        %and3A_3307 = arith.andi %ne3A_3306, %ne3A_3302 : i1
        %add3A_3308 = arith.addi %rem3A_3300, %select_n3A_3299 : i32
        %select_n3A_3309 = arith.select %and3A_3307, %add3A_3308, %rem3A_3300 : i32
        %mul3A_3310 = arith.constant 16 : i32
        %mul3A_3311 = arith.muli %select_n3A_3309, %mul3A_3310 : i32
        %get3A_3312 = arith.index_cast %add3A_3294 : i32 to index
        %get3A_3313 = arith.index_cast %mul3A_3311 : i32 to index
        %get3A_3314 = tpu.vector_load %arg5[%get3A_3312, %get3A_3313] {strides = array<i32>} : memref<50x128xi32, #tpu.memory_space<vmem>>, vector<16xi32>,
        %eq3A_3315 = arith.constant 0 : i32
        %eq3A_3316 = vector.broadcast %eq3A_3315 : i32 to vector<16xi32>
        %eq3A_3317 = arith.cmpi eq, %get3A_3314, %eq3A_3316 : vector<16xi32>
        %all_reduce_population_count3A_3318 = tpu.all_reduce %eq3A_3317 {dim = 0 : i64, kind = #tpu.reduction_kind<sum>} : vector<16xi1> -> vector<16xi32>
        %slice3A_3319 = vector.extract_strided_slice %all_reduce_population_count3A_3318 {offsets = [0], sizes = [1], strides = [1]} : vector<16xi32> to vector<1xi32>
        %squeeze3A_3320 = vector.extract %slice3A_3319[0] : i32 from vector<1xi32>
        %gt3A_3321 = arith.constant 0 : i32
        %gt3A_3322 = arith.cmpi sgt, %squeeze3A_3320, %gt3A_3321 : i32
        %convert_element_type3A_3323 = arith.extui %gt3A_3322 : i1 to i32
        %cond3A_3324 = arith.constant 0 : i32
        %cond3A_3325 = arith.cmpi ne, %convert_element_type3A_3323, %cond3A_3324 : i32
        scf.if %cond3A_3325 {
          %mul3A_3326 = arith.constant 16 : i32
          %mul3A_3327 = arith.muli %scan3A_3276, %mul3A_3326 : i32
          %iota3A = tpu.iota {dimensions = array<i32: 0>} : vector<16xi32>
          %add3A_3328 = vector.broadcast %mul3A_3327 : i32 to vector<16xi32>
          %add3A_3329 = arith.addi %add3A_3328, %iota3A : vector<16xi32>
          %scan3A_3330 = arith.constant 0 : i32
          %scan3A_3331 = arith.constant 0 : i32
          %scan3A_3332 = arith.constant 64 : i32
          %scan3A_3333 = arith.addi %scan3A_3331, %scan3A_3332 : i32
          %scan3A_3334 = arith.constant 1 : i32
          scf.for %scan3A_3336 = %scan3A_3331 to %scan3A_3333 step %scan3A_3334  : i32 {
            %broadcast_in_dim3A_3337 = vector.broadcast %scan3A_3336 : i32 to vector<16xi32>
            tpu.vector_store_idx %arg7[%add3A_3329, %broadcast_in_dim3A_3337], %broadcast_in_dim3A_3270 masked %eq3A_3317 : memref<640x64xf32, #tpu.memory_space<vmem>>[vector<16xi32>, vector<16xi32>], vector<16xf32>, vector<16xi1>
          }
          %scan3A_3335 = arith.constant 64 : i32
        } else {
        }
      }
      %scan3A_3275 = arith.constant 40 : i32
    } else {
    }
    %dma_start3A_1334 = arith.constant 3 : i32
    %dma_start3A_1335 = arith.constant 0 : i32
    %dma_start3A_1336 = arith.constant 0 : i32
    %dma_start3A_1337 = tpu.memref_slice %arg4[%add3A, %dma_start3A_1334, %dma_start3A_1335, %dma_start3A_1336] : memref<32x10x640x64xf32, #tpu.memory_space<hbm>> -> memref<1x1x640x64xf32, #tpu.memory_space<hbm>>
    %dma_start3A_1338 = tpu.memref_squeeze %dma_start3A_1337 : memref<1x1x640x64xf32, #tpu.memory_space<hbm>> -> memref<640x64xf32, #tpu.memory_space<hbm>>
    %dma_start3A_1339 = arith.constant 0 : i32
    %dma_start3A_1340 = arith.constant 0 : i32
    %dma_start3A_1341 = tpu.memref_slice %arg4[%add3A, %dma_start3A_1334, %dma_start3A_1339, %dma_start3A_1340] : memref<32x10x640x64xf32, #tpu.memory_space<hbm>> -> memref<1x1x640x64xf32, #tpu.memory_space<hbm>>
    %dma_start3A_1342 = tpu.memref_squeeze %dma_start3A_1341 : memref<1x1x640x64xf32, #tpu.memory_space<hbm>> -> memref<640x64xf32, #tpu.memory_space<hbm>>
    tpu.enqueue_dma source(%arg7 : memref<640x64xf32, #tpu.memory_space<vmem>>) target(%dma_start3A_1342 : memref<640x64xf32, #tpu.memory_space<hbm>>) target_semaphore(%arg10 : memref<!tpu.dma_semaphore, #tpu.memory_space<semaphore_mem>>)
    %dma_wait3A_1343 = arith.constant 3 : i32
    %dma_wait3A_1344 = arith.constant 0 : i32
    %dma_wait3A_1345 = arith.constant 0 : i32
    %dma_wait3A_1346 = tpu.memref_slice %arg4[%add3A, %dma_wait3A_1343, %dma_wait3A_1344, %dma_wait3A_1345] : memref<32x10x640x64xf32, #tpu.memory_space<hbm>> -> memref<1x1x640x64xf32, #tpu.memory_space<hbm>>
    %dma_wait3A_1347 = tpu.memref_squeeze %dma_wait3A_1346 : memref<1x1x640x64xf32, #tpu.memory_space<hbm>> -> memref<640x64xf32, #tpu.memory_space<hbm>>
    %dma_wait3A_1348 = arith.constant 0 : i32
    %dma_wait3A_1349 = arith.constant 0 : i32
    %dma_wait3A_1350 = tpu.memref_slice %arg4[%add3A, %dma_wait3A_1343, %dma_wait3A_1348, %dma_wait3A_1349] : memref<32x10x640x64xf32, #tpu.memory_space<hbm>> -> memref<1x1x640x64xf32, #tpu.memory_space<hbm>>
    %dma_wait3A_1351 = tpu.memref_squeeze %dma_wait3A_1350 : memref<1x1x640x64xf32, #tpu.memory_space<hbm>> -> memref<640x64xf32, #tpu.memory_space<hbm>>
    tpu.wait_dma2 semaphore(%arg10 : memref<!tpu.dma_semaphore, #tpu.memory_space<semaphore_mem>>) src(%arg7 : memref<640x64xf32, #tpu.memory_space<vmem>>) dst(%dma_wait3A_1351 : memref<640x64xf32, #tpu.memory_space<hbm>>)
    %dma_start3A_1352 = arith.constant 25 : i32
    %dma_start3A_1353 = arith.constant 0 : i32
    %dma_start3A_1354 = arith.constant 0 : i32
    %dma_start3A_1355 = tpu.memref_slice %arg7[%dma_start3A_1353, %dma_start3A_1354] : memref<640x64xf32, #tpu.memory_space<vmem>> -> memref<128x64xf32, #tpu.memory_space<vmem>>
    %dma_start3A_1356 = arith.constant 0 : i32
    %dma_start3A_1357 = tpu.memref_slice %arg5[%dma_start3A_1352, %dma_start3A_1356] : memref<50x128xi32, #tpu.memory_space<vmem>> -> memref<1x128xi32, #tpu.memory_space<vmem>>
    %dma_start3A_1358 = tpu.memref_squeeze %dma_start3A_1357 : memref<1x128xi32, #tpu.memory_space<vmem>> -> memref<128xi32, #tpu.memory_space<vmem>>
    %dma_start3A_1359 = arith.constant 0 : i32
    %dma_start3A_1360 = arith.constant 0 : i32
    %dma_start3A_1361 = tpu.memref_slice %arg3[%dma_start3A_1359, %dma_start3A_1360] : memref<1000000x64xf32, #tpu.memory_space<hbm>> -> memref<1000000x64xf32, #tpu.memory_space<hbm>>
    tpu.enqueue_indirect_dma source(%dma_start3A_1361 : memref<1000000x64xf32, #tpu.memory_space<hbm>>) target(%dma_start3A_1355 : memref<128x64xf32, #tpu.memory_space<vmem>>) offsets(%dma_start3A_1358 : memref<128xi32, #tpu.memory_space<vmem>>) semaphore(%arg9 : memref<!tpu.dma_semaphore, #tpu.memory_space<semaphore_mem>>)
    %dma_start3A_1362 = arith.constant 26 : i32
    %dma_start3A_1363 = arith.constant 128 : i32
    %dma_start3A_1364 = arith.constant 0 : i32
    %dma_start3A_1365 = tpu.memref_slice %arg7[%dma_start3A_1363, %dma_start3A_1364] : memref<640x64xf32, #tpu.memory_space<vmem>> -> memref<128x64xf32, #tpu.memory_space<vmem>>
    %dma_start3A_1366 = arith.constant 0 : i32
    %dma_start3A_1367 = tpu.memref_slice %arg5[%dma_start3A_1362, %dma_start3A_1366] : memref<50x128xi32, #tpu.memory_space<vmem>> -> memref<1x128xi32, #tpu.memory_space<vmem>>
    %dma_start3A_1368 = tpu.memref_squeeze %dma_start3A_1367 : memref<1x128xi32, #tpu.memory_space<vmem>> -> memref<128xi32, #tpu.memory_space<vmem>>
    %dma_start3A_1369 = arith.constant 0 : i32
    %dma_start3A_1370 = arith.constant 0 : i32
    %dma_start3A_1371 = tpu.memref_slice %arg3[%dma_start3A_1369, %dma_start3A_1370] : memref<1000000x64xf32, #tpu.memory_space<hbm>> -> memref<1000000x64xf32, #tpu.memory_space<hbm>>
    tpu.enqueue_indirect_dma source(%dma_start3A_1371 : memref<1000000x64xf32, #tpu.memory_space<hbm>>) target(%dma_start3A_1365 : memref<128x64xf32, #tpu.memory_space<vmem>>) offsets(%dma_start3A_1368 : memref<128xi32, #tpu.memory_space<vmem>>) semaphore(%arg9 : memref<!tpu.dma_semaphore, #tpu.memory_space<semaphore_mem>>)
    %dma_start3A_1372 = arith.constant 27 : i32
    %dma_start3A_1373 = arith.constant 256 : i32
    %dma_start3A_1374 = arith.constant 0 : i32
    %dma_start3A_1375 = tpu.memref_slice %arg7[%dma_start3A_1373, %dma_start3A_1374] : memref<640x64xf32, #tpu.memory_space<vmem>> -> memref<128x64xf32, #tpu.memory_space<vmem>>
    %dma_start3A_1376 = arith.constant 0 : i32
    %dma_start3A_1377 = tpu.memref_slice %arg5[%dma_start3A_1372, %dma_start3A_1376] : memref<50x128xi32, #tpu.memory_space<vmem>> -> memref<1x128xi32, #tpu.memory_space<vmem>>
    %dma_start3A_1378 = tpu.memref_squeeze %dma_start3A_1377 : memref<1x128xi32, #tpu.memory_space<vmem>> -> memref<128xi32, #tpu.memory_space<vmem>>
    %dma_start3A_1379 = arith.constant 0 : i32
    %dma_start3A_1380 = arith.constant 0 : i32
    %dma_start3A_1381 = tpu.memref_slice %arg3[%dma_start3A_1379, %dma_start3A_1380] : memref<1000000x64xf32, #tpu.memory_space<hbm>> -> memref<1000000x64xf32, #tpu.memory_space<hbm>>
    tpu.enqueue_indirect_dma source(%dma_start3A_1381 : memref<1000000x64xf32, #tpu.memory_space<hbm>>) target(%dma_start3A_1375 : memref<128x64xf32, #tpu.memory_space<vmem>>) offsets(%dma_start3A_1378 : memref<128xi32, #tpu.memory_space<vmem>>) semaphore(%arg9 : memref<!tpu.dma_semaphore, #tpu.memory_space<semaphore_mem>>)
    %dma_start3A_1382 = arith.constant 28 : i32
    %dma_start3A_1383 = arith.constant 384 : i32
    %dma_start3A_1384 = arith.constant 0 : i32
    %dma_start3A_1385 = tpu.memref_slice %arg7[%dma_start3A_1383, %dma_start3A_1384] : memref<640x64xf32, #tpu.memory_space<vmem>> -> memref<128x64xf32, #tpu.memory_space<vmem>>
    %dma_start3A_1386 = arith.constant 0 : i32
    %dma_start3A_1387 = tpu.memref_slice %arg5[%dma_start3A_1382, %dma_start3A_1386] : memref<50x128xi32, #tpu.memory_space<vmem>> -> memref<1x128xi32, #tpu.memory_space<vmem>>
    %dma_start3A_1388 = tpu.memref_squeeze %dma_start3A_1387 : memref<1x128xi32, #tpu.memory_space<vmem>> -> memref<128xi32, #tpu.memory_space<vmem>>
    %dma_start3A_1389 = arith.constant 0 : i32
    %dma_start3A_1390 = arith.constant 0 : i32
    %dma_start3A_1391 = tpu.memref_slice %arg3[%dma_start3A_1389, %dma_start3A_1390] : memref<1000000x64xf32, #tpu.memory_space<hbm>> -> memref<1000000x64xf32, #tpu.memory_space<hbm>>
    tpu.enqueue_indirect_dma source(%dma_start3A_1391 : memref<1000000x64xf32, #tpu.memory_space<hbm>>) target(%dma_start3A_1385 : memref<128x64xf32, #tpu.memory_space<vmem>>) offsets(%dma_start3A_1388 : memref<128xi32, #tpu.memory_space<vmem>>) semaphore(%arg9 : memref<!tpu.dma_semaphore, #tpu.memory_space<semaphore_mem>>)
    %dma_start3A_1392 = arith.constant 29 : i32
    %dma_start3A_1393 = arith.constant 512 : i32
    %dma_start3A_1394 = arith.constant 0 : i32
    %dma_start3A_1395 = tpu.memref_slice %arg7[%dma_start3A_1393, %dma_start3A_1394] : memref<640x64xf32, #tpu.memory_space<vmem>> -> memref<128x64xf32, #tpu.memory_space<vmem>>
    %dma_start3A_1396 = arith.constant 0 : i32
    %dma_start3A_1397 = tpu.memref_slice %arg5[%dma_start3A_1392, %dma_start3A_1396] : memref<50x128xi32, #tpu.memory_space<vmem>> -> memref<1x128xi32, #tpu.memory_space<vmem>>
    %dma_start3A_1398 = tpu.memref_squeeze %dma_start3A_1397 : memref<1x128xi32, #tpu.memory_space<vmem>> -> memref<128xi32, #tpu.memory_space<vmem>>
    %dma_start3A_1399 = arith.constant 0 : i32
    %dma_start3A_1400 = arith.constant 0 : i32
    %dma_start3A_1401 = tpu.memref_slice %arg3[%dma_start3A_1399, %dma_start3A_1400] : memref<1000000x64xf32, #tpu.memory_space<hbm>> -> memref<1000000x64xf32, #tpu.memory_space<hbm>>
    tpu.enqueue_indirect_dma source(%dma_start3A_1401 : memref<1000000x64xf32, #tpu.memory_space<hbm>>) target(%dma_start3A_1395 : memref<128x64xf32, #tpu.memory_space<vmem>>) offsets(%dma_start3A_1398 : memref<128xi32, #tpu.memory_space<vmem>>) semaphore(%arg9 : memref<!tpu.dma_semaphore, #tpu.memory_space<semaphore_mem>>)
    %dma_wait3A_1402 = arith.constant 20 : i32
    %dma_wait3A_1403 = arith.constant 0 : i32
    %dma_wait3A_1404 = arith.constant 0 : i32
    %dma_wait3A_1405 = tpu.memref_slice %arg6[%dma_wait3A_1403, %dma_wait3A_1404] : memref<640x64xf32, #tpu.memory_space<vmem>> -> memref<128x64xf32, #tpu.memory_space<vmem>>
    %dma_wait3A_1406 = arith.constant 0 : i32
    %dma_wait3A_1407 = tpu.memref_slice %arg5[%dma_wait3A_1402, %dma_wait3A_1406] : memref<50x128xi32, #tpu.memory_space<vmem>> -> memref<1x128xi32, #tpu.memory_space<vmem>>
    %dma_wait3A_1408 = tpu.memref_squeeze %dma_wait3A_1407 : memref<1x128xi32, #tpu.memory_space<vmem>> -> memref<128xi32, #tpu.memory_space<vmem>>
    %dma_wait3A_1409 = arith.constant 0 : i32
    %dma_wait3A_1410 = arith.constant 0 : i32
    %dma_wait3A_1411 = tpu.memref_slice %arg3[%dma_wait3A_1409, %dma_wait3A_1410] : memref<1000000x64xf32, #tpu.memory_space<hbm>> -> memref<1000000x64xf32, #tpu.memory_space<hbm>>
    tpu.wait_indirect_dma semaphore(%arg8 : memref<!tpu.dma_semaphore, #tpu.memory_space<semaphore_mem>>) src(%dma_wait3A_1411 : memref<1000000x64xf32, #tpu.memory_space<hbm>>) dst(%dma_wait3A_1405 : memref<128x64xf32, #tpu.memory_space<vmem>>)
    %dma_wait3A_1412 = arith.constant 21 : i32
    %dma_wait3A_1413 = arith.constant 128 : i32
    %dma_wait3A_1414 = arith.constant 0 : i32
    %dma_wait3A_1415 = tpu.memref_slice %arg6[%dma_wait3A_1413, %dma_wait3A_1414] : memref<640x64xf32, #tpu.memory_space<vmem>> -> memref<128x64xf32, #tpu.memory_space<vmem>>
    %dma_wait3A_1416 = arith.constant 0 : i32
    %dma_wait3A_1417 = tpu.memref_slice %arg5[%dma_wait3A_1412, %dma_wait3A_1416] : memref<50x128xi32, #tpu.memory_space<vmem>> -> memref<1x128xi32, #tpu.memory_space<vmem>>
    %dma_wait3A_1418 = tpu.memref_squeeze %dma_wait3A_1417 : memref<1x128xi32, #tpu.memory_space<vmem>> -> memref<128xi32, #tpu.memory_space<vmem>>
    %dma_wait3A_1419 = arith.constant 0 : i32
    %dma_wait3A_1420 = arith.constant 0 : i32
    %dma_wait3A_1421 = tpu.memref_slice %arg3[%dma_wait3A_1419, %dma_wait3A_1420] : memref<1000000x64xf32, #tpu.memory_space<hbm>> -> memref<1000000x64xf32, #tpu.memory_space<hbm>>
    tpu.wait_indirect_dma semaphore(%arg8 : memref<!tpu.dma_semaphore, #tpu.memory_space<semaphore_mem>>) src(%dma_wait3A_1421 : memref<1000000x64xf32, #tpu.memory_space<hbm>>) dst(%dma_wait3A_1415 : memref<128x64xf32, #tpu.memory_space<vmem>>)
    %dma_wait3A_1422 = arith.constant 22 : i32
    %dma_wait3A_1423 = arith.constant 256 : i32
    %dma_wait3A_1424 = arith.constant 0 : i32
    %dma_wait3A_1425 = tpu.memref_slice %arg6[%dma_wait3A_1423, %dma_wait3A_1424] : memref<640x64xf32, #tpu.memory_space<vmem>> -> memref<128x64xf32, #tpu.memory_space<vmem>>
    %dma_wait3A_1426 = arith.constant 0 : i32
    %dma_wait3A_1427 = tpu.memref_slice %arg5[%dma_wait3A_1422, %dma_wait3A_1426] : memref<50x128xi32, #tpu.memory_space<vmem>> -> memref<1x128xi32, #tpu.memory_space<vmem>>
    %dma_wait3A_1428 = tpu.memref_squeeze %dma_wait3A_1427 : memref<1x128xi32, #tpu.memory_space<vmem>> -> memref<128xi32, #tpu.memory_space<vmem>>
    %dma_wait3A_1429 = arith.constant 0 : i32
    %dma_wait3A_1430 = arith.constant 0 : i32
    %dma_wait3A_1431 = tpu.memref_slice %arg3[%dma_wait3A_1429, %dma_wait3A_1430] : memref<1000000x64xf32, #tpu.memory_space<hbm>> -> memref<1000000x64xf32, #tpu.memory_space<hbm>>
    tpu.wait_indirect_dma semaphore(%arg8 : memref<!tpu.dma_semaphore, #tpu.memory_space<semaphore_mem>>) src(%dma_wait3A_1431 : memref<1000000x64xf32, #tpu.memory_space<hbm>>) dst(%dma_wait3A_1425 : memref<128x64xf32, #tpu.memory_space<vmem>>)
    %dma_wait3A_1432 = arith.constant 23 : i32
    %dma_wait3A_1433 = arith.constant 384 : i32
    %dma_wait3A_1434 = arith.constant 0 : i32
    %dma_wait3A_1435 = tpu.memref_slice %arg6[%dma_wait3A_1433, %dma_wait3A_1434] : memref<640x64xf32, #tpu.memory_space<vmem>> -> memref<128x64xf32, #tpu.memory_space<vmem>>
    %dma_wait3A_1436 = arith.constant 0 : i32
    %dma_wait3A_1437 = tpu.memref_slice %arg5[%dma_wait3A_1432, %dma_wait3A_1436] : memref<50x128xi32, #tpu.memory_space<vmem>> -> memref<1x128xi32, #tpu.memory_space<vmem>>
    %dma_wait3A_1438 = tpu.memref_squeeze %dma_wait3A_1437 : memref<1x128xi32, #tpu.memory_space<vmem>> -> memref<128xi32, #tpu.memory_space<vmem>>
    %dma_wait3A_1439 = arith.constant 0 : i32
    %dma_wait3A_1440 = arith.constant 0 : i32
    %dma_wait3A_1441 = tpu.memref_slice %arg3[%dma_wait3A_1439, %dma_wait3A_1440] : memref<1000000x64xf32, #tpu.memory_space<hbm>> -> memref<1000000x64xf32, #tpu.memory_space<hbm>>
    tpu.wait_indirect_dma semaphore(%arg8 : memref<!tpu.dma_semaphore, #tpu.memory_space<semaphore_mem>>) src(%dma_wait3A_1441 : memref<1000000x64xf32, #tpu.memory_space<hbm>>) dst(%dma_wait3A_1435 : memref<128x64xf32, #tpu.memory_space<vmem>>)
    %dma_wait3A_1442 = arith.constant 24 : i32
    %dma_wait3A_1443 = arith.constant 512 : i32
    %dma_wait3A_1444 = arith.constant 0 : i32
    %dma_wait3A_1445 = tpu.memref_slice %arg6[%dma_wait3A_1443, %dma_wait3A_1444] : memref<640x64xf32, #tpu.memory_space<vmem>> -> memref<128x64xf32, #tpu.memory_space<vmem>>
    %dma_wait3A_1446 = arith.constant 0 : i32
    %dma_wait3A_1447 = tpu.memref_slice %arg5[%dma_wait3A_1442, %dma_wait3A_1446] : memref<50x128xi32, #tpu.memory_space<vmem>> -> memref<1x128xi32, #tpu.memory_space<vmem>>
    %dma_wait3A_1448 = tpu.memref_squeeze %dma_wait3A_1447 : memref<1x128xi32, #tpu.memory_space<vmem>> -> memref<128xi32, #tpu.memory_space<vmem>>
    %dma_wait3A_1449 = arith.constant 0 : i32
    %dma_wait3A_1450 = arith.constant 0 : i32
    %dma_wait3A_1451 = tpu.memref_slice %arg3[%dma_wait3A_1449, %dma_wait3A_1450] : memref<1000000x64xf32, #tpu.memory_space<hbm>> -> memref<1000000x64xf32, #tpu.memory_space<hbm>>
    tpu.wait_indirect_dma semaphore(%arg8 : memref<!tpu.dma_semaphore, #tpu.memory_space<semaphore_mem>>) src(%dma_wait3A_1451 : memref<1000000x64xf32, #tpu.memory_space<hbm>>) dst(%dma_wait3A_1445 : memref<128x64xf32, #tpu.memory_space<vmem>>)
    %get3A_1452 = arith.constant 20 : i32
    %get3A_1453 = arith.index_cast %get3A_1452 : i32 to index
    %get3A_1454 = arith.constant 0 : index
    %get3A_1455 = tpu.vector_load %arg5[%get3A_1453, %get3A_1454] {strides = array<i32>} : memref<50x128xi32, #tpu.memory_space<vmem>>, vector<16xi32>,
    %get3A_1456 = arith.constant 20 : i32
    %get3A_1457 = arith.index_cast %get3A_1456 : i32 to index
    %get3A_1458 = arith.constant 16 : index
    %get3A_1459 = tpu.vector_load %arg5[%get3A_1457, %get3A_1458] {strides = array<i32>} : memref<50x128xi32, #tpu.memory_space<vmem>>, vector<16xi32>,
    %min3A_1460 = arith.minsi %get3A_1455, %get3A_1459 : vector<16xi32>
    %get3A_1461 = arith.constant 20 : i32
    %get3A_1462 = arith.index_cast %get3A_1461 : i32 to index
    %get3A_1463 = arith.constant 32 : index
    %get3A_1464 = tpu.vector_load %arg5[%get3A_1462, %get3A_1463] {strides = array<i32>} : memref<50x128xi32, #tpu.memory_space<vmem>>, vector<16xi32>,
    %min3A_1465 = arith.minsi %min3A_1460, %get3A_1464 : vector<16xi32>
    %get3A_1466 = arith.constant 20 : i32
    %get3A_1467 = arith.index_cast %get3A_1466 : i32 to index
    %get3A_1468 = arith.constant 48 : index
    %get3A_1469 = tpu.vector_load %arg5[%get3A_1467, %get3A_1468] {strides = array<i32>} : memref<50x128xi32, #tpu.memory_space<vmem>>, vector<16xi32>,
    %min3A_1470 = arith.minsi %min3A_1465, %get3A_1469 : vector<16xi32>
    %get3A_1471 = arith.constant 20 : i32
    %get3A_1472 = arith.index_cast %get3A_1471 : i32 to index
    %get3A_1473 = arith.constant 64 : index
    %get3A_1474 = tpu.vector_load %arg5[%get3A_1472, %get3A_1473] {strides = array<i32>} : memref<50x128xi32, #tpu.memory_space<vmem>>, vector<16xi32>,
    %min3A_1475 = arith.minsi %min3A_1470, %get3A_1474 : vector<16xi32>
    %get3A_1476 = arith.constant 20 : i32
    %get3A_1477 = arith.index_cast %get3A_1476 : i32 to index
    %get3A_1478 = arith.constant 80 : index
    %get3A_1479 = tpu.vector_load %arg5[%get3A_1477, %get3A_1478] {strides = array<i32>} : memref<50x128xi32, #tpu.memory_space<vmem>>, vector<16xi32>,
    %min3A_1480 = arith.minsi %min3A_1475, %get3A_1479 : vector<16xi32>
    %get3A_1481 = arith.constant 20 : i32
    %get3A_1482 = arith.index_cast %get3A_1481 : i32 to index
    %get3A_1483 = arith.constant 96 : index
    %get3A_1484 = tpu.vector_load %arg5[%get3A_1482, %get3A_1483] {strides = array<i32>} : memref<50x128xi32, #tpu.memory_space<vmem>>, vector<16xi32>,
    %min3A_1485 = arith.minsi %min3A_1480, %get3A_1484 : vector<16xi32>
    %get3A_1486 = arith.constant 20 : i32
    %get3A_1487 = arith.index_cast %get3A_1486 : i32 to index
    %get3A_1488 = arith.constant 112 : index
    %get3A_1489 = tpu.vector_load %arg5[%get3A_1487, %get3A_1488] {strides = array<i32>} : memref<50x128xi32, #tpu.memory_space<vmem>>, vector<16xi32>,
    %min3A_1490 = arith.minsi %min3A_1485, %get3A_1489 : vector<16xi32>
    %get3A_1491 = arith.constant 21 : i32
    %get3A_1492 = arith.index_cast %get3A_1491 : i32 to index
    %get3A_1493 = arith.constant 0 : index
    %get3A_1494 = tpu.vector_load %arg5[%get3A_1492, %get3A_1493] {strides = array<i32>} : memref<50x128xi32, #tpu.memory_space<vmem>>, vector<16xi32>,
    %min3A_1495 = arith.minsi %min3A_1490, %get3A_1494 : vector<16xi32>
    %get3A_1496 = arith.constant 21 : i32
    %get3A_1497 = arith.index_cast %get3A_1496 : i32 to index
    %get3A_1498 = arith.constant 16 : index
    %get3A_1499 = tpu.vector_load %arg5[%get3A_1497, %get3A_1498] {strides = array<i32>} : memref<50x128xi32, #tpu.memory_space<vmem>>, vector<16xi32>,
    %min3A_1500 = arith.minsi %min3A_1495, %get3A_1499 : vector<16xi32>
    %get3A_1501 = arith.constant 21 : i32
    %get3A_1502 = arith.index_cast %get3A_1501 : i32 to index
    %get3A_1503 = arith.constant 32 : index
    %get3A_1504 = tpu.vector_load %arg5[%get3A_1502, %get3A_1503] {strides = array<i32>} : memref<50x128xi32, #tpu.memory_space<vmem>>, vector<16xi32>,
    %min3A_1505 = arith.minsi %min3A_1500, %get3A_1504 : vector<16xi32>
    %get3A_1506 = arith.constant 21 : i32
    %get3A_1507 = arith.index_cast %get3A_1506 : i32 to index
    %get3A_1508 = arith.constant 48 : index
    %get3A_1509 = tpu.vector_load %arg5[%get3A_1507, %get3A_1508] {strides = array<i32>} : memref<50x128xi32, #tpu.memory_space<vmem>>, vector<16xi32>,
    %min3A_1510 = arith.minsi %min3A_1505, %get3A_1509 : vector<16xi32>
    %get3A_1511 = arith.constant 21 : i32
    %get3A_1512 = arith.index_cast %get3A_1511 : i32 to index
    %get3A_1513 = arith.constant 64 : index
    %get3A_1514 = tpu.vector_load %arg5[%get3A_1512, %get3A_1513] {strides = array<i32>} : memref<50x128xi32, #tpu.memory_space<vmem>>, vector<16xi32>,
    %min3A_1515 = arith.minsi %min3A_1510, %get3A_1514 : vector<16xi32>
    %get3A_1516 = arith.constant 21 : i32
    %get3A_1517 = arith.index_cast %get3A_1516 : i32 to index
    %get3A_1518 = arith.constant 80 : index
    %get3A_1519 = tpu.vector_load %arg5[%get3A_1517, %get3A_1518] {strides = array<i32>} : memref<50x128xi32, #tpu.memory_space<vmem>>, vector<16xi32>,
    %min3A_1520 = arith.minsi %min3A_1515, %get3A_1519 : vector<16xi32>
    %get3A_1521 = arith.constant 21 : i32
    %get3A_1522 = arith.index_cast %get3A_1521 : i32 to index
    %get3A_1523 = arith.constant 96 : index
    %get3A_1524 = tpu.vector_load %arg5[%get3A_1522, %get3A_1523] {strides = array<i32>} : memref<50x128xi32, #tpu.memory_space<vmem>>, vector<16xi32>,
    %min3A_1525 = arith.minsi %min3A_1520, %get3A_1524 : vector<16xi32>
    %get3A_1526 = arith.constant 21 : i32
    %get3A_1527 = arith.index_cast %get3A_1526 : i32 to index
    %get3A_1528 = arith.constant 112 : index
    %get3A_1529 = tpu.vector_load %arg5[%get3A_1527, %get3A_1528] {strides = array<i32>} : memref<50x128xi32, #tpu.memory_space<vmem>>, vector<16xi32>,
    %min3A_1530 = arith.minsi %min3A_1525, %get3A_1529 : vector<16xi32>
    %get3A_1531 = arith.constant 22 : i32
    %get3A_1532 = arith.index_cast %get3A_1531 : i32 to index
    %get3A_1533 = arith.constant 0 : index
    %get3A_1534 = tpu.vector_load %arg5[%get3A_1532, %get3A_1533] {strides = array<i32>} : memref<50x128xi32, #tpu.memory_space<vmem>>, vector<16xi32>,
    %min3A_1535 = arith.minsi %min3A_1530, %get3A_1534 : vector<16xi32>
    %get3A_1536 = arith.constant 22 : i32
    %get3A_1537 = arith.index_cast %get3A_1536 : i32 to index
    %get3A_1538 = arith.constant 16 : index
    %get3A_1539 = tpu.vector_load %arg5[%get3A_1537, %get3A_1538] {strides = array<i32>} : memref<50x128xi32, #tpu.memory_space<vmem>>, vector<16xi32>,
    %min3A_1540 = arith.minsi %min3A_1535, %get3A_1539 : vector<16xi32>
    %get3A_1541 = arith.constant 22 : i32
    %get3A_1542 = arith.index_cast %get3A_1541 : i32 to index
    %get3A_1543 = arith.constant 32 : index
    %get3A_1544 = tpu.vector_load %arg5[%get3A_1542, %get3A_1543] {strides = array<i32>} : memref<50x128xi32, #tpu.memory_space<vmem>>, vector<16xi32>,
    %min3A_1545 = arith.minsi %min3A_1540, %get3A_1544 : vector<16xi32>
    %get3A_1546 = arith.constant 22 : i32
    %get3A_1547 = arith.index_cast %get3A_1546 : i32 to index
    %get3A_1548 = arith.constant 48 : index
    %get3A_1549 = tpu.vector_load %arg5[%get3A_1547, %get3A_1548] {strides = array<i32>} : memref<50x128xi32, #tpu.memory_space<vmem>>, vector<16xi32>,
    %min3A_1550 = arith.minsi %min3A_1545, %get3A_1549 : vector<16xi32>
    %get3A_1551 = arith.constant 22 : i32
    %get3A_1552 = arith.index_cast %get3A_1551 : i32 to index
    %get3A_1553 = arith.constant 64 : index
    %get3A_1554 = tpu.vector_load %arg5[%get3A_1552, %get3A_1553] {strides = array<i32>} : memref<50x128xi32, #tpu.memory_space<vmem>>, vector<16xi32>,
    %min3A_1555 = arith.minsi %min3A_1550, %get3A_1554 : vector<16xi32>
    %get3A_1556 = arith.constant 22 : i32
    %get3A_1557 = arith.index_cast %get3A_1556 : i32 to index
    %get3A_1558 = arith.constant 80 : index
    %get3A_1559 = tpu.vector_load %arg5[%get3A_1557, %get3A_1558] {strides = array<i32>} : memref<50x128xi32, #tpu.memory_space<vmem>>, vector<16xi32>,
    %min3A_1560 = arith.minsi %min3A_1555, %get3A_1559 : vector<16xi32>
    %get3A_1561 = arith.constant 22 : i32
    %get3A_1562 = arith.index_cast %get3A_1561 : i32 to index
    %get3A_1563 = arith.constant 96 : index
    %get3A_1564 = tpu.vector_load %arg5[%get3A_1562, %get3A_1563] {strides = array<i32>} : memref<50x128xi32, #tpu.memory_space<vmem>>, vector<16xi32>,
    %min3A_1565 = arith.minsi %min3A_1560, %get3A_1564 : vector<16xi32>
    %get3A_1566 = arith.constant 22 : i32
    %get3A_1567 = arith.index_cast %get3A_1566 : i32 to index
    %get3A_1568 = arith.constant 112 : index
    %get3A_1569 = tpu.vector_load %arg5[%get3A_1567, %get3A_1568] {strides = array<i32>} : memref<50x128xi32, #tpu.memory_space<vmem>>, vector<16xi32>,
    %min3A_1570 = arith.minsi %min3A_1565, %get3A_1569 : vector<16xi32>
    %get3A_1571 = arith.constant 23 : i32
    %get3A_1572 = arith.index_cast %get3A_1571 : i32 to index
    %get3A_1573 = arith.constant 0 : index
    %get3A_1574 = tpu.vector_load %arg5[%get3A_1572, %get3A_1573] {strides = array<i32>} : memref<50x128xi32, #tpu.memory_space<vmem>>, vector<16xi32>,
    %min3A_1575 = arith.minsi %min3A_1570, %get3A_1574 : vector<16xi32>
    %get3A_1576 = arith.constant 23 : i32
    %get3A_1577 = arith.index_cast %get3A_1576 : i32 to index
    %get3A_1578 = arith.constant 16 : index
    %get3A_1579 = tpu.vector_load %arg5[%get3A_1577, %get3A_1578] {strides = array<i32>} : memref<50x128xi32, #tpu.memory_space<vmem>>, vector<16xi32>,
    %min3A_1580 = arith.minsi %min3A_1575, %get3A_1579 : vector<16xi32>
    %get3A_1581 = arith.constant 23 : i32
    %get3A_1582 = arith.index_cast %get3A_1581 : i32 to index
    %get3A_1583 = arith.constant 32 : index
    %get3A_1584 = tpu.vector_load %arg5[%get3A_1582, %get3A_1583] {strides = array<i32>} : memref<50x128xi32, #tpu.memory_space<vmem>>, vector<16xi32>,
    %min3A_1585 = arith.minsi %min3A_1580, %get3A_1584 : vector<16xi32>
    %get3A_1586 = arith.constant 23 : i32
    %get3A_1587 = arith.index_cast %get3A_1586 : i32 to index
    %get3A_1588 = arith.constant 48 : index
    %get3A_1589 = tpu.vector_load %arg5[%get3A_1587, %get3A_1588] {strides = array<i32>} : memref<50x128xi32, #tpu.memory_space<vmem>>, vector<16xi32>,
    %min3A_1590 = arith.minsi %min3A_1585, %get3A_1589 : vector<16xi32>
    %get3A_1591 = arith.constant 23 : i32
    %get3A_1592 = arith.index_cast %get3A_1591 : i32 to index
    %get3A_1593 = arith.constant 64 : index
    %get3A_1594 = tpu.vector_load %arg5[%get3A_1592, %get3A_1593] {strides = array<i32>} : memref<50x128xi32, #tpu.memory_space<vmem>>, vector<16xi32>,
    %min3A_1595 = arith.minsi %min3A_1590, %get3A_1594 : vector<16xi32>
    %get3A_1596 = arith.constant 23 : i32
    %get3A_1597 = arith.index_cast %get3A_1596 : i32 to index
    %get3A_1598 = arith.constant 80 : index
    %get3A_1599 = tpu.vector_load %arg5[%get3A_1597, %get3A_1598] {strides = array<i32>} : memref<50x128xi32, #tpu.memory_space<vmem>>, vector<16xi32>,
    %min3A_1600 = arith.minsi %min3A_1595, %get3A_1599 : vector<16xi32>
    %get3A_1601 = arith.constant 23 : i32
    %get3A_1602 = arith.index_cast %get3A_1601 : i32 to index
    %get3A_1603 = arith.constant 96 : index
    %get3A_1604 = tpu.vector_load %arg5[%get3A_1602, %get3A_1603] {strides = array<i32>} : memref<50x128xi32, #tpu.memory_space<vmem>>, vector<16xi32>,
    %min3A_1605 = arith.minsi %min3A_1600, %get3A_1604 : vector<16xi32>
    %get3A_1606 = arith.constant 23 : i32
    %get3A_1607 = arith.index_cast %get3A_1606 : i32 to index
    %get3A_1608 = arith.constant 112 : index
    %get3A_1609 = tpu.vector_load %arg5[%get3A_1607, %get3A_1608] {strides = array<i32>} : memref<50x128xi32, #tpu.memory_space<vmem>>, vector<16xi32>,
    %min3A_1610 = arith.minsi %min3A_1605, %get3A_1609 : vector<16xi32>
    %get3A_1611 = arith.constant 24 : i32
    %get3A_1612 = arith.index_cast %get3A_1611 : i32 to index
    %get3A_1613 = arith.constant 0 : index
    %get3A_1614 = tpu.vector_load %arg5[%get3A_1612, %get3A_1613] {strides = array<i32>} : memref<50x128xi32, #tpu.memory_space<vmem>>, vector<16xi32>,
    %min3A_1615 = arith.minsi %min3A_1610, %get3A_1614 : vector<16xi32>
    %get3A_1616 = arith.constant 24 : i32
    %get3A_1617 = arith.index_cast %get3A_1616 : i32 to index
    %get3A_1618 = arith.constant 16 : index
    %get3A_1619 = tpu.vector_load %arg5[%get3A_1617, %get3A_1618] {strides = array<i32>} : memref<50x128xi32, #tpu.memory_space<vmem>>, vector<16xi32>,
    %min3A_1620 = arith.minsi %min3A_1615, %get3A_1619 : vector<16xi32>
    %get3A_1621 = arith.constant 24 : i32
    %get3A_1622 = arith.index_cast %get3A_1621 : i32 to index
    %get3A_1623 = arith.constant 32 : index
    %get3A_1624 = tpu.vector_load %arg5[%get3A_1622, %get3A_1623] {strides = array<i32>} : memref<50x128xi32, #tpu.memory_space<vmem>>, vector<16xi32>,
    %min3A_1625 = arith.minsi %min3A_1620, %get3A_1624 : vector<16xi32>
    %get3A_1626 = arith.constant 24 : i32
    %get3A_1627 = arith.index_cast %get3A_1626 : i32 to index
    %get3A_1628 = arith.constant 48 : index
    %get3A_1629 = tpu.vector_load %arg5[%get3A_1627, %get3A_1628] {strides = array<i32>} : memref<50x128xi32, #tpu.memory_space<vmem>>, vector<16xi32>,
    %min3A_1630 = arith.minsi %min3A_1625, %get3A_1629 : vector<16xi32>
    %get3A_1631 = arith.constant 24 : i32
    %get3A_1632 = arith.index_cast %get3A_1631 : i32 to index
    %get3A_1633 = arith.constant 64 : index
    %get3A_1634 = tpu.vector_load %arg5[%get3A_1632, %get3A_1633] {strides = array<i32>} : memref<50x128xi32, #tpu.memory_space<vmem>>, vector<16xi32>,
    %min3A_1635 = arith.minsi %min3A_1630, %get3A_1634 : vector<16xi32>
    %get3A_1636 = arith.constant 24 : i32
    %get3A_1637 = arith.index_cast %get3A_1636 : i32 to index
    %get3A_1638 = arith.constant 80 : index
    %get3A_1639 = tpu.vector_load %arg5[%get3A_1637, %get3A_1638] {strides = array<i32>} : memref<50x128xi32, #tpu.memory_space<vmem>>, vector<16xi32>,
    %min3A_1640 = arith.minsi %min3A_1635, %get3A_1639 : vector<16xi32>
    %get3A_1641 = arith.constant 24 : i32
    %get3A_1642 = arith.index_cast %get3A_1641 : i32 to index
    %get3A_1643 = arith.constant 96 : index
    %get3A_1644 = tpu.vector_load %arg5[%get3A_1642, %get3A_1643] {strides = array<i32>} : memref<50x128xi32, #tpu.memory_space<vmem>>, vector<16xi32>,
    %min3A_1645 = arith.minsi %min3A_1640, %get3A_1644 : vector<16xi32>
    %get3A_1646 = arith.constant 24 : i32
    %get3A_1647 = arith.index_cast %get3A_1646 : i32 to index
    %get3A_1648 = arith.constant 112 : index
    %get3A_1649 = tpu.vector_load %arg5[%get3A_1647, %get3A_1648] {strides = array<i32>} : memref<50x128xi32, #tpu.memory_space<vmem>>, vector<16xi32>,
    %min3A_1650 = arith.minsi %min3A_1645, %get3A_1649 : vector<16xi32>
    %eq3A_1651 = arith.constant 0 : i32
    %eq3A_1652 = vector.broadcast %eq3A_1651 : i32 to vector<16xi32>
    %eq3A_1653 = arith.cmpi eq, %min3A_1650, %eq3A_1652 : vector<16xi32>
    %all_reduce_population_count3A_1654 = tpu.all_reduce %eq3A_1653 {dim = 0 : i64, kind = #tpu.reduction_kind<sum>} : vector<16xi1> -> vector<16xi32>
    %slice3A_1655 = vector.extract_strided_slice %all_reduce_population_count3A_1654 {offsets = [0], sizes = [1], strides = [1]} : vector<16xi32> to vector<1xi32>
    %squeeze3A_1656 = vector.extract %slice3A_1655[0] : i32 from vector<1xi32>
    %gt3A_1657 = arith.constant 0 : i32
    %gt3A_1658 = arith.cmpi sgt, %squeeze3A_1656, %gt3A_1657 : i32
    %convert_element_type3A_1659 = arith.extui %gt3A_1658 : i1 to i32
    %cond3A_1660 = arith.constant 0 : i32
    %cond3A_1661 = arith.cmpi ne, %convert_element_type3A_1659, %cond3A_1660 : i32
    scf.if %cond3A_1661 {
      %broadcast_in_dim3A = arith.constant 0.000000e+00 : f32
      %broadcast_in_dim3A_3270 = vector.broadcast %broadcast_in_dim3A : f32 to vector<16xf32>
      %scan3A = arith.constant 0 : i32
      %scan3A_3271 = arith.constant 0 : i32
      %scan3A_3272 = arith.constant 40 : i32
      %scan3A_3273 = arith.addi %scan3A_3271, %scan3A_3272 : i32
      %scan3A_3274 = arith.constant 1 : i32
      scf.for %scan3A_3276 = %scan3A_3271 to %scan3A_3273 step %scan3A_3274  : i32 {
        %jit3A = arith.constant 8 : i32
        %div3A = arith.divsi %scan3A_3276, %jit3A : i32
        %sign3A = arith.constant 0 : i32
        %sign3A_3277 = arith.cmpi sgt, %scan3A_3276, %sign3A : i32
        %sign3A_3278 = arith.extui %sign3A_3277 : i1 to i32
        %sign3A_3279 = arith.constant 0 : i32
        %sign3A_3280 = arith.cmpi slt, %scan3A_3276, %sign3A_3279 : i32
        %sign3A_3281 = arith.extui %sign3A_3280 : i1 to i32
        %sign3A_3282 = arith.subi %sign3A_3278, %sign3A_3281 : i32
        %sign3A_3283 = arith.constant 0 : i32
        %sign3A_3284 = arith.cmpi sgt, %jit3A, %sign3A_3283 : i32
        %sign3A_3285 = arith.extui %sign3A_3284 : i1 to i32
        %sign3A_3286 = arith.constant 0 : i32
        %sign3A_3287 = arith.cmpi slt, %jit3A, %sign3A_3286 : i32
        %sign3A_3288 = arith.extui %sign3A_3287 : i1 to i32
        %sign3A_3289 = arith.subi %sign3A_3285, %sign3A_3288 : i32
        %ne3A = arith.cmpi ne, %sign3A_3282, %sign3A_3289 : i32
        %rem3A = arith.remsi %scan3A_3276, %jit3A : i32
        %ne3A_3290 = arith.constant 0 : i32
        %ne3A_3291 = arith.cmpi ne, %rem3A, %ne3A_3290 : i32
        %and3A = arith.andi %ne3A, %ne3A_3291 : i1
        %sub3A = arith.constant 1 : i32
        %sub3A_3292 = arith.subi %div3A, %sub3A : i32
        %select_n3A = arith.select %and3A, %sub3A_3292, %div3A : i32
        %add3A_3293 = arith.constant 20 : i32
        %add3A_3294 = arith.addi %add3A_3293, %select_n3A : i32
        %jit3A_3295 = arith.constant 8 : i32
        %eq3A_3296 = arith.constant 0 : i32
        %eq3A_3297 = arith.cmpi eq, %jit3A_3295, %eq3A_3296 : i32
        %jit3A_3298 = arith.constant 1 : i32
        %select_n3A_3299 = arith.select %eq3A_3297, %jit3A_3298, %jit3A_3295 : i32
        %rem3A_3300 = arith.remsi %scan3A_3276, %select_n3A_3299 : i32
        %ne3A_3301 = arith.constant 0 : i32
        %ne3A_3302 = arith.cmpi ne, %rem3A_3300, %ne3A_3301 : i32
        %lt3A = arith.constant 0 : i32
        %lt3A_3303 = arith.cmpi slt, %rem3A_3300, %lt3A : i32
        %lt3A_3304 = arith.constant 0 : i32
        %lt3A_3305 = arith.cmpi slt, %select_n3A_3299, %lt3A_3304 : i32
        %ne3A_3306 = arith.xori %lt3A_3303, %lt3A_3305 : i1
        %and3A_3307 = arith.andi %ne3A_3306, %ne3A_3302 : i1
        %add3A_3308 = arith.addi %rem3A_3300, %select_n3A_3299 : i32
        %select_n3A_3309 = arith.select %and3A_3307, %add3A_3308, %rem3A_3300 : i32
        %mul3A_3310 = arith.constant 16 : i32
        %mul3A_3311 = arith.muli %select_n3A_3309, %mul3A_3310 : i32
        %get3A_3312 = arith.index_cast %add3A_3294 : i32 to index
        %get3A_3313 = arith.index_cast %mul3A_3311 : i32 to index
        %get3A_3314 = tpu.vector_load %arg5[%get3A_3312, %get3A_3313] {strides = array<i32>} : memref<50x128xi32, #tpu.memory_space<vmem>>, vector<16xi32>,
        %eq3A_3315 = arith.constant 0 : i32
        %eq3A_3316 = vector.broadcast %eq3A_3315 : i32 to vector<16xi32>
        %eq3A_3317 = arith.cmpi eq, %get3A_3314, %eq3A_3316 : vector<16xi32>
        %all_reduce_population_count3A_3318 = tpu.all_reduce %eq3A_3317 {dim = 0 : i64, kind = #tpu.reduction_kind<sum>} : vector<16xi1> -> vector<16xi32>
        %slice3A_3319 = vector.extract_strided_slice %all_reduce_population_count3A_3318 {offsets = [0], sizes = [1], strides = [1]} : vector<16xi32> to vector<1xi32>
        %squeeze3A_3320 = vector.extract %slice3A_3319[0] : i32 from vector<1xi32>
        %gt3A_3321 = arith.constant 0 : i32
        %gt3A_3322 = arith.cmpi sgt, %squeeze3A_3320, %gt3A_3321 : i32
        %convert_element_type3A_3323 = arith.extui %gt3A_3322 : i1 to i32
        %cond3A_3324 = arith.constant 0 : i32
        %cond3A_3325 = arith.cmpi ne, %convert_element_type3A_3323, %cond3A_3324 : i32
        scf.if %cond3A_3325 {
          %mul3A_3326 = arith.constant 16 : i32
          %mul3A_3327 = arith.muli %scan3A_3276, %mul3A_3326 : i32
          %iota3A = tpu.iota {dimensions = array<i32: 0>} : vector<16xi32>
          %add3A_3328 = vector.broadcast %mul3A_3327 : i32 to vector<16xi32>
          %add3A_3329 = arith.addi %add3A_3328, %iota3A : vector<16xi32>
          %scan3A_3330 = arith.constant 0 : i32
          %scan3A_3331 = arith.constant 0 : i32
          %scan3A_3332 = arith.constant 64 : i32
          %scan3A_3333 = arith.addi %scan3A_3331, %scan3A_3332 : i32
          %scan3A_3334 = arith.constant 1 : i32
          scf.for %scan3A_3336 = %scan3A_3331 to %scan3A_3333 step %scan3A_3334  : i32 {
            %broadcast_in_dim3A_3337 = vector.broadcast %scan3A_3336 : i32 to vector<16xi32>
            tpu.vector_store_idx %arg6[%add3A_3329, %broadcast_in_dim3A_3337], %broadcast_in_dim3A_3270 masked %eq3A_3317 : memref<640x64xf32, #tpu.memory_space<vmem>>[vector<16xi32>, vector<16xi32>], vector<16xf32>, vector<16xi1>
          }
          %scan3A_3335 = arith.constant 64 : i32
        } else {
        }
      }
      %scan3A_3275 = arith.constant 40 : i32
    } else {
    }
    %dma_start3A_1662 = arith.constant 4 : i32
    %dma_start3A_1663 = arith.constant 0 : i32
    %dma_start3A_1664 = arith.constant 0 : i32
    %dma_start3A_1665 = tpu.memref_slice %arg4[%add3A, %dma_start3A_1662, %dma_start3A_1663, %dma_start3A_1664] : memref<32x10x640x64xf32, #tpu.memory_space<hbm>> -> memref<1x1x640x64xf32, #tpu.memory_space<hbm>>
    %dma_start3A_1666 = tpu.memref_squeeze %dma_start3A_1665 : memref<1x1x640x64xf32, #tpu.memory_space<hbm>> -> memref<640x64xf32, #tpu.memory_space<hbm>>
    %dma_start3A_1667 = arith.constant 0 : i32
    %dma_start3A_1668 = arith.constant 0 : i32
    %dma_start3A_1669 = tpu.memref_slice %arg4[%add3A, %dma_start3A_1662, %dma_start3A_1667, %dma_start3A_1668] : memref<32x10x640x64xf32, #tpu.memory_space<hbm>> -> memref<1x1x640x64xf32, #tpu.memory_space<hbm>>
    %dma_start3A_1670 = tpu.memref_squeeze %dma_start3A_1669 : memref<1x1x640x64xf32, #tpu.memory_space<hbm>> -> memref<640x64xf32, #tpu.memory_space<hbm>>
    tpu.enqueue_dma source(%arg6 : memref<640x64xf32, #tpu.memory_space<vmem>>) target(%dma_start3A_1670 : memref<640x64xf32, #tpu.memory_space<hbm>>) target_semaphore(%arg10 : memref<!tpu.dma_semaphore, #tpu.memory_space<semaphore_mem>>)
    %dma_wait3A_1671 = arith.constant 4 : i32
    %dma_wait3A_1672 = arith.constant 0 : i32
    %dma_wait3A_1673 = arith.constant 0 : i32
    %dma_wait3A_1674 = tpu.memref_slice %arg4[%add3A, %dma_wait3A_1671, %dma_wait3A_1672, %dma_wait3A_1673] : memref<32x10x640x64xf32, #tpu.memory_space<hbm>> -> memref<1x1x640x64xf32, #tpu.memory_space<hbm>>
    %dma_wait3A_1675 = tpu.memref_squeeze %dma_wait3A_1674 : memref<1x1x640x64xf32, #tpu.memory_space<hbm>> -> memref<640x64xf32, #tpu.memory_space<hbm>>
    %dma_wait3A_1676 = arith.constant 0 : i32
    %dma_wait3A_1677 = arith.constant 0 : i32
    %dma_wait3A_1678 = tpu.memref_slice %arg4[%add3A, %dma_wait3A_1671, %dma_wait3A_1676, %dma_wait3A_1677] : memref<32x10x640x64xf32, #tpu.memory_space<hbm>> -> memref<1x1x640x64xf32, #tpu.memory_space<hbm>>
    %dma_wait3A_1679 = tpu.memref_squeeze %dma_wait3A_1678 : memref<1x1x640x64xf32, #tpu.memory_space<hbm>> -> memref<640x64xf32, #tpu.memory_space<hbm>>
    tpu.wait_dma2 semaphore(%arg10 : memref<!tpu.dma_semaphore, #tpu.memory_space<semaphore_mem>>) src(%arg6 : memref<640x64xf32, #tpu.memory_space<vmem>>) dst(%dma_wait3A_1679 : memref<640x64xf32, #tpu.memory_space<hbm>>)
    %dma_start3A_1680 = arith.constant 30 : i32
    %dma_start3A_1681 = arith.constant 0 : i32
    %dma_start3A_1682 = arith.constant 0 : i32
    %dma_start3A_1683 = tpu.memref_slice %arg6[%dma_start3A_1681, %dma_start3A_1682] : memref<640x64xf32, #tpu.memory_space<vmem>> -> memref<128x64xf32, #tpu.memory_space<vmem>>
    %dma_start3A_1684 = arith.constant 0 : i32
    %dma_start3A_1685 = tpu.memref_slice %arg5[%dma_start3A_1680, %dma_start3A_1684] : memref<50x128xi32, #tpu.memory_space<vmem>> -> memref<1x128xi32, #tpu.memory_space<vmem>>
    %dma_start3A_1686 = tpu.memref_squeeze %dma_start3A_1685 : memref<1x128xi32, #tpu.memory_space<vmem>> -> memref<128xi32, #tpu.memory_space<vmem>>
    %dma_start3A_1687 = arith.constant 0 : i32
    %dma_start3A_1688 = arith.constant 0 : i32
    %dma_start3A_1689 = tpu.memref_slice %arg3[%dma_start3A_1687, %dma_start3A_1688] : memref<1000000x64xf32, #tpu.memory_space<hbm>> -> memref<1000000x64xf32, #tpu.memory_space<hbm>>
    tpu.enqueue_indirect_dma source(%dma_start3A_1689 : memref<1000000x64xf32, #tpu.memory_space<hbm>>) target(%dma_start3A_1683 : memref<128x64xf32, #tpu.memory_space<vmem>>) offsets(%dma_start3A_1686 : memref<128xi32, #tpu.memory_space<vmem>>) semaphore(%arg8 : memref<!tpu.dma_semaphore, #tpu.memory_space<semaphore_mem>>)
    %dma_start3A_1690 = arith.constant 31 : i32
    %dma_start3A_1691 = arith.constant 128 : i32
    %dma_start3A_1692 = arith.constant 0 : i32
    %dma_start3A_1693 = tpu.memref_slice %arg6[%dma_start3A_1691, %dma_start3A_1692] : memref<640x64xf32, #tpu.memory_space<vmem>> -> memref<128x64xf32, #tpu.memory_space<vmem>>
    %dma_start3A_1694 = arith.constant 0 : i32
    %dma_start3A_1695 = tpu.memref_slice %arg5[%dma_start3A_1690, %dma_start3A_1694] : memref<50x128xi32, #tpu.memory_space<vmem>> -> memref<1x128xi32, #tpu.memory_space<vmem>>
    %dma_start3A_1696 = tpu.memref_squeeze %dma_start3A_1695 : memref<1x128xi32, #tpu.memory_space<vmem>> -> memref<128xi32, #tpu.memory_space<vmem>>
    %dma_start3A_1697 = arith.constant 0 : i32
    %dma_start3A_1698 = arith.constant 0 : i32
    %dma_start3A_1699 = tpu.memref_slice %arg3[%dma_start3A_1697, %dma_start3A_1698] : memref<1000000x64xf32, #tpu.memory_space<hbm>> -> memref<1000000x64xf32, #tpu.memory_space<hbm>>
    tpu.enqueue_indirect_dma source(%dma_start3A_1699 : memref<1000000x64xf32, #tpu.memory_space<hbm>>) target(%dma_start3A_1693 : memref<128x64xf32, #tpu.memory_space<vmem>>) offsets(%dma_start3A_1696 : memref<128xi32, #tpu.memory_space<vmem>>) semaphore(%arg8 : memref<!tpu.dma_semaphore, #tpu.memory_space<semaphore_mem>>)
    %dma_start3A_1700 = arith.constant 32 : i32
    %dma_start3A_1701 = arith.constant 256 : i32
    %dma_start3A_1702 = arith.constant 0 : i32
    %dma_start3A_1703 = tpu.memref_slice %arg6[%dma_start3A_1701, %dma_start3A_1702] : memref<640x64xf32, #tpu.memory_space<vmem>> -> memref<128x64xf32, #tpu.memory_space<vmem>>
    %dma_start3A_1704 = arith.constant 0 : i32
    %dma_start3A_1705 = tpu.memref_slice %arg5[%dma_start3A_1700, %dma_start3A_1704] : memref<50x128xi32, #tpu.memory_space<vmem>> -> memref<1x128xi32, #tpu.memory_space<vmem>>
    %dma_start3A_1706 = tpu.memref_squeeze %dma_start3A_1705 : memref<1x128xi32, #tpu.memory_space<vmem>> -> memref<128xi32, #tpu.memory_space<vmem>>
    %dma_start3A_1707 = arith.constant 0 : i32
    %dma_start3A_1708 = arith.constant 0 : i32
    %dma_start3A_1709 = tpu.memref_slice %arg3[%dma_start3A_1707, %dma_start3A_1708] : memref<1000000x64xf32, #tpu.memory_space<hbm>> -> memref<1000000x64xf32, #tpu.memory_space<hbm>>
    tpu.enqueue_indirect_dma source(%dma_start3A_1709 : memref<1000000x64xf32, #tpu.memory_space<hbm>>) target(%dma_start3A_1703 : memref<128x64xf32, #tpu.memory_space<vmem>>) offsets(%dma_start3A_1706 : memref<128xi32, #tpu.memory_space<vmem>>) semaphore(%arg8 : memref<!tpu.dma_semaphore, #tpu.memory_space<semaphore_mem>>)
    %dma_start3A_1710 = arith.constant 33 : i32
    %dma_start3A_1711 = arith.constant 384 : i32
    %dma_start3A_1712 = arith.constant 0 : i32
    %dma_start3A_1713 = tpu.memref_slice %arg6[%dma_start3A_1711, %dma_start3A_1712] : memref<640x64xf32, #tpu.memory_space<vmem>> -> memref<128x64xf32, #tpu.memory_space<vmem>>
    %dma_start3A_1714 = arith.constant 0 : i32
    %dma_start3A_1715 = tpu.memref_slice %arg5[%dma_start3A_1710, %dma_start3A_1714] : memref<50x128xi32, #tpu.memory_space<vmem>> -> memref<1x128xi32, #tpu.memory_space<vmem>>
    %dma_start3A_1716 = tpu.memref_squeeze %dma_start3A_1715 : memref<1x128xi32, #tpu.memory_space<vmem>> -> memref<128xi32, #tpu.memory_space<vmem>>
    %dma_start3A_1717 = arith.constant 0 : i32
    %dma_start3A_1718 = arith.constant 0 : i32
    %dma_start3A_1719 = tpu.memref_slice %arg3[%dma_start3A_1717, %dma_start3A_1718] : memref<1000000x64xf32, #tpu.memory_space<hbm>> -> memref<1000000x64xf32, #tpu.memory_space<hbm>>
    tpu.enqueue_indirect_dma source(%dma_start3A_1719 : memref<1000000x64xf32, #tpu.memory_space<hbm>>) target(%dma_start3A_1713 : memref<128x64xf32, #tpu.memory_space<vmem>>) offsets(%dma_start3A_1716 : memref<128xi32, #tpu.memory_space<vmem>>) semaphore(%arg8 : memref<!tpu.dma_semaphore, #tpu.memory_space<semaphore_mem>>)
    %dma_start3A_1720 = arith.constant 34 : i32
    %dma_start3A_1721 = arith.constant 512 : i32
    %dma_start3A_1722 = arith.constant 0 : i32
    %dma_start3A_1723 = tpu.memref_slice %arg6[%dma_start3A_1721, %dma_start3A_1722] : memref<640x64xf32, #tpu.memory_space<vmem>> -> memref<128x64xf32, #tpu.memory_space<vmem>>
    %dma_start3A_1724 = arith.constant 0 : i32
    %dma_start3A_1725 = tpu.memref_slice %arg5[%dma_start3A_1720, %dma_start3A_1724] : memref<50x128xi32, #tpu.memory_space<vmem>> -> memref<1x128xi32, #tpu.memory_space<vmem>>
    %dma_start3A_1726 = tpu.memref_squeeze %dma_start3A_1725 : memref<1x128xi32, #tpu.memory_space<vmem>> -> memref<128xi32, #tpu.memory_space<vmem>>
    %dma_start3A_1727 = arith.constant 0 : i32
    %dma_start3A_1728 = arith.constant 0 : i32
    %dma_start3A_1729 = tpu.memref_slice %arg3[%dma_start3A_1727, %dma_start3A_1728] : memref<1000000x64xf32, #tpu.memory_space<hbm>> -> memref<1000000x64xf32, #tpu.memory_space<hbm>>
    tpu.enqueue_indirect_dma source(%dma_start3A_1729 : memref<1000000x64xf32, #tpu.memory_space<hbm>>) target(%dma_start3A_1723 : memref<128x64xf32, #tpu.memory_space<vmem>>) offsets(%dma_start3A_1726 : memref<128xi32, #tpu.memory_space<vmem>>) semaphore(%arg8 : memref<!tpu.dma_semaphore, #tpu.memory_space<semaphore_mem>>)
    %dma_wait3A_1730 = arith.constant 25 : i32
    %dma_wait3A_1731 = arith.constant 0 : i32
    %dma_wait3A_1732 = arith.constant 0 : i32
    %dma_wait3A_1733 = tpu.memref_slice %arg7[%dma_wait3A_1731, %dma_wait3A_1732] : memref<640x64xf32, #tpu.memory_space<vmem>> -> memref<128x64xf32, #tpu.memory_space<vmem>>
    %dma_wait3A_1734 = arith.constant 0 : i32
    %dma_wait3A_1735 = tpu.memref_slice %arg5[%dma_wait3A_1730, %dma_wait3A_1734] : memref<50x128xi32, #tpu.memory_space<vmem>> -> memref<1x128xi32, #tpu.memory_space<vmem>>
    %dma_wait3A_1736 = tpu.memref_squeeze %dma_wait3A_1735 : memref<1x128xi32, #tpu.memory_space<vmem>> -> memref<128xi32, #tpu.memory_space<vmem>>
    %dma_wait3A_1737 = arith.constant 0 : i32
    %dma_wait3A_1738 = arith.constant 0 : i32
    %dma_wait3A_1739 = tpu.memref_slice %arg3[%dma_wait3A_1737, %dma_wait3A_1738] : memref<1000000x64xf32, #tpu.memory_space<hbm>> -> memref<1000000x64xf32, #tpu.memory_space<hbm>>
    tpu.wait_indirect_dma semaphore(%arg9 : memref<!tpu.dma_semaphore, #tpu.memory_space<semaphore_mem>>) src(%dma_wait3A_1739 : memref<1000000x64xf32, #tpu.memory_space<hbm>>) dst(%dma_wait3A_1733 : memref<128x64xf32, #tpu.memory_space<vmem>>)
    %dma_wait3A_1740 = arith.constant 26 : i32
    %dma_wait3A_1741 = arith.constant 128 : i32
    %dma_wait3A_1742 = arith.constant 0 : i32
    %dma_wait3A_1743 = tpu.memref_slice %arg7[%dma_wait3A_1741, %dma_wait3A_1742] : memref<640x64xf32, #tpu.memory_space<vmem>> -> memref<128x64xf32, #tpu.memory_space<vmem>>
    %dma_wait3A_1744 = arith.constant 0 : i32
    %dma_wait3A_1745 = tpu.memref_slice %arg5[%dma_wait3A_1740, %dma_wait3A_1744] : memref<50x128xi32, #tpu.memory_space<vmem>> -> memref<1x128xi32, #tpu.memory_space<vmem>>
    %dma_wait3A_1746 = tpu.memref_squeeze %dma_wait3A_1745 : memref<1x128xi32, #tpu.memory_space<vmem>> -> memref<128xi32, #tpu.memory_space<vmem>>
    %dma_wait3A_1747 = arith.constant 0 : i32
    %dma_wait3A_1748 = arith.constant 0 : i32
    %dma_wait3A_1749 = tpu.memref_slice %arg3[%dma_wait3A_1747, %dma_wait3A_1748] : memref<1000000x64xf32, #tpu.memory_space<hbm>> -> memref<1000000x64xf32, #tpu.memory_space<hbm>>
    tpu.wait_indirect_dma semaphore(%arg9 : memref<!tpu.dma_semaphore, #tpu.memory_space<semaphore_mem>>) src(%dma_wait3A_1749 : memref<1000000x64xf32, #tpu.memory_space<hbm>>) dst(%dma_wait3A_1743 : memref<128x64xf32, #tpu.memory_space<vmem>>)
    %dma_wait3A_1750 = arith.constant 27 : i32
    %dma_wait3A_1751 = arith.constant 256 : i32
    %dma_wait3A_1752 = arith.constant 0 : i32
    %dma_wait3A_1753 = tpu.memref_slice %arg7[%dma_wait3A_1751, %dma_wait3A_1752] : memref<640x64xf32, #tpu.memory_space<vmem>> -> memref<128x64xf32, #tpu.memory_space<vmem>>
    %dma_wait3A_1754 = arith.constant 0 : i32
    %dma_wait3A_1755 = tpu.memref_slice %arg5[%dma_wait3A_1750, %dma_wait3A_1754] : memref<50x128xi32, #tpu.memory_space<vmem>> -> memref<1x128xi32, #tpu.memory_space<vmem>>
    %dma_wait3A_1756 = tpu.memref_squeeze %dma_wait3A_1755 : memref<1x128xi32, #tpu.memory_space<vmem>> -> memref<128xi32, #tpu.memory_space<vmem>>
    %dma_wait3A_1757 = arith.constant 0 : i32
    %dma_wait3A_1758 = arith.constant 0 : i32
    %dma_wait3A_1759 = tpu.memref_slice %arg3[%dma_wait3A_1757, %dma_wait3A_1758] : memref<1000000x64xf32, #tpu.memory_space<hbm>> -> memref<1000000x64xf32, #tpu.memory_space<hbm>>
    tpu.wait_indirect_dma semaphore(%arg9 : memref<!tpu.dma_semaphore, #tpu.memory_space<semaphore_mem>>) src(%dma_wait3A_1759 : memref<1000000x64xf32, #tpu.memory_space<hbm>>) dst(%dma_wait3A_1753 : memref<128x64xf32, #tpu.memory_space<vmem>>)
    %dma_wait3A_1760 = arith.constant 28 : i32
    %dma_wait3A_1761 = arith.constant 384 : i32
    %dma_wait3A_1762 = arith.constant 0 : i32
    %dma_wait3A_1763 = tpu.memref_slice %arg7[%dma_wait3A_1761, %dma_wait3A_1762] : memref<640x64xf32, #tpu.memory_space<vmem>> -> memref<128x64xf32, #tpu.memory_space<vmem>>
    %dma_wait3A_1764 = arith.constant 0 : i32
    %dma_wait3A_1765 = tpu.memref_slice %arg5[%dma_wait3A_1760, %dma_wait3A_1764] : memref<50x128xi32, #tpu.memory_space<vmem>> -> memref<1x128xi32, #tpu.memory_space<vmem>>
    %dma_wait3A_1766 = tpu.memref_squeeze %dma_wait3A_1765 : memref<1x128xi32, #tpu.memory_space<vmem>> -> memref<128xi32, #tpu.memory_space<vmem>>
    %dma_wait3A_1767 = arith.constant 0 : i32
    %dma_wait3A_1768 = arith.constant 0 : i32
    %dma_wait3A_1769 = tpu.memref_slice %arg3[%dma_wait3A_1767, %dma_wait3A_1768] : memref<1000000x64xf32, #tpu.memory_space<hbm>> -> memref<1000000x64xf32, #tpu.memory_space<hbm>>
    tpu.wait_indirect_dma semaphore(%arg9 : memref<!tpu.dma_semaphore, #tpu.memory_space<semaphore_mem>>) src(%dma_wait3A_1769 : memref<1000000x64xf32, #tpu.memory_space<hbm>>) dst(%dma_wait3A_1763 : memref<128x64xf32, #tpu.memory_space<vmem>>)
    %dma_wait3A_1770 = arith.constant 29 : i32
    %dma_wait3A_1771 = arith.constant 512 : i32
    %dma_wait3A_1772 = arith.constant 0 : i32
    %dma_wait3A_1773 = tpu.memref_slice %arg7[%dma_wait3A_1771, %dma_wait3A_1772] : memref<640x64xf32, #tpu.memory_space<vmem>> -> memref<128x64xf32, #tpu.memory_space<vmem>>
    %dma_wait3A_1774 = arith.constant 0 : i32
    %dma_wait3A_1775 = tpu.memref_slice %arg5[%dma_wait3A_1770, %dma_wait3A_1774] : memref<50x128xi32, #tpu.memory_space<vmem>> -> memref<1x128xi32, #tpu.memory_space<vmem>>
    %dma_wait3A_1776 = tpu.memref_squeeze %dma_wait3A_1775 : memref<1x128xi32, #tpu.memory_space<vmem>> -> memref<128xi32, #tpu.memory_space<vmem>>
    %dma_wait3A_1777 = arith.constant 0 : i32
    %dma_wait3A_1778 = arith.constant 0 : i32
    %dma_wait3A_1779 = tpu.memref_slice %arg3[%dma_wait3A_1777, %dma_wait3A_1778] : memref<1000000x64xf32, #tpu.memory_space<hbm>> -> memref<1000000x64xf32, #tpu.memory_space<hbm>>
    tpu.wait_indirect_dma semaphore(%arg9 : memref<!tpu.dma_semaphore, #tpu.memory_space<semaphore_mem>>) src(%dma_wait3A_1779 : memref<1000000x64xf32, #tpu.memory_space<hbm>>) dst(%dma_wait3A_1773 : memref<128x64xf32, #tpu.memory_space<vmem>>)
    %get3A_1780 = arith.constant 25 : i32
    %get3A_1781 = arith.index_cast %get3A_1780 : i32 to index
    %get3A_1782 = arith.constant 0 : index
    %get3A_1783 = tpu.vector_load %arg5[%get3A_1781, %get3A_1782] {strides = array<i32>} : memref<50x128xi32, #tpu.memory_space<vmem>>, vector<16xi32>,
    %get3A_1784 = arith.constant 25 : i32
    %get3A_1785 = arith.index_cast %get3A_1784 : i32 to index
    %get3A_1786 = arith.constant 16 : index
    %get3A_1787 = tpu.vector_load %arg5[%get3A_1785, %get3A_1786] {strides = array<i32>} : memref<50x128xi32, #tpu.memory_space<vmem>>, vector<16xi32>,
    %min3A_1788 = arith.minsi %get3A_1783, %get3A_1787 : vector<16xi32>
    %get3A_1789 = arith.constant 25 : i32
    %get3A_1790 = arith.index_cast %get3A_1789 : i32 to index
    %get3A_1791 = arith.constant 32 : index
    %get3A_1792 = tpu.vector_load %arg5[%get3A_1790, %get3A_1791] {strides = array<i32>} : memref<50x128xi32, #tpu.memory_space<vmem>>, vector<16xi32>,
    %min3A_1793 = arith.minsi %min3A_1788, %get3A_1792 : vector<16xi32>
    %get3A_1794 = arith.constant 25 : i32
    %get3A_1795 = arith.index_cast %get3A_1794 : i32 to index
    %get3A_1796 = arith.constant 48 : index
    %get3A_1797 = tpu.vector_load %arg5[%get3A_1795, %get3A_1796] {strides = array<i32>} : memref<50x128xi32, #tpu.memory_space<vmem>>, vector<16xi32>,
    %min3A_1798 = arith.minsi %min3A_1793, %get3A_1797 : vector<16xi32>
    %get3A_1799 = arith.constant 25 : i32
    %get3A_1800 = arith.index_cast %get3A_1799 : i32 to index
    %get3A_1801 = arith.constant 64 : index
    %get3A_1802 = tpu.vector_load %arg5[%get3A_1800, %get3A_1801] {strides = array<i32>} : memref<50x128xi32, #tpu.memory_space<vmem>>, vector<16xi32>,
    %min3A_1803 = arith.minsi %min3A_1798, %get3A_1802 : vector<16xi32>
    %get3A_1804 = arith.constant 25 : i32
    %get3A_1805 = arith.index_cast %get3A_1804 : i32 to index
    %get3A_1806 = arith.constant 80 : index
    %get3A_1807 = tpu.vector_load %arg5[%get3A_1805, %get3A_1806] {strides = array<i32>} : memref<50x128xi32, #tpu.memory_space<vmem>>, vector<16xi32>,
    %min3A_1808 = arith.minsi %min3A_1803, %get3A_1807 : vector<16xi32>
    %get3A_1809 = arith.constant 25 : i32
    %get3A_1810 = arith.index_cast %get3A_1809 : i32 to index
    %get3A_1811 = arith.constant 96 : index
    %get3A_1812 = tpu.vector_load %arg5[%get3A_1810, %get3A_1811] {strides = array<i32>} : memref<50x128xi32, #tpu.memory_space<vmem>>, vector<16xi32>,
    %min3A_1813 = arith.minsi %min3A_1808, %get3A_1812 : vector<16xi32>
    %get3A_1814 = arith.constant 25 : i32
    %get3A_1815 = arith.index_cast %get3A_1814 : i32 to index
    %get3A_1816 = arith.constant 112 : index
    %get3A_1817 = tpu.vector_load %arg5[%get3A_1815, %get3A_1816] {strides = array<i32>} : memref<50x128xi32, #tpu.memory_space<vmem>>, vector<16xi32>,
    %min3A_1818 = arith.minsi %min3A_1813, %get3A_1817 : vector<16xi32>
    %get3A_1819 = arith.constant 26 : i32
    %get3A_1820 = arith.index_cast %get3A_1819 : i32 to index
    %get3A_1821 = arith.constant 0 : index
    %get3A_1822 = tpu.vector_load %arg5[%get3A_1820, %get3A_1821] {strides = array<i32>} : memref<50x128xi32, #tpu.memory_space<vmem>>, vector<16xi32>,
    %min3A_1823 = arith.minsi %min3A_1818, %get3A_1822 : vector<16xi32>
    %get3A_1824 = arith.constant 26 : i32
    %get3A_1825 = arith.index_cast %get3A_1824 : i32 to index
    %get3A_1826 = arith.constant 16 : index
    %get3A_1827 = tpu.vector_load %arg5[%get3A_1825, %get3A_1826] {strides = array<i32>} : memref<50x128xi32, #tpu.memory_space<vmem>>, vector<16xi32>,
    %min3A_1828 = arith.minsi %min3A_1823, %get3A_1827 : vector<16xi32>
    %get3A_1829 = arith.constant 26 : i32
    %get3A_1830 = arith.index_cast %get3A_1829 : i32 to index
    %get3A_1831 = arith.constant 32 : index
    %get3A_1832 = tpu.vector_load %arg5[%get3A_1830, %get3A_1831] {strides = array<i32>} : memref<50x128xi32, #tpu.memory_space<vmem>>, vector<16xi32>,
    %min3A_1833 = arith.minsi %min3A_1828, %get3A_1832 : vector<16xi32>
    %get3A_1834 = arith.constant 26 : i32
    %get3A_1835 = arith.index_cast %get3A_1834 : i32 to index
    %get3A_1836 = arith.constant 48 : index
    %get3A_1837 = tpu.vector_load %arg5[%get3A_1835, %get3A_1836] {strides = array<i32>} : memref<50x128xi32, #tpu.memory_space<vmem>>, vector<16xi32>,
    %min3A_1838 = arith.minsi %min3A_1833, %get3A_1837 : vector<16xi32>
    %get3A_1839 = arith.constant 26 : i32
    %get3A_1840 = arith.index_cast %get3A_1839 : i32 to index
    %get3A_1841 = arith.constant 64 : index
    %get3A_1842 = tpu.vector_load %arg5[%get3A_1840, %get3A_1841] {strides = array<i32>} : memref<50x128xi32, #tpu.memory_space<vmem>>, vector<16xi32>,
    %min3A_1843 = arith.minsi %min3A_1838, %get3A_1842 : vector<16xi32>
    %get3A_1844 = arith.constant 26 : i32
    %get3A_1845 = arith.index_cast %get3A_1844 : i32 to index
    %get3A_1846 = arith.constant 80 : index
    %get3A_1847 = tpu.vector_load %arg5[%get3A_1845, %get3A_1846] {strides = array<i32>} : memref<50x128xi32, #tpu.memory_space<vmem>>, vector<16xi32>,
    %min3A_1848 = arith.minsi %min3A_1843, %get3A_1847 : vector<16xi32>
    %get3A_1849 = arith.constant 26 : i32
    %get3A_1850 = arith.index_cast %get3A_1849 : i32 to index
    %get3A_1851 = arith.constant 96 : index
    %get3A_1852 = tpu.vector_load %arg5[%get3A_1850, %get3A_1851] {strides = array<i32>} : memref<50x128xi32, #tpu.memory_space<vmem>>, vector<16xi32>,
    %min3A_1853 = arith.minsi %min3A_1848, %get3A_1852 : vector<16xi32>
    %get3A_1854 = arith.constant 26 : i32
    %get3A_1855 = arith.index_cast %get3A_1854 : i32 to index
    %get3A_1856 = arith.constant 112 : index
    %get3A_1857 = tpu.vector_load %arg5[%get3A_1855, %get3A_1856] {strides = array<i32>} : memref<50x128xi32, #tpu.memory_space<vmem>>, vector<16xi32>,
    %min3A_1858 = arith.minsi %min3A_1853, %get3A_1857 : vector<16xi32>
    %get3A_1859 = arith.constant 27 : i32
    %get3A_1860 = arith.index_cast %get3A_1859 : i32 to index
    %get3A_1861 = arith.constant 0 : index
    %get3A_1862 = tpu.vector_load %arg5[%get3A_1860, %get3A_1861] {strides = array<i32>} : memref<50x128xi32, #tpu.memory_space<vmem>>, vector<16xi32>,
    %min3A_1863 = arith.minsi %min3A_1858, %get3A_1862 : vector<16xi32>
    %get3A_1864 = arith.constant 27 : i32
    %get3A_1865 = arith.index_cast %get3A_1864 : i32 to index
    %get3A_1866 = arith.constant 16 : index
    %get3A_1867 = tpu.vector_load %arg5[%get3A_1865, %get3A_1866] {strides = array<i32>} : memref<50x128xi32, #tpu.memory_space<vmem>>, vector<16xi32>,
    %min3A_1868 = arith.minsi %min3A_1863, %get3A_1867 : vector<16xi32>
    %get3A_1869 = arith.constant 27 : i32
    %get3A_1870 = arith.index_cast %get3A_1869 : i32 to index
    %get3A_1871 = arith.constant 32 : index
    %get3A_1872 = tpu.vector_load %arg5[%get3A_1870, %get3A_1871] {strides = array<i32>} : memref<50x128xi32, #tpu.memory_space<vmem>>, vector<16xi32>,
    %min3A_1873 = arith.minsi %min3A_1868, %get3A_1872 : vector<16xi32>
    %get3A_1874 = arith.constant 27 : i32
    %get3A_1875 = arith.index_cast %get3A_1874 : i32 to index
    %get3A_1876 = arith.constant 48 : index
    %get3A_1877 = tpu.vector_load %arg5[%get3A_1875, %get3A_1876] {strides = array<i32>} : memref<50x128xi32, #tpu.memory_space<vmem>>, vector<16xi32>,
    %min3A_1878 = arith.minsi %min3A_1873, %get3A_1877 : vector<16xi32>
    %get3A_1879 = arith.constant 27 : i32
    %get3A_1880 = arith.index_cast %get3A_1879 : i32 to index
    %get3A_1881 = arith.constant 64 : index
    %get3A_1882 = tpu.vector_load %arg5[%get3A_1880, %get3A_1881] {strides = array<i32>} : memref<50x128xi32, #tpu.memory_space<vmem>>, vector<16xi32>,
    %min3A_1883 = arith.minsi %min3A_1878, %get3A_1882 : vector<16xi32>
    %get3A_1884 = arith.constant 27 : i32
    %get3A_1885 = arith.index_cast %get3A_1884 : i32 to index
    %get3A_1886 = arith.constant 80 : index
    %get3A_1887 = tpu.vector_load %arg5[%get3A_1885, %get3A_1886] {strides = array<i32>} : memref<50x128xi32, #tpu.memory_space<vmem>>, vector<16xi32>,
    %min3A_1888 = arith.minsi %min3A_1883, %get3A_1887 : vector<16xi32>
    %get3A_1889 = arith.constant 27 : i32
    %get3A_1890 = arith.index_cast %get3A_1889 : i32 to index
    %get3A_1891 = arith.constant 96 : index
    %get3A_1892 = tpu.vector_load %arg5[%get3A_1890, %get3A_1891] {strides = array<i32>} : memref<50x128xi32, #tpu.memory_space<vmem>>, vector<16xi32>,
    %min3A_1893 = arith.minsi %min3A_1888, %get3A_1892 : vector<16xi32>
    %get3A_1894 = arith.constant 27 : i32
    %get3A_1895 = arith.index_cast %get3A_1894 : i32 to index
    %get3A_1896 = arith.constant 112 : index
    %get3A_1897 = tpu.vector_load %arg5[%get3A_1895, %get3A_1896] {strides = array<i32>} : memref<50x128xi32, #tpu.memory_space<vmem>>, vector<16xi32>,
    %min3A_1898 = arith.minsi %min3A_1893, %get3A_1897 : vector<16xi32>
    %get3A_1899 = arith.constant 28 : i32
    %get3A_1900 = arith.index_cast %get3A_1899 : i32 to index
    %get3A_1901 = arith.constant 0 : index
    %get3A_1902 = tpu.vector_load %arg5[%get3A_1900, %get3A_1901] {strides = array<i32>} : memref<50x128xi32, #tpu.memory_space<vmem>>, vector<16xi32>,
    %min3A_1903 = arith.minsi %min3A_1898, %get3A_1902 : vector<16xi32>
    %get3A_1904 = arith.constant 28 : i32
    %get3A_1905 = arith.index_cast %get3A_1904 : i32 to index
    %get3A_1906 = arith.constant 16 : index
    %get3A_1907 = tpu.vector_load %arg5[%get3A_1905, %get3A_1906] {strides = array<i32>} : memref<50x128xi32, #tpu.memory_space<vmem>>, vector<16xi32>,
    %min3A_1908 = arith.minsi %min3A_1903, %get3A_1907 : vector<16xi32>
    %get3A_1909 = arith.constant 28 : i32
    %get3A_1910 = arith.index_cast %get3A_1909 : i32 to index
    %get3A_1911 = arith.constant 32 : index
    %get3A_1912 = tpu.vector_load %arg5[%get3A_1910, %get3A_1911] {strides = array<i32>} : memref<50x128xi32, #tpu.memory_space<vmem>>, vector<16xi32>,
    %min3A_1913 = arith.minsi %min3A_1908, %get3A_1912 : vector<16xi32>
    %get3A_1914 = arith.constant 28 : i32
    %get3A_1915 = arith.index_cast %get3A_1914 : i32 to index
    %get3A_1916 = arith.constant 48 : index
    %get3A_1917 = tpu.vector_load %arg5[%get3A_1915, %get3A_1916] {strides = array<i32>} : memref<50x128xi32, #tpu.memory_space<vmem>>, vector<16xi32>,
    %min3A_1918 = arith.minsi %min3A_1913, %get3A_1917 : vector<16xi32>
    %get3A_1919 = arith.constant 28 : i32
    %get3A_1920 = arith.index_cast %get3A_1919 : i32 to index
    %get3A_1921 = arith.constant 64 : index
    %get3A_1922 = tpu.vector_load %arg5[%get3A_1920, %get3A_1921] {strides = array<i32>} : memref<50x128xi32, #tpu.memory_space<vmem>>, vector<16xi32>,
    %min3A_1923 = arith.minsi %min3A_1918, %get3A_1922 : vector<16xi32>
    %get3A_1924 = arith.constant 28 : i32
    %get3A_1925 = arith.index_cast %get3A_1924 : i32 to index
    %get3A_1926 = arith.constant 80 : index
    %get3A_1927 = tpu.vector_load %arg5[%get3A_1925, %get3A_1926] {strides = array<i32>} : memref<50x128xi32, #tpu.memory_space<vmem>>, vector<16xi32>,
    %min3A_1928 = arith.minsi %min3A_1923, %get3A_1927 : vector<16xi32>
    %get3A_1929 = arith.constant 28 : i32
    %get3A_1930 = arith.index_cast %get3A_1929 : i32 to index
    %get3A_1931 = arith.constant 96 : index
    %get3A_1932 = tpu.vector_load %arg5[%get3A_1930, %get3A_1931] {strides = array<i32>} : memref<50x128xi32, #tpu.memory_space<vmem>>, vector<16xi32>,
    %min3A_1933 = arith.minsi %min3A_1928, %get3A_1932 : vector<16xi32>
    %get3A_1934 = arith.constant 28 : i32
    %get3A_1935 = arith.index_cast %get3A_1934 : i32 to index
    %get3A_1936 = arith.constant 112 : index
    %get3A_1937 = tpu.vector_load %arg5[%get3A_1935, %get3A_1936] {strides = array<i32>} : memref<50x128xi32, #tpu.memory_space<vmem>>, vector<16xi32>,
    %min3A_1938 = arith.minsi %min3A_1933, %get3A_1937 : vector<16xi32>
    %get3A_1939 = arith.constant 29 : i32
    %get3A_1940 = arith.index_cast %get3A_1939 : i32 to index
    %get3A_1941 = arith.constant 0 : index
    %get3A_1942 = tpu.vector_load %arg5[%get3A_1940, %get3A_1941] {strides = array<i32>} : memref<50x128xi32, #tpu.memory_space<vmem>>, vector<16xi32>,
    %min3A_1943 = arith.minsi %min3A_1938, %get3A_1942 : vector<16xi32>
    %get3A_1944 = arith.constant 29 : i32
    %get3A_1945 = arith.index_cast %get3A_1944 : i32 to index
    %get3A_1946 = arith.constant 16 : index
    %get3A_1947 = tpu.vector_load %arg5[%get3A_1945, %get3A_1946] {strides = array<i32>} : memref<50x128xi32, #tpu.memory_space<vmem>>, vector<16xi32>,
    %min3A_1948 = arith.minsi %min3A_1943, %get3A_1947 : vector<16xi32>
    %get3A_1949 = arith.constant 29 : i32
    %get3A_1950 = arith.index_cast %get3A_1949 : i32 to index
    %get3A_1951 = arith.constant 32 : index
    %get3A_1952 = tpu.vector_load %arg5[%get3A_1950, %get3A_1951] {strides = array<i32>} : memref<50x128xi32, #tpu.memory_space<vmem>>, vector<16xi32>,
    %min3A_1953 = arith.minsi %min3A_1948, %get3A_1952 : vector<16xi32>
    %get3A_1954 = arith.constant 29 : i32
    %get3A_1955 = arith.index_cast %get3A_1954 : i32 to index
    %get3A_1956 = arith.constant 48 : index
    %get3A_1957 = tpu.vector_load %arg5[%get3A_1955, %get3A_1956] {strides = array<i32>} : memref<50x128xi32, #tpu.memory_space<vmem>>, vector<16xi32>,
    %min3A_1958 = arith.minsi %min3A_1953, %get3A_1957 : vector<16xi32>
    %get3A_1959 = arith.constant 29 : i32
    %get3A_1960 = arith.index_cast %get3A_1959 : i32 to index
    %get3A_1961 = arith.constant 64 : index
    %get3A_1962 = tpu.vector_load %arg5[%get3A_1960, %get3A_1961] {strides = array<i32>} : memref<50x128xi32, #tpu.memory_space<vmem>>, vector<16xi32>,
    %min3A_1963 = arith.minsi %min3A_1958, %get3A_1962 : vector<16xi32>
    %get3A_1964 = arith.constant 29 : i32
    %get3A_1965 = arith.index_cast %get3A_1964 : i32 to index
    %get3A_1966 = arith.constant 80 : index
    %get3A_1967 = tpu.vector_load %arg5[%get3A_1965, %get3A_1966] {strides = array<i32>} : memref<50x128xi32, #tpu.memory_space<vmem>>, vector<16xi32>,
    %min3A_1968 = arith.minsi %min3A_1963, %get3A_1967 : vector<16xi32>
    %get3A_1969 = arith.constant 29 : i32
    %get3A_1970 = arith.index_cast %get3A_1969 : i32 to index
    %get3A_1971 = arith.constant 96 : index
    %get3A_1972 = tpu.vector_load %arg5[%get3A_1970, %get3A_1971] {strides = array<i32>} : memref<50x128xi32, #tpu.memory_space<vmem>>, vector<16xi32>,
    %min3A_1973 = arith.minsi %min3A_1968, %get3A_1972 : vector<16xi32>
    %get3A_1974 = arith.constant 29 : i32
    %get3A_1975 = arith.index_cast %get3A_1974 : i32 to index
    %get3A_1976 = arith.constant 112 : index
    %get3A_1977 = tpu.vector_load %arg5[%get3A_1975, %get3A_1976] {strides = array<i32>} : memref<50x128xi32, #tpu.memory_space<vmem>>, vector<16xi32>,
    %min3A_1978 = arith.minsi %min3A_1973, %get3A_1977 : vector<16xi32>
    %eq3A_1979 = arith.constant 0 : i32
    %eq3A_1980 = vector.broadcast %eq3A_1979 : i32 to vector<16xi32>
    %eq3A_1981 = arith.cmpi eq, %min3A_1978, %eq3A_1980 : vector<16xi32>
    %all_reduce_population_count3A_1982 = tpu.all_reduce %eq3A_1981 {dim = 0 : i64, kind = #tpu.reduction_kind<sum>} : vector<16xi1> -> vector<16xi32>
    %slice3A_1983 = vector.extract_strided_slice %all_reduce_population_count3A_1982 {offsets = [0], sizes = [1], strides = [1]} : vector<16xi32> to vector<1xi32>
    %squeeze3A_1984 = vector.extract %slice3A_1983[0] : i32 from vector<1xi32>
    %gt3A_1985 = arith.constant 0 : i32
    %gt3A_1986 = arith.cmpi sgt, %squeeze3A_1984, %gt3A_1985 : i32
    %convert_element_type3A_1987 = arith.extui %gt3A_1986 : i1 to i32
    %cond3A_1988 = arith.constant 0 : i32
    %cond3A_1989 = arith.cmpi ne, %convert_element_type3A_1987, %cond3A_1988 : i32
    scf.if %cond3A_1989 {
      %broadcast_in_dim3A = arith.constant 0.000000e+00 : f32
      %broadcast_in_dim3A_3270 = vector.broadcast %broadcast_in_dim3A : f32 to vector<16xf32>
      %scan3A = arith.constant 0 : i32
      %scan3A_3271 = arith.constant 0 : i32
      %scan3A_3272 = arith.constant 40 : i32
      %scan3A_3273 = arith.addi %scan3A_3271, %scan3A_3272 : i32
      %scan3A_3274 = arith.constant 1 : i32
      scf.for %scan3A_3276 = %scan3A_3271 to %scan3A_3273 step %scan3A_3274  : i32 {
        %jit3A = arith.constant 8 : i32
        %div3A = arith.divsi %scan3A_3276, %jit3A : i32
        %sign3A = arith.constant 0 : i32
        %sign3A_3277 = arith.cmpi sgt, %scan3A_3276, %sign3A : i32
        %sign3A_3278 = arith.extui %sign3A_3277 : i1 to i32
        %sign3A_3279 = arith.constant 0 : i32
        %sign3A_3280 = arith.cmpi slt, %scan3A_3276, %sign3A_3279 : i32
        %sign3A_3281 = arith.extui %sign3A_3280 : i1 to i32
        %sign3A_3282 = arith.subi %sign3A_3278, %sign3A_3281 : i32
        %sign3A_3283 = arith.constant 0 : i32
        %sign3A_3284 = arith.cmpi sgt, %jit3A, %sign3A_3283 : i32
        %sign3A_3285 = arith.extui %sign3A_3284 : i1 to i32
        %sign3A_3286 = arith.constant 0 : i32
        %sign3A_3287 = arith.cmpi slt, %jit3A, %sign3A_3286 : i32
        %sign3A_3288 = arith.extui %sign3A_3287 : i1 to i32
        %sign3A_3289 = arith.subi %sign3A_3285, %sign3A_3288 : i32
        %ne3A = arith.cmpi ne, %sign3A_3282, %sign3A_3289 : i32
        %rem3A = arith.remsi %scan3A_3276, %jit3A : i32
        %ne3A_3290 = arith.constant 0 : i32
        %ne3A_3291 = arith.cmpi ne, %rem3A, %ne3A_3290 : i32
        %and3A = arith.andi %ne3A, %ne3A_3291 : i1
        %sub3A = arith.constant 1 : i32
        %sub3A_3292 = arith.subi %div3A, %sub3A : i32
        %select_n3A = arith.select %and3A, %sub3A_3292, %div3A : i32
        %add3A_3293 = arith.constant 25 : i32
        %add3A_3294 = arith.addi %add3A_3293, %select_n3A : i32
        %jit3A_3295 = arith.constant 8 : i32
        %eq3A_3296 = arith.constant 0 : i32
        %eq3A_3297 = arith.cmpi eq, %jit3A_3295, %eq3A_3296 : i32
        %jit3A_3298 = arith.constant 1 : i32
        %select_n3A_3299 = arith.select %eq3A_3297, %jit3A_3298, %jit3A_3295 : i32
        %rem3A_3300 = arith.remsi %scan3A_3276, %select_n3A_3299 : i32
        %ne3A_3301 = arith.constant 0 : i32
        %ne3A_3302 = arith.cmpi ne, %rem3A_3300, %ne3A_3301 : i32
        %lt3A = arith.constant 0 : i32
        %lt3A_3303 = arith.cmpi slt, %rem3A_3300, %lt3A : i32
        %lt3A_3304 = arith.constant 0 : i32
        %lt3A_3305 = arith.cmpi slt, %select_n3A_3299, %lt3A_3304 : i32
        %ne3A_3306 = arith.xori %lt3A_3303, %lt3A_3305 : i1
        %and3A_3307 = arith.andi %ne3A_3306, %ne3A_3302 : i1
        %add3A_3308 = arith.addi %rem3A_3300, %select_n3A_3299 : i32
        %select_n3A_3309 = arith.select %and3A_3307, %add3A_3308, %rem3A_3300 : i32
        %mul3A_3310 = arith.constant 16 : i32
        %mul3A_3311 = arith.muli %select_n3A_3309, %mul3A_3310 : i32
        %get3A_3312 = arith.index_cast %add3A_3294 : i32 to index
        %get3A_3313 = arith.index_cast %mul3A_3311 : i32 to index
        %get3A_3314 = tpu.vector_load %arg5[%get3A_3312, %get3A_3313] {strides = array<i32>} : memref<50x128xi32, #tpu.memory_space<vmem>>, vector<16xi32>,
        %eq3A_3315 = arith.constant 0 : i32
        %eq3A_3316 = vector.broadcast %eq3A_3315 : i32 to vector<16xi32>
        %eq3A_3317 = arith.cmpi eq, %get3A_3314, %eq3A_3316 : vector<16xi32>
        %all_reduce_population_count3A_3318 = tpu.all_reduce %eq3A_3317 {dim = 0 : i64, kind = #tpu.reduction_kind<sum>} : vector<16xi1> -> vector<16xi32>
        %slice3A_3319 = vector.extract_strided_slice %all_reduce_population_count3A_3318 {offsets = [0], sizes = [1], strides = [1]} : vector<16xi32> to vector<1xi32>
        %squeeze3A_3320 = vector.extract %slice3A_3319[0] : i32 from vector<1xi32>
        %gt3A_3321 = arith.constant 0 : i32
        %gt3A_3322 = arith.cmpi sgt, %squeeze3A_3320, %gt3A_3321 : i32
        %convert_element_type3A_3323 = arith.extui %gt3A_3322 : i1 to i32
        %cond3A_3324 = arith.constant 0 : i32
        %cond3A_3325 = arith.cmpi ne, %convert_element_type3A_3323, %cond3A_3324 : i32
        scf.if %cond3A_3325 {
          %mul3A_3326 = arith.constant 16 : i32
          %mul3A_3327 = arith.muli %scan3A_3276, %mul3A_3326 : i32
          %iota3A = tpu.iota {dimensions = array<i32: 0>} : vector<16xi32>
          %add3A_3328 = vector.broadcast %mul3A_3327 : i32 to vector<16xi32>
          %add3A_3329 = arith.addi %add3A_3328, %iota3A : vector<16xi32>
          %scan3A_3330 = arith.constant 0 : i32
          %scan3A_3331 = arith.constant 0 : i32
          %scan3A_3332 = arith.constant 64 : i32
          %scan3A_3333 = arith.addi %scan3A_3331, %scan3A_3332 : i32
          %scan3A_3334 = arith.constant 1 : i32
          scf.for %scan3A_3336 = %scan3A_3331 to %scan3A_3333 step %scan3A_3334  : i32 {
            %broadcast_in_dim3A_3337 = vector.broadcast %scan3A_3336 : i32 to vector<16xi32>
            tpu.vector_store_idx %arg7[%add3A_3329, %broadcast_in_dim3A_3337], %broadcast_in_dim3A_3270 masked %eq3A_3317 : memref<640x64xf32, #tpu.memory_space<vmem>>[vector<16xi32>, vector<16xi32>], vector<16xf32>, vector<16xi1>
          }
          %scan3A_3335 = arith.constant 64 : i32
        } else {
        }
      }
      %scan3A_3275 = arith.constant 40 : i32
    } else {
    }
    %dma_start3A_1990 = arith.constant 5 : i32
    %dma_start3A_1991 = arith.constant 0 : i32
    %dma_start3A_1992 = arith.constant 0 : i32
    %dma_start3A_1993 = tpu.memref_slice %arg4[%add3A, %dma_start3A_1990, %dma_start3A_1991, %dma_start3A_1992] : memref<32x10x640x64xf32, #tpu.memory_space<hbm>> -> memref<1x1x640x64xf32, #tpu.memory_space<hbm>>
    %dma_start3A_1994 = tpu.memref_squeeze %dma_start3A_1993 : memref<1x1x640x64xf32, #tpu.memory_space<hbm>> -> memref<640x64xf32, #tpu.memory_space<hbm>>
    %dma_start3A_1995 = arith.constant 0 : i32
    %dma_start3A_1996 = arith.constant 0 : i32
    %dma_start3A_1997 = tpu.memref_slice %arg4[%add3A, %dma_start3A_1990, %dma_start3A_1995, %dma_start3A_1996] : memref<32x10x640x64xf32, #tpu.memory_space<hbm>> -> memref<1x1x640x64xf32, #tpu.memory_space<hbm>>
    %dma_start3A_1998 = tpu.memref_squeeze %dma_start3A_1997 : memref<1x1x640x64xf32, #tpu.memory_space<hbm>> -> memref<640x64xf32, #tpu.memory_space<hbm>>
    tpu.enqueue_dma source(%arg7 : memref<640x64xf32, #tpu.memory_space<vmem>>) target(%dma_start3A_1998 : memref<640x64xf32, #tpu.memory_space<hbm>>) target_semaphore(%arg10 : memref<!tpu.dma_semaphore, #tpu.memory_space<semaphore_mem>>)
    %dma_wait3A_1999 = arith.constant 5 : i32
    %dma_wait3A_2000 = arith.constant 0 : i32
    %dma_wait3A_2001 = arith.constant 0 : i32
    %dma_wait3A_2002 = tpu.memref_slice %arg4[%add3A, %dma_wait3A_1999, %dma_wait3A_2000, %dma_wait3A_2001] : memref<32x10x640x64xf32, #tpu.memory_space<hbm>> -> memref<1x1x640x64xf32, #tpu.memory_space<hbm>>
    %dma_wait3A_2003 = tpu.memref_squeeze %dma_wait3A_2002 : memref<1x1x640x64xf32, #tpu.memory_space<hbm>> -> memref<640x64xf32, #tpu.memory_space<hbm>>
    %dma_wait3A_2004 = arith.constant 0 : i32
    %dma_wait3A_2005 = arith.constant 0 : i32
    %dma_wait3A_2006 = tpu.memref_slice %arg4[%add3A, %dma_wait3A_1999, %dma_wait3A_2004, %dma_wait3A_2005] : memref<32x10x640x64xf32, #tpu.memory_space<hbm>> -> memref<1x1x640x64xf32, #tpu.memory_space<hbm>>
    %dma_wait3A_2007 = tpu.memref_squeeze %dma_wait3A_2006 : memref<1x1x640x64xf32, #tpu.memory_space<hbm>> -> memref<640x64xf32, #tpu.memory_space<hbm>>
    tpu.wait_dma2 semaphore(%arg10 : memref<!tpu.dma_semaphore, #tpu.memory_space<semaphore_mem>>) src(%arg7 : memref<640x64xf32, #tpu.memory_space<vmem>>) dst(%dma_wait3A_2007 : memref<640x64xf32, #tpu.memory_space<hbm>>)
    %dma_start3A_2008 = arith.constant 35 : i32
    %dma_start3A_2009 = arith.constant 0 : i32
    %dma_start3A_2010 = arith.constant 0 : i32
    %dma_start3A_2011 = tpu.memref_slice %arg7[%dma_start3A_2009, %dma_start3A_2010] : memref<640x64xf32, #tpu.memory_space<vmem>> -> memref<128x64xf32, #tpu.memory_space<vmem>>
    %dma_start3A_2012 = arith.constant 0 : i32
    %dma_start3A_2013 = tpu.memref_slice %arg5[%dma_start3A_2008, %dma_start3A_2012] : memref<50x128xi32, #tpu.memory_space<vmem>> -> memref<1x128xi32, #tpu.memory_space<vmem>>
    %dma_start3A_2014 = tpu.memref_squeeze %dma_start3A_2013 : memref<1x128xi32, #tpu.memory_space<vmem>> -> memref<128xi32, #tpu.memory_space<vmem>>
    %dma_start3A_2015 = arith.constant 0 : i32
    %dma_start3A_2016 = arith.constant 0 : i32
    %dma_start3A_2017 = tpu.memref_slice %arg3[%dma_start3A_2015, %dma_start3A_2016] : memref<1000000x64xf32, #tpu.memory_space<hbm>> -> memref<1000000x64xf32, #tpu.memory_space<hbm>>
    tpu.enqueue_indirect_dma source(%dma_start3A_2017 : memref<1000000x64xf32, #tpu.memory_space<hbm>>) target(%dma_start3A_2011 : memref<128x64xf32, #tpu.memory_space<vmem>>) offsets(%dma_start3A_2014 : memref<128xi32, #tpu.memory_space<vmem>>) semaphore(%arg9 : memref<!tpu.dma_semaphore, #tpu.memory_space<semaphore_mem>>)
    %dma_start3A_2018 = arith.constant 36 : i32
    %dma_start3A_2019 = arith.constant 128 : i32
    %dma_start3A_2020 = arith.constant 0 : i32
    %dma_start3A_2021 = tpu.memref_slice %arg7[%dma_start3A_2019, %dma_start3A_2020] : memref<640x64xf32, #tpu.memory_space<vmem>> -> memref<128x64xf32, #tpu.memory_space<vmem>>
    %dma_start3A_2022 = arith.constant 0 : i32
    %dma_start3A_2023 = tpu.memref_slice %arg5[%dma_start3A_2018, %dma_start3A_2022] : memref<50x128xi32, #tpu.memory_space<vmem>> -> memref<1x128xi32, #tpu.memory_space<vmem>>
    %dma_start3A_2024 = tpu.memref_squeeze %dma_start3A_2023 : memref<1x128xi32, #tpu.memory_space<vmem>> -> memref<128xi32, #tpu.memory_space<vmem>>
    %dma_start3A_2025 = arith.constant 0 : i32
    %dma_start3A_2026 = arith.constant 0 : i32
    %dma_start3A_2027 = tpu.memref_slice %arg3[%dma_start3A_2025, %dma_start3A_2026] : memref<1000000x64xf32, #tpu.memory_space<hbm>> -> memref<1000000x64xf32, #tpu.memory_space<hbm>>
    tpu.enqueue_indirect_dma source(%dma_start3A_2027 : memref<1000000x64xf32, #tpu.memory_space<hbm>>) target(%dma_start3A_2021 : memref<128x64xf32, #tpu.memory_space<vmem>>) offsets(%dma_start3A_2024 : memref<128xi32, #tpu.memory_space<vmem>>) semaphore(%arg9 : memref<!tpu.dma_semaphore, #tpu.memory_space<semaphore_mem>>)
    %dma_start3A_2028 = arith.constant 37 : i32
    %dma_start3A_2029 = arith.constant 256 : i32
    %dma_start3A_2030 = arith.constant 0 : i32
    %dma_start3A_2031 = tpu.memref_slice %arg7[%dma_start3A_2029, %dma_start3A_2030] : memref<640x64xf32, #tpu.memory_space<vmem>> -> memref<128x64xf32, #tpu.memory_space<vmem>>
    %dma_start3A_2032 = arith.constant 0 : i32
    %dma_start3A_2033 = tpu.memref_slice %arg5[%dma_start3A_2028, %dma_start3A_2032] : memref<50x128xi32, #tpu.memory_space<vmem>> -> memref<1x128xi32, #tpu.memory_space<vmem>>
    %dma_start3A_2034 = tpu.memref_squeeze %dma_start3A_2033 : memref<1x128xi32, #tpu.memory_space<vmem>> -> memref<128xi32, #tpu.memory_space<vmem>>
    %dma_start3A_2035 = arith.constant 0 : i32
    %dma_start3A_2036 = arith.constant 0 : i32
    %dma_start3A_2037 = tpu.memref_slice %arg3[%dma_start3A_2035, %dma_start3A_2036] : memref<1000000x64xf32, #tpu.memory_space<hbm>> -> memref<1000000x64xf32, #tpu.memory_space<hbm>>
    tpu.enqueue_indirect_dma source(%dma_start3A_2037 : memref<1000000x64xf32, #tpu.memory_space<hbm>>) target(%dma_start3A_2031 : memref<128x64xf32, #tpu.memory_space<vmem>>) offsets(%dma_start3A_2034 : memref<128xi32, #tpu.memory_space<vmem>>) semaphore(%arg9 : memref<!tpu.dma_semaphore, #tpu.memory_space<semaphore_mem>>)
    %dma_start3A_2038 = arith.constant 38 : i32
    %dma_start3A_2039 = arith.constant 384 : i32
    %dma_start3A_2040 = arith.constant 0 : i32
    %dma_start3A_2041 = tpu.memref_slice %arg7[%dma_start3A_2039, %dma_start3A_2040] : memref<640x64xf32, #tpu.memory_space<vmem>> -> memref<128x64xf32, #tpu.memory_space<vmem>>
    %dma_start3A_2042 = arith.constant 0 : i32
    %dma_start3A_2043 = tpu.memref_slice %arg5[%dma_start3A_2038, %dma_start3A_2042] : memref<50x128xi32, #tpu.memory_space<vmem>> -> memref<1x128xi32, #tpu.memory_space<vmem>>
    %dma_start3A_2044 = tpu.memref_squeeze %dma_start3A_2043 : memref<1x128xi32, #tpu.memory_space<vmem>> -> memref<128xi32, #tpu.memory_space<vmem>>
    %dma_start3A_2045 = arith.constant 0 : i32
    %dma_start3A_2046 = arith.constant 0 : i32
    %dma_start3A_2047 = tpu.memref_slice %arg3[%dma_start3A_2045, %dma_start3A_2046] : memref<1000000x64xf32, #tpu.memory_space<hbm>> -> memref<1000000x64xf32, #tpu.memory_space<hbm>>
    tpu.enqueue_indirect_dma source(%dma_start3A_2047 : memref<1000000x64xf32, #tpu.memory_space<hbm>>) target(%dma_start3A_2041 : memref<128x64xf32, #tpu.memory_space<vmem>>) offsets(%dma_start3A_2044 : memref<128xi32, #tpu.memory_space<vmem>>) semaphore(%arg9 : memref<!tpu.dma_semaphore, #tpu.memory_space<semaphore_mem>>)
    %dma_start3A_2048 = arith.constant 39 : i32
    %dma_start3A_2049 = arith.constant 512 : i32
    %dma_start3A_2050 = arith.constant 0 : i32
    %dma_start3A_2051 = tpu.memref_slice %arg7[%dma_start3A_2049, %dma_start3A_2050] : memref<640x64xf32, #tpu.memory_space<vmem>> -> memref<128x64xf32, #tpu.memory_space<vmem>>
    %dma_start3A_2052 = arith.constant 0 : i32
    %dma_start3A_2053 = tpu.memref_slice %arg5[%dma_start3A_2048, %dma_start3A_2052] : memref<50x128xi32, #tpu.memory_space<vmem>> -> memref<1x128xi32, #tpu.memory_space<vmem>>
    %dma_start3A_2054 = tpu.memref_squeeze %dma_start3A_2053 : memref<1x128xi32, #tpu.memory_space<vmem>> -> memref<128xi32, #tpu.memory_space<vmem>>
    %dma_start3A_2055 = arith.constant 0 : i32
    %dma_start3A_2056 = arith.constant 0 : i32
    %dma_start3A_2057 = tpu.memref_slice %arg3[%dma_start3A_2055, %dma_start3A_2056] : memref<1000000x64xf32, #tpu.memory_space<hbm>> -> memref<1000000x64xf32, #tpu.memory_space<hbm>>
    tpu.enqueue_indirect_dma source(%dma_start3A_2057 : memref<1000000x64xf32, #tpu.memory_space<hbm>>) target(%dma_start3A_2051 : memref<128x64xf32, #tpu.memory_space<vmem>>) offsets(%dma_start3A_2054 : memref<128xi32, #tpu.memory_space<vmem>>) semaphore(%arg9 : memref<!tpu.dma_semaphore, #tpu.memory_space<semaphore_mem>>)
    %dma_wait3A_2058 = arith.constant 30 : i32
    %dma_wait3A_2059 = arith.constant 0 : i32
    %dma_wait3A_2060 = arith.constant 0 : i32
    %dma_wait3A_2061 = tpu.memref_slice %arg6[%dma_wait3A_2059, %dma_wait3A_2060] : memref<640x64xf32, #tpu.memory_space<vmem>> -> memref<128x64xf32, #tpu.memory_space<vmem>>
    %dma_wait3A_2062 = arith.constant 0 : i32
    %dma_wait3A_2063 = tpu.memref_slice %arg5[%dma_wait3A_2058, %dma_wait3A_2062] : memref<50x128xi32, #tpu.memory_space<vmem>> -> memref<1x128xi32, #tpu.memory_space<vmem>>
    %dma_wait3A_2064 = tpu.memref_squeeze %dma_wait3A_2063 : memref<1x128xi32, #tpu.memory_space<vmem>> -> memref<128xi32, #tpu.memory_space<vmem>>
    %dma_wait3A_2065 = arith.constant 0 : i32
    %dma_wait3A_2066 = arith.constant 0 : i32
    %dma_wait3A_2067 = tpu.memref_slice %arg3[%dma_wait3A_2065, %dma_wait3A_2066] : memref<1000000x64xf32, #tpu.memory_space<hbm>> -> memref<1000000x64xf32, #tpu.memory_space<hbm>>
    tpu.wait_indirect_dma semaphore(%arg8 : memref<!tpu.dma_semaphore, #tpu.memory_space<semaphore_mem>>) src(%dma_wait3A_2067 : memref<1000000x64xf32, #tpu.memory_space<hbm>>) dst(%dma_wait3A_2061 : memref<128x64xf32, #tpu.memory_space<vmem>>)
    %dma_wait3A_2068 = arith.constant 31 : i32
    %dma_wait3A_2069 = arith.constant 128 : i32
    %dma_wait3A_2070 = arith.constant 0 : i32
    %dma_wait3A_2071 = tpu.memref_slice %arg6[%dma_wait3A_2069, %dma_wait3A_2070] : memref<640x64xf32, #tpu.memory_space<vmem>> -> memref<128x64xf32, #tpu.memory_space<vmem>>
    %dma_wait3A_2072 = arith.constant 0 : i32
    %dma_wait3A_2073 = tpu.memref_slice %arg5[%dma_wait3A_2068, %dma_wait3A_2072] : memref<50x128xi32, #tpu.memory_space<vmem>> -> memref<1x128xi32, #tpu.memory_space<vmem>>
    %dma_wait3A_2074 = tpu.memref_squeeze %dma_wait3A_2073 : memref<1x128xi32, #tpu.memory_space<vmem>> -> memref<128xi32, #tpu.memory_space<vmem>>
    %dma_wait3A_2075 = arith.constant 0 : i32
    %dma_wait3A_2076 = arith.constant 0 : i32
    %dma_wait3A_2077 = tpu.memref_slice %arg3[%dma_wait3A_2075, %dma_wait3A_2076] : memref<1000000x64xf32, #tpu.memory_space<hbm>> -> memref<1000000x64xf32, #tpu.memory_space<hbm>>
    tpu.wait_indirect_dma semaphore(%arg8 : memref<!tpu.dma_semaphore, #tpu.memory_space<semaphore_mem>>) src(%dma_wait3A_2077 : memref<1000000x64xf32, #tpu.memory_space<hbm>>) dst(%dma_wait3A_2071 : memref<128x64xf32, #tpu.memory_space<vmem>>)
    %dma_wait3A_2078 = arith.constant 32 : i32
    %dma_wait3A_2079 = arith.constant 256 : i32
    %dma_wait3A_2080 = arith.constant 0 : i32
    %dma_wait3A_2081 = tpu.memref_slice %arg6[%dma_wait3A_2079, %dma_wait3A_2080] : memref<640x64xf32, #tpu.memory_space<vmem>> -> memref<128x64xf32, #tpu.memory_space<vmem>>
    %dma_wait3A_2082 = arith.constant 0 : i32
    %dma_wait3A_2083 = tpu.memref_slice %arg5[%dma_wait3A_2078, %dma_wait3A_2082] : memref<50x128xi32, #tpu.memory_space<vmem>> -> memref<1x128xi32, #tpu.memory_space<vmem>>
    %dma_wait3A_2084 = tpu.memref_squeeze %dma_wait3A_2083 : memref<1x128xi32, #tpu.memory_space<vmem>> -> memref<128xi32, #tpu.memory_space<vmem>>
    %dma_wait3A_2085 = arith.constant 0 : i32
    %dma_wait3A_2086 = arith.constant 0 : i32
    %dma_wait3A_2087 = tpu.memref_slice %arg3[%dma_wait3A_2085, %dma_wait3A_2086] : memref<1000000x64xf32, #tpu.memory_space<hbm>> -> memref<1000000x64xf32, #tpu.memory_space<hbm>>
    tpu.wait_indirect_dma semaphore(%arg8 : memref<!tpu.dma_semaphore, #tpu.memory_space<semaphore_mem>>) src(%dma_wait3A_2087 : memref<1000000x64xf32, #tpu.memory_space<hbm>>) dst(%dma_wait3A_2081 : memref<128x64xf32, #tpu.memory_space<vmem>>)
    %dma_wait3A_2088 = arith.constant 33 : i32
    %dma_wait3A_2089 = arith.constant 384 : i32
    %dma_wait3A_2090 = arith.constant 0 : i32
    %dma_wait3A_2091 = tpu.memref_slice %arg6[%dma_wait3A_2089, %dma_wait3A_2090] : memref<640x64xf32, #tpu.memory_space<vmem>> -> memref<128x64xf32, #tpu.memory_space<vmem>>
    %dma_wait3A_2092 = arith.constant 0 : i32
    %dma_wait3A_2093 = tpu.memref_slice %arg5[%dma_wait3A_2088, %dma_wait3A_2092] : memref<50x128xi32, #tpu.memory_space<vmem>> -> memref<1x128xi32, #tpu.memory_space<vmem>>
    %dma_wait3A_2094 = tpu.memref_squeeze %dma_wait3A_2093 : memref<1x128xi32, #tpu.memory_space<vmem>> -> memref<128xi32, #tpu.memory_space<vmem>>
    %dma_wait3A_2095 = arith.constant 0 : i32
    %dma_wait3A_2096 = arith.constant 0 : i32
    %dma_wait3A_2097 = tpu.memref_slice %arg3[%dma_wait3A_2095, %dma_wait3A_2096] : memref<1000000x64xf32, #tpu.memory_space<hbm>> -> memref<1000000x64xf32, #tpu.memory_space<hbm>>
    tpu.wait_indirect_dma semaphore(%arg8 : memref<!tpu.dma_semaphore, #tpu.memory_space<semaphore_mem>>) src(%dma_wait3A_2097 : memref<1000000x64xf32, #tpu.memory_space<hbm>>) dst(%dma_wait3A_2091 : memref<128x64xf32, #tpu.memory_space<vmem>>)
    %dma_wait3A_2098 = arith.constant 34 : i32
    %dma_wait3A_2099 = arith.constant 512 : i32
    %dma_wait3A_2100 = arith.constant 0 : i32
    %dma_wait3A_2101 = tpu.memref_slice %arg6[%dma_wait3A_2099, %dma_wait3A_2100] : memref<640x64xf32, #tpu.memory_space<vmem>> -> memref<128x64xf32, #tpu.memory_space<vmem>>
    %dma_wait3A_2102 = arith.constant 0 : i32
    %dma_wait3A_2103 = tpu.memref_slice %arg5[%dma_wait3A_2098, %dma_wait3A_2102] : memref<50x128xi32, #tpu.memory_space<vmem>> -> memref<1x128xi32, #tpu.memory_space<vmem>>
    %dma_wait3A_2104 = tpu.memref_squeeze %dma_wait3A_2103 : memref<1x128xi32, #tpu.memory_space<vmem>> -> memref<128xi32, #tpu.memory_space<vmem>>
    %dma_wait3A_2105 = arith.constant 0 : i32
    %dma_wait3A_2106 = arith.constant 0 : i32
    %dma_wait3A_2107 = tpu.memref_slice %arg3[%dma_wait3A_2105, %dma_wait3A_2106] : memref<1000000x64xf32, #tpu.memory_space<hbm>> -> memref<1000000x64xf32, #tpu.memory_space<hbm>>
    tpu.wait_indirect_dma semaphore(%arg8 : memref<!tpu.dma_semaphore, #tpu.memory_space<semaphore_mem>>) src(%dma_wait3A_2107 : memref<1000000x64xf32, #tpu.memory_space<hbm>>) dst(%dma_wait3A_2101 : memref<128x64xf32, #tpu.memory_space<vmem>>)
    %get3A_2108 = arith.constant 30 : i32
    %get3A_2109 = arith.index_cast %get3A_2108 : i32 to index
    %get3A_2110 = arith.constant 0 : index
    %get3A_2111 = tpu.vector_load %arg5[%get3A_2109, %get3A_2110] {strides = array<i32>} : memref<50x128xi32, #tpu.memory_space<vmem>>, vector<16xi32>,
    %get3A_2112 = arith.constant 30 : i32
    %get3A_2113 = arith.index_cast %get3A_2112 : i32 to index
    %get3A_2114 = arith.constant 16 : index
    %get3A_2115 = tpu.vector_load %arg5[%get3A_2113, %get3A_2114] {strides = array<i32>} : memref<50x128xi32, #tpu.memory_space<vmem>>, vector<16xi32>,
    %min3A_2116 = arith.minsi %get3A_2111, %get3A_2115 : vector<16xi32>
    %get3A_2117 = arith.constant 30 : i32
    %get3A_2118 = arith.index_cast %get3A_2117 : i32 to index
    %get3A_2119 = arith.constant 32 : index
    %get3A_2120 = tpu.vector_load %arg5[%get3A_2118, %get3A_2119] {strides = array<i32>} : memref<50x128xi32, #tpu.memory_space<vmem>>, vector<16xi32>,
    %min3A_2121 = arith.minsi %min3A_2116, %get3A_2120 : vector<16xi32>
    %get3A_2122 = arith.constant 30 : i32
    %get3A_2123 = arith.index_cast %get3A_2122 : i32 to index
    %get3A_2124 = arith.constant 48 : index
    %get3A_2125 = tpu.vector_load %arg5[%get3A_2123, %get3A_2124] {strides = array<i32>} : memref<50x128xi32, #tpu.memory_space<vmem>>, vector<16xi32>,
    %min3A_2126 = arith.minsi %min3A_2121, %get3A_2125 : vector<16xi32>
    %get3A_2127 = arith.constant 30 : i32
    %get3A_2128 = arith.index_cast %get3A_2127 : i32 to index
    %get3A_2129 = arith.constant 64 : index
    %get3A_2130 = tpu.vector_load %arg5[%get3A_2128, %get3A_2129] {strides = array<i32>} : memref<50x128xi32, #tpu.memory_space<vmem>>, vector<16xi32>,
    %min3A_2131 = arith.minsi %min3A_2126, %get3A_2130 : vector<16xi32>
    %get3A_2132 = arith.constant 30 : i32
    %get3A_2133 = arith.index_cast %get3A_2132 : i32 to index
    %get3A_2134 = arith.constant 80 : index
    %get3A_2135 = tpu.vector_load %arg5[%get3A_2133, %get3A_2134] {strides = array<i32>} : memref<50x128xi32, #tpu.memory_space<vmem>>, vector<16xi32>,
    %min3A_2136 = arith.minsi %min3A_2131, %get3A_2135 : vector<16xi32>
    %get3A_2137 = arith.constant 30 : i32
    %get3A_2138 = arith.index_cast %get3A_2137 : i32 to index
    %get3A_2139 = arith.constant 96 : index
    %get3A_2140 = tpu.vector_load %arg5[%get3A_2138, %get3A_2139] {strides = array<i32>} : memref<50x128xi32, #tpu.memory_space<vmem>>, vector<16xi32>,
    %min3A_2141 = arith.minsi %min3A_2136, %get3A_2140 : vector<16xi32>
    %get3A_2142 = arith.constant 30 : i32
    %get3A_2143 = arith.index_cast %get3A_2142 : i32 to index
    %get3A_2144 = arith.constant 112 : index
    %get3A_2145 = tpu.vector_load %arg5[%get3A_2143, %get3A_2144] {strides = array<i32>} : memref<50x128xi32, #tpu.memory_space<vmem>>, vector<16xi32>,
    %min3A_2146 = arith.minsi %min3A_2141, %get3A_2145 : vector<16xi32>
    %get3A_2147 = arith.constant 31 : i32
    %get3A_2148 = arith.index_cast %get3A_2147 : i32 to index
    %get3A_2149 = arith.constant 0 : index
    %get3A_2150 = tpu.vector_load %arg5[%get3A_2148, %get3A_2149] {strides = array<i32>} : memref<50x128xi32, #tpu.memory_space<vmem>>, vector<16xi32>,
    %min3A_2151 = arith.minsi %min3A_2146, %get3A_2150 : vector<16xi32>
    %get3A_2152 = arith.constant 31 : i32
    %get3A_2153 = arith.index_cast %get3A_2152 : i32 to index
    %get3A_2154 = arith.constant 16 : index
    %get3A_2155 = tpu.vector_load %arg5[%get3A_2153, %get3A_2154] {strides = array<i32>} : memref<50x128xi32, #tpu.memory_space<vmem>>, vector<16xi32>,
    %min3A_2156 = arith.minsi %min3A_2151, %get3A_2155 : vector<16xi32>
    %get3A_2157 = arith.constant 31 : i32
    %get3A_2158 = arith.index_cast %get3A_2157 : i32 to index
    %get3A_2159 = arith.constant 32 : index
    %get3A_2160 = tpu.vector_load %arg5[%get3A_2158, %get3A_2159] {strides = array<i32>} : memref<50x128xi32, #tpu.memory_space<vmem>>, vector<16xi32>,
    %min3A_2161 = arith.minsi %min3A_2156, %get3A_2160 : vector<16xi32>
    %get3A_2162 = arith.constant 31 : i32
    %get3A_2163 = arith.index_cast %get3A_2162 : i32 to index
    %get3A_2164 = arith.constant 48 : index
    %get3A_2165 = tpu.vector_load %arg5[%get3A_2163, %get3A_2164] {strides = array<i32>} : memref<50x128xi32, #tpu.memory_space<vmem>>, vector<16xi32>,
    %min3A_2166 = arith.minsi %min3A_2161, %get3A_2165 : vector<16xi32>
    %get3A_2167 = arith.constant 31 : i32
    %get3A_2168 = arith.index_cast %get3A_2167 : i32 to index
    %get3A_2169 = arith.constant 64 : index
    %get3A_2170 = tpu.vector_load %arg5[%get3A_2168, %get3A_2169] {strides = array<i32>} : memref<50x128xi32, #tpu.memory_space<vmem>>, vector<16xi32>,
    %min3A_2171 = arith.minsi %min3A_2166, %get3A_2170 : vector<16xi32>
    %get3A_2172 = arith.constant 31 : i32
    %get3A_2173 = arith.index_cast %get3A_2172 : i32 to index
    %get3A_2174 = arith.constant 80 : index
    %get3A_2175 = tpu.vector_load %arg5[%get3A_2173, %get3A_2174] {strides = array<i32>} : memref<50x128xi32, #tpu.memory_space<vmem>>, vector<16xi32>,
    %min3A_2176 = arith.minsi %min3A_2171, %get3A_2175 : vector<16xi32>
    %get3A_2177 = arith.constant 31 : i32
    %get3A_2178 = arith.index_cast %get3A_2177 : i32 to index
    %get3A_2179 = arith.constant 96 : index
    %get3A_2180 = tpu.vector_load %arg5[%get3A_2178, %get3A_2179] {strides = array<i32>} : memref<50x128xi32, #tpu.memory_space<vmem>>, vector<16xi32>,
    %min3A_2181 = arith.minsi %min3A_2176, %get3A_2180 : vector<16xi32>
    %get3A_2182 = arith.constant 31 : i32
    %get3A_2183 = arith.index_cast %get3A_2182 : i32 to index
    %get3A_2184 = arith.constant 112 : index
    %get3A_2185 = tpu.vector_load %arg5[%get3A_2183, %get3A_2184] {strides = array<i32>} : memref<50x128xi32, #tpu.memory_space<vmem>>, vector<16xi32>,
    %min3A_2186 = arith.minsi %min3A_2181, %get3A_2185 : vector<16xi32>
    %get3A_2187 = arith.constant 32 : i32
    %get3A_2188 = arith.index_cast %get3A_2187 : i32 to index
    %get3A_2189 = arith.constant 0 : index
    %get3A_2190 = tpu.vector_load %arg5[%get3A_2188, %get3A_2189] {strides = array<i32>} : memref<50x128xi32, #tpu.memory_space<vmem>>, vector<16xi32>,
    %min3A_2191 = arith.minsi %min3A_2186, %get3A_2190 : vector<16xi32>
    %get3A_2192 = arith.constant 32 : i32
    %get3A_2193 = arith.index_cast %get3A_2192 : i32 to index
    %get3A_2194 = arith.constant 16 : index
    %get3A_2195 = tpu.vector_load %arg5[%get3A_2193, %get3A_2194] {strides = array<i32>} : memref<50x128xi32, #tpu.memory_space<vmem>>, vector<16xi32>,
    %min3A_2196 = arith.minsi %min3A_2191, %get3A_2195 : vector<16xi32>
    %get3A_2197 = arith.constant 32 : i32
    %get3A_2198 = arith.index_cast %get3A_2197 : i32 to index
    %get3A_2199 = arith.constant 32 : index
    %get3A_2200 = tpu.vector_load %arg5[%get3A_2198, %get3A_2199] {strides = array<i32>} : memref<50x128xi32, #tpu.memory_space<vmem>>, vector<16xi32>,
    %min3A_2201 = arith.minsi %min3A_2196, %get3A_2200 : vector<16xi32>
    %get3A_2202 = arith.constant 32 : i32
    %get3A_2203 = arith.index_cast %get3A_2202 : i32 to index
    %get3A_2204 = arith.constant 48 : index
    %get3A_2205 = tpu.vector_load %arg5[%get3A_2203, %get3A_2204] {strides = array<i32>} : memref<50x128xi32, #tpu.memory_space<vmem>>, vector<16xi32>,
    %min3A_2206 = arith.minsi %min3A_2201, %get3A_2205 : vector<16xi32>
    %get3A_2207 = arith.constant 32 : i32
    %get3A_2208 = arith.index_cast %get3A_2207 : i32 to index
    %get3A_2209 = arith.constant 64 : index
    %get3A_2210 = tpu.vector_load %arg5[%get3A_2208, %get3A_2209] {strides = array<i32>} : memref<50x128xi32, #tpu.memory_space<vmem>>, vector<16xi32>,
    %min3A_2211 = arith.minsi %min3A_2206, %get3A_2210 : vector<16xi32>
    %get3A_2212 = arith.constant 32 : i32
    %get3A_2213 = arith.index_cast %get3A_2212 : i32 to index
    %get3A_2214 = arith.constant 80 : index
    %get3A_2215 = tpu.vector_load %arg5[%get3A_2213, %get3A_2214] {strides = array<i32>} : memref<50x128xi32, #tpu.memory_space<vmem>>, vector<16xi32>,
    %min3A_2216 = arith.minsi %min3A_2211, %get3A_2215 : vector<16xi32>
    %get3A_2217 = arith.constant 32 : i32
    %get3A_2218 = arith.index_cast %get3A_2217 : i32 to index
    %get3A_2219 = arith.constant 96 : index
    %get3A_2220 = tpu.vector_load %arg5[%get3A_2218, %get3A_2219] {strides = array<i32>} : memref<50x128xi32, #tpu.memory_space<vmem>>, vector<16xi32>,
    %min3A_2221 = arith.minsi %min3A_2216, %get3A_2220 : vector<16xi32>
    %get3A_2222 = arith.constant 32 : i32
    %get3A_2223 = arith.index_cast %get3A_2222 : i32 to index
    %get3A_2224 = arith.constant 112 : index
    %get3A_2225 = tpu.vector_load %arg5[%get3A_2223, %get3A_2224] {strides = array<i32>} : memref<50x128xi32, #tpu.memory_space<vmem>>, vector<16xi32>,
    %min3A_2226 = arith.minsi %min3A_2221, %get3A_2225 : vector<16xi32>
    %get3A_2227 = arith.constant 33 : i32
    %get3A_2228 = arith.index_cast %get3A_2227 : i32 to index
    %get3A_2229 = arith.constant 0 : index
    %get3A_2230 = tpu.vector_load %arg5[%get3A_2228, %get3A_2229] {strides = array<i32>} : memref<50x128xi32, #tpu.memory_space<vmem>>, vector<16xi32>,
    %min3A_2231 = arith.minsi %min3A_2226, %get3A_2230 : vector<16xi32>
    %get3A_2232 = arith.constant 33 : i32
    %get3A_2233 = arith.index_cast %get3A_2232 : i32 to index
    %get3A_2234 = arith.constant 16 : index
    %get3A_2235 = tpu.vector_load %arg5[%get3A_2233, %get3A_2234] {strides = array<i32>} : memref<50x128xi32, #tpu.memory_space<vmem>>, vector<16xi32>,
    %min3A_2236 = arith.minsi %min3A_2231, %get3A_2235 : vector<16xi32>
    %get3A_2237 = arith.constant 33 : i32
    %get3A_2238 = arith.index_cast %get3A_2237 : i32 to index
    %get3A_2239 = arith.constant 32 : index
    %get3A_2240 = tpu.vector_load %arg5[%get3A_2238, %get3A_2239] {strides = array<i32>} : memref<50x128xi32, #tpu.memory_space<vmem>>, vector<16xi32>,
    %min3A_2241 = arith.minsi %min3A_2236, %get3A_2240 : vector<16xi32>
    %get3A_2242 = arith.constant 33 : i32
    %get3A_2243 = arith.index_cast %get3A_2242 : i32 to index
    %get3A_2244 = arith.constant 48 : index
    %get3A_2245 = tpu.vector_load %arg5[%get3A_2243, %get3A_2244] {strides = array<i32>} : memref<50x128xi32, #tpu.memory_space<vmem>>, vector<16xi32>,
    %min3A_2246 = arith.minsi %min3A_2241, %get3A_2245 : vector<16xi32>
    %get3A_2247 = arith.constant 33 : i32
    %get3A_2248 = arith.index_cast %get3A_2247 : i32 to index
    %get3A_2249 = arith.constant 64 : index
    %get3A_2250 = tpu.vector_load %arg5[%get3A_2248, %get3A_2249] {strides = array<i32>} : memref<50x128xi32, #tpu.memory_space<vmem>>, vector<16xi32>,
    %min3A_2251 = arith.minsi %min3A_2246, %get3A_2250 : vector<16xi32>
    %get3A_2252 = arith.constant 33 : i32
    %get3A_2253 = arith.index_cast %get3A_2252 : i32 to index
    %get3A_2254 = arith.constant 80 : index
    %get3A_2255 = tpu.vector_load %arg5[%get3A_2253, %get3A_2254] {strides = array<i32>} : memref<50x128xi32, #tpu.memory_space<vmem>>, vector<16xi32>,
    %min3A_2256 = arith.minsi %min3A_2251, %get3A_2255 : vector<16xi32>
    %get3A_2257 = arith.constant 33 : i32
    %get3A_2258 = arith.index_cast %get3A_2257 : i32 to index
    %get3A_2259 = arith.constant 96 : index
    %get3A_2260 = tpu.vector_load %arg5[%get3A_2258, %get3A_2259] {strides = array<i32>} : memref<50x128xi32, #tpu.memory_space<vmem>>, vector<16xi32>,
    %min3A_2261 = arith.minsi %min3A_2256, %get3A_2260 : vector<16xi32>
    %get3A_2262 = arith.constant 33 : i32
    %get3A_2263 = arith.index_cast %get3A_2262 : i32 to index
    %get3A_2264 = arith.constant 112 : index
    %get3A_2265 = tpu.vector_load %arg5[%get3A_2263, %get3A_2264] {strides = array<i32>} : memref<50x128xi32, #tpu.memory_space<vmem>>, vector<16xi32>,
    %min3A_2266 = arith.minsi %min3A_2261, %get3A_2265 : vector<16xi32>
    %get3A_2267 = arith.constant 34 : i32
    %get3A_2268 = arith.index_cast %get3A_2267 : i32 to index
    %get3A_2269 = arith.constant 0 : index
    %get3A_2270 = tpu.vector_load %arg5[%get3A_2268, %get3A_2269] {strides = array<i32>} : memref<50x128xi32, #tpu.memory_space<vmem>>, vector<16xi32>,
    %min3A_2271 = arith.minsi %min3A_2266, %get3A_2270 : vector<16xi32>
    %get3A_2272 = arith.constant 34 : i32
    %get3A_2273 = arith.index_cast %get3A_2272 : i32 to index
    %get3A_2274 = arith.constant 16 : index
    %get3A_2275 = tpu.vector_load %arg5[%get3A_2273, %get3A_2274] {strides = array<i32>} : memref<50x128xi32, #tpu.memory_space<vmem>>, vector<16xi32>,
    %min3A_2276 = arith.minsi %min3A_2271, %get3A_2275 : vector<16xi32>
    %get3A_2277 = arith.constant 34 : i32
    %get3A_2278 = arith.index_cast %get3A_2277 : i32 to index
    %get3A_2279 = arith.constant 32 : index
    %get3A_2280 = tpu.vector_load %arg5[%get3A_2278, %get3A_2279] {strides = array<i32>} : memref<50x128xi32, #tpu.memory_space<vmem>>, vector<16xi32>,
    %min3A_2281 = arith.minsi %min3A_2276, %get3A_2280 : vector<16xi32>
    %get3A_2282 = arith.constant 34 : i32
    %get3A_2283 = arith.index_cast %get3A_2282 : i32 to index
    %get3A_2284 = arith.constant 48 : index
    %get3A_2285 = tpu.vector_load %arg5[%get3A_2283, %get3A_2284] {strides = array<i32>} : memref<50x128xi32, #tpu.memory_space<vmem>>, vector<16xi32>,
    %min3A_2286 = arith.minsi %min3A_2281, %get3A_2285 : vector<16xi32>
    %get3A_2287 = arith.constant 34 : i32
    %get3A_2288 = arith.index_cast %get3A_2287 : i32 to index
    %get3A_2289 = arith.constant 64 : index
    %get3A_2290 = tpu.vector_load %arg5[%get3A_2288, %get3A_2289] {strides = array<i32>} : memref<50x128xi32, #tpu.memory_space<vmem>>, vector<16xi32>,
    %min3A_2291 = arith.minsi %min3A_2286, %get3A_2290 : vector<16xi32>
    %get3A_2292 = arith.constant 34 : i32
    %get3A_2293 = arith.index_cast %get3A_2292 : i32 to index
    %get3A_2294 = arith.constant 80 : index
    %get3A_2295 = tpu.vector_load %arg5[%get3A_2293, %get3A_2294] {strides = array<i32>} : memref<50x128xi32, #tpu.memory_space<vmem>>, vector<16xi32>,
    %min3A_2296 = arith.minsi %min3A_2291, %get3A_2295 : vector<16xi32>
    %get3A_2297 = arith.constant 34 : i32
    %get3A_2298 = arith.index_cast %get3A_2297 : i32 to index
    %get3A_2299 = arith.constant 96 : index
    %get3A_2300 = tpu.vector_load %arg5[%get3A_2298, %get3A_2299] {strides = array<i32>} : memref<50x128xi32, #tpu.memory_space<vmem>>, vector<16xi32>,
    %min3A_2301 = arith.minsi %min3A_2296, %get3A_2300 : vector<16xi32>
    %get3A_2302 = arith.constant 34 : i32
    %get3A_2303 = arith.index_cast %get3A_2302 : i32 to index
    %get3A_2304 = arith.constant 112 : index
    %get3A_2305 = tpu.vector_load %arg5[%get3A_2303, %get3A_2304] {strides = array<i32>} : memref<50x128xi32, #tpu.memory_space<vmem>>, vector<16xi32>,
    %min3A_2306 = arith.minsi %min3A_2301, %get3A_2305 : vector<16xi32>
    %eq3A_2307 = arith.constant 0 : i32
    %eq3A_2308 = vector.broadcast %eq3A_2307 : i32 to vector<16xi32>
    %eq3A_2309 = arith.cmpi eq, %min3A_2306, %eq3A_2308 : vector<16xi32>
    %all_reduce_population_count3A_2310 = tpu.all_reduce %eq3A_2309 {dim = 0 : i64, kind = #tpu.reduction_kind<sum>} : vector<16xi1> -> vector<16xi32>
    %slice3A_2311 = vector.extract_strided_slice %all_reduce_population_count3A_2310 {offsets = [0], sizes = [1], strides = [1]} : vector<16xi32> to vector<1xi32>
    %squeeze3A_2312 = vector.extract %slice3A_2311[0] : i32 from vector<1xi32>
    %gt3A_2313 = arith.constant 0 : i32
    %gt3A_2314 = arith.cmpi sgt, %squeeze3A_2312, %gt3A_2313 : i32
    %convert_element_type3A_2315 = arith.extui %gt3A_2314 : i1 to i32
    %cond3A_2316 = arith.constant 0 : i32
    %cond3A_2317 = arith.cmpi ne, %convert_element_type3A_2315, %cond3A_2316 : i32
    scf.if %cond3A_2317 {
      %broadcast_in_dim3A = arith.constant 0.000000e+00 : f32
      %broadcast_in_dim3A_3270 = vector.broadcast %broadcast_in_dim3A : f32 to vector<16xf32>
      %scan3A = arith.constant 0 : i32
      %scan3A_3271 = arith.constant 0 : i32
      %scan3A_3272 = arith.constant 40 : i32
      %scan3A_3273 = arith.addi %scan3A_3271, %scan3A_3272 : i32
      %scan3A_3274 = arith.constant 1 : i32
      scf.for %scan3A_3276 = %scan3A_3271 to %scan3A_3273 step %scan3A_3274  : i32 {
        %jit3A = arith.constant 8 : i32
        %div3A = arith.divsi %scan3A_3276, %jit3A : i32
        %sign3A = arith.constant 0 : i32
        %sign3A_3277 = arith.cmpi sgt, %scan3A_3276, %sign3A : i32
        %sign3A_3278 = arith.extui %sign3A_3277 : i1 to i32
        %sign3A_3279 = arith.constant 0 : i32
        %sign3A_3280 = arith.cmpi slt, %scan3A_3276, %sign3A_3279 : i32
        %sign3A_3281 = arith.extui %sign3A_3280 : i1 to i32
        %sign3A_3282 = arith.subi %sign3A_3278, %sign3A_3281 : i32
        %sign3A_3283 = arith.constant 0 : i32
        %sign3A_3284 = arith.cmpi sgt, %jit3A, %sign3A_3283 : i32
        %sign3A_3285 = arith.extui %sign3A_3284 : i1 to i32
        %sign3A_3286 = arith.constant 0 : i32
        %sign3A_3287 = arith.cmpi slt, %jit3A, %sign3A_3286 : i32
        %sign3A_3288 = arith.extui %sign3A_3287 : i1 to i32
        %sign3A_3289 = arith.subi %sign3A_3285, %sign3A_3288 : i32
        %ne3A = arith.cmpi ne, %sign3A_3282, %sign3A_3289 : i32
        %rem3A = arith.remsi %scan3A_3276, %jit3A : i32
        %ne3A_3290 = arith.constant 0 : i32
        %ne3A_3291 = arith.cmpi ne, %rem3A, %ne3A_3290 : i32
        %and3A = arith.andi %ne3A, %ne3A_3291 : i1
        %sub3A = arith.constant 1 : i32
        %sub3A_3292 = arith.subi %div3A, %sub3A : i32
        %select_n3A = arith.select %and3A, %sub3A_3292, %div3A : i32
        %add3A_3293 = arith.constant 30 : i32
        %add3A_3294 = arith.addi %add3A_3293, %select_n3A : i32
        %jit3A_3295 = arith.constant 8 : i32
        %eq3A_3296 = arith.constant 0 : i32
        %eq3A_3297 = arith.cmpi eq, %jit3A_3295, %eq3A_3296 : i32
        %jit3A_3298 = arith.constant 1 : i32
        %select_n3A_3299 = arith.select %eq3A_3297, %jit3A_3298, %jit3A_3295 : i32
        %rem3A_3300 = arith.remsi %scan3A_3276, %select_n3A_3299 : i32
        %ne3A_3301 = arith.constant 0 : i32
        %ne3A_3302 = arith.cmpi ne, %rem3A_3300, %ne3A_3301 : i32
        %lt3A = arith.constant 0 : i32
        %lt3A_3303 = arith.cmpi slt, %rem3A_3300, %lt3A : i32
        %lt3A_3304 = arith.constant 0 : i32
        %lt3A_3305 = arith.cmpi slt, %select_n3A_3299, %lt3A_3304 : i32
        %ne3A_3306 = arith.xori %lt3A_3303, %lt3A_3305 : i1
        %and3A_3307 = arith.andi %ne3A_3306, %ne3A_3302 : i1
        %add3A_3308 = arith.addi %rem3A_3300, %select_n3A_3299 : i32
        %select_n3A_3309 = arith.select %and3A_3307, %add3A_3308, %rem3A_3300 : i32
        %mul3A_3310 = arith.constant 16 : i32
        %mul3A_3311 = arith.muli %select_n3A_3309, %mul3A_3310 : i32
        %get3A_3312 = arith.index_cast %add3A_3294 : i32 to index
        %get3A_3313 = arith.index_cast %mul3A_3311 : i32 to index
        %get3A_3314 = tpu.vector_load %arg5[%get3A_3312, %get3A_3313] {strides = array<i32>} : memref<50x128xi32, #tpu.memory_space<vmem>>, vector<16xi32>,
        %eq3A_3315 = arith.constant 0 : i32
        %eq3A_3316 = vector.broadcast %eq3A_3315 : i32 to vector<16xi32>
        %eq3A_3317 = arith.cmpi eq, %get3A_3314, %eq3A_3316 : vector<16xi32>
        %all_reduce_population_count3A_3318 = tpu.all_reduce %eq3A_3317 {dim = 0 : i64, kind = #tpu.reduction_kind<sum>} : vector<16xi1> -> vector<16xi32>
        %slice3A_3319 = vector.extract_strided_slice %all_reduce_population_count3A_3318 {offsets = [0], sizes = [1], strides = [1]} : vector<16xi32> to vector<1xi32>
        %squeeze3A_3320 = vector.extract %slice3A_3319[0] : i32 from vector<1xi32>
        %gt3A_3321 = arith.constant 0 : i32
        %gt3A_3322 = arith.cmpi sgt, %squeeze3A_3320, %gt3A_3321 : i32
        %convert_element_type3A_3323 = arith.extui %gt3A_3322 : i1 to i32
        %cond3A_3324 = arith.constant 0 : i32
        %cond3A_3325 = arith.cmpi ne, %convert_element_type3A_3323, %cond3A_3324 : i32
        scf.if %cond3A_3325 {
          %mul3A_3326 = arith.constant 16 : i32
          %mul3A_3327 = arith.muli %scan3A_3276, %mul3A_3326 : i32
          %iota3A = tpu.iota {dimensions = array<i32: 0>} : vector<16xi32>
          %add3A_3328 = vector.broadcast %mul3A_3327 : i32 to vector<16xi32>
          %add3A_3329 = arith.addi %add3A_3328, %iota3A : vector<16xi32>
          %scan3A_3330 = arith.constant 0 : i32
          %scan3A_3331 = arith.constant 0 : i32
          %scan3A_3332 = arith.constant 64 : i32
          %scan3A_3333 = arith.addi %scan3A_3331, %scan3A_3332 : i32
          %scan3A_3334 = arith.constant 1 : i32
          scf.for %scan3A_3336 = %scan3A_3331 to %scan3A_3333 step %scan3A_3334  : i32 {
            %broadcast_in_dim3A_3337 = vector.broadcast %scan3A_3336 : i32 to vector<16xi32>
            tpu.vector_store_idx %arg6[%add3A_3329, %broadcast_in_dim3A_3337], %broadcast_in_dim3A_3270 masked %eq3A_3317 : memref<640x64xf32, #tpu.memory_space<vmem>>[vector<16xi32>, vector<16xi32>], vector<16xf32>, vector<16xi1>
          }
          %scan3A_3335 = arith.constant 64 : i32
        } else {
        }
      }
      %scan3A_3275 = arith.constant 40 : i32
    } else {
    }
    %dma_start3A_2318 = arith.constant 6 : i32
    %dma_start3A_2319 = arith.constant 0 : i32
    %dma_start3A_2320 = arith.constant 0 : i32
    %dma_start3A_2321 = tpu.memref_slice %arg4[%add3A, %dma_start3A_2318, %dma_start3A_2319, %dma_start3A_2320] : memref<32x10x640x64xf32, #tpu.memory_space<hbm>> -> memref<1x1x640x64xf32, #tpu.memory_space<hbm>>
    %dma_start3A_2322 = tpu.memref_squeeze %dma_start3A_2321 : memref<1x1x640x64xf32, #tpu.memory_space<hbm>> -> memref<640x64xf32, #tpu.memory_space<hbm>>
    %dma_start3A_2323 = arith.constant 0 : i32
    %dma_start3A_2324 = arith.constant 0 : i32
    %dma_start3A_2325 = tpu.memref_slice %arg4[%add3A, %dma_start3A_2318, %dma_start3A_2323, %dma_start3A_2324] : memref<32x10x640x64xf32, #tpu.memory_space<hbm>> -> memref<1x1x640x64xf32, #tpu.memory_space<hbm>>
    %dma_start3A_2326 = tpu.memref_squeeze %dma_start3A_2325 : memref<1x1x640x64xf32, #tpu.memory_space<hbm>> -> memref<640x64xf32, #tpu.memory_space<hbm>>
    tpu.enqueue_dma source(%arg6 : memref<640x64xf32, #tpu.memory_space<vmem>>) target(%dma_start3A_2326 : memref<640x64xf32, #tpu.memory_space<hbm>>) target_semaphore(%arg10 : memref<!tpu.dma_semaphore, #tpu.memory_space<semaphore_mem>>)
    %dma_wait3A_2327 = arith.constant 6 : i32
    %dma_wait3A_2328 = arith.constant 0 : i32
    %dma_wait3A_2329 = arith.constant 0 : i32
    %dma_wait3A_2330 = tpu.memref_slice %arg4[%add3A, %dma_wait3A_2327, %dma_wait3A_2328, %dma_wait3A_2329] : memref<32x10x640x64xf32, #tpu.memory_space<hbm>> -> memref<1x1x640x64xf32, #tpu.memory_space<hbm>>
    %dma_wait3A_2331 = tpu.memref_squeeze %dma_wait3A_2330 : memref<1x1x640x64xf32, #tpu.memory_space<hbm>> -> memref<640x64xf32, #tpu.memory_space<hbm>>
    %dma_wait3A_2332 = arith.constant 0 : i32
    %dma_wait3A_2333 = arith.constant 0 : i32
    %dma_wait3A_2334 = tpu.memref_slice %arg4[%add3A, %dma_wait3A_2327, %dma_wait3A_2332, %dma_wait3A_2333] : memref<32x10x640x64xf32, #tpu.memory_space<hbm>> -> memref<1x1x640x64xf32, #tpu.memory_space<hbm>>
    %dma_wait3A_2335 = tpu.memref_squeeze %dma_wait3A_2334 : memref<1x1x640x64xf32, #tpu.memory_space<hbm>> -> memref<640x64xf32, #tpu.memory_space<hbm>>
    tpu.wait_dma2 semaphore(%arg10 : memref<!tpu.dma_semaphore, #tpu.memory_space<semaphore_mem>>) src(%arg6 : memref<640x64xf32, #tpu.memory_space<vmem>>) dst(%dma_wait3A_2335 : memref<640x64xf32, #tpu.memory_space<hbm>>)
    %dma_start3A_2336 = arith.constant 40 : i32
    %dma_start3A_2337 = arith.constant 0 : i32
    %dma_start3A_2338 = arith.constant 0 : i32
    %dma_start3A_2339 = tpu.memref_slice %arg6[%dma_start3A_2337, %dma_start3A_2338] : memref<640x64xf32, #tpu.memory_space<vmem>> -> memref<128x64xf32, #tpu.memory_space<vmem>>
    %dma_start3A_2340 = arith.constant 0 : i32
    %dma_start3A_2341 = tpu.memref_slice %arg5[%dma_start3A_2336, %dma_start3A_2340] : memref<50x128xi32, #tpu.memory_space<vmem>> -> memref<1x128xi32, #tpu.memory_space<vmem>>
    %dma_start3A_2342 = tpu.memref_squeeze %dma_start3A_2341 : memref<1x128xi32, #tpu.memory_space<vmem>> -> memref<128xi32, #tpu.memory_space<vmem>>
    %dma_start3A_2343 = arith.constant 0 : i32
    %dma_start3A_2344 = arith.constant 0 : i32
    %dma_start3A_2345 = tpu.memref_slice %arg3[%dma_start3A_2343, %dma_start3A_2344] : memref<1000000x64xf32, #tpu.memory_space<hbm>> -> memref<1000000x64xf32, #tpu.memory_space<hbm>>
    tpu.enqueue_indirect_dma source(%dma_start3A_2345 : memref<1000000x64xf32, #tpu.memory_space<hbm>>) target(%dma_start3A_2339 : memref<128x64xf32, #tpu.memory_space<vmem>>) offsets(%dma_start3A_2342 : memref<128xi32, #tpu.memory_space<vmem>>) semaphore(%arg8 : memref<!tpu.dma_semaphore, #tpu.memory_space<semaphore_mem>>)
    %dma_start3A_2346 = arith.constant 41 : i32
    %dma_start3A_2347 = arith.constant 128 : i32
    %dma_start3A_2348 = arith.constant 0 : i32
    %dma_start3A_2349 = tpu.memref_slice %arg6[%dma_start3A_2347, %dma_start3A_2348] : memref<640x64xf32, #tpu.memory_space<vmem>> -> memref<128x64xf32, #tpu.memory_space<vmem>>
    %dma_start3A_2350 = arith.constant 0 : i32
    %dma_start3A_2351 = tpu.memref_slice %arg5[%dma_start3A_2346, %dma_start3A_2350] : memref<50x128xi32, #tpu.memory_space<vmem>> -> memref<1x128xi32, #tpu.memory_space<vmem>>
    %dma_start3A_2352 = tpu.memref_squeeze %dma_start3A_2351 : memref<1x128xi32, #tpu.memory_space<vmem>> -> memref<128xi32, #tpu.memory_space<vmem>>
    %dma_start3A_2353 = arith.constant 0 : i32
    %dma_start3A_2354 = arith.constant 0 : i32
    %dma_start3A_2355 = tpu.memref_slice %arg3[%dma_start3A_2353, %dma_start3A_2354] : memref<1000000x64xf32, #tpu.memory_space<hbm>> -> memref<1000000x64xf32, #tpu.memory_space<hbm>>
    tpu.enqueue_indirect_dma source(%dma_start3A_2355 : memref<1000000x64xf32, #tpu.memory_space<hbm>>) target(%dma_start3A_2349 : memref<128x64xf32, #tpu.memory_space<vmem>>) offsets(%dma_start3A_2352 : memref<128xi32, #tpu.memory_space<vmem>>) semaphore(%arg8 : memref<!tpu.dma_semaphore, #tpu.memory_space<semaphore_mem>>)
    %dma_start3A_2356 = arith.constant 42 : i32
    %dma_start3A_2357 = arith.constant 256 : i32
    %dma_start3A_2358 = arith.constant 0 : i32
    %dma_start3A_2359 = tpu.memref_slice %arg6[%dma_start3A_2357, %dma_start3A_2358] : memref<640x64xf32, #tpu.memory_space<vmem>> -> memref<128x64xf32, #tpu.memory_space<vmem>>
    %dma_start3A_2360 = arith.constant 0 : i32
    %dma_start3A_2361 = tpu.memref_slice %arg5[%dma_start3A_2356, %dma_start3A_2360] : memref<50x128xi32, #tpu.memory_space<vmem>> -> memref<1x128xi32, #tpu.memory_space<vmem>>
    %dma_start3A_2362 = tpu.memref_squeeze %dma_start3A_2361 : memref<1x128xi32, #tpu.memory_space<vmem>> -> memref<128xi32, #tpu.memory_space<vmem>>
    %dma_start3A_2363 = arith.constant 0 : i32
    %dma_start3A_2364 = arith.constant 0 : i32
    %dma_start3A_2365 = tpu.memref_slice %arg3[%dma_start3A_2363, %dma_start3A_2364] : memref<1000000x64xf32, #tpu.memory_space<hbm>> -> memref<1000000x64xf32, #tpu.memory_space<hbm>>
    tpu.enqueue_indirect_dma source(%dma_start3A_2365 : memref<1000000x64xf32, #tpu.memory_space<hbm>>) target(%dma_start3A_2359 : memref<128x64xf32, #tpu.memory_space<vmem>>) offsets(%dma_start3A_2362 : memref<128xi32, #tpu.memory_space<vmem>>) semaphore(%arg8 : memref<!tpu.dma_semaphore, #tpu.memory_space<semaphore_mem>>)
    %dma_start3A_2366 = arith.constant 43 : i32
    %dma_start3A_2367 = arith.constant 384 : i32
    %dma_start3A_2368 = arith.constant 0 : i32
    %dma_start3A_2369 = tpu.memref_slice %arg6[%dma_start3A_2367, %dma_start3A_2368] : memref<640x64xf32, #tpu.memory_space<vmem>> -> memref<128x64xf32, #tpu.memory_space<vmem>>
    %dma_start3A_2370 = arith.constant 0 : i32
    %dma_start3A_2371 = tpu.memref_slice %arg5[%dma_start3A_2366, %dma_start3A_2370] : memref<50x128xi32, #tpu.memory_space<vmem>> -> memref<1x128xi32, #tpu.memory_space<vmem>>
    %dma_start3A_2372 = tpu.memref_squeeze %dma_start3A_2371 : memref<1x128xi32, #tpu.memory_space<vmem>> -> memref<128xi32, #tpu.memory_space<vmem>>
    %dma_start3A_2373 = arith.constant 0 : i32
    %dma_start3A_2374 = arith.constant 0 : i32
    %dma_start3A_2375 = tpu.memref_slice %arg3[%dma_start3A_2373, %dma_start3A_2374] : memref<1000000x64xf32, #tpu.memory_space<hbm>> -> memref<1000000x64xf32, #tpu.memory_space<hbm>>
    tpu.enqueue_indirect_dma source(%dma_start3A_2375 : memref<1000000x64xf32, #tpu.memory_space<hbm>>) target(%dma_start3A_2369 : memref<128x64xf32, #tpu.memory_space<vmem>>) offsets(%dma_start3A_2372 : memref<128xi32, #tpu.memory_space<vmem>>) semaphore(%arg8 : memref<!tpu.dma_semaphore, #tpu.memory_space<semaphore_mem>>)
    %dma_start3A_2376 = arith.constant 44 : i32
    %dma_start3A_2377 = arith.constant 512 : i32
    %dma_start3A_2378 = arith.constant 0 : i32
    %dma_start3A_2379 = tpu.memref_slice %arg6[%dma_start3A_2377, %dma_start3A_2378] : memref<640x64xf32, #tpu.memory_space<vmem>> -> memref<128x64xf32, #tpu.memory_space<vmem>>
    %dma_start3A_2380 = arith.constant 0 : i32
    %dma_start3A_2381 = tpu.memref_slice %arg5[%dma_start3A_2376, %dma_start3A_2380] : memref<50x128xi32, #tpu.memory_space<vmem>> -> memref<1x128xi32, #tpu.memory_space<vmem>>
    %dma_start3A_2382 = tpu.memref_squeeze %dma_start3A_2381 : memref<1x128xi32, #tpu.memory_space<vmem>> -> memref<128xi32, #tpu.memory_space<vmem>>
    %dma_start3A_2383 = arith.constant 0 : i32
    %dma_start3A_2384 = arith.constant 0 : i32
    %dma_start3A_2385 = tpu.memref_slice %arg3[%dma_start3A_2383, %dma_start3A_2384] : memref<1000000x64xf32, #tpu.memory_space<hbm>> -> memref<1000000x64xf32, #tpu.memory_space<hbm>>
    tpu.enqueue_indirect_dma source(%dma_start3A_2385 : memref<1000000x64xf32, #tpu.memory_space<hbm>>) target(%dma_start3A_2379 : memref<128x64xf32, #tpu.memory_space<vmem>>) offsets(%dma_start3A_2382 : memref<128xi32, #tpu.memory_space<vmem>>) semaphore(%arg8 : memref<!tpu.dma_semaphore, #tpu.memory_space<semaphore_mem>>)
    %dma_wait3A_2386 = arith.constant 35 : i32
    %dma_wait3A_2387 = arith.constant 0 : i32
    %dma_wait3A_2388 = arith.constant 0 : i32
    %dma_wait3A_2389 = tpu.memref_slice %arg7[%dma_wait3A_2387, %dma_wait3A_2388] : memref<640x64xf32, #tpu.memory_space<vmem>> -> memref<128x64xf32, #tpu.memory_space<vmem>>
    %dma_wait3A_2390 = arith.constant 0 : i32
    %dma_wait3A_2391 = tpu.memref_slice %arg5[%dma_wait3A_2386, %dma_wait3A_2390] : memref<50x128xi32, #tpu.memory_space<vmem>> -> memref<1x128xi32, #tpu.memory_space<vmem>>
    %dma_wait3A_2392 = tpu.memref_squeeze %dma_wait3A_2391 : memref<1x128xi32, #tpu.memory_space<vmem>> -> memref<128xi32, #tpu.memory_space<vmem>>
    %dma_wait3A_2393 = arith.constant 0 : i32
    %dma_wait3A_2394 = arith.constant 0 : i32
    %dma_wait3A_2395 = tpu.memref_slice %arg3[%dma_wait3A_2393, %dma_wait3A_2394] : memref<1000000x64xf32, #tpu.memory_space<hbm>> -> memref<1000000x64xf32, #tpu.memory_space<hbm>>
    tpu.wait_indirect_dma semaphore(%arg9 : memref<!tpu.dma_semaphore, #tpu.memory_space<semaphore_mem>>) src(%dma_wait3A_2395 : memref<1000000x64xf32, #tpu.memory_space<hbm>>) dst(%dma_wait3A_2389 : memref<128x64xf32, #tpu.memory_space<vmem>>)
    %dma_wait3A_2396 = arith.constant 36 : i32
    %dma_wait3A_2397 = arith.constant 128 : i32
    %dma_wait3A_2398 = arith.constant 0 : i32
    %dma_wait3A_2399 = tpu.memref_slice %arg7[%dma_wait3A_2397, %dma_wait3A_2398] : memref<640x64xf32, #tpu.memory_space<vmem>> -> memref<128x64xf32, #tpu.memory_space<vmem>>
    %dma_wait3A_2400 = arith.constant 0 : i32
    %dma_wait3A_2401 = tpu.memref_slice %arg5[%dma_wait3A_2396, %dma_wait3A_2400] : memref<50x128xi32, #tpu.memory_space<vmem>> -> memref<1x128xi32, #tpu.memory_space<vmem>>
    %dma_wait3A_2402 = tpu.memref_squeeze %dma_wait3A_2401 : memref<1x128xi32, #tpu.memory_space<vmem>> -> memref<128xi32, #tpu.memory_space<vmem>>
    %dma_wait3A_2403 = arith.constant 0 : i32
    %dma_wait3A_2404 = arith.constant 0 : i32
    %dma_wait3A_2405 = tpu.memref_slice %arg3[%dma_wait3A_2403, %dma_wait3A_2404] : memref<1000000x64xf32, #tpu.memory_space<hbm>> -> memref<1000000x64xf32, #tpu.memory_space<hbm>>
    tpu.wait_indirect_dma semaphore(%arg9 : memref<!tpu.dma_semaphore, #tpu.memory_space<semaphore_mem>>) src(%dma_wait3A_2405 : memref<1000000x64xf32, #tpu.memory_space<hbm>>) dst(%dma_wait3A_2399 : memref<128x64xf32, #tpu.memory_space<vmem>>)
    %dma_wait3A_2406 = arith.constant 37 : i32
    %dma_wait3A_2407 = arith.constant 256 : i32
    %dma_wait3A_2408 = arith.constant 0 : i32
    %dma_wait3A_2409 = tpu.memref_slice %arg7[%dma_wait3A_2407, %dma_wait3A_2408] : memref<640x64xf32, #tpu.memory_space<vmem>> -> memref<128x64xf32, #tpu.memory_space<vmem>>
    %dma_wait3A_2410 = arith.constant 0 : i32
    %dma_wait3A_2411 = tpu.memref_slice %arg5[%dma_wait3A_2406, %dma_wait3A_2410] : memref<50x128xi32, #tpu.memory_space<vmem>> -> memref<1x128xi32, #tpu.memory_space<vmem>>
    %dma_wait3A_2412 = tpu.memref_squeeze %dma_wait3A_2411 : memref<1x128xi32, #tpu.memory_space<vmem>> -> memref<128xi32, #tpu.memory_space<vmem>>
    %dma_wait3A_2413 = arith.constant 0 : i32
    %dma_wait3A_2414 = arith.constant 0 : i32
    %dma_wait3A_2415 = tpu.memref_slice %arg3[%dma_wait3A_2413, %dma_wait3A_2414] : memref<1000000x64xf32, #tpu.memory_space<hbm>> -> memref<1000000x64xf32, #tpu.memory_space<hbm>>
    tpu.wait_indirect_dma semaphore(%arg9 : memref<!tpu.dma_semaphore, #tpu.memory_space<semaphore_mem>>) src(%dma_wait3A_2415 : memref<1000000x64xf32, #tpu.memory_space<hbm>>) dst(%dma_wait3A_2409 : memref<128x64xf32, #tpu.memory_space<vmem>>)
    %dma_wait3A_2416 = arith.constant 38 : i32
    %dma_wait3A_2417 = arith.constant 384 : i32
    %dma_wait3A_2418 = arith.constant 0 : i32
    %dma_wait3A_2419 = tpu.memref_slice %arg7[%dma_wait3A_2417, %dma_wait3A_2418] : memref<640x64xf32, #tpu.memory_space<vmem>> -> memref<128x64xf32, #tpu.memory_space<vmem>>
    %dma_wait3A_2420 = arith.constant 0 : i32
    %dma_wait3A_2421 = tpu.memref_slice %arg5[%dma_wait3A_2416, %dma_wait3A_2420] : memref<50x128xi32, #tpu.memory_space<vmem>> -> memref<1x128xi32, #tpu.memory_space<vmem>>
    %dma_wait3A_2422 = tpu.memref_squeeze %dma_wait3A_2421 : memref<1x128xi32, #tpu.memory_space<vmem>> -> memref<128xi32, #tpu.memory_space<vmem>>
    %dma_wait3A_2423 = arith.constant 0 : i32
    %dma_wait3A_2424 = arith.constant 0 : i32
    %dma_wait3A_2425 = tpu.memref_slice %arg3[%dma_wait3A_2423, %dma_wait3A_2424] : memref<1000000x64xf32, #tpu.memory_space<hbm>> -> memref<1000000x64xf32, #tpu.memory_space<hbm>>
    tpu.wait_indirect_dma semaphore(%arg9 : memref<!tpu.dma_semaphore, #tpu.memory_space<semaphore_mem>>) src(%dma_wait3A_2425 : memref<1000000x64xf32, #tpu.memory_space<hbm>>) dst(%dma_wait3A_2419 : memref<128x64xf32, #tpu.memory_space<vmem>>)
    %dma_wait3A_2426 = arith.constant 39 : i32
    %dma_wait3A_2427 = arith.constant 512 : i32
    %dma_wait3A_2428 = arith.constant 0 : i32
    %dma_wait3A_2429 = tpu.memref_slice %arg7[%dma_wait3A_2427, %dma_wait3A_2428] : memref<640x64xf32, #tpu.memory_space<vmem>> -> memref<128x64xf32, #tpu.memory_space<vmem>>
    %dma_wait3A_2430 = arith.constant 0 : i32
    %dma_wait3A_2431 = tpu.memref_slice %arg5[%dma_wait3A_2426, %dma_wait3A_2430] : memref<50x128xi32, #tpu.memory_space<vmem>> -> memref<1x128xi32, #tpu.memory_space<vmem>>
    %dma_wait3A_2432 = tpu.memref_squeeze %dma_wait3A_2431 : memref<1x128xi32, #tpu.memory_space<vmem>> -> memref<128xi32, #tpu.memory_space<vmem>>
    %dma_wait3A_2433 = arith.constant 0 : i32
    %dma_wait3A_2434 = arith.constant 0 : i32
    %dma_wait3A_2435 = tpu.memref_slice %arg3[%dma_wait3A_2433, %dma_wait3A_2434] : memref<1000000x64xf32, #tpu.memory_space<hbm>> -> memref<1000000x64xf32, #tpu.memory_space<hbm>>
    tpu.wait_indirect_dma semaphore(%arg9 : memref<!tpu.dma_semaphore, #tpu.memory_space<semaphore_mem>>) src(%dma_wait3A_2435 : memref<1000000x64xf32, #tpu.memory_space<hbm>>) dst(%dma_wait3A_2429 : memref<128x64xf32, #tpu.memory_space<vmem>>)
    %get3A_2436 = arith.constant 35 : i32
    %get3A_2437 = arith.index_cast %get3A_2436 : i32 to index
    %get3A_2438 = arith.constant 0 : index
    %get3A_2439 = tpu.vector_load %arg5[%get3A_2437, %get3A_2438] {strides = array<i32>} : memref<50x128xi32, #tpu.memory_space<vmem>>, vector<16xi32>,
    %get3A_2440 = arith.constant 35 : i32
    %get3A_2441 = arith.index_cast %get3A_2440 : i32 to index
    %get3A_2442 = arith.constant 16 : index
    %get3A_2443 = tpu.vector_load %arg5[%get3A_2441, %get3A_2442] {strides = array<i32>} : memref<50x128xi32, #tpu.memory_space<vmem>>, vector<16xi32>,
    %min3A_2444 = arith.minsi %get3A_2439, %get3A_2443 : vector<16xi32>
    %get3A_2445 = arith.constant 35 : i32
    %get3A_2446 = arith.index_cast %get3A_2445 : i32 to index
    %get3A_2447 = arith.constant 32 : index
    %get3A_2448 = tpu.vector_load %arg5[%get3A_2446, %get3A_2447] {strides = array<i32>} : memref<50x128xi32, #tpu.memory_space<vmem>>, vector<16xi32>,
    %min3A_2449 = arith.minsi %min3A_2444, %get3A_2448 : vector<16xi32>
    %get3A_2450 = arith.constant 35 : i32
    %get3A_2451 = arith.index_cast %get3A_2450 : i32 to index
    %get3A_2452 = arith.constant 48 : index
    %get3A_2453 = tpu.vector_load %arg5[%get3A_2451, %get3A_2452] {strides = array<i32>} : memref<50x128xi32, #tpu.memory_space<vmem>>, vector<16xi32>,
    %min3A_2454 = arith.minsi %min3A_2449, %get3A_2453 : vector<16xi32>
    %get3A_2455 = arith.constant 35 : i32
    %get3A_2456 = arith.index_cast %get3A_2455 : i32 to index
    %get3A_2457 = arith.constant 64 : index
    %get3A_2458 = tpu.vector_load %arg5[%get3A_2456, %get3A_2457] {strides = array<i32>} : memref<50x128xi32, #tpu.memory_space<vmem>>, vector<16xi32>,
    %min3A_2459 = arith.minsi %min3A_2454, %get3A_2458 : vector<16xi32>
    %get3A_2460 = arith.constant 35 : i32
    %get3A_2461 = arith.index_cast %get3A_2460 : i32 to index
    %get3A_2462 = arith.constant 80 : index
    %get3A_2463 = tpu.vector_load %arg5[%get3A_2461, %get3A_2462] {strides = array<i32>} : memref<50x128xi32, #tpu.memory_space<vmem>>, vector<16xi32>,
    %min3A_2464 = arith.minsi %min3A_2459, %get3A_2463 : vector<16xi32>
    %get3A_2465 = arith.constant 35 : i32
    %get3A_2466 = arith.index_cast %get3A_2465 : i32 to index
    %get3A_2467 = arith.constant 96 : index
    %get3A_2468 = tpu.vector_load %arg5[%get3A_2466, %get3A_2467] {strides = array<i32>} : memref<50x128xi32, #tpu.memory_space<vmem>>, vector<16xi32>,
    %min3A_2469 = arith.minsi %min3A_2464, %get3A_2468 : vector<16xi32>
    %get3A_2470 = arith.constant 35 : i32
    %get3A_2471 = arith.index_cast %get3A_2470 : i32 to index
    %get3A_2472 = arith.constant 112 : index
    %get3A_2473 = tpu.vector_load %arg5[%get3A_2471, %get3A_2472] {strides = array<i32>} : memref<50x128xi32, #tpu.memory_space<vmem>>, vector<16xi32>,
    %min3A_2474 = arith.minsi %min3A_2469, %get3A_2473 : vector<16xi32>
    %get3A_2475 = arith.constant 36 : i32
    %get3A_2476 = arith.index_cast %get3A_2475 : i32 to index
    %get3A_2477 = arith.constant 0 : index
    %get3A_2478 = tpu.vector_load %arg5[%get3A_2476, %get3A_2477] {strides = array<i32>} : memref<50x128xi32, #tpu.memory_space<vmem>>, vector<16xi32>,
    %min3A_2479 = arith.minsi %min3A_2474, %get3A_2478 : vector<16xi32>
    %get3A_2480 = arith.constant 36 : i32
    %get3A_2481 = arith.index_cast %get3A_2480 : i32 to index
    %get3A_2482 = arith.constant 16 : index
    %get3A_2483 = tpu.vector_load %arg5[%get3A_2481, %get3A_2482] {strides = array<i32>} : memref<50x128xi32, #tpu.memory_space<vmem>>, vector<16xi32>,
    %min3A_2484 = arith.minsi %min3A_2479, %get3A_2483 : vector<16xi32>
    %get3A_2485 = arith.constant 36 : i32
    %get3A_2486 = arith.index_cast %get3A_2485 : i32 to index
    %get3A_2487 = arith.constant 32 : index
    %get3A_2488 = tpu.vector_load %arg5[%get3A_2486, %get3A_2487] {strides = array<i32>} : memref<50x128xi32, #tpu.memory_space<vmem>>, vector<16xi32>,
    %min3A_2489 = arith.minsi %min3A_2484, %get3A_2488 : vector<16xi32>
    %get3A_2490 = arith.constant 36 : i32
    %get3A_2491 = arith.index_cast %get3A_2490 : i32 to index
    %get3A_2492 = arith.constant 48 : index
    %get3A_2493 = tpu.vector_load %arg5[%get3A_2491, %get3A_2492] {strides = array<i32>} : memref<50x128xi32, #tpu.memory_space<vmem>>, vector<16xi32>,
    %min3A_2494 = arith.minsi %min3A_2489, %get3A_2493 : vector<16xi32>
    %get3A_2495 = arith.constant 36 : i32
    %get3A_2496 = arith.index_cast %get3A_2495 : i32 to index
    %get3A_2497 = arith.constant 64 : index
    %get3A_2498 = tpu.vector_load %arg5[%get3A_2496, %get3A_2497] {strides = array<i32>} : memref<50x128xi32, #tpu.memory_space<vmem>>, vector<16xi32>,
    %min3A_2499 = arith.minsi %min3A_2494, %get3A_2498 : vector<16xi32>
    %get3A_2500 = arith.constant 36 : i32
    %get3A_2501 = arith.index_cast %get3A_2500 : i32 to index
    %get3A_2502 = arith.constant 80 : index
    %get3A_2503 = tpu.vector_load %arg5[%get3A_2501, %get3A_2502] {strides = array<i32>} : memref<50x128xi32, #tpu.memory_space<vmem>>, vector<16xi32>,
    %min3A_2504 = arith.minsi %min3A_2499, %get3A_2503 : vector<16xi32>
    %get3A_2505 = arith.constant 36 : i32
    %get3A_2506 = arith.index_cast %get3A_2505 : i32 to index
    %get3A_2507 = arith.constant 96 : index
    %get3A_2508 = tpu.vector_load %arg5[%get3A_2506, %get3A_2507] {strides = array<i32>} : memref<50x128xi32, #tpu.memory_space<vmem>>, vector<16xi32>,
    %min3A_2509 = arith.minsi %min3A_2504, %get3A_2508 : vector<16xi32>
    %get3A_2510 = arith.constant 36 : i32
    %get3A_2511 = arith.index_cast %get3A_2510 : i32 to index
    %get3A_2512 = arith.constant 112 : index
    %get3A_2513 = tpu.vector_load %arg5[%get3A_2511, %get3A_2512] {strides = array<i32>} : memref<50x128xi32, #tpu.memory_space<vmem>>, vector<16xi32>,
    %min3A_2514 = arith.minsi %min3A_2509, %get3A_2513 : vector<16xi32>
    %get3A_2515 = arith.constant 37 : i32
    %get3A_2516 = arith.index_cast %get3A_2515 : i32 to index
    %get3A_2517 = arith.constant 0 : index
    %get3A_2518 = tpu.vector_load %arg5[%get3A_2516, %get3A_2517] {strides = array<i32>} : memref<50x128xi32, #tpu.memory_space<vmem>>, vector<16xi32>,
    %min3A_2519 = arith.minsi %min3A_2514, %get3A_2518 : vector<16xi32>
    %get3A_2520 = arith.constant 37 : i32
    %get3A_2521 = arith.index_cast %get3A_2520 : i32 to index
    %get3A_2522 = arith.constant 16 : index
    %get3A_2523 = tpu.vector_load %arg5[%get3A_2521, %get3A_2522] {strides = array<i32>} : memref<50x128xi32, #tpu.memory_space<vmem>>, vector<16xi32>,
    %min3A_2524 = arith.minsi %min3A_2519, %get3A_2523 : vector<16xi32>
    %get3A_2525 = arith.constant 37 : i32
    %get3A_2526 = arith.index_cast %get3A_2525 : i32 to index
    %get3A_2527 = arith.constant 32 : index
    %get3A_2528 = tpu.vector_load %arg5[%get3A_2526, %get3A_2527] {strides = array<i32>} : memref<50x128xi32, #tpu.memory_space<vmem>>, vector<16xi32>,
    %min3A_2529 = arith.minsi %min3A_2524, %get3A_2528 : vector<16xi32>
    %get3A_2530 = arith.constant 37 : i32
    %get3A_2531 = arith.index_cast %get3A_2530 : i32 to index
    %get3A_2532 = arith.constant 48 : index
    %get3A_2533 = tpu.vector_load %arg5[%get3A_2531, %get3A_2532] {strides = array<i32>} : memref<50x128xi32, #tpu.memory_space<vmem>>, vector<16xi32>,
    %min3A_2534 = arith.minsi %min3A_2529, %get3A_2533 : vector<16xi32>
    %get3A_2535 = arith.constant 37 : i32
    %get3A_2536 = arith.index_cast %get3A_2535 : i32 to index
    %get3A_2537 = arith.constant 64 : index
    %get3A_2538 = tpu.vector_load %arg5[%get3A_2536, %get3A_2537] {strides = array<i32>} : memref<50x128xi32, #tpu.memory_space<vmem>>, vector<16xi32>,
    %min3A_2539 = arith.minsi %min3A_2534, %get3A_2538 : vector<16xi32>
    %get3A_2540 = arith.constant 37 : i32
    %get3A_2541 = arith.index_cast %get3A_2540 : i32 to index
    %get3A_2542 = arith.constant 80 : index
    %get3A_2543 = tpu.vector_load %arg5[%get3A_2541, %get3A_2542] {strides = array<i32>} : memref<50x128xi32, #tpu.memory_space<vmem>>, vector<16xi32>,
    %min3A_2544 = arith.minsi %min3A_2539, %get3A_2543 : vector<16xi32>
    %get3A_2545 = arith.constant 37 : i32
    %get3A_2546 = arith.index_cast %get3A_2545 : i32 to index
    %get3A_2547 = arith.constant 96 : index
    %get3A_2548 = tpu.vector_load %arg5[%get3A_2546, %get3A_2547] {strides = array<i32>} : memref<50x128xi32, #tpu.memory_space<vmem>>, vector<16xi32>,
    %min3A_2549 = arith.minsi %min3A_2544, %get3A_2548 : vector<16xi32>
    %get3A_2550 = arith.constant 37 : i32
    %get3A_2551 = arith.index_cast %get3A_2550 : i32 to index
    %get3A_2552 = arith.constant 112 : index
    %get3A_2553 = tpu.vector_load %arg5[%get3A_2551, %get3A_2552] {strides = array<i32>} : memref<50x128xi32, #tpu.memory_space<vmem>>, vector<16xi32>,
    %min3A_2554 = arith.minsi %min3A_2549, %get3A_2553 : vector<16xi32>
    %get3A_2555 = arith.constant 38 : i32
    %get3A_2556 = arith.index_cast %get3A_2555 : i32 to index
    %get3A_2557 = arith.constant 0 : index
    %get3A_2558 = tpu.vector_load %arg5[%get3A_2556, %get3A_2557] {strides = array<i32>} : memref<50x128xi32, #tpu.memory_space<vmem>>, vector<16xi32>,
    %min3A_2559 = arith.minsi %min3A_2554, %get3A_2558 : vector<16xi32>
    %get3A_2560 = arith.constant 38 : i32
    %get3A_2561 = arith.index_cast %get3A_2560 : i32 to index
    %get3A_2562 = arith.constant 16 : index
    %get3A_2563 = tpu.vector_load %arg5[%get3A_2561, %get3A_2562] {strides = array<i32>} : memref<50x128xi32, #tpu.memory_space<vmem>>, vector<16xi32>,
    %min3A_2564 = arith.minsi %min3A_2559, %get3A_2563 : vector<16xi32>
    %get3A_2565 = arith.constant 38 : i32
    %get3A_2566 = arith.index_cast %get3A_2565 : i32 to index
    %get3A_2567 = arith.constant 32 : index
    %get3A_2568 = tpu.vector_load %arg5[%get3A_2566, %get3A_2567] {strides = array<i32>} : memref<50x128xi32, #tpu.memory_space<vmem>>, vector<16xi32>,
    %min3A_2569 = arith.minsi %min3A_2564, %get3A_2568 : vector<16xi32>
    %get3A_2570 = arith.constant 38 : i32
    %get3A_2571 = arith.index_cast %get3A_2570 : i32 to index
    %get3A_2572 = arith.constant 48 : index
    %get3A_2573 = tpu.vector_load %arg5[%get3A_2571, %get3A_2572] {strides = array<i32>} : memref<50x128xi32, #tpu.memory_space<vmem>>, vector<16xi32>,
    %min3A_2574 = arith.minsi %min3A_2569, %get3A_2573 : vector<16xi32>
    %get3A_2575 = arith.constant 38 : i32
    %get3A_2576 = arith.index_cast %get3A_2575 : i32 to index
    %get3A_2577 = arith.constant 64 : index
    %get3A_2578 = tpu.vector_load %arg5[%get3A_2576, %get3A_2577] {strides = array<i32>} : memref<50x128xi32, #tpu.memory_space<vmem>>, vector<16xi32>,
    %min3A_2579 = arith.minsi %min3A_2574, %get3A_2578 : vector<16xi32>
    %get3A_2580 = arith.constant 38 : i32
    %get3A_2581 = arith.index_cast %get3A_2580 : i32 to index
    %get3A_2582 = arith.constant 80 : index
    %get3A_2583 = tpu.vector_load %arg5[%get3A_2581, %get3A_2582] {strides = array<i32>} : memref<50x128xi32, #tpu.memory_space<vmem>>, vector<16xi32>,
    %min3A_2584 = arith.minsi %min3A_2579, %get3A_2583 : vector<16xi32>
    %get3A_2585 = arith.constant 38 : i32
    %get3A_2586 = arith.index_cast %get3A_2585 : i32 to index
    %get3A_2587 = arith.constant 96 : index
    %get3A_2588 = tpu.vector_load %arg5[%get3A_2586, %get3A_2587] {strides = array<i32>} : memref<50x128xi32, #tpu.memory_space<vmem>>, vector<16xi32>,
    %min3A_2589 = arith.minsi %min3A_2584, %get3A_2588 : vector<16xi32>
    %get3A_2590 = arith.constant 38 : i32
    %get3A_2591 = arith.index_cast %get3A_2590 : i32 to index
    %get3A_2592 = arith.constant 112 : index
    %get3A_2593 = tpu.vector_load %arg5[%get3A_2591, %get3A_2592] {strides = array<i32>} : memref<50x128xi32, #tpu.memory_space<vmem>>, vector<16xi32>,
    %min3A_2594 = arith.minsi %min3A_2589, %get3A_2593 : vector<16xi32>
    %get3A_2595 = arith.constant 39 : i32
    %get3A_2596 = arith.index_cast %get3A_2595 : i32 to index
    %get3A_2597 = arith.constant 0 : index
    %get3A_2598 = tpu.vector_load %arg5[%get3A_2596, %get3A_2597] {strides = array<i32>} : memref<50x128xi32, #tpu.memory_space<vmem>>, vector<16xi32>,
    %min3A_2599 = arith.minsi %min3A_2594, %get3A_2598 : vector<16xi32>
    %get3A_2600 = arith.constant 39 : i32
    %get3A_2601 = arith.index_cast %get3A_2600 : i32 to index
    %get3A_2602 = arith.constant 16 : index
    %get3A_2603 = tpu.vector_load %arg5[%get3A_2601, %get3A_2602] {strides = array<i32>} : memref<50x128xi32, #tpu.memory_space<vmem>>, vector<16xi32>,
    %min3A_2604 = arith.minsi %min3A_2599, %get3A_2603 : vector<16xi32>
    %get3A_2605 = arith.constant 39 : i32
    %get3A_2606 = arith.index_cast %get3A_2605 : i32 to index
    %get3A_2607 = arith.constant 32 : index
    %get3A_2608 = tpu.vector_load %arg5[%get3A_2606, %get3A_2607] {strides = array<i32>} : memref<50x128xi32, #tpu.memory_space<vmem>>, vector<16xi32>,
    %min3A_2609 = arith.minsi %min3A_2604, %get3A_2608 : vector<16xi32>
    %get3A_2610 = arith.constant 39 : i32
    %get3A_2611 = arith.index_cast %get3A_2610 : i32 to index
    %get3A_2612 = arith.constant 48 : index
    %get3A_2613 = tpu.vector_load %arg5[%get3A_2611, %get3A_2612] {strides = array<i32>} : memref<50x128xi32, #tpu.memory_space<vmem>>, vector<16xi32>,
    %min3A_2614 = arith.minsi %min3A_2609, %get3A_2613 : vector<16xi32>
    %get3A_2615 = arith.constant 39 : i32
    %get3A_2616 = arith.index_cast %get3A_2615 : i32 to index
    %get3A_2617 = arith.constant 64 : index
    %get3A_2618 = tpu.vector_load %arg5[%get3A_2616, %get3A_2617] {strides = array<i32>} : memref<50x128xi32, #tpu.memory_space<vmem>>, vector<16xi32>,
    %min3A_2619 = arith.minsi %min3A_2614, %get3A_2618 : vector<16xi32>
    %get3A_2620 = arith.constant 39 : i32
    %get3A_2621 = arith.index_cast %get3A_2620 : i32 to index
    %get3A_2622 = arith.constant 80 : index
    %get3A_2623 = tpu.vector_load %arg5[%get3A_2621, %get3A_2622] {strides = array<i32>} : memref<50x128xi32, #tpu.memory_space<vmem>>, vector<16xi32>,
    %min3A_2624 = arith.minsi %min3A_2619, %get3A_2623 : vector<16xi32>
    %get3A_2625 = arith.constant 39 : i32
    %get3A_2626 = arith.index_cast %get3A_2625 : i32 to index
    %get3A_2627 = arith.constant 96 : index
    %get3A_2628 = tpu.vector_load %arg5[%get3A_2626, %get3A_2627] {strides = array<i32>} : memref<50x128xi32, #tpu.memory_space<vmem>>, vector<16xi32>,
    %min3A_2629 = arith.minsi %min3A_2624, %get3A_2628 : vector<16xi32>
    %get3A_2630 = arith.constant 39 : i32
    %get3A_2631 = arith.index_cast %get3A_2630 : i32 to index
    %get3A_2632 = arith.constant 112 : index
    %get3A_2633 = tpu.vector_load %arg5[%get3A_2631, %get3A_2632] {strides = array<i32>} : memref<50x128xi32, #tpu.memory_space<vmem>>, vector<16xi32>,
    %min3A_2634 = arith.minsi %min3A_2629, %get3A_2633 : vector<16xi32>
    %eq3A_2635 = arith.constant 0 : i32
    %eq3A_2636 = vector.broadcast %eq3A_2635 : i32 to vector<16xi32>
    %eq3A_2637 = arith.cmpi eq, %min3A_2634, %eq3A_2636 : vector<16xi32>
    %all_reduce_population_count3A_2638 = tpu.all_reduce %eq3A_2637 {dim = 0 : i64, kind = #tpu.reduction_kind<sum>} : vector<16xi1> -> vector<16xi32>
    %slice3A_2639 = vector.extract_strided_slice %all_reduce_population_count3A_2638 {offsets = [0], sizes = [1], strides = [1]} : vector<16xi32> to vector<1xi32>
    %squeeze3A_2640 = vector.extract %slice3A_2639[0] : i32 from vector<1xi32>
    %gt3A_2641 = arith.constant 0 : i32
    %gt3A_2642 = arith.cmpi sgt, %squeeze3A_2640, %gt3A_2641 : i32
    %convert_element_type3A_2643 = arith.extui %gt3A_2642 : i1 to i32
    %cond3A_2644 = arith.constant 0 : i32
    %cond3A_2645 = arith.cmpi ne, %convert_element_type3A_2643, %cond3A_2644 : i32
    scf.if %cond3A_2645 {
      %broadcast_in_dim3A = arith.constant 0.000000e+00 : f32
      %broadcast_in_dim3A_3270 = vector.broadcast %broadcast_in_dim3A : f32 to vector<16xf32>
      %scan3A = arith.constant 0 : i32
      %scan3A_3271 = arith.constant 0 : i32
      %scan3A_3272 = arith.constant 40 : i32
      %scan3A_3273 = arith.addi %scan3A_3271, %scan3A_3272 : i32
      %scan3A_3274 = arith.constant 1 : i32
      scf.for %scan3A_3276 = %scan3A_3271 to %scan3A_3273 step %scan3A_3274  : i32 {
        %jit3A = arith.constant 8 : i32
        %div3A = arith.divsi %scan3A_3276, %jit3A : i32
        %sign3A = arith.constant 0 : i32
        %sign3A_3277 = arith.cmpi sgt, %scan3A_3276, %sign3A : i32
        %sign3A_3278 = arith.extui %sign3A_3277 : i1 to i32
        %sign3A_3279 = arith.constant 0 : i32
        %sign3A_3280 = arith.cmpi slt, %scan3A_3276, %sign3A_3279 : i32
        %sign3A_3281 = arith.extui %sign3A_3280 : i1 to i32
        %sign3A_3282 = arith.subi %sign3A_3278, %sign3A_3281 : i32
        %sign3A_3283 = arith.constant 0 : i32
        %sign3A_3284 = arith.cmpi sgt, %jit3A, %sign3A_3283 : i32
        %sign3A_3285 = arith.extui %sign3A_3284 : i1 to i32
        %sign3A_3286 = arith.constant 0 : i32
        %sign3A_3287 = arith.cmpi slt, %jit3A, %sign3A_3286 : i32
        %sign3A_3288 = arith.extui %sign3A_3287 : i1 to i32
        %sign3A_3289 = arith.subi %sign3A_3285, %sign3A_3288 : i32
        %ne3A = arith.cmpi ne, %sign3A_3282, %sign3A_3289 : i32
        %rem3A = arith.remsi %scan3A_3276, %jit3A : i32
        %ne3A_3290 = arith.constant 0 : i32
        %ne3A_3291 = arith.cmpi ne, %rem3A, %ne3A_3290 : i32
        %and3A = arith.andi %ne3A, %ne3A_3291 : i1
        %sub3A = arith.constant 1 : i32
        %sub3A_3292 = arith.subi %div3A, %sub3A : i32
        %select_n3A = arith.select %and3A, %sub3A_3292, %div3A : i32
        %add3A_3293 = arith.constant 35 : i32
        %add3A_3294 = arith.addi %add3A_3293, %select_n3A : i32
        %jit3A_3295 = arith.constant 8 : i32
        %eq3A_3296 = arith.constant 0 : i32
        %eq3A_3297 = arith.cmpi eq, %jit3A_3295, %eq3A_3296 : i32
        %jit3A_3298 = arith.constant 1 : i32
        %select_n3A_3299 = arith.select %eq3A_3297, %jit3A_3298, %jit3A_3295 : i32
        %rem3A_3300 = arith.remsi %scan3A_3276, %select_n3A_3299 : i32
        %ne3A_3301 = arith.constant 0 : i32
        %ne3A_3302 = arith.cmpi ne, %rem3A_3300, %ne3A_3301 : i32
        %lt3A = arith.constant 0 : i32
        %lt3A_3303 = arith.cmpi slt, %rem3A_3300, %lt3A : i32
        %lt3A_3304 = arith.constant 0 : i32
        %lt3A_3305 = arith.cmpi slt, %select_n3A_3299, %lt3A_3304 : i32
        %ne3A_3306 = arith.xori %lt3A_3303, %lt3A_3305 : i1
        %and3A_3307 = arith.andi %ne3A_3306, %ne3A_3302 : i1
        %add3A_3308 = arith.addi %rem3A_3300, %select_n3A_3299 : i32
        %select_n3A_3309 = arith.select %and3A_3307, %add3A_3308, %rem3A_3300 : i32
        %mul3A_3310 = arith.constant 16 : i32
        %mul3A_3311 = arith.muli %select_n3A_3309, %mul3A_3310 : i32
        %get3A_3312 = arith.index_cast %add3A_3294 : i32 to index
        %get3A_3313 = arith.index_cast %mul3A_3311 : i32 to index
        %get3A_3314 = tpu.vector_load %arg5[%get3A_3312, %get3A_3313] {strides = array<i32>} : memref<50x128xi32, #tpu.memory_space<vmem>>, vector<16xi32>,
        %eq3A_3315 = arith.constant 0 : i32
        %eq3A_3316 = vector.broadcast %eq3A_3315 : i32 to vector<16xi32>
        %eq3A_3317 = arith.cmpi eq, %get3A_3314, %eq3A_3316 : vector<16xi32>
        %all_reduce_population_count3A_3318 = tpu.all_reduce %eq3A_3317 {dim = 0 : i64, kind = #tpu.reduction_kind<sum>} : vector<16xi1> -> vector<16xi32>
        %slice3A_3319 = vector.extract_strided_slice %all_reduce_population_count3A_3318 {offsets = [0], sizes = [1], strides = [1]} : vector<16xi32> to vector<1xi32>
        %squeeze3A_3320 = vector.extract %slice3A_3319[0] : i32 from vector<1xi32>
        %gt3A_3321 = arith.constant 0 : i32
        %gt3A_3322 = arith.cmpi sgt, %squeeze3A_3320, %gt3A_3321 : i32
        %convert_element_type3A_3323 = arith.extui %gt3A_3322 : i1 to i32
        %cond3A_3324 = arith.constant 0 : i32
        %cond3A_3325 = arith.cmpi ne, %convert_element_type3A_3323, %cond3A_3324 : i32
        scf.if %cond3A_3325 {
          %mul3A_3326 = arith.constant 16 : i32
          %mul3A_3327 = arith.muli %scan3A_3276, %mul3A_3326 : i32
          %iota3A = tpu.iota {dimensions = array<i32: 0>} : vector<16xi32>
          %add3A_3328 = vector.broadcast %mul3A_3327 : i32 to vector<16xi32>
          %add3A_3329 = arith.addi %add3A_3328, %iota3A : vector<16xi32>
          %scan3A_3330 = arith.constant 0 : i32
          %scan3A_3331 = arith.constant 0 : i32
          %scan3A_3332 = arith.constant 64 : i32
          %scan3A_3333 = arith.addi %scan3A_3331, %scan3A_3332 : i32
          %scan3A_3334 = arith.constant 1 : i32
          scf.for %scan3A_3336 = %scan3A_3331 to %scan3A_3333 step %scan3A_3334  : i32 {
            %broadcast_in_dim3A_3337 = vector.broadcast %scan3A_3336 : i32 to vector<16xi32>
            tpu.vector_store_idx %arg7[%add3A_3329, %broadcast_in_dim3A_3337], %broadcast_in_dim3A_3270 masked %eq3A_3317 : memref<640x64xf32, #tpu.memory_space<vmem>>[vector<16xi32>, vector<16xi32>], vector<16xf32>, vector<16xi1>
          }
          %scan3A_3335 = arith.constant 64 : i32
        } else {
        }
      }
      %scan3A_3275 = arith.constant 40 : i32
    } else {
    }
    %dma_start3A_2646 = arith.constant 7 : i32
    %dma_start3A_2647 = arith.constant 0 : i32
    %dma_start3A_2648 = arith.constant 0 : i32
    %dma_start3A_2649 = tpu.memref_slice %arg4[%add3A, %dma_start3A_2646, %dma_start3A_2647, %dma_start3A_2648] : memref<32x10x640x64xf32, #tpu.memory_space<hbm>> -> memref<1x1x640x64xf32, #tpu.memory_space<hbm>>
    %dma_start3A_2650 = tpu.memref_squeeze %dma_start3A_2649 : memref<1x1x640x64xf32, #tpu.memory_space<hbm>> -> memref<640x64xf32, #tpu.memory_space<hbm>>
    %dma_start3A_2651 = arith.constant 0 : i32
    %dma_start3A_2652 = arith.constant 0 : i32
    %dma_start3A_2653 = tpu.memref_slice %arg4[%add3A, %dma_start3A_2646, %dma_start3A_2651, %dma_start3A_2652] : memref<32x10x640x64xf32, #tpu.memory_space<hbm>> -> memref<1x1x640x64xf32, #tpu.memory_space<hbm>>
    %dma_start3A_2654 = tpu.memref_squeeze %dma_start3A_2653 : memref<1x1x640x64xf32, #tpu.memory_space<hbm>> -> memref<640x64xf32, #tpu.memory_space<hbm>>
    tpu.enqueue_dma source(%arg7 : memref<640x64xf32, #tpu.memory_space<vmem>>) target(%dma_start3A_2654 : memref<640x64xf32, #tpu.memory_space<hbm>>) target_semaphore(%arg10 : memref<!tpu.dma_semaphore, #tpu.memory_space<semaphore_mem>>)
    %dma_wait3A_2655 = arith.constant 7 : i32
    %dma_wait3A_2656 = arith.constant 0 : i32
    %dma_wait3A_2657 = arith.constant 0 : i32
    %dma_wait3A_2658 = tpu.memref_slice %arg4[%add3A, %dma_wait3A_2655, %dma_wait3A_2656, %dma_wait3A_2657] : memref<32x10x640x64xf32, #tpu.memory_space<hbm>> -> memref<1x1x640x64xf32, #tpu.memory_space<hbm>>
    %dma_wait3A_2659 = tpu.memref_squeeze %dma_wait3A_2658 : memref<1x1x640x64xf32, #tpu.memory_space<hbm>> -> memref<640x64xf32, #tpu.memory_space<hbm>>
    %dma_wait3A_2660 = arith.constant 0 : i32
    %dma_wait3A_2661 = arith.constant 0 : i32
    %dma_wait3A_2662 = tpu.memref_slice %arg4[%add3A, %dma_wait3A_2655, %dma_wait3A_2660, %dma_wait3A_2661] : memref<32x10x640x64xf32, #tpu.memory_space<hbm>> -> memref<1x1x640x64xf32, #tpu.memory_space<hbm>>
    %dma_wait3A_2663 = tpu.memref_squeeze %dma_wait3A_2662 : memref<1x1x640x64xf32, #tpu.memory_space<hbm>> -> memref<640x64xf32, #tpu.memory_space<hbm>>
    tpu.wait_dma2 semaphore(%arg10 : memref<!tpu.dma_semaphore, #tpu.memory_space<semaphore_mem>>) src(%arg7 : memref<640x64xf32, #tpu.memory_space<vmem>>) dst(%dma_wait3A_2663 : memref<640x64xf32, #tpu.memory_space<hbm>>)
    %dma_start3A_2664 = arith.constant 45 : i32
    %dma_start3A_2665 = arith.constant 0 : i32
    %dma_start3A_2666 = arith.constant 0 : i32
    %dma_start3A_2667 = tpu.memref_slice %arg7[%dma_start3A_2665, %dma_start3A_2666] : memref<640x64xf32, #tpu.memory_space<vmem>> -> memref<128x64xf32, #tpu.memory_space<vmem>>
    %dma_start3A_2668 = arith.constant 0 : i32
    %dma_start3A_2669 = tpu.memref_slice %arg5[%dma_start3A_2664, %dma_start3A_2668] : memref<50x128xi32, #tpu.memory_space<vmem>> -> memref<1x128xi32, #tpu.memory_space<vmem>>
    %dma_start3A_2670 = tpu.memref_squeeze %dma_start3A_2669 : memref<1x128xi32, #tpu.memory_space<vmem>> -> memref<128xi32, #tpu.memory_space<vmem>>
    %dma_start3A_2671 = arith.constant 0 : i32
    %dma_start3A_2672 = arith.constant 0 : i32
    %dma_start3A_2673 = tpu.memref_slice %arg3[%dma_start3A_2671, %dma_start3A_2672] : memref<1000000x64xf32, #tpu.memory_space<hbm>> -> memref<1000000x64xf32, #tpu.memory_space<hbm>>
    tpu.enqueue_indirect_dma source(%dma_start3A_2673 : memref<1000000x64xf32, #tpu.memory_space<hbm>>) target(%dma_start3A_2667 : memref<128x64xf32, #tpu.memory_space<vmem>>) offsets(%dma_start3A_2670 : memref<128xi32, #tpu.memory_space<vmem>>) semaphore(%arg9 : memref<!tpu.dma_semaphore, #tpu.memory_space<semaphore_mem>>)
    %dma_start3A_2674 = arith.constant 46 : i32
    %dma_start3A_2675 = arith.constant 128 : i32
    %dma_start3A_2676 = arith.constant 0 : i32
    %dma_start3A_2677 = tpu.memref_slice %arg7[%dma_start3A_2675, %dma_start3A_2676] : memref<640x64xf32, #tpu.memory_space<vmem>> -> memref<128x64xf32, #tpu.memory_space<vmem>>
    %dma_start3A_2678 = arith.constant 0 : i32
    %dma_start3A_2679 = tpu.memref_slice %arg5[%dma_start3A_2674, %dma_start3A_2678] : memref<50x128xi32, #tpu.memory_space<vmem>> -> memref<1x128xi32, #tpu.memory_space<vmem>>
    %dma_start3A_2680 = tpu.memref_squeeze %dma_start3A_2679 : memref<1x128xi32, #tpu.memory_space<vmem>> -> memref<128xi32, #tpu.memory_space<vmem>>
    %dma_start3A_2681 = arith.constant 0 : i32
    %dma_start3A_2682 = arith.constant 0 : i32
    %dma_start3A_2683 = tpu.memref_slice %arg3[%dma_start3A_2681, %dma_start3A_2682] : memref<1000000x64xf32, #tpu.memory_space<hbm>> -> memref<1000000x64xf32, #tpu.memory_space<hbm>>
    tpu.enqueue_indirect_dma source(%dma_start3A_2683 : memref<1000000x64xf32, #tpu.memory_space<hbm>>) target(%dma_start3A_2677 : memref<128x64xf32, #tpu.memory_space<vmem>>) offsets(%dma_start3A_2680 : memref<128xi32, #tpu.memory_space<vmem>>) semaphore(%arg9 : memref<!tpu.dma_semaphore, #tpu.memory_space<semaphore_mem>>)
    %dma_start3A_2684 = arith.constant 47 : i32
    %dma_start3A_2685 = arith.constant 256 : i32
    %dma_start3A_2686 = arith.constant 0 : i32
    %dma_start3A_2687 = tpu.memref_slice %arg7[%dma_start3A_2685, %dma_start3A_2686] : memref<640x64xf32, #tpu.memory_space<vmem>> -> memref<128x64xf32, #tpu.memory_space<vmem>>
    %dma_start3A_2688 = arith.constant 0 : i32
    %dma_start3A_2689 = tpu.memref_slice %arg5[%dma_start3A_2684, %dma_start3A_2688] : memref<50x128xi32, #tpu.memory_space<vmem>> -> memref<1x128xi32, #tpu.memory_space<vmem>>
    %dma_start3A_2690 = tpu.memref_squeeze %dma_start3A_2689 : memref<1x128xi32, #tpu.memory_space<vmem>> -> memref<128xi32, #tpu.memory_space<vmem>>
    %dma_start3A_2691 = arith.constant 0 : i32
    %dma_start3A_2692 = arith.constant 0 : i32
    %dma_start3A_2693 = tpu.memref_slice %arg3[%dma_start3A_2691, %dma_start3A_2692] : memref<1000000x64xf32, #tpu.memory_space<hbm>> -> memref<1000000x64xf32, #tpu.memory_space<hbm>>
    tpu.enqueue_indirect_dma source(%dma_start3A_2693 : memref<1000000x64xf32, #tpu.memory_space<hbm>>) target(%dma_start3A_2687 : memref<128x64xf32, #tpu.memory_space<vmem>>) offsets(%dma_start3A_2690 : memref<128xi32, #tpu.memory_space<vmem>>) semaphore(%arg9 : memref<!tpu.dma_semaphore, #tpu.memory_space<semaphore_mem>>)
    %dma_start3A_2694 = arith.constant 48 : i32
    %dma_start3A_2695 = arith.constant 384 : i32
    %dma_start3A_2696 = arith.constant 0 : i32
    %dma_start3A_2697 = tpu.memref_slice %arg7[%dma_start3A_2695, %dma_start3A_2696] : memref<640x64xf32, #tpu.memory_space<vmem>> -> memref<128x64xf32, #tpu.memory_space<vmem>>
    %dma_start3A_2698 = arith.constant 0 : i32
    %dma_start3A_2699 = tpu.memref_slice %arg5[%dma_start3A_2694, %dma_start3A_2698] : memref<50x128xi32, #tpu.memory_space<vmem>> -> memref<1x128xi32, #tpu.memory_space<vmem>>
    %dma_start3A_2700 = tpu.memref_squeeze %dma_start3A_2699 : memref<1x128xi32, #tpu.memory_space<vmem>> -> memref<128xi32, #tpu.memory_space<vmem>>
    %dma_start3A_2701 = arith.constant 0 : i32
    %dma_start3A_2702 = arith.constant 0 : i32
    %dma_start3A_2703 = tpu.memref_slice %arg3[%dma_start3A_2701, %dma_start3A_2702] : memref<1000000x64xf32, #tpu.memory_space<hbm>> -> memref<1000000x64xf32, #tpu.memory_space<hbm>>
    tpu.enqueue_indirect_dma source(%dma_start3A_2703 : memref<1000000x64xf32, #tpu.memory_space<hbm>>) target(%dma_start3A_2697 : memref<128x64xf32, #tpu.memory_space<vmem>>) offsets(%dma_start3A_2700 : memref<128xi32, #tpu.memory_space<vmem>>) semaphore(%arg9 : memref<!tpu.dma_semaphore, #tpu.memory_space<semaphore_mem>>)
    %dma_start3A_2704 = arith.constant 49 : i32
    %dma_start3A_2705 = arith.constant 512 : i32
    %dma_start3A_2706 = arith.constant 0 : i32
    %dma_start3A_2707 = tpu.memref_slice %arg7[%dma_start3A_2705, %dma_start3A_2706] : memref<640x64xf32, #tpu.memory_space<vmem>> -> memref<128x64xf32, #tpu.memory_space<vmem>>
    %dma_start3A_2708 = arith.constant 0 : i32
    %dma_start3A_2709 = tpu.memref_slice %arg5[%dma_start3A_2704, %dma_start3A_2708] : memref<50x128xi32, #tpu.memory_space<vmem>> -> memref<1x128xi32, #tpu.memory_space<vmem>>
    %dma_start3A_2710 = tpu.memref_squeeze %dma_start3A_2709 : memref<1x128xi32, #tpu.memory_space<vmem>> -> memref<128xi32, #tpu.memory_space<vmem>>
    %dma_start3A_2711 = arith.constant 0 : i32
    %dma_start3A_2712 = arith.constant 0 : i32
    %dma_start3A_2713 = tpu.memref_slice %arg3[%dma_start3A_2711, %dma_start3A_2712] : memref<1000000x64xf32, #tpu.memory_space<hbm>> -> memref<1000000x64xf32, #tpu.memory_space<hbm>>
    tpu.enqueue_indirect_dma source(%dma_start3A_2713 : memref<1000000x64xf32, #tpu.memory_space<hbm>>) target(%dma_start3A_2707 : memref<128x64xf32, #tpu.memory_space<vmem>>) offsets(%dma_start3A_2710 : memref<128xi32, #tpu.memory_space<vmem>>) semaphore(%arg9 : memref<!tpu.dma_semaphore, #tpu.memory_space<semaphore_mem>>)
    %dma_wait3A_2714 = arith.constant 40 : i32
    %dma_wait3A_2715 = arith.constant 0 : i32
    %dma_wait3A_2716 = arith.constant 0 : i32
    %dma_wait3A_2717 = tpu.memref_slice %arg6[%dma_wait3A_2715, %dma_wait3A_2716] : memref<640x64xf32, #tpu.memory_space<vmem>> -> memref<128x64xf32, #tpu.memory_space<vmem>>
    %dma_wait3A_2718 = arith.constant 0 : i32
    %dma_wait3A_2719 = tpu.memref_slice %arg5[%dma_wait3A_2714, %dma_wait3A_2718] : memref<50x128xi32, #tpu.memory_space<vmem>> -> memref<1x128xi32, #tpu.memory_space<vmem>>
    %dma_wait3A_2720 = tpu.memref_squeeze %dma_wait3A_2719 : memref<1x128xi32, #tpu.memory_space<vmem>> -> memref<128xi32, #tpu.memory_space<vmem>>
    %dma_wait3A_2721 = arith.constant 0 : i32
    %dma_wait3A_2722 = arith.constant 0 : i32
    %dma_wait3A_2723 = tpu.memref_slice %arg3[%dma_wait3A_2721, %dma_wait3A_2722] : memref<1000000x64xf32, #tpu.memory_space<hbm>> -> memref<1000000x64xf32, #tpu.memory_space<hbm>>
    tpu.wait_indirect_dma semaphore(%arg8 : memref<!tpu.dma_semaphore, #tpu.memory_space<semaphore_mem>>) src(%dma_wait3A_2723 : memref<1000000x64xf32, #tpu.memory_space<hbm>>) dst(%dma_wait3A_2717 : memref<128x64xf32, #tpu.memory_space<vmem>>)
    %dma_wait3A_2724 = arith.constant 41 : i32
    %dma_wait3A_2725 = arith.constant 128 : i32
    %dma_wait3A_2726 = arith.constant 0 : i32
    %dma_wait3A_2727 = tpu.memref_slice %arg6[%dma_wait3A_2725, %dma_wait3A_2726] : memref<640x64xf32, #tpu.memory_space<vmem>> -> memref<128x64xf32, #tpu.memory_space<vmem>>
    %dma_wait3A_2728 = arith.constant 0 : i32
    %dma_wait3A_2729 = tpu.memref_slice %arg5[%dma_wait3A_2724, %dma_wait3A_2728] : memref<50x128xi32, #tpu.memory_space<vmem>> -> memref<1x128xi32, #tpu.memory_space<vmem>>
    %dma_wait3A_2730 = tpu.memref_squeeze %dma_wait3A_2729 : memref<1x128xi32, #tpu.memory_space<vmem>> -> memref<128xi32, #tpu.memory_space<vmem>>
    %dma_wait3A_2731 = arith.constant 0 : i32
    %dma_wait3A_2732 = arith.constant 0 : i32
    %dma_wait3A_2733 = tpu.memref_slice %arg3[%dma_wait3A_2731, %dma_wait3A_2732] : memref<1000000x64xf32, #tpu.memory_space<hbm>> -> memref<1000000x64xf32, #tpu.memory_space<hbm>>
    tpu.wait_indirect_dma semaphore(%arg8 : memref<!tpu.dma_semaphore, #tpu.memory_space<semaphore_mem>>) src(%dma_wait3A_2733 : memref<1000000x64xf32, #tpu.memory_space<hbm>>) dst(%dma_wait3A_2727 : memref<128x64xf32, #tpu.memory_space<vmem>>)
    %dma_wait3A_2734 = arith.constant 42 : i32
    %dma_wait3A_2735 = arith.constant 256 : i32
    %dma_wait3A_2736 = arith.constant 0 : i32
    %dma_wait3A_2737 = tpu.memref_slice %arg6[%dma_wait3A_2735, %dma_wait3A_2736] : memref<640x64xf32, #tpu.memory_space<vmem>> -> memref<128x64xf32, #tpu.memory_space<vmem>>
    %dma_wait3A_2738 = arith.constant 0 : i32
    %dma_wait3A_2739 = tpu.memref_slice %arg5[%dma_wait3A_2734, %dma_wait3A_2738] : memref<50x128xi32, #tpu.memory_space<vmem>> -> memref<1x128xi32, #tpu.memory_space<vmem>>
    %dma_wait3A_2740 = tpu.memref_squeeze %dma_wait3A_2739 : memref<1x128xi32, #tpu.memory_space<vmem>> -> memref<128xi32, #tpu.memory_space<vmem>>
    %dma_wait3A_2741 = arith.constant 0 : i32
    %dma_wait3A_2742 = arith.constant 0 : i32
    %dma_wait3A_2743 = tpu.memref_slice %arg3[%dma_wait3A_2741, %dma_wait3A_2742] : memref<1000000x64xf32, #tpu.memory_space<hbm>> -> memref<1000000x64xf32, #tpu.memory_space<hbm>>
    tpu.wait_indirect_dma semaphore(%arg8 : memref<!tpu.dma_semaphore, #tpu.memory_space<semaphore_mem>>) src(%dma_wait3A_2743 : memref<1000000x64xf32, #tpu.memory_space<hbm>>) dst(%dma_wait3A_2737 : memref<128x64xf32, #tpu.memory_space<vmem>>)
    %dma_wait3A_2744 = arith.constant 43 : i32
    %dma_wait3A_2745 = arith.constant 384 : i32
    %dma_wait3A_2746 = arith.constant 0 : i32
    %dma_wait3A_2747 = tpu.memref_slice %arg6[%dma_wait3A_2745, %dma_wait3A_2746] : memref<640x64xf32, #tpu.memory_space<vmem>> -> memref<128x64xf32, #tpu.memory_space<vmem>>
    %dma_wait3A_2748 = arith.constant 0 : i32
    %dma_wait3A_2749 = tpu.memref_slice %arg5[%dma_wait3A_2744, %dma_wait3A_2748] : memref<50x128xi32, #tpu.memory_space<vmem>> -> memref<1x128xi32, #tpu.memory_space<vmem>>
    %dma_wait3A_2750 = tpu.memref_squeeze %dma_wait3A_2749 : memref<1x128xi32, #tpu.memory_space<vmem>> -> memref<128xi32, #tpu.memory_space<vmem>>
    %dma_wait3A_2751 = arith.constant 0 : i32
    %dma_wait3A_2752 = arith.constant 0 : i32
    %dma_wait3A_2753 = tpu.memref_slice %arg3[%dma_wait3A_2751, %dma_wait3A_2752] : memref<1000000x64xf32, #tpu.memory_space<hbm>> -> memref<1000000x64xf32, #tpu.memory_space<hbm>>
    tpu.wait_indirect_dma semaphore(%arg8 : memref<!tpu.dma_semaphore, #tpu.memory_space<semaphore_mem>>) src(%dma_wait3A_2753 : memref<1000000x64xf32, #tpu.memory_space<hbm>>) dst(%dma_wait3A_2747 : memref<128x64xf32, #tpu.memory_space<vmem>>)
    %dma_wait3A_2754 = arith.constant 44 : i32
    %dma_wait3A_2755 = arith.constant 512 : i32
    %dma_wait3A_2756 = arith.constant 0 : i32
    %dma_wait3A_2757 = tpu.memref_slice %arg6[%dma_wait3A_2755, %dma_wait3A_2756] : memref<640x64xf32, #tpu.memory_space<vmem>> -> memref<128x64xf32, #tpu.memory_space<vmem>>
    %dma_wait3A_2758 = arith.constant 0 : i32
    %dma_wait3A_2759 = tpu.memref_slice %arg5[%dma_wait3A_2754, %dma_wait3A_2758] : memref<50x128xi32, #tpu.memory_space<vmem>> -> memref<1x128xi32, #tpu.memory_space<vmem>>
    %dma_wait3A_2760 = tpu.memref_squeeze %dma_wait3A_2759 : memref<1x128xi32, #tpu.memory_space<vmem>> -> memref<128xi32, #tpu.memory_space<vmem>>
    %dma_wait3A_2761 = arith.constant 0 : i32
    %dma_wait3A_2762 = arith.constant 0 : i32
    %dma_wait3A_2763 = tpu.memref_slice %arg3[%dma_wait3A_2761, %dma_wait3A_2762] : memref<1000000x64xf32, #tpu.memory_space<hbm>> -> memref<1000000x64xf32, #tpu.memory_space<hbm>>
    tpu.wait_indirect_dma semaphore(%arg8 : memref<!tpu.dma_semaphore, #tpu.memory_space<semaphore_mem>>) src(%dma_wait3A_2763 : memref<1000000x64xf32, #tpu.memory_space<hbm>>) dst(%dma_wait3A_2757 : memref<128x64xf32, #tpu.memory_space<vmem>>)
    %get3A_2764 = arith.constant 40 : i32
    %get3A_2765 = arith.index_cast %get3A_2764 : i32 to index
    %get3A_2766 = arith.constant 0 : index
    %get3A_2767 = tpu.vector_load %arg5[%get3A_2765, %get3A_2766] {strides = array<i32>} : memref<50x128xi32, #tpu.memory_space<vmem>>, vector<16xi32>,
    %get3A_2768 = arith.constant 40 : i32
    %get3A_2769 = arith.index_cast %get3A_2768 : i32 to index
    %get3A_2770 = arith.constant 16 : index
    %get3A_2771 = tpu.vector_load %arg5[%get3A_2769, %get3A_2770] {strides = array<i32>} : memref<50x128xi32, #tpu.memory_space<vmem>>, vector<16xi32>,
    %min3A_2772 = arith.minsi %get3A_2767, %get3A_2771 : vector<16xi32>
    %get3A_2773 = arith.constant 40 : i32
    %get3A_2774 = arith.index_cast %get3A_2773 : i32 to index
    %get3A_2775 = arith.constant 32 : index
    %get3A_2776 = tpu.vector_load %arg5[%get3A_2774, %get3A_2775] {strides = array<i32>} : memref<50x128xi32, #tpu.memory_space<vmem>>, vector<16xi32>,
    %min3A_2777 = arith.minsi %min3A_2772, %get3A_2776 : vector<16xi32>
    %get3A_2778 = arith.constant 40 : i32
    %get3A_2779 = arith.index_cast %get3A_2778 : i32 to index
    %get3A_2780 = arith.constant 48 : index
    %get3A_2781 = tpu.vector_load %arg5[%get3A_2779, %get3A_2780] {strides = array<i32>} : memref<50x128xi32, #tpu.memory_space<vmem>>, vector<16xi32>,
    %min3A_2782 = arith.minsi %min3A_2777, %get3A_2781 : vector<16xi32>
    %get3A_2783 = arith.constant 40 : i32
    %get3A_2784 = arith.index_cast %get3A_2783 : i32 to index
    %get3A_2785 = arith.constant 64 : index
    %get3A_2786 = tpu.vector_load %arg5[%get3A_2784, %get3A_2785] {strides = array<i32>} : memref<50x128xi32, #tpu.memory_space<vmem>>, vector<16xi32>,
    %min3A_2787 = arith.minsi %min3A_2782, %get3A_2786 : vector<16xi32>
    %get3A_2788 = arith.constant 40 : i32
    %get3A_2789 = arith.index_cast %get3A_2788 : i32 to index
    %get3A_2790 = arith.constant 80 : index
    %get3A_2791 = tpu.vector_load %arg5[%get3A_2789, %get3A_2790] {strides = array<i32>} : memref<50x128xi32, #tpu.memory_space<vmem>>, vector<16xi32>,
    %min3A_2792 = arith.minsi %min3A_2787, %get3A_2791 : vector<16xi32>
    %get3A_2793 = arith.constant 40 : i32
    %get3A_2794 = arith.index_cast %get3A_2793 : i32 to index
    %get3A_2795 = arith.constant 96 : index
    %get3A_2796 = tpu.vector_load %arg5[%get3A_2794, %get3A_2795] {strides = array<i32>} : memref<50x128xi32, #tpu.memory_space<vmem>>, vector<16xi32>,
    %min3A_2797 = arith.minsi %min3A_2792, %get3A_2796 : vector<16xi32>
    %get3A_2798 = arith.constant 40 : i32
    %get3A_2799 = arith.index_cast %get3A_2798 : i32 to index
    %get3A_2800 = arith.constant 112 : index
    %get3A_2801 = tpu.vector_load %arg5[%get3A_2799, %get3A_2800] {strides = array<i32>} : memref<50x128xi32, #tpu.memory_space<vmem>>, vector<16xi32>,
    %min3A_2802 = arith.minsi %min3A_2797, %get3A_2801 : vector<16xi32>
    %get3A_2803 = arith.constant 41 : i32
    %get3A_2804 = arith.index_cast %get3A_2803 : i32 to index
    %get3A_2805 = arith.constant 0 : index
    %get3A_2806 = tpu.vector_load %arg5[%get3A_2804, %get3A_2805] {strides = array<i32>} : memref<50x128xi32, #tpu.memory_space<vmem>>, vector<16xi32>,
    %min3A_2807 = arith.minsi %min3A_2802, %get3A_2806 : vector<16xi32>
    %get3A_2808 = arith.constant 41 : i32
    %get3A_2809 = arith.index_cast %get3A_2808 : i32 to index
    %get3A_2810 = arith.constant 16 : index
    %get3A_2811 = tpu.vector_load %arg5[%get3A_2809, %get3A_2810] {strides = array<i32>} : memref<50x128xi32, #tpu.memory_space<vmem>>, vector<16xi32>,
    %min3A_2812 = arith.minsi %min3A_2807, %get3A_2811 : vector<16xi32>
    %get3A_2813 = arith.constant 41 : i32
    %get3A_2814 = arith.index_cast %get3A_2813 : i32 to index
    %get3A_2815 = arith.constant 32 : index
    %get3A_2816 = tpu.vector_load %arg5[%get3A_2814, %get3A_2815] {strides = array<i32>} : memref<50x128xi32, #tpu.memory_space<vmem>>, vector<16xi32>,
    %min3A_2817 = arith.minsi %min3A_2812, %get3A_2816 : vector<16xi32>
    %get3A_2818 = arith.constant 41 : i32
    %get3A_2819 = arith.index_cast %get3A_2818 : i32 to index
    %get3A_2820 = arith.constant 48 : index
    %get3A_2821 = tpu.vector_load %arg5[%get3A_2819, %get3A_2820] {strides = array<i32>} : memref<50x128xi32, #tpu.memory_space<vmem>>, vector<16xi32>,
    %min3A_2822 = arith.minsi %min3A_2817, %get3A_2821 : vector<16xi32>
    %get3A_2823 = arith.constant 41 : i32
    %get3A_2824 = arith.index_cast %get3A_2823 : i32 to index
    %get3A_2825 = arith.constant 64 : index
    %get3A_2826 = tpu.vector_load %arg5[%get3A_2824, %get3A_2825] {strides = array<i32>} : memref<50x128xi32, #tpu.memory_space<vmem>>, vector<16xi32>,
    %min3A_2827 = arith.minsi %min3A_2822, %get3A_2826 : vector<16xi32>
    %get3A_2828 = arith.constant 41 : i32
    %get3A_2829 = arith.index_cast %get3A_2828 : i32 to index
    %get3A_2830 = arith.constant 80 : index
    %get3A_2831 = tpu.vector_load %arg5[%get3A_2829, %get3A_2830] {strides = array<i32>} : memref<50x128xi32, #tpu.memory_space<vmem>>, vector<16xi32>,
    %min3A_2832 = arith.minsi %min3A_2827, %get3A_2831 : vector<16xi32>
    %get3A_2833 = arith.constant 41 : i32
    %get3A_2834 = arith.index_cast %get3A_2833 : i32 to index
    %get3A_2835 = arith.constant 96 : index
    %get3A_2836 = tpu.vector_load %arg5[%get3A_2834, %get3A_2835] {strides = array<i32>} : memref<50x128xi32, #tpu.memory_space<vmem>>, vector<16xi32>,
    %min3A_2837 = arith.minsi %min3A_2832, %get3A_2836 : vector<16xi32>
    %get3A_2838 = arith.constant 41 : i32
    %get3A_2839 = arith.index_cast %get3A_2838 : i32 to index
    %get3A_2840 = arith.constant 112 : index
    %get3A_2841 = tpu.vector_load %arg5[%get3A_2839, %get3A_2840] {strides = array<i32>} : memref<50x128xi32, #tpu.memory_space<vmem>>, vector<16xi32>,
    %min3A_2842 = arith.minsi %min3A_2837, %get3A_2841 : vector<16xi32>
    %get3A_2843 = arith.constant 42 : i32
    %get3A_2844 = arith.index_cast %get3A_2843 : i32 to index
    %get3A_2845 = arith.constant 0 : index
    %get3A_2846 = tpu.vector_load %arg5[%get3A_2844, %get3A_2845] {strides = array<i32>} : memref<50x128xi32, #tpu.memory_space<vmem>>, vector<16xi32>,
    %min3A_2847 = arith.minsi %min3A_2842, %get3A_2846 : vector<16xi32>
    %get3A_2848 = arith.constant 42 : i32
    %get3A_2849 = arith.index_cast %get3A_2848 : i32 to index
    %get3A_2850 = arith.constant 16 : index
    %get3A_2851 = tpu.vector_load %arg5[%get3A_2849, %get3A_2850] {strides = array<i32>} : memref<50x128xi32, #tpu.memory_space<vmem>>, vector<16xi32>,
    %min3A_2852 = arith.minsi %min3A_2847, %get3A_2851 : vector<16xi32>
    %get3A_2853 = arith.constant 42 : i32
    %get3A_2854 = arith.index_cast %get3A_2853 : i32 to index
    %get3A_2855 = arith.constant 32 : index
    %get3A_2856 = tpu.vector_load %arg5[%get3A_2854, %get3A_2855] {strides = array<i32>} : memref<50x128xi32, #tpu.memory_space<vmem>>, vector<16xi32>,
    %min3A_2857 = arith.minsi %min3A_2852, %get3A_2856 : vector<16xi32>
    %get3A_2858 = arith.constant 42 : i32
    %get3A_2859 = arith.index_cast %get3A_2858 : i32 to index
    %get3A_2860 = arith.constant 48 : index
    %get3A_2861 = tpu.vector_load %arg5[%get3A_2859, %get3A_2860] {strides = array<i32>} : memref<50x128xi32, #tpu.memory_space<vmem>>, vector<16xi32>,
    %min3A_2862 = arith.minsi %min3A_2857, %get3A_2861 : vector<16xi32>
    %get3A_2863 = arith.constant 42 : i32
    %get3A_2864 = arith.index_cast %get3A_2863 : i32 to index
    %get3A_2865 = arith.constant 64 : index
    %get3A_2866 = tpu.vector_load %arg5[%get3A_2864, %get3A_2865] {strides = array<i32>} : memref<50x128xi32, #tpu.memory_space<vmem>>, vector<16xi32>,
    %min3A_2867 = arith.minsi %min3A_2862, %get3A_2866 : vector<16xi32>
    %get3A_2868 = arith.constant 42 : i32
    %get3A_2869 = arith.index_cast %get3A_2868 : i32 to index
    %get3A_2870 = arith.constant 80 : index
    %get3A_2871 = tpu.vector_load %arg5[%get3A_2869, %get3A_2870] {strides = array<i32>} : memref<50x128xi32, #tpu.memory_space<vmem>>, vector<16xi32>,
    %min3A_2872 = arith.minsi %min3A_2867, %get3A_2871 : vector<16xi32>
    %get3A_2873 = arith.constant 42 : i32
    %get3A_2874 = arith.index_cast %get3A_2873 : i32 to index
    %get3A_2875 = arith.constant 96 : index
    %get3A_2876 = tpu.vector_load %arg5[%get3A_2874, %get3A_2875] {strides = array<i32>} : memref<50x128xi32, #tpu.memory_space<vmem>>, vector<16xi32>,
    %min3A_2877 = arith.minsi %min3A_2872, %get3A_2876 : vector<16xi32>
    %get3A_2878 = arith.constant 42 : i32
    %get3A_2879 = arith.index_cast %get3A_2878 : i32 to index
    %get3A_2880 = arith.constant 112 : index
    %get3A_2881 = tpu.vector_load %arg5[%get3A_2879, %get3A_2880] {strides = array<i32>} : memref<50x128xi32, #tpu.memory_space<vmem>>, vector<16xi32>,
    %min3A_2882 = arith.minsi %min3A_2877, %get3A_2881 : vector<16xi32>
    %get3A_2883 = arith.constant 43 : i32
    %get3A_2884 = arith.index_cast %get3A_2883 : i32 to index
    %get3A_2885 = arith.constant 0 : index
    %get3A_2886 = tpu.vector_load %arg5[%get3A_2884, %get3A_2885] {strides = array<i32>} : memref<50x128xi32, #tpu.memory_space<vmem>>, vector<16xi32>,
    %min3A_2887 = arith.minsi %min3A_2882, %get3A_2886 : vector<16xi32>
    %get3A_2888 = arith.constant 43 : i32
    %get3A_2889 = arith.index_cast %get3A_2888 : i32 to index
    %get3A_2890 = arith.constant 16 : index
    %get3A_2891 = tpu.vector_load %arg5[%get3A_2889, %get3A_2890] {strides = array<i32>} : memref<50x128xi32, #tpu.memory_space<vmem>>, vector<16xi32>,
    %min3A_2892 = arith.minsi %min3A_2887, %get3A_2891 : vector<16xi32>
    %get3A_2893 = arith.constant 43 : i32
    %get3A_2894 = arith.index_cast %get3A_2893 : i32 to index
    %get3A_2895 = arith.constant 32 : index
    %get3A_2896 = tpu.vector_load %arg5[%get3A_2894, %get3A_2895] {strides = array<i32>} : memref<50x128xi32, #tpu.memory_space<vmem>>, vector<16xi32>,
    %min3A_2897 = arith.minsi %min3A_2892, %get3A_2896 : vector<16xi32>
    %get3A_2898 = arith.constant 43 : i32
    %get3A_2899 = arith.index_cast %get3A_2898 : i32 to index
    %get3A_2900 = arith.constant 48 : index
    %get3A_2901 = tpu.vector_load %arg5[%get3A_2899, %get3A_2900] {strides = array<i32>} : memref<50x128xi32, #tpu.memory_space<vmem>>, vector<16xi32>,
    %min3A_2902 = arith.minsi %min3A_2897, %get3A_2901 : vector<16xi32>
    %get3A_2903 = arith.constant 43 : i32
    %get3A_2904 = arith.index_cast %get3A_2903 : i32 to index
    %get3A_2905 = arith.constant 64 : index
    %get3A_2906 = tpu.vector_load %arg5[%get3A_2904, %get3A_2905] {strides = array<i32>} : memref<50x128xi32, #tpu.memory_space<vmem>>, vector<16xi32>,
    %min3A_2907 = arith.minsi %min3A_2902, %get3A_2906 : vector<16xi32>
    %get3A_2908 = arith.constant 43 : i32
    %get3A_2909 = arith.index_cast %get3A_2908 : i32 to index
    %get3A_2910 = arith.constant 80 : index
    %get3A_2911 = tpu.vector_load %arg5[%get3A_2909, %get3A_2910] {strides = array<i32>} : memref<50x128xi32, #tpu.memory_space<vmem>>, vector<16xi32>,
    %min3A_2912 = arith.minsi %min3A_2907, %get3A_2911 : vector<16xi32>
    %get3A_2913 = arith.constant 43 : i32
    %get3A_2914 = arith.index_cast %get3A_2913 : i32 to index
    %get3A_2915 = arith.constant 96 : index
    %get3A_2916 = tpu.vector_load %arg5[%get3A_2914, %get3A_2915] {strides = array<i32>} : memref<50x128xi32, #tpu.memory_space<vmem>>, vector<16xi32>,
    %min3A_2917 = arith.minsi %min3A_2912, %get3A_2916 : vector<16xi32>
    %get3A_2918 = arith.constant 43 : i32
    %get3A_2919 = arith.index_cast %get3A_2918 : i32 to index
    %get3A_2920 = arith.constant 112 : index
    %get3A_2921 = tpu.vector_load %arg5[%get3A_2919, %get3A_2920] {strides = array<i32>} : memref<50x128xi32, #tpu.memory_space<vmem>>, vector<16xi32>,
    %min3A_2922 = arith.minsi %min3A_2917, %get3A_2921 : vector<16xi32>
    %get3A_2923 = arith.constant 44 : i32
    %get3A_2924 = arith.index_cast %get3A_2923 : i32 to index
    %get3A_2925 = arith.constant 0 : index
    %get3A_2926 = tpu.vector_load %arg5[%get3A_2924, %get3A_2925] {strides = array<i32>} : memref<50x128xi32, #tpu.memory_space<vmem>>, vector<16xi32>,
    %min3A_2927 = arith.minsi %min3A_2922, %get3A_2926 : vector<16xi32>
    %get3A_2928 = arith.constant 44 : i32
    %get3A_2929 = arith.index_cast %get3A_2928 : i32 to index
    %get3A_2930 = arith.constant 16 : index
    %get3A_2931 = tpu.vector_load %arg5[%get3A_2929, %get3A_2930] {strides = array<i32>} : memref<50x128xi32, #tpu.memory_space<vmem>>, vector<16xi32>,
    %min3A_2932 = arith.minsi %min3A_2927, %get3A_2931 : vector<16xi32>
    %get3A_2933 = arith.constant 44 : i32
    %get3A_2934 = arith.index_cast %get3A_2933 : i32 to index
    %get3A_2935 = arith.constant 32 : index
    %get3A_2936 = tpu.vector_load %arg5[%get3A_2934, %get3A_2935] {strides = array<i32>} : memref<50x128xi32, #tpu.memory_space<vmem>>, vector<16xi32>,
    %min3A_2937 = arith.minsi %min3A_2932, %get3A_2936 : vector<16xi32>
    %get3A_2938 = arith.constant 44 : i32
    %get3A_2939 = arith.index_cast %get3A_2938 : i32 to index
    %get3A_2940 = arith.constant 48 : index
    %get3A_2941 = tpu.vector_load %arg5[%get3A_2939, %get3A_2940] {strides = array<i32>} : memref<50x128xi32, #tpu.memory_space<vmem>>, vector<16xi32>,
    %min3A_2942 = arith.minsi %min3A_2937, %get3A_2941 : vector<16xi32>
    %get3A_2943 = arith.constant 44 : i32
    %get3A_2944 = arith.index_cast %get3A_2943 : i32 to index
    %get3A_2945 = arith.constant 64 : index
    %get3A_2946 = tpu.vector_load %arg5[%get3A_2944, %get3A_2945] {strides = array<i32>} : memref<50x128xi32, #tpu.memory_space<vmem>>, vector<16xi32>,
    %min3A_2947 = arith.minsi %min3A_2942, %get3A_2946 : vector<16xi32>
    %get3A_2948 = arith.constant 44 : i32
    %get3A_2949 = arith.index_cast %get3A_2948 : i32 to index
    %get3A_2950 = arith.constant 80 : index
    %get3A_2951 = tpu.vector_load %arg5[%get3A_2949, %get3A_2950] {strides = array<i32>} : memref<50x128xi32, #tpu.memory_space<vmem>>, vector<16xi32>,
    %min3A_2952 = arith.minsi %min3A_2947, %get3A_2951 : vector<16xi32>
    %get3A_2953 = arith.constant 44 : i32
    %get3A_2954 = arith.index_cast %get3A_2953 : i32 to index
    %get3A_2955 = arith.constant 96 : index
    %get3A_2956 = tpu.vector_load %arg5[%get3A_2954, %get3A_2955] {strides = array<i32>} : memref<50x128xi32, #tpu.memory_space<vmem>>, vector<16xi32>,
    %min3A_2957 = arith.minsi %min3A_2952, %get3A_2956 : vector<16xi32>
    %get3A_2958 = arith.constant 44 : i32
    %get3A_2959 = arith.index_cast %get3A_2958 : i32 to index
    %get3A_2960 = arith.constant 112 : index
    %get3A_2961 = tpu.vector_load %arg5[%get3A_2959, %get3A_2960] {strides = array<i32>} : memref<50x128xi32, #tpu.memory_space<vmem>>, vector<16xi32>,
    %min3A_2962 = arith.minsi %min3A_2957, %get3A_2961 : vector<16xi32>
    %eq3A_2963 = arith.constant 0 : i32
    %eq3A_2964 = vector.broadcast %eq3A_2963 : i32 to vector<16xi32>
    %eq3A_2965 = arith.cmpi eq, %min3A_2962, %eq3A_2964 : vector<16xi32>
    %all_reduce_population_count3A_2966 = tpu.all_reduce %eq3A_2965 {dim = 0 : i64, kind = #tpu.reduction_kind<sum>} : vector<16xi1> -> vector<16xi32>
    %slice3A_2967 = vector.extract_strided_slice %all_reduce_population_count3A_2966 {offsets = [0], sizes = [1], strides = [1]} : vector<16xi32> to vector<1xi32>
    %squeeze3A_2968 = vector.extract %slice3A_2967[0] : i32 from vector<1xi32>
    %gt3A_2969 = arith.constant 0 : i32
    %gt3A_2970 = arith.cmpi sgt, %squeeze3A_2968, %gt3A_2969 : i32
    %convert_element_type3A_2971 = arith.extui %gt3A_2970 : i1 to i32
    %cond3A_2972 = arith.constant 0 : i32
    %cond3A_2973 = arith.cmpi ne, %convert_element_type3A_2971, %cond3A_2972 : i32
    scf.if %cond3A_2973 {
      %broadcast_in_dim3A = arith.constant 0.000000e+00 : f32
      %broadcast_in_dim3A_3270 = vector.broadcast %broadcast_in_dim3A : f32 to vector<16xf32>
      %scan3A = arith.constant 0 : i32
      %scan3A_3271 = arith.constant 0 : i32
      %scan3A_3272 = arith.constant 40 : i32
      %scan3A_3273 = arith.addi %scan3A_3271, %scan3A_3272 : i32
      %scan3A_3274 = arith.constant 1 : i32
      scf.for %scan3A_3276 = %scan3A_3271 to %scan3A_3273 step %scan3A_3274  : i32 {
        %jit3A = arith.constant 8 : i32
        %div3A = arith.divsi %scan3A_3276, %jit3A : i32
        %sign3A = arith.constant 0 : i32
        %sign3A_3277 = arith.cmpi sgt, %scan3A_3276, %sign3A : i32
        %sign3A_3278 = arith.extui %sign3A_3277 : i1 to i32
        %sign3A_3279 = arith.constant 0 : i32
        %sign3A_3280 = arith.cmpi slt, %scan3A_3276, %sign3A_3279 : i32
        %sign3A_3281 = arith.extui %sign3A_3280 : i1 to i32
        %sign3A_3282 = arith.subi %sign3A_3278, %sign3A_3281 : i32
        %sign3A_3283 = arith.constant 0 : i32
        %sign3A_3284 = arith.cmpi sgt, %jit3A, %sign3A_3283 : i32
        %sign3A_3285 = arith.extui %sign3A_3284 : i1 to i32
        %sign3A_3286 = arith.constant 0 : i32
        %sign3A_3287 = arith.cmpi slt, %jit3A, %sign3A_3286 : i32
        %sign3A_3288 = arith.extui %sign3A_3287 : i1 to i32
        %sign3A_3289 = arith.subi %sign3A_3285, %sign3A_3288 : i32
        %ne3A = arith.cmpi ne, %sign3A_3282, %sign3A_3289 : i32
        %rem3A = arith.remsi %scan3A_3276, %jit3A : i32
        %ne3A_3290 = arith.constant 0 : i32
        %ne3A_3291 = arith.cmpi ne, %rem3A, %ne3A_3290 : i32
        %and3A = arith.andi %ne3A, %ne3A_3291 : i1
        %sub3A = arith.constant 1 : i32
        %sub3A_3292 = arith.subi %div3A, %sub3A : i32
        %select_n3A = arith.select %and3A, %sub3A_3292, %div3A : i32
        %add3A_3293 = arith.constant 40 : i32
        %add3A_3294 = arith.addi %add3A_3293, %select_n3A : i32
        %jit3A_3295 = arith.constant 8 : i32
        %eq3A_3296 = arith.constant 0 : i32
        %eq3A_3297 = arith.cmpi eq, %jit3A_3295, %eq3A_3296 : i32
        %jit3A_3298 = arith.constant 1 : i32
        %select_n3A_3299 = arith.select %eq3A_3297, %jit3A_3298, %jit3A_3295 : i32
        %rem3A_3300 = arith.remsi %scan3A_3276, %select_n3A_3299 : i32
        %ne3A_3301 = arith.constant 0 : i32
        %ne3A_3302 = arith.cmpi ne, %rem3A_3300, %ne3A_3301 : i32
        %lt3A = arith.constant 0 : i32
        %lt3A_3303 = arith.cmpi slt, %rem3A_3300, %lt3A : i32
        %lt3A_3304 = arith.constant 0 : i32
        %lt3A_3305 = arith.cmpi slt, %select_n3A_3299, %lt3A_3304 : i32
        %ne3A_3306 = arith.xori %lt3A_3303, %lt3A_3305 : i1
        %and3A_3307 = arith.andi %ne3A_3306, %ne3A_3302 : i1
        %add3A_3308 = arith.addi %rem3A_3300, %select_n3A_3299 : i32
        %select_n3A_3309 = arith.select %and3A_3307, %add3A_3308, %rem3A_3300 : i32
        %mul3A_3310 = arith.constant 16 : i32
        %mul3A_3311 = arith.muli %select_n3A_3309, %mul3A_3310 : i32
        %get3A_3312 = arith.index_cast %add3A_3294 : i32 to index
        %get3A_3313 = arith.index_cast %mul3A_3311 : i32 to index
        %get3A_3314 = tpu.vector_load %arg5[%get3A_3312, %get3A_3313] {strides = array<i32>} : memref<50x128xi32, #tpu.memory_space<vmem>>, vector<16xi32>,
        %eq3A_3315 = arith.constant 0 : i32
        %eq3A_3316 = vector.broadcast %eq3A_3315 : i32 to vector<16xi32>
        %eq3A_3317 = arith.cmpi eq, %get3A_3314, %eq3A_3316 : vector<16xi32>
        %all_reduce_population_count3A_3318 = tpu.all_reduce %eq3A_3317 {dim = 0 : i64, kind = #tpu.reduction_kind<sum>} : vector<16xi1> -> vector<16xi32>
        %slice3A_3319 = vector.extract_strided_slice %all_reduce_population_count3A_3318 {offsets = [0], sizes = [1], strides = [1]} : vector<16xi32> to vector<1xi32>
        %squeeze3A_3320 = vector.extract %slice3A_3319[0] : i32 from vector<1xi32>
        %gt3A_3321 = arith.constant 0 : i32
        %gt3A_3322 = arith.cmpi sgt, %squeeze3A_3320, %gt3A_3321 : i32
        %convert_element_type3A_3323 = arith.extui %gt3A_3322 : i1 to i32
        %cond3A_3324 = arith.constant 0 : i32
        %cond3A_3325 = arith.cmpi ne, %convert_element_type3A_3323, %cond3A_3324 : i32
        scf.if %cond3A_3325 {
          %mul3A_3326 = arith.constant 16 : i32
          %mul3A_3327 = arith.muli %scan3A_3276, %mul3A_3326 : i32
          %iota3A = tpu.iota {dimensions = array<i32: 0>} : vector<16xi32>
          %add3A_3328 = vector.broadcast %mul3A_3327 : i32 to vector<16xi32>
          %add3A_3329 = arith.addi %add3A_3328, %iota3A : vector<16xi32>
          %scan3A_3330 = arith.constant 0 : i32
          %scan3A_3331 = arith.constant 0 : i32
          %scan3A_3332 = arith.constant 64 : i32
          %scan3A_3333 = arith.addi %scan3A_3331, %scan3A_3332 : i32
          %scan3A_3334 = arith.constant 1 : i32
          scf.for %scan3A_3336 = %scan3A_3331 to %scan3A_3333 step %scan3A_3334  : i32 {
            %broadcast_in_dim3A_3337 = vector.broadcast %scan3A_3336 : i32 to vector<16xi32>
            tpu.vector_store_idx %arg6[%add3A_3329, %broadcast_in_dim3A_3337], %broadcast_in_dim3A_3270 masked %eq3A_3317 : memref<640x64xf32, #tpu.memory_space<vmem>>[vector<16xi32>, vector<16xi32>], vector<16xf32>, vector<16xi1>
          }
          %scan3A_3335 = arith.constant 64 : i32
        } else {
        }
      }
      %scan3A_3275 = arith.constant 40 : i32
    } else {
    }
    %dma_start3A_2974 = arith.constant 8 : i32
    %dma_start3A_2975 = arith.constant 0 : i32
    %dma_start3A_2976 = arith.constant 0 : i32
    %dma_start3A_2977 = tpu.memref_slice %arg4[%add3A, %dma_start3A_2974, %dma_start3A_2975, %dma_start3A_2976] : memref<32x10x640x64xf32, #tpu.memory_space<hbm>> -> memref<1x1x640x64xf32, #tpu.memory_space<hbm>>
    %dma_start3A_2978 = tpu.memref_squeeze %dma_start3A_2977 : memref<1x1x640x64xf32, #tpu.memory_space<hbm>> -> memref<640x64xf32, #tpu.memory_space<hbm>>
    %dma_start3A_2979 = arith.constant 0 : i32
    %dma_start3A_2980 = arith.constant 0 : i32
    %dma_start3A_2981 = tpu.memref_slice %arg4[%add3A, %dma_start3A_2974, %dma_start3A_2979, %dma_start3A_2980] : memref<32x10x640x64xf32, #tpu.memory_space<hbm>> -> memref<1x1x640x64xf32, #tpu.memory_space<hbm>>
    %dma_start3A_2982 = tpu.memref_squeeze %dma_start3A_2981 : memref<1x1x640x64xf32, #tpu.memory_space<hbm>> -> memref<640x64xf32, #tpu.memory_space<hbm>>
    tpu.enqueue_dma source(%arg6 : memref<640x64xf32, #tpu.memory_space<vmem>>) target(%dma_start3A_2982 : memref<640x64xf32, #tpu.memory_space<hbm>>) target_semaphore(%arg10 : memref<!tpu.dma_semaphore, #tpu.memory_space<semaphore_mem>>)
    %dma_wait3A_2983 = arith.constant 45 : i32
    %dma_wait3A_2984 = arith.constant 0 : i32
    %dma_wait3A_2985 = arith.constant 0 : i32
    %dma_wait3A_2986 = tpu.memref_slice %arg7[%dma_wait3A_2984, %dma_wait3A_2985] : memref<640x64xf32, #tpu.memory_space<vmem>> -> memref<128x64xf32, #tpu.memory_space<vmem>>
    %dma_wait3A_2987 = arith.constant 0 : i32
    %dma_wait3A_2988 = tpu.memref_slice %arg5[%dma_wait3A_2983, %dma_wait3A_2987] : memref<50x128xi32, #tpu.memory_space<vmem>> -> memref<1x128xi32, #tpu.memory_space<vmem>>
    %dma_wait3A_2989 = tpu.memref_squeeze %dma_wait3A_2988 : memref<1x128xi32, #tpu.memory_space<vmem>> -> memref<128xi32, #tpu.memory_space<vmem>>
    %dma_wait3A_2990 = arith.constant 0 : i32
    %dma_wait3A_2991 = arith.constant 0 : i32
    %dma_wait3A_2992 = tpu.memref_slice %arg3[%dma_wait3A_2990, %dma_wait3A_2991] : memref<1000000x64xf32, #tpu.memory_space<hbm>> -> memref<1000000x64xf32, #tpu.memory_space<hbm>>
    tpu.wait_indirect_dma semaphore(%arg9 : memref<!tpu.dma_semaphore, #tpu.memory_space<semaphore_mem>>) src(%dma_wait3A_2992 : memref<1000000x64xf32, #tpu.memory_space<hbm>>) dst(%dma_wait3A_2986 : memref<128x64xf32, #tpu.memory_space<vmem>>)
    %dma_wait3A_2993 = arith.constant 46 : i32
    %dma_wait3A_2994 = arith.constant 128 : i32
    %dma_wait3A_2995 = arith.constant 0 : i32
    %dma_wait3A_2996 = tpu.memref_slice %arg7[%dma_wait3A_2994, %dma_wait3A_2995] : memref<640x64xf32, #tpu.memory_space<vmem>> -> memref<128x64xf32, #tpu.memory_space<vmem>>
    %dma_wait3A_2997 = arith.constant 0 : i32
    %dma_wait3A_2998 = tpu.memref_slice %arg5[%dma_wait3A_2993, %dma_wait3A_2997] : memref<50x128xi32, #tpu.memory_space<vmem>> -> memref<1x128xi32, #tpu.memory_space<vmem>>
    %dma_wait3A_2999 = tpu.memref_squeeze %dma_wait3A_2998 : memref<1x128xi32, #tpu.memory_space<vmem>> -> memref<128xi32, #tpu.memory_space<vmem>>
    %dma_wait3A_3000 = arith.constant 0 : i32
    %dma_wait3A_3001 = arith.constant 0 : i32
    %dma_wait3A_3002 = tpu.memref_slice %arg3[%dma_wait3A_3000, %dma_wait3A_3001] : memref<1000000x64xf32, #tpu.memory_space<hbm>> -> memref<1000000x64xf32, #tpu.memory_space<hbm>>
    tpu.wait_indirect_dma semaphore(%arg9 : memref<!tpu.dma_semaphore, #tpu.memory_space<semaphore_mem>>) src(%dma_wait3A_3002 : memref<1000000x64xf32, #tpu.memory_space<hbm>>) dst(%dma_wait3A_2996 : memref<128x64xf32, #tpu.memory_space<vmem>>)
    %dma_wait3A_3003 = arith.constant 47 : i32
    %dma_wait3A_3004 = arith.constant 256 : i32
    %dma_wait3A_3005 = arith.constant 0 : i32
    %dma_wait3A_3006 = tpu.memref_slice %arg7[%dma_wait3A_3004, %dma_wait3A_3005] : memref<640x64xf32, #tpu.memory_space<vmem>> -> memref<128x64xf32, #tpu.memory_space<vmem>>
    %dma_wait3A_3007 = arith.constant 0 : i32
    %dma_wait3A_3008 = tpu.memref_slice %arg5[%dma_wait3A_3003, %dma_wait3A_3007] : memref<50x128xi32, #tpu.memory_space<vmem>> -> memref<1x128xi32, #tpu.memory_space<vmem>>
    %dma_wait3A_3009 = tpu.memref_squeeze %dma_wait3A_3008 : memref<1x128xi32, #tpu.memory_space<vmem>> -> memref<128xi32, #tpu.memory_space<vmem>>
    %dma_wait3A_3010 = arith.constant 0 : i32
    %dma_wait3A_3011 = arith.constant 0 : i32
    %dma_wait3A_3012 = tpu.memref_slice %arg3[%dma_wait3A_3010, %dma_wait3A_3011] : memref<1000000x64xf32, #tpu.memory_space<hbm>> -> memref<1000000x64xf32, #tpu.memory_space<hbm>>
    tpu.wait_indirect_dma semaphore(%arg9 : memref<!tpu.dma_semaphore, #tpu.memory_space<semaphore_mem>>) src(%dma_wait3A_3012 : memref<1000000x64xf32, #tpu.memory_space<hbm>>) dst(%dma_wait3A_3006 : memref<128x64xf32, #tpu.memory_space<vmem>>)
    %dma_wait3A_3013 = arith.constant 48 : i32
    %dma_wait3A_3014 = arith.constant 384 : i32
    %dma_wait3A_3015 = arith.constant 0 : i32
    %dma_wait3A_3016 = tpu.memref_slice %arg7[%dma_wait3A_3014, %dma_wait3A_3015] : memref<640x64xf32, #tpu.memory_space<vmem>> -> memref<128x64xf32, #tpu.memory_space<vmem>>
    %dma_wait3A_3017 = arith.constant 0 : i32
    %dma_wait3A_3018 = tpu.memref_slice %arg5[%dma_wait3A_3013, %dma_wait3A_3017] : memref<50x128xi32, #tpu.memory_space<vmem>> -> memref<1x128xi32, #tpu.memory_space<vmem>>
    %dma_wait3A_3019 = tpu.memref_squeeze %dma_wait3A_3018 : memref<1x128xi32, #tpu.memory_space<vmem>> -> memref<128xi32, #tpu.memory_space<vmem>>
    %dma_wait3A_3020 = arith.constant 0 : i32
    %dma_wait3A_3021 = arith.constant 0 : i32
    %dma_wait3A_3022 = tpu.memref_slice %arg3[%dma_wait3A_3020, %dma_wait3A_3021] : memref<1000000x64xf32, #tpu.memory_space<hbm>> -> memref<1000000x64xf32, #tpu.memory_space<hbm>>
    tpu.wait_indirect_dma semaphore(%arg9 : memref<!tpu.dma_semaphore, #tpu.memory_space<semaphore_mem>>) src(%dma_wait3A_3022 : memref<1000000x64xf32, #tpu.memory_space<hbm>>) dst(%dma_wait3A_3016 : memref<128x64xf32, #tpu.memory_space<vmem>>)
    %dma_wait3A_3023 = arith.constant 49 : i32
    %dma_wait3A_3024 = arith.constant 512 : i32
    %dma_wait3A_3025 = arith.constant 0 : i32
    %dma_wait3A_3026 = tpu.memref_slice %arg7[%dma_wait3A_3024, %dma_wait3A_3025] : memref<640x64xf32, #tpu.memory_space<vmem>> -> memref<128x64xf32, #tpu.memory_space<vmem>>
    %dma_wait3A_3027 = arith.constant 0 : i32
    %dma_wait3A_3028 = tpu.memref_slice %arg5[%dma_wait3A_3023, %dma_wait3A_3027] : memref<50x128xi32, #tpu.memory_space<vmem>> -> memref<1x128xi32, #tpu.memory_space<vmem>>
    %dma_wait3A_3029 = tpu.memref_squeeze %dma_wait3A_3028 : memref<1x128xi32, #tpu.memory_space<vmem>> -> memref<128xi32, #tpu.memory_space<vmem>>
    %dma_wait3A_3030 = arith.constant 0 : i32
    %dma_wait3A_3031 = arith.constant 0 : i32
    %dma_wait3A_3032 = tpu.memref_slice %arg3[%dma_wait3A_3030, %dma_wait3A_3031] : memref<1000000x64xf32, #tpu.memory_space<hbm>> -> memref<1000000x64xf32, #tpu.memory_space<hbm>>
    tpu.wait_indirect_dma semaphore(%arg9 : memref<!tpu.dma_semaphore, #tpu.memory_space<semaphore_mem>>) src(%dma_wait3A_3032 : memref<1000000x64xf32, #tpu.memory_space<hbm>>) dst(%dma_wait3A_3026 : memref<128x64xf32, #tpu.memory_space<vmem>>)
    %get3A_3033 = arith.constant 45 : i32
    %get3A_3034 = arith.index_cast %get3A_3033 : i32 to index
    %get3A_3035 = arith.constant 0 : index
    %get3A_3036 = tpu.vector_load %arg5[%get3A_3034, %get3A_3035] {strides = array<i32>} : memref<50x128xi32, #tpu.memory_space<vmem>>, vector<16xi32>,
    %get3A_3037 = arith.constant 45 : i32
    %get3A_3038 = arith.index_cast %get3A_3037 : i32 to index
    %get3A_3039 = arith.constant 16 : index
    %get3A_3040 = tpu.vector_load %arg5[%get3A_3038, %get3A_3039] {strides = array<i32>} : memref<50x128xi32, #tpu.memory_space<vmem>>, vector<16xi32>,
    %min3A_3041 = arith.minsi %get3A_3036, %get3A_3040 : vector<16xi32>
    %get3A_3042 = arith.constant 45 : i32
    %get3A_3043 = arith.index_cast %get3A_3042 : i32 to index
    %get3A_3044 = arith.constant 32 : index
    %get3A_3045 = tpu.vector_load %arg5[%get3A_3043, %get3A_3044] {strides = array<i32>} : memref<50x128xi32, #tpu.memory_space<vmem>>, vector<16xi32>,
    %min3A_3046 = arith.minsi %min3A_3041, %get3A_3045 : vector<16xi32>
    %get3A_3047 = arith.constant 45 : i32
    %get3A_3048 = arith.index_cast %get3A_3047 : i32 to index
    %get3A_3049 = arith.constant 48 : index
    %get3A_3050 = tpu.vector_load %arg5[%get3A_3048, %get3A_3049] {strides = array<i32>} : memref<50x128xi32, #tpu.memory_space<vmem>>, vector<16xi32>,
    %min3A_3051 = arith.minsi %min3A_3046, %get3A_3050 : vector<16xi32>
    %get3A_3052 = arith.constant 45 : i32
    %get3A_3053 = arith.index_cast %get3A_3052 : i32 to index
    %get3A_3054 = arith.constant 64 : index
    %get3A_3055 = tpu.vector_load %arg5[%get3A_3053, %get3A_3054] {strides = array<i32>} : memref<50x128xi32, #tpu.memory_space<vmem>>, vector<16xi32>,
    %min3A_3056 = arith.minsi %min3A_3051, %get3A_3055 : vector<16xi32>
    %get3A_3057 = arith.constant 45 : i32
    %get3A_3058 = arith.index_cast %get3A_3057 : i32 to index
    %get3A_3059 = arith.constant 80 : index
    %get3A_3060 = tpu.vector_load %arg5[%get3A_3058, %get3A_3059] {strides = array<i32>} : memref<50x128xi32, #tpu.memory_space<vmem>>, vector<16xi32>,
    %min3A_3061 = arith.minsi %min3A_3056, %get3A_3060 : vector<16xi32>
    %get3A_3062 = arith.constant 45 : i32
    %get3A_3063 = arith.index_cast %get3A_3062 : i32 to index
    %get3A_3064 = arith.constant 96 : index
    %get3A_3065 = tpu.vector_load %arg5[%get3A_3063, %get3A_3064] {strides = array<i32>} : memref<50x128xi32, #tpu.memory_space<vmem>>, vector<16xi32>,
    %min3A_3066 = arith.minsi %min3A_3061, %get3A_3065 : vector<16xi32>
    %get3A_3067 = arith.constant 45 : i32
    %get3A_3068 = arith.index_cast %get3A_3067 : i32 to index
    %get3A_3069 = arith.constant 112 : index
    %get3A_3070 = tpu.vector_load %arg5[%get3A_3068, %get3A_3069] {strides = array<i32>} : memref<50x128xi32, #tpu.memory_space<vmem>>, vector<16xi32>,
    %min3A_3071 = arith.minsi %min3A_3066, %get3A_3070 : vector<16xi32>
    %get3A_3072 = arith.constant 46 : i32
    %get3A_3073 = arith.index_cast %get3A_3072 : i32 to index
    %get3A_3074 = arith.constant 0 : index
    %get3A_3075 = tpu.vector_load %arg5[%get3A_3073, %get3A_3074] {strides = array<i32>} : memref<50x128xi32, #tpu.memory_space<vmem>>, vector<16xi32>,
    %min3A_3076 = arith.minsi %min3A_3071, %get3A_3075 : vector<16xi32>
    %get3A_3077 = arith.constant 46 : i32
    %get3A_3078 = arith.index_cast %get3A_3077 : i32 to index
    %get3A_3079 = arith.constant 16 : index
    %get3A_3080 = tpu.vector_load %arg5[%get3A_3078, %get3A_3079] {strides = array<i32>} : memref<50x128xi32, #tpu.memory_space<vmem>>, vector<16xi32>,
    %min3A_3081 = arith.minsi %min3A_3076, %get3A_3080 : vector<16xi32>
    %get3A_3082 = arith.constant 46 : i32
    %get3A_3083 = arith.index_cast %get3A_3082 : i32 to index
    %get3A_3084 = arith.constant 32 : index
    %get3A_3085 = tpu.vector_load %arg5[%get3A_3083, %get3A_3084] {strides = array<i32>} : memref<50x128xi32, #tpu.memory_space<vmem>>, vector<16xi32>,
    %min3A_3086 = arith.minsi %min3A_3081, %get3A_3085 : vector<16xi32>
    %get3A_3087 = arith.constant 46 : i32
    %get3A_3088 = arith.index_cast %get3A_3087 : i32 to index
    %get3A_3089 = arith.constant 48 : index
    %get3A_3090 = tpu.vector_load %arg5[%get3A_3088, %get3A_3089] {strides = array<i32>} : memref<50x128xi32, #tpu.memory_space<vmem>>, vector<16xi32>,
    %min3A_3091 = arith.minsi %min3A_3086, %get3A_3090 : vector<16xi32>
    %get3A_3092 = arith.constant 46 : i32
    %get3A_3093 = arith.index_cast %get3A_3092 : i32 to index
    %get3A_3094 = arith.constant 64 : index
    %get3A_3095 = tpu.vector_load %arg5[%get3A_3093, %get3A_3094] {strides = array<i32>} : memref<50x128xi32, #tpu.memory_space<vmem>>, vector<16xi32>,
    %min3A_3096 = arith.minsi %min3A_3091, %get3A_3095 : vector<16xi32>
    %get3A_3097 = arith.constant 46 : i32
    %get3A_3098 = arith.index_cast %get3A_3097 : i32 to index
    %get3A_3099 = arith.constant 80 : index
    %get3A_3100 = tpu.vector_load %arg5[%get3A_3098, %get3A_3099] {strides = array<i32>} : memref<50x128xi32, #tpu.memory_space<vmem>>, vector<16xi32>,
    %min3A_3101 = arith.minsi %min3A_3096, %get3A_3100 : vector<16xi32>
    %get3A_3102 = arith.constant 46 : i32
    %get3A_3103 = arith.index_cast %get3A_3102 : i32 to index
    %get3A_3104 = arith.constant 96 : index
    %get3A_3105 = tpu.vector_load %arg5[%get3A_3103, %get3A_3104] {strides = array<i32>} : memref<50x128xi32, #tpu.memory_space<vmem>>, vector<16xi32>,
    %min3A_3106 = arith.minsi %min3A_3101, %get3A_3105 : vector<16xi32>
    %get3A_3107 = arith.constant 46 : i32
    %get3A_3108 = arith.index_cast %get3A_3107 : i32 to index
    %get3A_3109 = arith.constant 112 : index
    %get3A_3110 = tpu.vector_load %arg5[%get3A_3108, %get3A_3109] {strides = array<i32>} : memref<50x128xi32, #tpu.memory_space<vmem>>, vector<16xi32>,
    %min3A_3111 = arith.minsi %min3A_3106, %get3A_3110 : vector<16xi32>
    %get3A_3112 = arith.constant 47 : i32
    %get3A_3113 = arith.index_cast %get3A_3112 : i32 to index
    %get3A_3114 = arith.constant 0 : index
    %get3A_3115 = tpu.vector_load %arg5[%get3A_3113, %get3A_3114] {strides = array<i32>} : memref<50x128xi32, #tpu.memory_space<vmem>>, vector<16xi32>,
    %min3A_3116 = arith.minsi %min3A_3111, %get3A_3115 : vector<16xi32>
    %get3A_3117 = arith.constant 47 : i32
    %get3A_3118 = arith.index_cast %get3A_3117 : i32 to index
    %get3A_3119 = arith.constant 16 : index
    %get3A_3120 = tpu.vector_load %arg5[%get3A_3118, %get3A_3119] {strides = array<i32>} : memref<50x128xi32, #tpu.memory_space<vmem>>, vector<16xi32>,
    %min3A_3121 = arith.minsi %min3A_3116, %get3A_3120 : vector<16xi32>
    %get3A_3122 = arith.constant 47 : i32
    %get3A_3123 = arith.index_cast %get3A_3122 : i32 to index
    %get3A_3124 = arith.constant 32 : index
    %get3A_3125 = tpu.vector_load %arg5[%get3A_3123, %get3A_3124] {strides = array<i32>} : memref<50x128xi32, #tpu.memory_space<vmem>>, vector<16xi32>,
    %min3A_3126 = arith.minsi %min3A_3121, %get3A_3125 : vector<16xi32>
    %get3A_3127 = arith.constant 47 : i32
    %get3A_3128 = arith.index_cast %get3A_3127 : i32 to index
    %get3A_3129 = arith.constant 48 : index
    %get3A_3130 = tpu.vector_load %arg5[%get3A_3128, %get3A_3129] {strides = array<i32>} : memref<50x128xi32, #tpu.memory_space<vmem>>, vector<16xi32>,
    %min3A_3131 = arith.minsi %min3A_3126, %get3A_3130 : vector<16xi32>
    %get3A_3132 = arith.constant 47 : i32
    %get3A_3133 = arith.index_cast %get3A_3132 : i32 to index
    %get3A_3134 = arith.constant 64 : index
    %get3A_3135 = tpu.vector_load %arg5[%get3A_3133, %get3A_3134] {strides = array<i32>} : memref<50x128xi32, #tpu.memory_space<vmem>>, vector<16xi32>,
    %min3A_3136 = arith.minsi %min3A_3131, %get3A_3135 : vector<16xi32>
    %get3A_3137 = arith.constant 47 : i32
    %get3A_3138 = arith.index_cast %get3A_3137 : i32 to index
    %get3A_3139 = arith.constant 80 : index
    %get3A_3140 = tpu.vector_load %arg5[%get3A_3138, %get3A_3139] {strides = array<i32>} : memref<50x128xi32, #tpu.memory_space<vmem>>, vector<16xi32>,
    %min3A_3141 = arith.minsi %min3A_3136, %get3A_3140 : vector<16xi32>
    %get3A_3142 = arith.constant 47 : i32
    %get3A_3143 = arith.index_cast %get3A_3142 : i32 to index
    %get3A_3144 = arith.constant 96 : index
    %get3A_3145 = tpu.vector_load %arg5[%get3A_3143, %get3A_3144] {strides = array<i32>} : memref<50x128xi32, #tpu.memory_space<vmem>>, vector<16xi32>,
    %min3A_3146 = arith.minsi %min3A_3141, %get3A_3145 : vector<16xi32>
    %get3A_3147 = arith.constant 47 : i32
    %get3A_3148 = arith.index_cast %get3A_3147 : i32 to index
    %get3A_3149 = arith.constant 112 : index
    %get3A_3150 = tpu.vector_load %arg5[%get3A_3148, %get3A_3149] {strides = array<i32>} : memref<50x128xi32, #tpu.memory_space<vmem>>, vector<16xi32>,
    %min3A_3151 = arith.minsi %min3A_3146, %get3A_3150 : vector<16xi32>
    %get3A_3152 = arith.constant 48 : i32
    %get3A_3153 = arith.index_cast %get3A_3152 : i32 to index
    %get3A_3154 = arith.constant 0 : index
    %get3A_3155 = tpu.vector_load %arg5[%get3A_3153, %get3A_3154] {strides = array<i32>} : memref<50x128xi32, #tpu.memory_space<vmem>>, vector<16xi32>,
    %min3A_3156 = arith.minsi %min3A_3151, %get3A_3155 : vector<16xi32>
    %get3A_3157 = arith.constant 48 : i32
    %get3A_3158 = arith.index_cast %get3A_3157 : i32 to index
    %get3A_3159 = arith.constant 16 : index
    %get3A_3160 = tpu.vector_load %arg5[%get3A_3158, %get3A_3159] {strides = array<i32>} : memref<50x128xi32, #tpu.memory_space<vmem>>, vector<16xi32>,
    %min3A_3161 = arith.minsi %min3A_3156, %get3A_3160 : vector<16xi32>
    %get3A_3162 = arith.constant 48 : i32
    %get3A_3163 = arith.index_cast %get3A_3162 : i32 to index
    %get3A_3164 = arith.constant 32 : index
    %get3A_3165 = tpu.vector_load %arg5[%get3A_3163, %get3A_3164] {strides = array<i32>} : memref<50x128xi32, #tpu.memory_space<vmem>>, vector<16xi32>,
    %min3A_3166 = arith.minsi %min3A_3161, %get3A_3165 : vector<16xi32>
    %get3A_3167 = arith.constant 48 : i32
    %get3A_3168 = arith.index_cast %get3A_3167 : i32 to index
    %get3A_3169 = arith.constant 48 : index
    %get3A_3170 = tpu.vector_load %arg5[%get3A_3168, %get3A_3169] {strides = array<i32>} : memref<50x128xi32, #tpu.memory_space<vmem>>, vector<16xi32>,
    %min3A_3171 = arith.minsi %min3A_3166, %get3A_3170 : vector<16xi32>
    %get3A_3172 = arith.constant 48 : i32
    %get3A_3173 = arith.index_cast %get3A_3172 : i32 to index
    %get3A_3174 = arith.constant 64 : index
    %get3A_3175 = tpu.vector_load %arg5[%get3A_3173, %get3A_3174] {strides = array<i32>} : memref<50x128xi32, #tpu.memory_space<vmem>>, vector<16xi32>,
    %min3A_3176 = arith.minsi %min3A_3171, %get3A_3175 : vector<16xi32>
    %get3A_3177 = arith.constant 48 : i32
    %get3A_3178 = arith.index_cast %get3A_3177 : i32 to index
    %get3A_3179 = arith.constant 80 : index
    %get3A_3180 = tpu.vector_load %arg5[%get3A_3178, %get3A_3179] {strides = array<i32>} : memref<50x128xi32, #tpu.memory_space<vmem>>, vector<16xi32>,
    %min3A_3181 = arith.minsi %min3A_3176, %get3A_3180 : vector<16xi32>
    %get3A_3182 = arith.constant 48 : i32
    %get3A_3183 = arith.index_cast %get3A_3182 : i32 to index
    %get3A_3184 = arith.constant 96 : index
    %get3A_3185 = tpu.vector_load %arg5[%get3A_3183, %get3A_3184] {strides = array<i32>} : memref<50x128xi32, #tpu.memory_space<vmem>>, vector<16xi32>,
    %min3A_3186 = arith.minsi %min3A_3181, %get3A_3185 : vector<16xi32>
    %get3A_3187 = arith.constant 48 : i32
    %get3A_3188 = arith.index_cast %get3A_3187 : i32 to index
    %get3A_3189 = arith.constant 112 : index
    %get3A_3190 = tpu.vector_load %arg5[%get3A_3188, %get3A_3189] {strides = array<i32>} : memref<50x128xi32, #tpu.memory_space<vmem>>, vector<16xi32>,
    %min3A_3191 = arith.minsi %min3A_3186, %get3A_3190 : vector<16xi32>
    %get3A_3192 = arith.constant 49 : i32
    %get3A_3193 = arith.index_cast %get3A_3192 : i32 to index
    %get3A_3194 = arith.constant 0 : index
    %get3A_3195 = tpu.vector_load %arg5[%get3A_3193, %get3A_3194] {strides = array<i32>} : memref<50x128xi32, #tpu.memory_space<vmem>>, vector<16xi32>,
    %min3A_3196 = arith.minsi %min3A_3191, %get3A_3195 : vector<16xi32>
    %get3A_3197 = arith.constant 49 : i32
    %get3A_3198 = arith.index_cast %get3A_3197 : i32 to index
    %get3A_3199 = arith.constant 16 : index
    %get3A_3200 = tpu.vector_load %arg5[%get3A_3198, %get3A_3199] {strides = array<i32>} : memref<50x128xi32, #tpu.memory_space<vmem>>, vector<16xi32>,
    %min3A_3201 = arith.minsi %min3A_3196, %get3A_3200 : vector<16xi32>
    %get3A_3202 = arith.constant 49 : i32
    %get3A_3203 = arith.index_cast %get3A_3202 : i32 to index
    %get3A_3204 = arith.constant 32 : index
    %get3A_3205 = tpu.vector_load %arg5[%get3A_3203, %get3A_3204] {strides = array<i32>} : memref<50x128xi32, #tpu.memory_space<vmem>>, vector<16xi32>,
    %min3A_3206 = arith.minsi %min3A_3201, %get3A_3205 : vector<16xi32>
    %get3A_3207 = arith.constant 49 : i32
    %get3A_3208 = arith.index_cast %get3A_3207 : i32 to index
    %get3A_3209 = arith.constant 48 : index
    %get3A_3210 = tpu.vector_load %arg5[%get3A_3208, %get3A_3209] {strides = array<i32>} : memref<50x128xi32, #tpu.memory_space<vmem>>, vector<16xi32>,
    %min3A_3211 = arith.minsi %min3A_3206, %get3A_3210 : vector<16xi32>
    %get3A_3212 = arith.constant 49 : i32
    %get3A_3213 = arith.index_cast %get3A_3212 : i32 to index
    %get3A_3214 = arith.constant 64 : index
    %get3A_3215 = tpu.vector_load %arg5[%get3A_3213, %get3A_3214] {strides = array<i32>} : memref<50x128xi32, #tpu.memory_space<vmem>>, vector<16xi32>,
    %min3A_3216 = arith.minsi %min3A_3211, %get3A_3215 : vector<16xi32>
    %get3A_3217 = arith.constant 49 : i32
    %get3A_3218 = arith.index_cast %get3A_3217 : i32 to index
    %get3A_3219 = arith.constant 80 : index
    %get3A_3220 = tpu.vector_load %arg5[%get3A_3218, %get3A_3219] {strides = array<i32>} : memref<50x128xi32, #tpu.memory_space<vmem>>, vector<16xi32>,
    %min3A_3221 = arith.minsi %min3A_3216, %get3A_3220 : vector<16xi32>
    %get3A_3222 = arith.constant 49 : i32
    %get3A_3223 = arith.index_cast %get3A_3222 : i32 to index
    %get3A_3224 = arith.constant 96 : index
    %get3A_3225 = tpu.vector_load %arg5[%get3A_3223, %get3A_3224] {strides = array<i32>} : memref<50x128xi32, #tpu.memory_space<vmem>>, vector<16xi32>,
    %min3A_3226 = arith.minsi %min3A_3221, %get3A_3225 : vector<16xi32>
    %get3A_3227 = arith.constant 49 : i32
    %get3A_3228 = arith.index_cast %get3A_3227 : i32 to index
    %get3A_3229 = arith.constant 112 : index
    %get3A_3230 = tpu.vector_load %arg5[%get3A_3228, %get3A_3229] {strides = array<i32>} : memref<50x128xi32, #tpu.memory_space<vmem>>, vector<16xi32>,
    %min3A_3231 = arith.minsi %min3A_3226, %get3A_3230 : vector<16xi32>
    %eq3A_3232 = arith.constant 0 : i32
    %eq3A_3233 = vector.broadcast %eq3A_3232 : i32 to vector<16xi32>
    %eq3A_3234 = arith.cmpi eq, %min3A_3231, %eq3A_3233 : vector<16xi32>
    %all_reduce_population_count3A_3235 = tpu.all_reduce %eq3A_3234 {dim = 0 : i64, kind = #tpu.reduction_kind<sum>} : vector<16xi1> -> vector<16xi32>
    %slice3A_3236 = vector.extract_strided_slice %all_reduce_population_count3A_3235 {offsets = [0], sizes = [1], strides = [1]} : vector<16xi32> to vector<1xi32>
    %squeeze3A_3237 = vector.extract %slice3A_3236[0] : i32 from vector<1xi32>
    %gt3A_3238 = arith.constant 0 : i32
    %gt3A_3239 = arith.cmpi sgt, %squeeze3A_3237, %gt3A_3238 : i32
    %convert_element_type3A_3240 = arith.extui %gt3A_3239 : i1 to i32
    %cond3A_3241 = arith.constant 0 : i32
    %cond3A_3242 = arith.cmpi ne, %convert_element_type3A_3240, %cond3A_3241 : i32
    scf.if %cond3A_3242 {
      %broadcast_in_dim3A = arith.constant 0.000000e+00 : f32
      %broadcast_in_dim3A_3270 = vector.broadcast %broadcast_in_dim3A : f32 to vector<16xf32>
      %scan3A = arith.constant 0 : i32
      %scan3A_3271 = arith.constant 0 : i32
      %scan3A_3272 = arith.constant 40 : i32
      %scan3A_3273 = arith.addi %scan3A_3271, %scan3A_3272 : i32
      %scan3A_3274 = arith.constant 1 : i32
      scf.for %scan3A_3276 = %scan3A_3271 to %scan3A_3273 step %scan3A_3274  : i32 {
        %jit3A = arith.constant 8 : i32
        %div3A = arith.divsi %scan3A_3276, %jit3A : i32
        %sign3A = arith.constant 0 : i32
        %sign3A_3277 = arith.cmpi sgt, %scan3A_3276, %sign3A : i32
        %sign3A_3278 = arith.extui %sign3A_3277 : i1 to i32
        %sign3A_3279 = arith.constant 0 : i32
        %sign3A_3280 = arith.cmpi slt, %scan3A_3276, %sign3A_3279 : i32
        %sign3A_3281 = arith.extui %sign3A_3280 : i1 to i32
        %sign3A_3282 = arith.subi %sign3A_3278, %sign3A_3281 : i32
        %sign3A_3283 = arith.constant 0 : i32
        %sign3A_3284 = arith.cmpi sgt, %jit3A, %sign3A_3283 : i32
        %sign3A_3285 = arith.extui %sign3A_3284 : i1 to i32
        %sign3A_3286 = arith.constant 0 : i32
        %sign3A_3287 = arith.cmpi slt, %jit3A, %sign3A_3286 : i32
        %sign3A_3288 = arith.extui %sign3A_3287 : i1 to i32
        %sign3A_3289 = arith.subi %sign3A_3285, %sign3A_3288 : i32
        %ne3A = arith.cmpi ne, %sign3A_3282, %sign3A_3289 : i32
        %rem3A = arith.remsi %scan3A_3276, %jit3A : i32
        %ne3A_3290 = arith.constant 0 : i32
        %ne3A_3291 = arith.cmpi ne, %rem3A, %ne3A_3290 : i32
        %and3A = arith.andi %ne3A, %ne3A_3291 : i1
        %sub3A = arith.constant 1 : i32
        %sub3A_3292 = arith.subi %div3A, %sub3A : i32
        %select_n3A = arith.select %and3A, %sub3A_3292, %div3A : i32
        %add3A_3293 = arith.constant 45 : i32
        %add3A_3294 = arith.addi %add3A_3293, %select_n3A : i32
        %jit3A_3295 = arith.constant 8 : i32
        %eq3A_3296 = arith.constant 0 : i32
        %eq3A_3297 = arith.cmpi eq, %jit3A_3295, %eq3A_3296 : i32
        %jit3A_3298 = arith.constant 1 : i32
        %select_n3A_3299 = arith.select %eq3A_3297, %jit3A_3298, %jit3A_3295 : i32
        %rem3A_3300 = arith.remsi %scan3A_3276, %select_n3A_3299 : i32
        %ne3A_3301 = arith.constant 0 : i32
        %ne3A_3302 = arith.cmpi ne, %rem3A_3300, %ne3A_3301 : i32
        %lt3A = arith.constant 0 : i32
        %lt3A_3303 = arith.cmpi slt, %rem3A_3300, %lt3A : i32
        %lt3A_3304 = arith.constant 0 : i32
        %lt3A_3305 = arith.cmpi slt, %select_n3A_3299, %lt3A_3304 : i32
        %ne3A_3306 = arith.xori %lt3A_3303, %lt3A_3305 : i1
        %and3A_3307 = arith.andi %ne3A_3306, %ne3A_3302 : i1
        %add3A_3308 = arith.addi %rem3A_3300, %select_n3A_3299 : i32
        %select_n3A_3309 = arith.select %and3A_3307, %add3A_3308, %rem3A_3300 : i32
        %mul3A_3310 = arith.constant 16 : i32
        %mul3A_3311 = arith.muli %select_n3A_3309, %mul3A_3310 : i32
        %get3A_3312 = arith.index_cast %add3A_3294 : i32 to index
        %get3A_3313 = arith.index_cast %mul3A_3311 : i32 to index
        %get3A_3314 = tpu.vector_load %arg5[%get3A_3312, %get3A_3313] {strides = array<i32>} : memref<50x128xi32, #tpu.memory_space<vmem>>, vector<16xi32>,
        %eq3A_3315 = arith.constant 0 : i32
        %eq3A_3316 = vector.broadcast %eq3A_3315 : i32 to vector<16xi32>
        %eq3A_3317 = arith.cmpi eq, %get3A_3314, %eq3A_3316 : vector<16xi32>
        %all_reduce_population_count3A_3318 = tpu.all_reduce %eq3A_3317 {dim = 0 : i64, kind = #tpu.reduction_kind<sum>} : vector<16xi1> -> vector<16xi32>
        %slice3A_3319 = vector.extract_strided_slice %all_reduce_population_count3A_3318 {offsets = [0], sizes = [1], strides = [1]} : vector<16xi32> to vector<1xi32>
        %squeeze3A_3320 = vector.extract %slice3A_3319[0] : i32 from vector<1xi32>
        %gt3A_3321 = arith.constant 0 : i32
        %gt3A_3322 = arith.cmpi sgt, %squeeze3A_3320, %gt3A_3321 : i32
        %convert_element_type3A_3323 = arith.extui %gt3A_3322 : i1 to i32
        %cond3A_3324 = arith.constant 0 : i32
        %cond3A_3325 = arith.cmpi ne, %convert_element_type3A_3323, %cond3A_3324 : i32
        scf.if %cond3A_3325 {
          %mul3A_3326 = arith.constant 16 : i32
          %mul3A_3327 = arith.muli %scan3A_3276, %mul3A_3326 : i32
          %iota3A = tpu.iota {dimensions = array<i32: 0>} : vector<16xi32>
          %add3A_3328 = vector.broadcast %mul3A_3327 : i32 to vector<16xi32>
          %add3A_3329 = arith.addi %add3A_3328, %iota3A : vector<16xi32>
          %scan3A_3330 = arith.constant 0 : i32
          %scan3A_3331 = arith.constant 0 : i32
          %scan3A_3332 = arith.constant 64 : i32
          %scan3A_3333 = arith.addi %scan3A_3331, %scan3A_3332 : i32
          %scan3A_3334 = arith.constant 1 : i32
          scf.for %scan3A_3336 = %scan3A_3331 to %scan3A_3333 step %scan3A_3334  : i32 {
            %broadcast_in_dim3A_3337 = vector.broadcast %scan3A_3336 : i32 to vector<16xi32>
            tpu.vector_store_idx %arg7[%add3A_3329, %broadcast_in_dim3A_3337], %broadcast_in_dim3A_3270 masked %eq3A_3317 : memref<640x64xf32, #tpu.memory_space<vmem>>[vector<16xi32>, vector<16xi32>], vector<16xf32>, vector<16xi1>
          }
          %scan3A_3335 = arith.constant 64 : i32
        } else {
        }
      }
      %scan3A_3275 = arith.constant 40 : i32
    } else {
    }
    %dma_start3A_3243 = arith.constant 9 : i32
    %dma_start3A_3244 = arith.constant 0 : i32
    %dma_start3A_3245 = arith.constant 0 : i32
    %dma_start3A_3246 = tpu.memref_slice %arg4[%add3A, %dma_start3A_3243, %dma_start3A_3244, %dma_start3A_3245] : memref<32x10x640x64xf32, #tpu.memory_space<hbm>> -> memref<1x1x640x64xf32, #tpu.memory_space<hbm>>
    %dma_start3A_3247 = tpu.memref_squeeze %dma_start3A_3246 : memref<1x1x640x64xf32, #tpu.memory_space<hbm>> -> memref<640x64xf32, #tpu.memory_space<hbm>>
    %dma_start3A_3248 = arith.constant 0 : i32
    %dma_start3A_3249 = arith.constant 0 : i32
    %dma_start3A_3250 = tpu.memref_slice %arg4[%add3A, %dma_start3A_3243, %dma_start3A_3248, %dma_start3A_3249] : memref<32x10x640x64xf32, #tpu.memory_space<hbm>> -> memref<1x1x640x64xf32, #tpu.memory_space<hbm>>
    %dma_start3A_3251 = tpu.memref_squeeze %dma_start3A_3250 : memref<1x1x640x64xf32, #tpu.memory_space<hbm>> -> memref<640x64xf32, #tpu.memory_space<hbm>>
    tpu.enqueue_dma source(%arg7 : memref<640x64xf32, #tpu.memory_space<vmem>>) target(%dma_start3A_3251 : memref<640x64xf32, #tpu.memory_space<hbm>>) target_semaphore(%arg10 : memref<!tpu.dma_semaphore, #tpu.memory_space<semaphore_mem>>)
    %dma_wait3A_3252 = arith.constant 8 : i32
    %dma_wait3A_3253 = arith.constant 0 : i32
    %dma_wait3A_3254 = arith.constant 0 : i32
    %dma_wait3A_3255 = tpu.memref_slice %arg4[%add3A, %dma_wait3A_3252, %dma_wait3A_3253, %dma_wait3A_3254] : memref<32x10x640x64xf32, #tpu.memory_space<hbm>> -> memref<1x1x640x64xf32, #tpu.memory_space<hbm>>
    %dma_wait3A_3256 = tpu.memref_squeeze %dma_wait3A_3255 : memref<1x1x640x64xf32, #tpu.memory_space<hbm>> -> memref<640x64xf32, #tpu.memory_space<hbm>>
    %dma_wait3A_3257 = arith.constant 0 : i32
    %dma_wait3A_3258 = arith.constant 0 : i32
    %dma_wait3A_3259 = tpu.memref_slice %arg4[%add3A, %dma_wait3A_3252, %dma_wait3A_3257, %dma_wait3A_3258] : memref<32x10x640x64xf32, #tpu.memory_space<hbm>> -> memref<1x1x640x64xf32, #tpu.memory_space<hbm>>
    %dma_wait3A_3260 = tpu.memref_squeeze %dma_wait3A_3259 : memref<1x1x640x64xf32, #tpu.memory_space<hbm>> -> memref<640x64xf32, #tpu.memory_space<hbm>>
    tpu.wait_dma2 semaphore(%arg10 : memref<!tpu.dma_semaphore, #tpu.memory_space<semaphore_mem>>) src(%arg6 : memref<640x64xf32, #tpu.memory_space<vmem>>) dst(%dma_wait3A_3260 : memref<640x64xf32, #tpu.memory_space<hbm>>)
    %dma_wait3A_3261 = arith.constant 9 : i32
    %dma_wait3A_3262 = arith.constant 0 : i32
    %dma_wait3A_3263 = arith.constant 0 : i32
    %dma_wait3A_3264 = tpu.memref_slice %arg4[%add3A, %dma_wait3A_3261, %dma_wait3A_3262, %dma_wait3A_3263] : memref<32x10x640x64xf32, #tpu.memory_space<hbm>> -> memref<1x1x640x64xf32, #tpu.memory_space<hbm>>
    %dma_wait3A_3265 = tpu.memref_squeeze %dma_wait3A_3264 : memref<1x1x640x64xf32, #tpu.memory_space<hbm>> -> memref<640x64xf32, #tpu.memory_space<hbm>>
    %dma_wait3A_3266 = arith.constant 0 : i32
    %dma_wait3A_3267 = arith.constant 0 : i32
    %dma_wait3A_3268 = tpu.memref_slice %arg4[%add3A, %dma_wait3A_3261, %dma_wait3A_3266, %dma_wait3A_3267] : memref<32x10x640x64xf32, #tpu.memory_space<hbm>> -> memref<1x1x640x64xf32, #tpu.memory_space<hbm>>
    %dma_wait3A_3269 = tpu.memref_squeeze %dma_wait3A_3268 : memref<1x1x640x64xf32, #tpu.memory_space<hbm>> -> memref<640x64xf32, #tpu.memory_space<hbm>>
    tpu.wait_dma2 semaphore(%arg10 : memref<!tpu.dma_semaphore, #tpu.memory_space<semaphore_mem>>) src(%arg7 : memref<640x64xf32, #tpu.memory_space<vmem>>) dst(%dma_wait3A_3269 : memref<640x64xf32, #tpu.memory_space<hbm>>)
    return
  }
}

</mosaic_0001>

<sc_bundles>
// kernel: kernel.3.cloned.1.call-start
scs
__scs_entry_jumppad:
0x0: {  	(pc) =	sbr.rel $0x88, $3  }
0x1: {  	(tag) =	ssettag $0x0;
	lr =	simm.s32 $0x1  }
0x2: {  	[smem:$0x3F9F] =	sst lr;
	_ =	strace $0xD0000000  }
0x3: {  	_ = 	snop  }
0x4: {  	_ = 	snop  }
0x5: {  	_ = 	snop  }
0x6: {  	_ = 	snop  }
0x7: {  	_ = 	snop  }
__scs_overlays_trampoline_lowered:
0x8: {  	[smem:$0x3FAE] =	sst s0  }
0x9: {  	[smem:$0x3FAF] =	sst s1  }
0xa: {  	[smem:$0x3FB0] =	sst s2  }
0xb: {  	[smem:$0x3FB1] =	sst s3  }
0xc: {  	[smem:$0x3FB2] =	sst s4  }
0xd: {  	[smem:$0x3FB3] =	sst s5  }
0xe: {  	[smem:$0x3FB4] =	sst s6  }
0xf: {  	[smem:$0x3FB5] =	sst s7  }
0x10: {  	[smem:$0x3FB6] =	sst s8  }
0x11: {  	[smem:$0x3FB7] =	sst s9;
	s0 =	simm.s32 @!p0 $0x0  }
0x12: {  	s1 =	sld [smem:$0x3F9D];
	s0 =	simm.s32 @p0 $0x1  }
0x13: {  	[smem:$0x3FB8] =	sst s0;
	s0 =	simm.s32 @!p1 $0x0  }
0x14: {  	s2 =	sld [smem:$0x3F9C];
	s0 =	simm.s32 @p1 $0x1  }
0x15: {  	[smem:$0x3FB9] =	sst s0;
	s0 =	simm.s32 @!p2 $0x0  }
0x16: {  	s3 =	sld [smem:$0x3FDB];
	s0 =	simm.s32 @p2 $0x1  }
0x17: {  	s4 =	simm.s32 $0x1BF5;
	[smem:$0x3FBB] =	sst s0  }
0x18: {  	s0 =	sld [smem:$0x3F9E];
	_ =	swait.ge [sflag:s4], $0x0  }
0x19: {  	s7 =	sld [smem:$0x3F9F]  }
0x1a: {  	s8 =	sadd.s32 $0xFFFFE003, lr  }
0x1b: {  	s9 =	sadd.s32 $0xFFFFFEF7, lr;
	s5 =	simm.s32 $0xFFFFFFFF;
	p2 =	slt.u32 s8, $0xFFFFF086  }
0x1c: {  	p1 =	slt.u32 s9, $0xF7A;
	s5 =	simm.s32 @!p2 $0x0  }
0x1d: {  	s5 =	simm.s32 @p1 $0x1;
	p0 =	seq.s32 s7, s2  }
0x1e: {  	s7 =	smul.u32 @!p0 $0xF7A, s2;
	p2 =	seq.s32 @!p0 s5, $0x0  }
0x1f: {  	s9 =	smul.u32 $0xF7A, s1;
	s8 =	simm.s32 @!p0 $0x1BF5;
	p2 =	por !p2, p0  }
0x20: {  	[sflag:s8] =	ssyncset.s32 @!p0 $0xFFFFF086;
	s6 =	sadd.s32 @!p0 s3, s7;
	s7 =	simm.s32 @!p0 $0x108  }
0x21: {  	s3 =	sadd.s32 s3, s9;
	s6 =	sadd.s32 @!p0 $0x88, s6;
	s7 =	simm.s32 @p2 $0x1082  }
0x22: {  	[simem:s7], [sflag:s8] =	dma.local @!p0 [hbm:s6], $0xF7A  }
0x23: {  	s9 =	sor.u32 $0xD0000000, s2;
	s6 =	simm.s32 $0x108;
	_ =	swait.ge @!p0 [sflag:s8], $0x0  }
0x24: {  	s3 =	sadd.s32 $0x88, s3;
	s6 =	simm.s32 @!p1 $0x1082;
	[sflag:s4] =	ssyncset.s32 $0xFFFFF086  }
0x25: {  	[simem:s6], [sflag:s4] =	dma.local [hbm:s3], $0xF7A  }
0x26: {  	[smem:$0x3F9F] =	sst s1;
	(tag) =	ssettag s2;
	_ =	strace s9  }
0x27: {  	s1 =	sld [smem:$0x3FAF]  }
0x28: {  	s2 =	sld [smem:$0x3FB0]  }
0x29: {  	s4 =	sld [smem:$0x3FB2]  }
0x2a: {  	p0 =	seq.s32 s5, $0x0;
	s5 =	sld [smem:$0x3FB3]  }
0x2b: {  	s6 =	sld [smem:$0x3FB4]  }
0x2c: {  	s7 =	sld [smem:$0x3FB5]  }
0x2d: {  	s3 =	simm.s32 $0x108;
	s8 =	sld [smem:$0x3FB6]  }
0x2e: {  	s3 =	simm.s32 @!p0 $0x1082;
	s9 =	sld [smem:$0x3FB7]  }
0x2f: {  	lr =	sadd.s32 s0, s3;
	s0 =	sld [smem:$0x3FAE]  }
0x30: {  	s3 =	sld [smem:$0x3FB1]  }
0x31: {  	[smem:$0x3FBA] =	sst s10  }
0x32: {  	s10 =	sld [smem:$0x3FB8];
	_ =	sdelay $0x3  }
0x33: {  	p0 =	seq.s32 s10, $0x1;
	s10 =	sld [smem:$0x3FBA];
	_ =	sdelay $0x3  }
0x34: {  	[smem:$0x3FBA] =	sst s10  }
0x35: {  	s10 =	sld [smem:$0x3FB9];
	_ =	sdelay $0x3  }
0x36: {  	p1 =	seq.s32 s10, $0x1;
	s10 =	sld [smem:$0x3FBA];
	_ =	sdelay $0x3  }
0x37: {  	[smem:$0x3FBA] =	sst s10  }
0x38: {  	s10 =	sld [smem:$0x3FBB]  }
0x39: {  	_ = 	snop;
	(pc) =	sbr.ind lr, $3  }
0x3a: {  	_ = 	snop  }
0x3b: {  	_ = 	snop  }
0x3c: {  	p2 =	seq.s32 s10, $0x1;
	s10 =	sld [smem:$0x3FBA]  }
0x3d: {  	_ =	shalt  }
0x3e: {  	_ =	shalt  }
0x3f: {  	_ =	shalt  }
0x40: {  	_ =	shalt  }
0x41: {  	_ =	shalt  }
0x42: {  	_ =	shalt  }
0x43: {  	_ =	shalt  }
0x44: {  	_ =	shalt  }
0x45: {  	_ =	shalt  }
0x46: {  	_ =	shalt  }
0x47: {  	_ =	shalt  }
0x48: {  	_ =	shalt  }
0x49: {  	_ =	shalt  }
0x4a: {  	_ =	shalt  }
0x4b: {  	_ =	shalt  }
0x4c: {  	_ =	shalt  }
0x4d: {  	_ =	shalt  }
0x4e: {  	_ =	shalt  }
0x4f: {  	_ =	shalt  }
0x50: {  	_ =	shalt  }
0x51: {  	_ =	shalt  }
0x52: {  	_ =	shalt  }
0x53: {  	_ =	shalt  }
0x54: {  	_ =	shalt  }
0x55: {  	_ =	shalt  }
0x56: {  	_ =	shalt  }
0x57: {  	_ =	shalt  }
0x58: {  	_ =	shalt  }
0x59: {  	_ =	shalt  }
0x5a: {  	_ =	shalt  }
0x5b: {  	_ =	shalt  }
0x5c: {  	_ =	shalt  }
0x5d: {  	_ =	shalt  }
0x5e: {  	_ =	shalt  }
0x5f: {  	_ =	shalt  }
0x60: {  	_ =	shalt  }
0x61: {  	_ =	shalt  }
0x62: {  	_ =	shalt  }
0x63: {  	_ =	shalt  }
0x64: {  	_ =	shalt  }
0x65: {  	_ =	shalt  }
0x66: {  	_ =	shalt  }
0x67: {  	_ =	shalt  }
0x68: {  	_ =	shalt  }
0x69: {  	_ =	shalt  }
0x6a: {  	_ =	shalt  }
0x6b: {  	_ =	shalt  }
0x6c: {  	_ =	shalt  }
0x6d: {  	_ =	shalt  }
0x6e: {  	_ =	shalt  }
0x6f: {  	_ =	shalt  }
0x70: {  	_ =	shalt  }
0x71: {  	_ =	shalt  }
0x72: {  	_ =	shalt  }
0x73: {  	_ =	shalt  }
0x74: {  	_ =	shalt  }
0x75: {  	_ =	shalt  }
0x76: {  	_ =	shalt  }
0x77: {  	_ =	shalt  }
0x78: {  	_ =	shalt  }
0x79: {  	_ =	shalt  }
0x7a: {  	_ =	shalt  }
0x7b: {  	_ =	shalt  }
0x7c: {  	_ =	shalt  }
0x7d: {  	_ =	shalt  }
0x7e: {  	_ =	shalt  }
0x7f: {  	_ =	shalt  }
0x80: {  	_ =	shalt  }
0x81: {  	_ =	shalt  }
0x82: {  	_ =	shalt  }
0x83: {  	_ =	shalt  }
0x84: {  	_ =	shalt  }
0x85: {  	_ =	shalt  }
0x86: {  	_ =	shalt  }
0x87: {  	_ =	shalt  }
.Lfunc_end0:
.L_simem_size_0:
called_computation.1_lowered:
.L_overlay_start_0:
0x88: {  	s2 =	sld [smem:$0x3FD9]  }
0x89: {  	s3 =	sld [smem:$0x3FFE];
	_ =	sdelay $0x1  }
0x8a: {  	s1 =	srdreg.scid  }
0x8b: {  	s0 =	sand.u32 $0x1, s1  }
0x8c: {  	s17 =	sshll.u32 s0, $0xA;
	s2 =	sadd.s32 s3, s2  }
0x8d: {  	s2 =	sadd.s32 s2, s17  }
0x8e: {  	[smem:$0x3FC6] =	sst s2  }
0x8f: {  	_ = 	snop  }
0x90: {  	s2 =	sld [smem:$0x3FD0];
	(tm) =	ssettm $0x1  }
0x91: {  	s18 =	sld [smem:$0x3FFB];
	_ =	sdelay $0x3  }
0x92: {  	_ =	strace s18  }
0x93: {  	s3 =	sld [smem:$0x3FFC];
	_ =	sdelay $0x3  }
0x94: {  	_ =	strace s3  }
0x95: {  	s3 =	sld [smem:$0x3FFD];
	_ =	sdelay $0x3  }
0x96: {  	_ =	strace s3  }
0x97: {  	_ =	strace $0x8FFFFFFF  }
0x98: {  	s19 =	sld [smem:$0x3FDB];
	_ =	sdelay $0x1  }
0x99: {  	s4 =	simm.s32 $_scs_section_size  }
0x9a: {  	s5 =	simm.s32 $_size__tile_overlayer_lowered;
	s6 =	simm.s32 $_tile_overlayer_lowered  }
0x9b: {  	s22 =	simm.s32 $0x1BFF;
	s21 =	sshll.u32 s6, $0x1;
	s3 =	sadd.s32 s4, s19  }
0x9c: {  	s7 =	simm.s32 $0x0;
	s20 =	sshll.u32 s5, $0x1;
	s5 =	sadd.s32 s21, s3  }
0x9d: {  	[timem:s7], [sflag:s22] =	dma.local [hbm:s5], s20  }
0x9e: {  	_ =	swait.ge [sflag:s22], s20  }
0x9f: {  	s4 =	ssub.s32 $0x0, s20;
	[sflag:s22] =	ssyncset.done $0x0  }
0xa0: {  	[sflag:s22] =	ssyncadd.s32 s4;
	_ =	sdelay $0x1  }
0xa1: {  	s23 =	simm.s32 $0x1B8B  }
0xa2: {  	_ =	swait.ge [sflag:s23], $0x1  }
0xa3: {  	[sflag:s23] =	ssyncset.done $0x0  }
0xa4: {  	s25 =	simm.s32 $0x1B8E;
	s24 =	sld [smem:$0x3FFE];
	[sflag:s23] =	ssyncadd.s32 $0xFFFFFFFF  }
0xa5: {  	s26 =	simm.s32 $execute0_lowered;
	[smem:$0x3FD2] =	sst s25  }
0xa6: {  	s5 =	sshll.u32 s26, $0x1;
	_ =	strace $0x80000046;
	[dreg:$0x1] =	wrdreg $0xFFFFFFFF  }
0xa7: {  	s28 =	simm.s32 $_size_execute0_lowered;
	s3 =	sadd.s32 s3, s5;
	[dreg:$0x0] =	wrdreg $0x0  }
0xa8: {  	s5 =	sshll.u32 s28, $0x1;
	[dreg:$0x2] =	wrdreg s3  }
0xa9: {  	[dreg:$0x3] =	wrdreg s5  }
0xaa: {  	[dreg:$0x4] =	wrdreg $0xC0  }
0xab: {  	_ =	task [dreg:s7], $0x5FFFF  }
0xac: {  	[dreg:$0x1] =	wrdreg $0xFFFFFFFF  }
0xad: {  	[dreg:$0x0] =	wrdreg $0x60  }
0xae: {  	[dreg:$0x2] =	wrdreg s24  }
0xaf: {  	[dreg:$0x3] =	wrdreg s2  }
0xb0: {  	[dreg:$0x4] =	wrdreg $0x9  }
0xb1: {  	_ =	task.clear_ibuf [dreg:s7], $0x5FFFF;
	_ =	strace $0x90000046  }
0xb2: {  	s29 =	simm.s32 $0x9;
	_ =	strace $0x80000048  }
0xb3: {  	_ =	swait.ge [sflag:s29], $0x1  }
0xb4: {  	[sflag:s29] =	ssyncadd.s32 $0xFFFFFFFF  }
0xb5: {  	_ =	strace $0x90000048  }
0xb6: {  	_ =	sfence  }
0xb7: {  	s30 =	sld [smem:$0x0];
	_ =	sdelay $0x2  }
0xb8: {  	s31 =	sshll.u32 s1, $0xD;
	s1 =	sshrl.u32 s1, $0x2  }
0xb9: {  	s3 =	sand.u32 $0x4000, s31;
	s1 =	sadd.s32 s1, s30  }
0xba: {  	s0 =	sor.u32 s3, s0;
	s1 =	sshll.u32 s1, $0x11  }
0xbb: {  	s0 =	sor.u32 s1, s0  }
0xbc: {  	s0 =	sadd.s32 $0x8F2B, s0  }
0xbd: {  	[sflag:s0] =	ssyncadd.remote.s32 $0x1  }
0xbe: {  	_ =	sfence.sel $0xFFFF  }
0xbf: {  	[dreg:$0x0] =	wrdreg $0xFFFFFFFF;
	(pc) =	sbr.abs _section_cstart, $3  }
0xc0: {  	[dreg:$0x1] =	wrdreg $0xFFFFFFFF  }
0xc1: {  	_ =	task.clear_ibuf [dreg:s7], $0x2FFFF;
	_ =	strace $0x9FFFFFFF  }
0xc2: {  	(tm) =	ssettm $0x7FFFFFFF  }
0xc3: {  	_ =	shalt  }
tec
execute0_lowered:
.L_overlay_start_1:
0x0: {  	(tag) =	ssettag $0x1  }
0x1: {  	s0 =	srdreg.scid;
	s1 =	rddreg [dreg:$0x0]  }
0x2: {  	s2 =	stileid.u32;
	s4 =	rddreg [dreg:$0x1]  }
0x3: {  	s16 =	simm.s32 $0x4;
	s17 =	simm.s32 $0x80;
	s18 =	simm.s32 $0x1900  }
0x4: {  	s19 =	simm.s32 $0x3900;
	s21 =	simm.s32 $0x5900;
	s23 =	simm.s32 $0x7900  }
0x5: {  	s25 =	simm.s32 $0x9900;
	s28 =	simm.s32 $0xB900;
	s30 =	simm.s32 $0xD900  }
0x6: {  	s20 =	simm.s32 $0x11900;
	s0 =	sand.u32 $0x1, s0;
	s2 =	sshll.u32 s2, $0x1  }
0x7: {  	s24 =	simm.s32 $0x13900;
	s29 =	simm.s32 $0x3;
	s3 =	sor.u32 s0, s2  }
0x8: {  	s2 =	simm.s32 $0x0;
	s0 =	ssub.s32 $0x2, s0;
	s5 =	smul.u32 $0x320, s3  }
0x9: {  	[smem:$0x7FF] =	sst s2;
	s3 =	smul.u32 $0x64000, s3;
	s6 =	sshrl.u32 s0, $0x1  }
0xa: {  	s22 =	simm.s32 $0x2;
	_ =	strace $0x80000047;
	s0 =	ssub.s32 s0, s6  }
0xb: {  	s5 =	sadd.s32 s5, s1;
	s7 =	sshrl.u32 s3, $0x3;
	s3 =	sadd.s32 $0xF42E00, s1  }
0xc: {  	s15 =	smax.u32 s0, $0x1;
	s1 =	simm.s32 $0xF900;
	s0 =	simm.s32 $0x0  }
.Ltmp0:
0xd: {  	s4 =	sadd.s32 s4, s7;
	s26 =	sadd.s32 $0xA00, s5;
	(pc) =	sbr.rel .LBB2_1-.Ltmp0, $4  }
0xe: {  	[dreg:$0x3] =	wrdreg s26;
	s31 =	sadd.s32 $0x1400, s4;
	s7 =	sadd.s32 $0x2800, s4  }
0xf: {  	s8 =	sadd.s32 $0x3C00, s4;
	s9 =	sadd.s32 $0x5000, s4;
	s10 =	sadd.s32 $0x6400, s4  }
0x10: {  	v0 =	vlaneseq.u32;
	s11 =	sadd.s32 $0x7800, s4;
	s12 =	sadd.s32 $0x8C00, s4;
	s13 =	sadd.s32 $0xA000, s4  }
0x11: {  	v1 =	vimm.f32 $0.0e+00;
	v0 =	vmul.u32 $0x40, v0;
	s14 =	sadd.s32 $0xB400, s4;
	s26 =	simm.s32 $0x1;
	[dreg:$0x4] =	wrdreg s31  }
.LBB2_61:
0x12: {  	[hbm4b:s14+s2] =	stream.linear.scatter [tilespmem:s28], [sflag:$0x3], $0xA000, $0x38;
	[tilespmem:$0x15900] =	vst v63  }
0x13: {  	s0 =	sadd.s32 $0x1, s0  }
0x14: {  	_ =	swait.ge [sflag:s29], $0xA000;
	p0 =	sne.s32 s0, s15  }
.Ltmp1:
0x15: {  	[sflag:s29] =	ssyncset.done $0x0;
	(pc) =	sbr.rel @!p0 .LBB2_62-.Ltmp1, $4  }
0x16: {  	[sflag:s29] =	ssyncadd.s32 $0xFFFF6000  }
0x17: {  	_ =	swait.ge [sflag:s29], $0xA000  }
0x18: {  	[sflag:s29] =	ssyncset.done $0x0  }
0x19: {  	[sflag:s29] =	ssyncadd.s32 $0xFFFF6000  }
.LBB2_1:
0x1a: {  	s5 =	rddreg [dreg:$0x3]  }
0x1b: {  	[tilespmem:s2], [sflag:$0x4] =	stream.linear.gather [hbm4b:s5+s2], $0x1900, $0x38;
	[tilespmem:$0x15900] =	vst v63  }
0x1c: {  	_ =	swait.ge [sflag:s16], $0x1900  }
0x1d: {  	[sflag:s16] =	ssyncset.done $0x0  }
0x1e: {  	[sflag:s16] =	ssyncadd.s32 $0xFFFFE700  }
0x1f: {  	[tilespmem:s18], [sflag:$0x1] =	stream.indirect.gather [hbm4b:s3+s17], $0x40, s2, s17, $0xb8;
	[tilespmem:$0x15900] =	vst v63  }
0x20: {  	_ = 	snop  }
0x21: {  	[tilespmem:s19], [sflag:$0x1] =	stream.indirect.gather [hbm4b:s3+s17], $0x40, s17, s17, $0xb8;
	[tilespmem:$0x15900] =	vst v63  }
0x22: {  	s6 =	simm.s32 $0x100  }
0x23: {  	[tilespmem:s21], [sflag:$0x1] =	stream.indirect.gather [hbm4b:s3+s17], $0x40, s6, s17, $0xb8;
	[tilespmem:$0x15900] =	vst v63  }
0x24: {  	s6 =	simm.s32 $0x180  }
0x25: {  	[tilespmem:s23], [sflag:$0x1] =	stream.indirect.gather [hbm4b:s3+s17], $0x40, s6, s17, $0xb8;
	[tilespmem:$0x15900] =	vst v63  }
0x26: {  	s6 =	simm.s32 $0x200  }
0x27: {  	[tilespmem:s25], [sflag:$0x1] =	stream.indirect.gather [hbm4b:s3+s17], $0x40, s6, s17, $0xb8;
	[tilespmem:$0x15900] =	vst v63  }
0x28: {  	s6 =	simm.s32 $0x280  }
0x29: {  	[tilespmem:s28], [sflag:$0x2] =	stream.indirect.gather [hbm4b:s3+s17], $0x40, s6, s17, $0xb8;
	[tilespmem:$0x15900] =	vst v63  }
0x2a: {  	s6 =	simm.s32 $0x300  }
0x2b: {  	[tilespmem:s30], [sflag:$0x2] =	stream.indirect.gather [hbm4b:s3+s17], $0x40, s6, s17, $0xb8;
	[tilespmem:$0x15900] =	vst v63  }
0x2c: {  	s6 =	simm.s32 $0x380  }
0x2d: {  	[tilespmem:s1], [sflag:$0x2] =	stream.indirect.gather [hbm4b:s3+s17], $0x40, s6, s17, $0xb8;
	[tilespmem:$0x15900] =	vst v63  }
0x2e: {  	s6 =	simm.s32 $0x400  }
0x2f: {  	[tilespmem:s20], [sflag:$0x2] =	stream.indirect.gather [hbm4b:s3+s17], $0x40, s6, s17, $0xb8;
	[tilespmem:$0x15900] =	vst v63  }
0x30: {  	s6 =	simm.s32 $0x480  }
0x31: {  	[tilespmem:s24], [sflag:$0x2] =	stream.indirect.gather [hbm4b:s3+s17], $0x40, s6, s17, $0xb8;
	[tilespmem:$0x15900] =	vst v63  }
0x32: {  	_ =	swait.ge [sflag:s26], $0x2000  }
0x33: {  	[sflag:s26] =	ssyncset.done $0x0  }
0x34: {  	[sflag:s26] =	ssyncadd.s32 $0xFFFFE000  }
0x35: {  	_ =	swait.ge [sflag:s26], $0x2000  }
0x36: {  	[sflag:s26] =	ssyncset.done $0x0  }
0x37: {  	[sflag:s26] =	ssyncadd.s32 $0xFFFFE000  }
0x38: {  	_ =	swait.ge [sflag:s26], $0x2000  }
0x39: {  	[sflag:s26] =	ssyncset.done $0x0  }
0x3a: {  	[sflag:s26] =	ssyncadd.s32 $0xFFFFE000  }
0x3b: {  	_ =	swait.ge [sflag:s26], $0x2000  }
0x3c: {  	[sflag:s26] =	ssyncset.done $0x0  }
0x3d: {  	[sflag:s26] =	ssyncadd.s32 $0xFFFFE000  }
0x3e: {  	_ =	swait.ge [sflag:s26], $0x2000  }
0x3f: {  	[sflag:s26] =	ssyncset.done $0x0  }
0x40: {  	[sflag:s26] =	ssyncadd.s32 $0xFFFFE000  }
0x41: {  	v2 =	vld [tilespmem:$0x0]  }
0x42: {  	v3 =	vld [tilespmem:$0x10];
	_ =	sdelay $0x1  }
0x43: {  	v4 =	vld [tilespmem:$0x20];
	_ =	sdelay $0x1  }
0x44: {  	v5 =	vld [tilespmem:$0x30]  }
0x45: {  	vm0 =	vlt.s32 v2, v3  }
0x46: {  	v2 =	vsel vm0, v2, v3;
	v3 =	vld [tilespmem:$0x40]  }
0x47: {  	vm0 =	vlt.s32 v2, v4  }
0x48: {  	v40 =	vld [tilespmem:$0x50];
	v2 =	vsel vm0, v2, v4  }
0x49: {  	vm0 =	vlt.s32 v2, v5  }
0x4a: {  	v41 =	vld [tilespmem:$0x60];
	v2 =	vsel vm0, v2, v5  }
0x4b: {  	vm0 =	vlt.s32 v2, v3  }
0x4c: {  	v2 =	vsel vm0, v2, v3;
	v3 =	vld [tilespmem:$0x70]  }
0x4d: {  	vm0 =	vlt.s32 v2, v40  }
0x4e: {  	v42 =	vld [tilespmem:$0x80];
	v2 =	vsel vm0, v2, v40  }
0x4f: {  	vm0 =	vlt.s32 v2, v41  }
0x50: {  	v43 =	vld [tilespmem:$0x90];
	v2 =	vsel vm0, v2, v41  }
0x51: {  	vm0 =	vlt.s32 v2, v3  }
0x52: {  	v2 =	vsel vm0, v2, v3;
	v3 =	vld [tilespmem:$0xA0]  }
0x53: {  	vm0 =	vlt.s32 v2, v42  }
0x54: {  	v44 =	vld [tilespmem:$0xB0];
	v2 =	vsel vm0, v2, v42  }
0x55: {  	vm0 =	vlt.s32 v2, v43  }
0x56: {  	v45 =	vld [tilespmem:$0xC0];
	v2 =	vsel vm0, v2, v43  }
0x57: {  	vm0 =	vlt.s32 v2, v3  }
0x58: {  	v2 =	vsel vm0, v2, v3;
	v3 =	vld [tilespmem:$0xD0]  }
0x59: {  	vm0 =	vlt.s32 v2, v44  }
0x5a: {  	v46 =	vld [tilespmem:$0xE0];
	v2 =	vsel vm0, v2, v44  }
0x5b: {  	vm0 =	vlt.s32 v2, v45  }
0x5c: {  	v47 =	vld [tilespmem:$0xF0];
	v2 =	vsel vm0, v2, v45  }
0x5d: {  	vm0 =	vlt.s32 v2, v3  }
0x5e: {  	v2 =	vsel vm0, v2, v3;
	v3 =	vld [tilespmem:$0x100]  }
0x5f: {  	vm0 =	vlt.s32 v2, v46  }
0x60: {  	v48 =	vld [tilespmem:$0x110];
	v2 =	vsel vm0, v2, v46  }
0x61: {  	vm0 =	vlt.s32 v2, v47  }
0x62: {  	v49 =	vld [tilespmem:$0x120];
	v2 =	vsel vm0, v2, v47  }
0x63: {  	vm0 =	vlt.s32 v2, v3  }
0x64: {  	v2 =	vsel vm0, v2, v3;
	v3 =	vld [tilespmem:$0x130]  }
0x65: {  	vm0 =	vlt.s32 v2, v48  }
0x66: {  	v50 =	vld [tilespmem:$0x140];
	v2 =	vsel vm0, v2, v48  }
0x67: {  	vm0 =	vlt.s32 v2, v49  }
0x68: {  	v51 =	vld [tilespmem:$0x150];
	v2 =	vsel vm0, v2, v49  }
0x69: {  	vm0 =	vlt.s32 v2, v3  }
0x6a: {  	v2 =	vsel vm0, v2, v3;
	v3 =	vld [tilespmem:$0x160]  }
0x6b: {  	vm0 =	vlt.s32 v2, v50  }
0x6c: {  	v52 =	vld [tilespmem:$0x170];
	v2 =	vsel vm0, v2, v50  }
0x6d: {  	vm0 =	vlt.s32 v2, v51  }
0x6e: {  	v53 =	vld [tilespmem:$0x180];
	v2 =	vsel vm0, v2, v51  }
0x6f: {  	vm0 =	vlt.s32 v2, v3  }
0x70: {  	v2 =	vsel vm0, v2, v3;
	v3 =	vld [tilespmem:$0x190]  }
0x71: {  	vm0 =	vlt.s32 v2, v52  }
0x72: {  	v54 =	vld [tilespmem:$0x1A0];
	v2 =	vsel vm0, v2, v52  }
0x73: {  	vm0 =	vlt.s32 v2, v53  }
0x74: {  	v55 =	vld [tilespmem:$0x1B0];
	v2 =	vsel vm0, v2, v53  }
0x75: {  	vm0 =	vlt.s32 v2, v3  }
0x76: {  	v2 =	vsel vm0, v2, v3;
	v3 =	vld [tilespmem:$0x1C0]  }
0x77: {  	vm0 =	vlt.s32 v2, v54  }
0x78: {  	v56 =	vld [tilespmem:$0x1D0];
	v2 =	vsel vm0, v2, v54  }
0x79: {  	vm0 =	vlt.s32 v2, v55  }
0x7a: {  	v57 =	vld [tilespmem:$0x1E0];
	v2 =	vsel vm0, v2, v55  }
0x7b: {  	vm0 =	vlt.s32 v2, v3  }
0x7c: {  	v2 =	vsel vm0, v2, v3;
	v3 =	vld [tilespmem:$0x1F0]  }
0x7d: {  	vm0 =	vlt.s32 v2, v56  }
0x7e: {  	v58 =	vld [tilespmem:$0x200];
	v2 =	vsel vm0, v2, v56  }
0x7f: {  	vm0 =	vlt.s32 v2, v57  }
0x80: {  	v59 =	vld [tilespmem:$0x210];
	v2 =	vsel vm0, v2, v57  }
0x81: {  	vm0 =	vlt.s32 v2, v3  }
0x82: {  	v2 =	vsel vm0, v2, v3;
	v3 =	vld [tilespmem:$0x220]  }
0x83: {  	vm0 =	vlt.s32 v2, v58  }
0x84: {  	v60 =	vld [tilespmem:$0x230];
	v2 =	vsel vm0, v2, v58  }
0x85: {  	vm0 =	vlt.s32 v2, v59  }
0x86: {  	v61 =	vld [tilespmem:$0x240];
	v2 =	vsel vm0, v2, v59  }
0x87: {  	vm0 =	vlt.s32 v2, v3  }
0x88: {  	v2 =	vsel vm0, v2, v3;
	v3 =	vld [tilespmem:$0x250]  }
0x89: {  	vm0 =	vlt.s32 v2, v60  }
0x8a: {  	v62 =	vld [tilespmem:$0x260];
	v2 =	vsel vm0, v2, v60  }
0x8b: {  	vm0 =	vlt.s32 v2, v61  }
0x8c: {  	v63 =	vld [tilespmem:$0x270];
	v2 =	vsel vm0, v2, v61  }
0x8d: {  	vm0 =	vlt.s32 v2, v3  }
0x8e: {  	v2 =	vsel vm0, v2, v3  }
0x8f: {  	vm0 =	vlt.s32 v2, v62  }
0x90: {  	v2 =	vsel vm0, v2, v62  }
0x91: {  	vm0 =	vlt.s32 v2, v63  }
0x92: {  	v2 =	vsel vm0, v2, v63  }
0x93: {  	vm0 =	veq.s32 v2, $0x0  }
0x94: {  	v2 =	vmpcnt.ones.xlane vm0;
	_ =	sdelay $0x1  }
0x95: {  	(v2sf) =	vpush v2, $0x0;
	_ =	sdelay $0xe  }
0x96: {  	s6 =	spop (v2sf)  }
0x97: {  	p0 =	slt.s32 s6, $0x1  }
.Ltmp2:
0x98: {  	_ = 	snop;
	(pc) =	sbr.rel @!p0 .LBB2_2-.Ltmp2, $2  }
0x99: {  	_ =	sdelay $0x2  }
0x9a: {  	s31 =	simm.s32 $0x0  }
.LBB2_7:
0x9b: {  	s31 =	simm.s32 $0x0  }
0x9c: {  	[hbm4b:s4+s31] =	stream.linear.scatter [tilespmem:s18], [sflag:$0x3], $0xA000, $0x38;
	[tilespmem:$0x15900] =	vst v63  }
0x9d: {  	_ =	swait.ge [sflag:s29], $0xA000  }
0x9e: {  	[sflag:s29] =	ssyncset.done $0x0  }
0x9f: {  	s5 =	simm.s32 $0x500;
	[sflag:s29] =	ssyncadd.s32 $0xFFFF6000  }
0xa0: {  	[tilespmem:s18], [sflag:$0x1] =	stream.indirect.gather [hbm4b:s3+s17], $0x40, s5, s17, $0xb8;
	[tilespmem:$0x15900] =	vst v63  }
0xa1: {  	s6 =	simm.s32 $0x580  }
0xa2: {  	[tilespmem:s19], [sflag:$0x1] =	stream.indirect.gather [hbm4b:s3+s17], $0x40, s6, s17, $0xb8;
	[tilespmem:$0x15900] =	vst v63  }
0xa3: {  	s6 =	simm.s32 $0x600  }
0xa4: {  	[tilespmem:s21], [sflag:$0x1] =	stream.indirect.gather [hbm4b:s3+s17], $0x40, s6, s17, $0xb8;
	[tilespmem:$0x15900] =	vst v63  }
0xa5: {  	s6 =	simm.s32 $0x680  }
0xa6: {  	[tilespmem:s23], [sflag:$0x1] =	stream.indirect.gather [hbm4b:s3+s17], $0x40, s6, s17, $0xb8;
	[tilespmem:$0x15900] =	vst v63  }
0xa7: {  	s6 =	simm.s32 $0x700  }
0xa8: {  	[tilespmem:s25], [sflag:$0x1] =	stream.indirect.gather [hbm4b:s3+s17], $0x40, s6, s17, $0xb8;
	[tilespmem:$0x15900] =	vst v63  }
0xa9: {  	_ =	swait.ge [sflag:s22], $0x2000  }
0xaa: {  	[sflag:s22] =	ssyncset.done $0x0  }
0xab: {  	[sflag:s22] =	ssyncadd.s32 $0xFFFFE000  }
0xac: {  	_ =	swait.ge [sflag:s22], $0x2000  }
0xad: {  	[sflag:s22] =	ssyncset.done $0x0  }
0xae: {  	[sflag:s22] =	ssyncadd.s32 $0xFFFFE000  }
0xaf: {  	_ =	swait.ge [sflag:s22], $0x2000  }
0xb0: {  	[sflag:s22] =	ssyncset.done $0x0  }
0xb1: {  	[sflag:s22] =	ssyncadd.s32 $0xFFFFE000  }
0xb2: {  	_ =	swait.ge [sflag:s22], $0x2000  }
0xb3: {  	[sflag:s22] =	ssyncset.done $0x0  }
0xb4: {  	[sflag:s22] =	ssyncadd.s32 $0xFFFFE000  }
0xb5: {  	_ =	swait.ge [sflag:s22], $0x2000  }
0xb6: {  	[sflag:s22] =	ssyncset.done $0x0  }
0xb7: {  	[sflag:s22] =	ssyncadd.s32 $0xFFFFE000  }
0xb8: {  	v2 =	vld [tilespmem:$0x280]  }
0xb9: {  	v3 =	vld [tilespmem:$0x290];
	_ =	sdelay $0x1  }
0xba: {  	v4 =	vld [tilespmem:$0x2A0];
	_ =	sdelay $0x1  }
0xbb: {  	v5 =	vld [tilespmem:$0x2B0]  }
0xbc: {  	vm0 =	vlt.s32 v2, v3  }
0xbd: {  	v2 =	vsel vm0, v2, v3;
	v3 =	vld [tilespmem:$0x2C0]  }
0xbe: {  	vm0 =	vlt.s32 v2, v4  }
0xbf: {  	v40 =	vld [tilespmem:$0x2D0];
	v2 =	vsel vm0, v2, v4  }
0xc0: {  	vm0 =	vlt.s32 v2, v5  }
0xc1: {  	v41 =	vld [tilespmem:$0x2E0];
	v2 =	vsel vm0, v2, v5  }
0xc2: {  	vm0 =	vlt.s32 v2, v3  }
0xc3: {  	v2 =	vsel vm0, v2, v3;
	v3 =	vld [tilespmem:$0x2F0]  }
0xc4: {  	vm0 =	vlt.s32 v2, v40  }
0xc5: {  	v42 =	vld [tilespmem:$0x300];
	v2 =	vsel vm0, v2, v40  }
0xc6: {  	vm0 =	vlt.s32 v2, v41  }
0xc7: {  	v43 =	vld [tilespmem:$0x310];
	v2 =	vsel vm0, v2, v41  }
0xc8: {  	vm0 =	vlt.s32 v2, v3  }
0xc9: {  	v2 =	vsel vm0, v2, v3;
	v3 =	vld [tilespmem:$0x320]  }
0xca: {  	vm0 =	vlt.s32 v2, v42  }
0xcb: {  	v44 =	vld [tilespmem:$0x330];
	v2 =	vsel vm0, v2, v42  }
0xcc: {  	vm0 =	vlt.s32 v2, v43  }
0xcd: {  	v45 =	vld [tilespmem:$0x340];
	v2 =	vsel vm0, v2, v43  }
0xce: {  	vm0 =	vlt.s32 v2, v3  }
0xcf: {  	v2 =	vsel vm0, v2, v3;
	v3 =	vld [tilespmem:$0x350]  }
0xd0: {  	vm0 =	vlt.s32 v2, v44  }
0xd1: {  	v46 =	vld [tilespmem:$0x360];
	v2 =	vsel vm0, v2, v44  }
0xd2: {  	vm0 =	vlt.s32 v2, v45  }
0xd3: {  	v47 =	vld [tilespmem:$0x370];
	v2 =	vsel vm0, v2, v45  }
0xd4: {  	vm0 =	vlt.s32 v2, v3  }
0xd5: {  	v2 =	vsel vm0, v2, v3;
	v3 =	vld [tilespmem:$0x380]  }
0xd6: {  	vm0 =	vlt.s32 v2, v46  }
0xd7: {  	v48 =	vld [tilespmem:$0x390];
	v2 =	vsel vm0, v2, v46  }
0xd8: {  	vm0 =	vlt.s32 v2, v47  }
0xd9: {  	v49 =	vld [tilespmem:$0x3A0];
	v2 =	vsel vm0, v2, v47  }
0xda: {  	vm0 =	vlt.s32 v2, v3  }
0xdb: {  	v2 =	vsel vm0, v2, v3;
	v3 =	vld [tilespmem:$0x3B0]  }
0xdc: {  	vm0 =	vlt.s32 v2, v48  }
0xdd: {  	v50 =	vld [tilespmem:$0x3C0];
	v2 =	vsel vm0, v2, v48  }
0xde: {  	vm0 =	vlt.s32 v2, v49  }
0xdf: {  	v51 =	vld [tilespmem:$0x3D0];
	v2 =	vsel vm0, v2, v49  }
0xe0: {  	vm0 =	vlt.s32 v2, v3  }
0xe1: {  	v2 =	vsel vm0, v2, v3;
	v3 =	vld [tilespmem:$0x3E0]  }
0xe2: {  	vm0 =	vlt.s32 v2, v50  }
0xe3: {  	v52 =	vld [tilespmem:$0x3F0];
	v2 =	vsel vm0, v2, v50  }
0xe4: {  	vm0 =	vlt.s32 v2, v51  }
0xe5: {  	v53 =	vld [tilespmem:$0x400];
	v2 =	vsel vm0, v2, v51  }
0xe6: {  	vm0 =	vlt.s32 v2, v3  }
0xe7: {  	v2 =	vsel vm0, v2, v3;
	v3 =	vld [tilespmem:$0x410]  }
0xe8: {  	vm0 =	vlt.s32 v2, v52  }
0xe9: {  	v54 =	vld [tilespmem:$0x420];
	v2 =	vsel vm0, v2, v52  }
0xea: {  	vm0 =	vlt.s32 v2, v53  }
0xeb: {  	v55 =	vld [tilespmem:$0x430];
	v2 =	vsel vm0, v2, v53  }
0xec: {  	vm0 =	vlt.s32 v2, v3  }
0xed: {  	v2 =	vsel vm0, v2, v3;
	v3 =	vld [tilespmem:$0x440]  }
0xee: {  	vm0 =	vlt.s32 v2, v54  }
0xef: {  	v56 =	vld [tilespmem:$0x450];
	v2 =	vsel vm0, v2, v54  }
0xf0: {  	vm0 =	vlt.s32 v2, v55  }
0xf1: {  	v57 =	vld [tilespmem:$0x460];
	v2 =	vsel vm0, v2, v55  }
0xf2: {  	vm0 =	vlt.s32 v2, v3  }
0xf3: {  	v2 =	vsel vm0, v2, v3;
	v3 =	vld [tilespmem:$0x470]  }
0xf4: {  	vm0 =	vlt.s32 v2, v56  }
0xf5: {  	v58 =	vld [tilespmem:$0x480];
	v2 =	vsel vm0, v2, v56  }
0xf6: {  	vm0 =	vlt.s32 v2, v57  }
0xf7: {  	v59 =	vld [tilespmem:$0x490];
	v2 =	vsel vm0, v2, v57  }
0xf8: {  	vm0 =	vlt.s32 v2, v3  }
0xf9: {  	v2 =	vsel vm0, v2, v3;
	v3 =	vld [tilespmem:$0x4A0]  }
0xfa: {  	vm0 =	vlt.s32 v2, v58  }
0xfb: {  	v60 =	vld [tilespmem:$0x4B0];
	v2 =	vsel vm0, v2, v58  }
0xfc: {  	vm0 =	vlt.s32 v2, v59  }
0xfd: {  	v61 =	vld [tilespmem:$0x4C0];
	v2 =	vsel vm0, v2, v59  }
0xfe: {  	vm0 =	vlt.s32 v2, v3  }
0xff: {  	v2 =	vsel vm0, v2, v3;
	v3 =	vld [tilespmem:$0x4D0]  }
0x100: {  	vm0 =	vlt.s32 v2, v60  }
0x101: {  	v62 =	vld [tilespmem:$0x4E0];
	v2 =	vsel vm0, v2, v60  }
0x102: {  	vm0 =	vlt.s32 v2, v61  }
0x103: {  	v63 =	vld [tilespmem:$0x4F0];
	v2 =	vsel vm0, v2, v61  }
0x104: {  	vm0 =	vlt.s32 v2, v3  }
0x105: {  	v2 =	vsel vm0, v2, v3  }
0x106: {  	vm0 =	vlt.s32 v2, v62  }
0x107: {  	v2 =	vsel vm0, v2, v62  }
0x108: {  	vm0 =	vlt.s32 v2, v63  }
0x109: {  	v2 =	vsel vm0, v2, v63  }
0x10a: {  	vm0 =	veq.s32 v2, $0x0  }
0x10b: {  	v2 =	vmpcnt.ones.xlane vm0;
	_ =	sdelay $0x1  }
0x10c: {  	(v2sf) =	vpush v2, $0x0;
	_ =	sdelay $0xe  }
0x10d: {  	s6 =	spop (v2sf)  }
0x10e: {  	p0 =	slt.s32 s6, $0x1  }
.Ltmp3:
0x10f: {  	_ = 	snop;
	(pc) =	sbr.rel @!p0 .LBB2_8-.Ltmp3, $1  }
0x110: {  	_ =	sdelay $0x3  }
.LBB2_13:
0x111: {  	s31 =	simm.s32 $0x0;
	s5 =	rddreg [dreg:$0x4]  }
0x112: {  	[hbm4b:s5+s31] =	stream.linear.scatter [tilespmem:s28], [sflag:$0x3], $0xA000, $0x38;
	[tilespmem:$0x15900] =	vst v63  }
0x113: {  	_ =	swait.ge [sflag:s29], $0xA000  }
0x114: {  	[sflag:s29] =	ssyncset.done $0x0  }
0x115: {  	s6 =	simm.s32 $0x780;
	[sflag:s29] =	ssyncadd.s32 $0xFFFF6000  }
0x116: {  	[tilespmem:s28], [sflag:$0x2] =	stream.indirect.gather [hbm4b:s3+s17], $0x40, s6, s17, $0xb8;
	[tilespmem:$0x15900] =	vst v63  }
0x117: {  	s6 =	simm.s32 $0x800  }
0x118: {  	[tilespmem:s30], [sflag:$0x2] =	stream.indirect.gather [hbm4b:s3+s17], $0x40, s6, s17, $0xb8;
	[tilespmem:$0x15900] =	vst v63  }
0x119: {  	s6 =	simm.s32 $0x880  }
0x11a: {  	[tilespmem:s1], [sflag:$0x2] =	stream.indirect.gather [hbm4b:s3+s17], $0x40, s6, s17, $0xb8;
	[tilespmem:$0x15900] =	vst v63  }
0x11b: {  	s6 =	simm.s32 $0x900  }
0x11c: {  	[tilespmem:s20], [sflag:$0x2] =	stream.indirect.gather [hbm4b:s3+s17], $0x40, s6, s17, $0xb8;
	[tilespmem:$0x15900] =	vst v63  }
0x11d: {  	s6 =	simm.s32 $0x980  }
0x11e: {  	[tilespmem:s24], [sflag:$0x2] =	stream.indirect.gather [hbm4b:s3+s17], $0x40, s6, s17, $0xb8;
	[tilespmem:$0x15900] =	vst v63  }
0x11f: {  	_ =	swait.ge [sflag:s26], $0x2000  }
0x120: {  	[sflag:s26] =	ssyncset.done $0x0  }
0x121: {  	[sflag:s26] =	ssyncadd.s32 $0xFFFFE000  }
0x122: {  	_ =	swait.ge [sflag:s26], $0x2000  }
0x123: {  	[sflag:s26] =	ssyncset.done $0x0  }
0x124: {  	[sflag:s26] =	ssyncadd.s32 $0xFFFFE000  }
0x125: {  	_ =	swait.ge [sflag:s26], $0x2000  }
0x126: {  	[sflag:s26] =	ssyncset.done $0x0  }
0x127: {  	[sflag:s26] =	ssyncadd.s32 $0xFFFFE000  }
0x128: {  	_ =	swait.ge [sflag:s26], $0x2000  }
0x129: {  	[sflag:s26] =	ssyncset.done $0x0  }
0x12a: {  	[sflag:s26] =	ssyncadd.s32 $0xFFFFE000  }
0x12b: {  	_ =	swait.ge [sflag:s26], $0x2000  }
0x12c: {  	[sflag:s26] =	ssyncset.done $0x0  }
0x12d: {  	[sflag:s26] =	ssyncadd.s32 $0xFFFFE000  }
0x12e: {  	v2 =	vld [tilespmem:$0x500]  }
0x12f: {  	v3 =	vld [tilespmem:$0x510];
	_ =	sdelay $0x1  }
0x130: {  	v4 =	vld [tilespmem:$0x520];
	_ =	sdelay $0x1  }
0x131: {  	v5 =	vld [tilespmem:$0x530]  }
0x132: {  	vm0 =	vlt.s32 v2, v3  }
0x133: {  	v2 =	vsel vm0, v2, v3;
	v3 =	vld [tilespmem:$0x540]  }
0x134: {  	vm0 =	vlt.s32 v2, v4  }
0x135: {  	v40 =	vld [tilespmem:$0x550];
	v2 =	vsel vm0, v2, v4  }
0x136: {  	vm0 =	vlt.s32 v2, v5  }
0x137: {  	v41 =	vld [tilespmem:$0x560];
	v2 =	vsel vm0, v2, v5  }
0x138: {  	vm0 =	vlt.s32 v2, v3  }
0x139: {  	v2 =	vsel vm0, v2, v3;
	v3 =	vld [tilespmem:$0x570]  }
0x13a: {  	vm0 =	vlt.s32 v2, v40  }
0x13b: {  	v42 =	vld [tilespmem:$0x580];
	v2 =	vsel vm0, v2, v40  }
0x13c: {  	vm0 =	vlt.s32 v2, v41  }
0x13d: {  	v43 =	vld [tilespmem:$0x590];
	v2 =	vsel vm0, v2, v41  }
0x13e: {  	vm0 =	vlt.s32 v2, v3  }
0x13f: {  	v2 =	vsel vm0, v2, v3;
	v3 =	vld [tilespmem:$0x5A0]  }
0x140: {  	vm0 =	vlt.s32 v2, v42  }
0x141: {  	v44 =	vld [tilespmem:$0x5B0];
	v2 =	vsel vm0, v2, v42  }
0x142: {  	vm0 =	vlt.s32 v2, v43  }
0x143: {  	v45 =	vld [tilespmem:$0x5C0];
	v2 =	vsel vm0, v2, v43  }
0x144: {  	vm0 =	vlt.s32 v2, v3  }
0x145: {  	v2 =	vsel vm0, v2, v3;
	v3 =	vld [tilespmem:$0x5D0]  }
0x146: {  	vm0 =	vlt.s32 v2, v44  }
0x147: {  	v46 =	vld [tilespmem:$0x5E0];
	v2 =	vsel vm0, v2, v44  }
0x148: {  	vm0 =	vlt.s32 v2, v45  }
0x149: {  	v47 =	vld [tilespmem:$0x5F0];
	v2 =	vsel vm0, v2, v45  }
0x14a: {  	vm0 =	vlt.s32 v2, v3  }
0x14b: {  	v2 =	vsel vm0, v2, v3;
	v3 =	vld [tilespmem:$0x600]  }
0x14c: {  	vm0 =	vlt.s32 v2, v46  }
0x14d: {  	v48 =	vld [tilespmem:$0x610];
	v2 =	vsel vm0, v2, v46  }
0x14e: {  	vm0 =	vlt.s32 v2, v47  }
0x14f: {  	v49 =	vld [tilespmem:$0x620];
	v2 =	vsel vm0, v2, v47  }
0x150: {  	vm0 =	vlt.s32 v2, v3  }
0x151: {  	v2 =	vsel vm0, v2, v3;
	v3 =	vld [tilespmem:$0x630]  }
0x152: {  	vm0 =	vlt.s32 v2, v48  }
0x153: {  	v50 =	vld [tilespmem:$0x640];
	v2 =	vsel vm0, v2, v48  }
0x154: {  	vm0 =	vlt.s32 v2, v49  }
0x155: {  	v51 =	vld [tilespmem:$0x650];
	v2 =	vsel vm0, v2, v49  }
0x156: {  	vm0 =	vlt.s32 v2, v3  }
0x157: {  	v2 =	vsel vm0, v2, v3;
	v3 =	vld [tilespmem:$0x660]  }
0x158: {  	vm0 =	vlt.s32 v2, v50  }
0x159: {  	v52 =	vld [tilespmem:$0x670];
	v2 =	vsel vm0, v2, v50  }
0x15a: {  	vm0 =	vlt.s32 v2, v51  }
0x15b: {  	v53 =	vld [tilespmem:$0x680];
	v2 =	vsel vm0, v2, v51  }
0x15c: {  	vm0 =	vlt.s32 v2, v3  }
0x15d: {  	v2 =	vsel vm0, v2, v3;
	v3 =	vld [tilespmem:$0x690]  }
0x15e: {  	vm0 =	vlt.s32 v2, v52  }
0x15f: {  	v54 =	vld [tilespmem:$0x6A0];
	v2 =	vsel vm0, v2, v52  }
0x160: {  	vm0 =	vlt.s32 v2, v53  }
0x161: {  	v55 =	vld [tilespmem:$0x6B0];
	v2 =	vsel vm0, v2, v53  }
0x162: {  	vm0 =	vlt.s32 v2, v3  }
0x163: {  	v2 =	vsel vm0, v2, v3;
	v3 =	vld [tilespmem:$0x6C0]  }
0x164: {  	vm0 =	vlt.s32 v2, v54  }
0x165: {  	v56 =	vld [tilespmem:$0x6D0];
	v2 =	vsel vm0, v2, v54  }
0x166: {  	vm0 =	vlt.s32 v2, v55  }
0x167: {  	v57 =	vld [tilespmem:$0x6E0];
	v2 =	vsel vm0, v2, v55  }
0x168: {  	vm0 =	vlt.s32 v2, v3  }
0x169: {  	v2 =	vsel vm0, v2, v3;
	v3 =	vld [tilespmem:$0x6F0]  }
0x16a: {  	vm0 =	vlt.s32 v2, v56  }
0x16b: {  	v58 =	vld [tilespmem:$0x700];
	v2 =	vsel vm0, v2, v56  }
0x16c: {  	vm0 =	vlt.s32 v2, v57  }
0x16d: {  	v59 =	vld [tilespmem:$0x710];
	v2 =	vsel vm0, v2, v57  }
0x16e: {  	vm0 =	vlt.s32 v2, v3  }
0x16f: {  	v2 =	vsel vm0, v2, v3;
	v3 =	vld [tilespmem:$0x720]  }
0x170: {  	vm0 =	vlt.s32 v2, v58  }
0x171: {  	v60 =	vld [tilespmem:$0x730];
	v2 =	vsel vm0, v2, v58  }
0x172: {  	vm0 =	vlt.s32 v2, v59  }
0x173: {  	v61 =	vld [tilespmem:$0x740];
	v2 =	vsel vm0, v2, v59  }
0x174: {  	vm0 =	vlt.s32 v2, v3  }
0x175: {  	v2 =	vsel vm0, v2, v3;
	v3 =	vld [tilespmem:$0x750]  }
0x176: {  	vm0 =	vlt.s32 v2, v60  }
0x177: {  	v62 =	vld [tilespmem:$0x760];
	v2 =	vsel vm0, v2, v60  }
0x178: {  	vm0 =	vlt.s32 v2, v61  }
0x179: {  	v63 =	vld [tilespmem:$0x770];
	v2 =	vsel vm0, v2, v61  }
0x17a: {  	vm0 =	vlt.s32 v2, v3  }
0x17b: {  	v2 =	vsel vm0, v2, v3  }
0x17c: {  	vm0 =	vlt.s32 v2, v62  }
0x17d: {  	v2 =	vsel vm0, v2, v62  }
0x17e: {  	vm0 =	vlt.s32 v2, v63  }
0x17f: {  	v2 =	vsel vm0, v2, v63  }
0x180: {  	vm0 =	veq.s32 v2, $0x0  }
0x181: {  	v2 =	vmpcnt.ones.xlane vm0;
	_ =	sdelay $0x1  }
0x182: {  	(v2sf) =	vpush v2, $0x0;
	_ =	sdelay $0xe  }
0x183: {  	s6 =	spop (v2sf)  }
0x184: {  	p0 =	slt.s32 s6, $0x1  }
.Ltmp4:
0x185: {  	_ = 	snop;
	(pc) =	sbr.rel @!p0 .LBB2_14-.Ltmp4, $1  }
0x186: {  	_ =	sdelay $0x3  }
.LBB2_19:
0x187: {  	s31 =	simm.s32 $0x0  }
0x188: {  	[hbm4b:s7+s31] =	stream.linear.scatter [tilespmem:s18], [sflag:$0x3], $0xA000, $0x38;
	[tilespmem:$0x15900] =	vst v63  }
0x189: {  	_ =	swait.ge [sflag:s29], $0xA000  }
0x18a: {  	[sflag:s29] =	ssyncset.done $0x0  }
0x18b: {  	s5 =	simm.s32 $0xA00;
	[sflag:s29] =	ssyncadd.s32 $0xFFFF6000  }
0x18c: {  	[tilespmem:s18], [sflag:$0x1] =	stream.indirect.gather [hbm4b:s3+s17], $0x40, s5, s17, $0xb8;
	[tilespmem:$0x15900] =	vst v63  }
0x18d: {  	s6 =	simm.s32 $0xA80  }
0x18e: {  	[tilespmem:s19], [sflag:$0x1] =	stream.indirect.gather [hbm4b:s3+s17], $0x40, s6, s17, $0xb8;
	[tilespmem:$0x15900] =	vst v63  }
0x18f: {  	s6 =	simm.s32 $0xB00  }
0x190: {  	[tilespmem:s21], [sflag:$0x1] =	stream.indirect.gather [hbm4b:s3+s17], $0x40, s6, s17, $0xb8;
	[tilespmem:$0x15900] =	vst v63  }
0x191: {  	s6 =	simm.s32 $0xB80  }
0x192: {  	[tilespmem:s23], [sflag:$0x1] =	stream.indirect.gather [hbm4b:s3+s17], $0x40, s6, s17, $0xb8;
	[tilespmem:$0x15900] =	vst v63  }
0x193: {  	s6 =	simm.s32 $0xC00  }
0x194: {  	[tilespmem:s25], [sflag:$0x1] =	stream.indirect.gather [hbm4b:s3+s17], $0x40, s6, s17, $0xb8;
	[tilespmem:$0x15900] =	vst v63  }
0x195: {  	_ =	swait.ge [sflag:s22], $0x2000  }
0x196: {  	[sflag:s22] =	ssyncset.done $0x0  }
0x197: {  	[sflag:s22] =	ssyncadd.s32 $0xFFFFE000  }
0x198: {  	_ =	swait.ge [sflag:s22], $0x2000  }
0x199: {  	[sflag:s22] =	ssyncset.done $0x0  }
0x19a: {  	[sflag:s22] =	ssyncadd.s32 $0xFFFFE000  }
0x19b: {  	_ =	swait.ge [sflag:s22], $0x2000  }
0x19c: {  	[sflag:s22] =	ssyncset.done $0x0  }
0x19d: {  	[sflag:s22] =	ssyncadd.s32 $0xFFFFE000  }
0x19e: {  	_ =	swait.ge [sflag:s22], $0x2000  }
0x19f: {  	[sflag:s22] =	ssyncset.done $0x0  }
0x1a0: {  	[sflag:s22] =	ssyncadd.s32 $0xFFFFE000  }
0x1a1: {  	_ =	swait.ge [sflag:s22], $0x2000  }
0x1a2: {  	[sflag:s22] =	ssyncset.done $0x0  }
0x1a3: {  	[sflag:s22] =	ssyncadd.s32 $0xFFFFE000  }
0x1a4: {  	v2 =	vld [tilespmem:$0x780]  }
0x1a5: {  	v3 =	vld [tilespmem:$0x790];
	_ =	sdelay $0x1  }
0x1a6: {  	v4 =	vld [tilespmem:$0x7A0];
	_ =	sdelay $0x1  }
0x1a7: {  	v5 =	vld [tilespmem:$0x7B0]  }
0x1a8: {  	vm0 =	vlt.s32 v2, v3  }
0x1a9: {  	v2 =	vsel vm0, v2, v3;
	v3 =	vld [tilespmem:$0x7C0]  }
0x1aa: {  	vm0 =	vlt.s32 v2, v4  }
0x1ab: {  	v40 =	vld [tilespmem:$0x7D0];
	v2 =	vsel vm0, v2, v4  }
0x1ac: {  	vm0 =	vlt.s32 v2, v5  }
0x1ad: {  	v41 =	vld [tilespmem:$0x7E0];
	v2 =	vsel vm0, v2, v5  }
0x1ae: {  	vm0 =	vlt.s32 v2, v3  }
0x1af: {  	v2 =	vsel vm0, v2, v3;
	v3 =	vld [tilespmem:$0x7F0]  }
0x1b0: {  	vm0 =	vlt.s32 v2, v40  }
0x1b1: {  	v42 =	vld [tilespmem:$0x800];
	v2 =	vsel vm0, v2, v40  }
0x1b2: {  	vm0 =	vlt.s32 v2, v41  }
0x1b3: {  	v43 =	vld [tilespmem:$0x810];
	v2 =	vsel vm0, v2, v41  }
0x1b4: {  	vm0 =	vlt.s32 v2, v3  }
0x1b5: {  	v2 =	vsel vm0, v2, v3;
	v3 =	vld [tilespmem:$0x820]  }
0x1b6: {  	vm0 =	vlt.s32 v2, v42  }
0x1b7: {  	v44 =	vld [tilespmem:$0x830];
	v2 =	vsel vm0, v2, v42  }
0x1b8: {  	vm0 =	vlt.s32 v2, v43  }
0x1b9: {  	v45 =	vld [tilespmem:$0x840];
	v2 =	vsel vm0, v2, v43  }
0x1ba: {  	vm0 =	vlt.s32 v2, v3  }
0x1bb: {  	v2 =	vsel vm0, v2, v3;
	v3 =	vld [tilespmem:$0x850]  }
0x1bc: {  	vm0 =	vlt.s32 v2, v44  }
0x1bd: {  	v46 =	vld [tilespmem:$0x860];
	v2 =	vsel vm0, v2, v44  }
0x1be: {  	vm0 =	vlt.s32 v2, v45  }
0x1bf: {  	v47 =	vld [tilespmem:$0x870];
	v2 =	vsel vm0, v2, v45  }
0x1c0: {  	vm0 =	vlt.s32 v2, v3  }
0x1c1: {  	v2 =	vsel vm0, v2, v3;
	v3 =	vld [tilespmem:$0x880]  }
0x1c2: {  	vm0 =	vlt.s32 v2, v46  }
0x1c3: {  	v48 =	vld [tilespmem:$0x890];
	v2 =	vsel vm0, v2, v46  }
0x1c4: {  	vm0 =	vlt.s32 v2, v47  }
0x1c5: {  	v49 =	vld [tilespmem:$0x8A0];
	v2 =	vsel vm0, v2, v47  }
0x1c6: {  	vm0 =	vlt.s32 v2, v3  }
0x1c7: {  	v2 =	vsel vm0, v2, v3;
	v3 =	vld [tilespmem:$0x8B0]  }
0x1c8: {  	vm0 =	vlt.s32 v2, v48  }
0x1c9: {  	v50 =	vld [tilespmem:$0x8C0];
	v2 =	vsel vm0, v2, v48  }
0x1ca: {  	vm0 =	vlt.s32 v2, v49  }
0x1cb: {  	v51 =	vld [tilespmem:$0x8D0];
	v2 =	vsel vm0, v2, v49  }
0x1cc: {  	vm0 =	vlt.s32 v2, v3  }
0x1cd: {  	v2 =	vsel vm0, v2, v3;
	v3 =	vld [tilespmem:$0x8E0]  }
0x1ce: {  	vm0 =	vlt.s32 v2, v50  }
0x1cf: {  	v52 =	vld [tilespmem:$0x8F0];
	v2 =	vsel vm0, v2, v50  }
0x1d0: {  	vm0 =	vlt.s32 v2, v51  }
0x1d1: {  	v53 =	vld [tilespmem:$0x900];
	v2 =	vsel vm0, v2, v51  }
0x1d2: {  	vm0 =	vlt.s32 v2, v3  }
0x1d3: {  	v2 =	vsel vm0, v2, v3;
	v3 =	vld [tilespmem:$0x910]  }
0x1d4: {  	vm0 =	vlt.s32 v2, v52  }
0x1d5: {  	v54 =	vld [tilespmem:$0x920];
	v2 =	vsel vm0, v2, v52  }
0x1d6: {  	vm0 =	vlt.s32 v2, v53  }
0x1d7: {  	v55 =	vld [tilespmem:$0x930];
	v2 =	vsel vm0, v2, v53  }
0x1d8: {  	vm0 =	vlt.s32 v2, v3  }
0x1d9: {  	v2 =	vsel vm0, v2, v3;
	v3 =	vld [tilespmem:$0x940]  }
0x1da: {  	vm0 =	vlt.s32 v2, v54  }
0x1db: {  	v56 =	vld [tilespmem:$0x950];
	v2 =	vsel vm0, v2, v54  }
0x1dc: {  	vm0 =	vlt.s32 v2, v55  }
0x1dd: {  	v57 =	vld [tilespmem:$0x960];
	v2 =	vsel vm0, v2, v55  }
0x1de: {  	vm0 =	vlt.s32 v2, v3  }
0x1df: {  	v2 =	vsel vm0, v2, v3;
	v3 =	vld [tilespmem:$0x970]  }
0x1e0: {  	vm0 =	vlt.s32 v2, v56  }
0x1e1: {  	v58 =	vld [tilespmem:$0x980];
	v2 =	vsel vm0, v2, v56  }
0x1e2: {  	vm0 =	vlt.s32 v2, v57  }
0x1e3: {  	v59 =	vld [tilespmem:$0x990];
	v2 =	vsel vm0, v2, v57  }
0x1e4: {  	vm0 =	vlt.s32 v2, v3  }
0x1e5: {  	v2 =	vsel vm0, v2, v3;
	v3 =	vld [tilespmem:$0x9A0]  }
0x1e6: {  	vm0 =	vlt.s32 v2, v58  }
0x1e7: {  	v60 =	vld [tilespmem:$0x9B0];
	v2 =	vsel vm0, v2, v58  }
0x1e8: {  	vm0 =	vlt.s32 v2, v59  }
0x1e9: {  	v61 =	vld [tilespmem:$0x9C0];
	v2 =	vsel vm0, v2, v59  }
0x1ea: {  	vm0 =	vlt.s32 v2, v3  }
0x1eb: {  	v2 =	vsel vm0, v2, v3;
	v3 =	vld [tilespmem:$0x9D0]  }
0x1ec: {  	vm0 =	vlt.s32 v2, v60  }
0x1ed: {  	v62 =	vld [tilespmem:$0x9E0];
	v2 =	vsel vm0, v2, v60  }
0x1ee: {  	vm0 =	vlt.s32 v2, v61  }
0x1ef: {  	v63 =	vld [tilespmem:$0x9F0];
	v2 =	vsel vm0, v2, v61  }
0x1f0: {  	vm0 =	vlt.s32 v2, v3  }
0x1f1: {  	v2 =	vsel vm0, v2, v3  }
0x1f2: {  	vm0 =	vlt.s32 v2, v62  }
0x1f3: {  	v2 =	vsel vm0, v2, v62  }
0x1f4: {  	vm0 =	vlt.s32 v2, v63  }
0x1f5: {  	v2 =	vsel vm0, v2, v63  }
0x1f6: {  	vm0 =	veq.s32 v2, $0x0  }
0x1f7: {  	v2 =	vmpcnt.ones.xlane vm0;
	_ =	sdelay $0x1  }
0x1f8: {  	(v2sf) =	vpush v2, $0x0;
	_ =	sdelay $0xe  }
0x1f9: {  	s6 =	spop (v2sf)  }
0x1fa: {  	p0 =	slt.s32 s6, $0x1  }
.Ltmp5:
0x1fb: {  	_ = 	snop;
	(pc) =	sbr.rel @!p0 .LBB2_20-.Ltmp5, $1  }
0x1fc: {  	_ =	sdelay $0x3  }
.LBB2_25:
0x1fd: {  	s31 =	simm.s32 $0x0  }
0x1fe: {  	[hbm4b:s8+s31] =	stream.linear.scatter [tilespmem:s28], [sflag:$0x3], $0xA000, $0x38;
	[tilespmem:$0x15900] =	vst v63  }
0x1ff: {  	_ =	swait.ge [sflag:s29], $0xA000  }
0x200: {  	[sflag:s29] =	ssyncset.done $0x0  }
0x201: {  	s5 =	simm.s32 $0xC80;
	[sflag:s29] =	ssyncadd.s32 $0xFFFF6000  }
0x202: {  	[tilespmem:s28], [sflag:$0x2] =	stream.indirect.gather [hbm4b:s3+s17], $0x40, s5, s17, $0xb8;
	[tilespmem:$0x15900] =	vst v63  }
0x203: {  	s6 =	simm.s32 $0xD00  }
0x204: {  	[tilespmem:s30], [sflag:$0x2] =	stream.indirect.gather [hbm4b:s3+s17], $0x40, s6, s17, $0xb8;
	[tilespmem:$0x15900] =	vst v63  }
0x205: {  	s6 =	simm.s32 $0xD80  }
0x206: {  	[tilespmem:s1], [sflag:$0x2] =	stream.indirect.gather [hbm4b:s3+s17], $0x40, s6, s17, $0xb8;
	[tilespmem:$0x15900] =	vst v63  }
0x207: {  	s6 =	simm.s32 $0xE00  }
0x208: {  	[tilespmem:s20], [sflag:$0x2] =	stream.indirect.gather [hbm4b:s3+s17], $0x40, s6, s17, $0xb8;
	[tilespmem:$0x15900] =	vst v63  }
0x209: {  	s6 =	simm.s32 $0xE80  }
0x20a: {  	[tilespmem:s24], [sflag:$0x2] =	stream.indirect.gather [hbm4b:s3+s17], $0x40, s6, s17, $0xb8;
	[tilespmem:$0x15900] =	vst v63  }
0x20b: {  	_ =	swait.ge [sflag:s26], $0x2000  }
0x20c: {  	[sflag:s26] =	ssyncset.done $0x0  }
0x20d: {  	[sflag:s26] =	ssyncadd.s32 $0xFFFFE000  }
0x20e: {  	_ =	swait.ge [sflag:s26], $0x2000  }
0x20f: {  	[sflag:s26] =	ssyncset.done $0x0  }
0x210: {  	[sflag:s26] =	ssyncadd.s32 $0xFFFFE000  }
0x211: {  	_ =	swait.ge [sflag:s26], $0x2000  }
0x212: {  	[sflag:s26] =	ssyncset.done $0x0  }
0x213: {  	[sflag:s26] =	ssyncadd.s32 $0xFFFFE000  }
0x214: {  	_ =	swait.ge [sflag:s26], $0x2000  }
0x215: {  	[sflag:s26] =	ssyncset.done $0x0  }
0x216: {  	[sflag:s26] =	ssyncadd.s32 $0xFFFFE000  }
0x217: {  	_ =	swait.ge [sflag:s26], $0x2000  }
0x218: {  	[sflag:s26] =	ssyncset.done $0x0  }
0x219: {  	[sflag:s26] =	ssyncadd.s32 $0xFFFFE000  }
0x21a: {  	v2 =	vld [tilespmem:$0xA00]  }
0x21b: {  	v3 =	vld [tilespmem:$0xA10];
	_ =	sdelay $0x1  }
0x21c: {  	v4 =	vld [tilespmem:$0xA20];
	_ =	sdelay $0x1  }
0x21d: {  	v5 =	vld [tilespmem:$0xA30]  }
0x21e: {  	vm0 =	vlt.s32 v2, v3  }
0x21f: {  	v2 =	vsel vm0, v2, v3;
	v3 =	vld [tilespmem:$0xA40]  }
0x220: {  	vm0 =	vlt.s32 v2, v4  }
0x221: {  	v40 =	vld [tilespmem:$0xA50];
	v2 =	vsel vm0, v2, v4  }
0x222: {  	vm0 =	vlt.s32 v2, v5  }
0x223: {  	v41 =	vld [tilespmem:$0xA60];
	v2 =	vsel vm0, v2, v5  }
0x224: {  	vm0 =	vlt.s32 v2, v3  }
0x225: {  	v2 =	vsel vm0, v2, v3;
	v3 =	vld [tilespmem:$0xA70]  }
0x226: {  	vm0 =	vlt.s32 v2, v40  }
0x227: {  	v42 =	vld [tilespmem:$0xA80];
	v2 =	vsel vm0, v2, v40  }
0x228: {  	vm0 =	vlt.s32 v2, v41  }
0x229: {  	v43 =	vld [tilespmem:$0xA90];
	v2 =	vsel vm0, v2, v41  }
0x22a: {  	vm0 =	vlt.s32 v2, v3  }
0x22b: {  	v2 =	vsel vm0, v2, v3;
	v3 =	vld [tilespmem:$0xAA0]  }
0x22c: {  	vm0 =	vlt.s32 v2, v42  }
0x22d: {  	v44 =	vld [tilespmem:$0xAB0];
	v2 =	vsel vm0, v2, v42  }
0x22e: {  	vm0 =	vlt.s32 v2, v43  }
0x22f: {  	v45 =	vld [tilespmem:$0xAC0];
	v2 =	vsel vm0, v2, v43  }
0x230: {  	vm0 =	vlt.s32 v2, v3  }
0x231: {  	v2 =	vsel vm0, v2, v3;
	v3 =	vld [tilespmem:$0xAD0]  }
0x232: {  	vm0 =	vlt.s32 v2, v44  }
0x233: {  	v46 =	vld [tilespmem:$0xAE0];
	v2 =	vsel vm0, v2, v44  }
0x234: {  	vm0 =	vlt.s32 v2, v45  }
0x235: {  	v47 =	vld [tilespmem:$0xAF0];
	v2 =	vsel vm0, v2, v45  }
0x236: {  	vm0 =	vlt.s32 v2, v3  }
0x237: {  	v2 =	vsel vm0, v2, v3;
	v3 =	vld [tilespmem:$0xB00]  }
0x238: {  	vm0 =	vlt.s32 v2, v46  }
0x239: {  	v48 =	vld [tilespmem:$0xB10];
	v2 =	vsel vm0, v2, v46  }
0x23a: {  	vm0 =	vlt.s32 v2, v47  }
0x23b: {  	v49 =	vld [tilespmem:$0xB20];
	v2 =	vsel vm0, v2, v47  }
0x23c: {  	vm0 =	vlt.s32 v2, v3  }
0x23d: {  	v2 =	vsel vm0, v2, v3;
	v3 =	vld [tilespmem:$0xB30]  }
0x23e: {  	vm0 =	vlt.s32 v2, v48  }
0x23f: {  	v50 =	vld [tilespmem:$0xB40];
	v2 =	vsel vm0, v2, v48  }
0x240: {  	vm0 =	vlt.s32 v2, v49  }
0x241: {  	v51 =	vld [tilespmem:$0xB50];
	v2 =	vsel vm0, v2, v49  }
0x242: {  	vm0 =	vlt.s32 v2, v3  }
0x243: {  	v2 =	vsel vm0, v2, v3;
	v3 =	vld [tilespmem:$0xB60]  }
0x244: {  	vm0 =	vlt.s32 v2, v50  }
0x245: {  	v52 =	vld [tilespmem:$0xB70];
	v2 =	vsel vm0, v2, v50  }
0x246: {  	vm0 =	vlt.s32 v2, v51  }
0x247: {  	v53 =	vld [tilespmem:$0xB80];
	v2 =	vsel vm0, v2, v51  }
0x248: {  	vm0 =	vlt.s32 v2, v3  }
0x249: {  	v2 =	vsel vm0, v2, v3;
	v3 =	vld [tilespmem:$0xB90]  }
0x24a: {  	vm0 =	vlt.s32 v2, v52  }
0x24b: {  	v54 =	vld [tilespmem:$0xBA0];
	v2 =	vsel vm0, v2, v52  }
0x24c: {  	vm0 =	vlt.s32 v2, v53  }
0x24d: {  	v55 =	vld [tilespmem:$0xBB0];
	v2 =	vsel vm0, v2, v53  }
0x24e: {  	vm0 =	vlt.s32 v2, v3  }
0x24f: {  	v2 =	vsel vm0, v2, v3;
	v3 =	vld [tilespmem:$0xBC0]  }
0x250: {  	vm0 =	vlt.s32 v2, v54  }
0x251: {  	v56 =	vld [tilespmem:$0xBD0];
	v2 =	vsel vm0, v2, v54  }
0x252: {  	vm0 =	vlt.s32 v2, v55  }
0x253: {  	v57 =	vld [tilespmem:$0xBE0];
	v2 =	vsel vm0, v2, v55  }
0x254: {  	vm0 =	vlt.s32 v2, v3  }
0x255: {  	v2 =	vsel vm0, v2, v3;
	v3 =	vld [tilespmem:$0xBF0]  }
0x256: {  	vm0 =	vlt.s32 v2, v56  }
0x257: {  	v58 =	vld [tilespmem:$0xC00];
	v2 =	vsel vm0, v2, v56  }
0x258: {  	vm0 =	vlt.s32 v2, v57  }
0x259: {  	v59 =	vld [tilespmem:$0xC10];
	v2 =	vsel vm0, v2, v57  }
0x25a: {  	vm0 =	vlt.s32 v2, v3  }
0x25b: {  	v2 =	vsel vm0, v2, v3;
	v3 =	vld [tilespmem:$0xC20]  }
0x25c: {  	vm0 =	vlt.s32 v2, v58  }
0x25d: {  	v60 =	vld [tilespmem:$0xC30];
	v2 =	vsel vm0, v2, v58  }
0x25e: {  	vm0 =	vlt.s32 v2, v59  }
0x25f: {  	v61 =	vld [tilespmem:$0xC40];
	v2 =	vsel vm0, v2, v59  }
0x260: {  	vm0 =	vlt.s32 v2, v3  }
0x261: {  	v2 =	vsel vm0, v2, v3;
	v3 =	vld [tilespmem:$0xC50]  }
0x262: {  	vm0 =	vlt.s32 v2, v60  }
0x263: {  	v62 =	vld [tilespmem:$0xC60];
	v2 =	vsel vm0, v2, v60  }
0x264: {  	vm0 =	vlt.s32 v2, v61  }
0x265: {  	v63 =	vld [tilespmem:$0xC70];
	v2 =	vsel vm0, v2, v61  }
0x266: {  	vm0 =	vlt.s32 v2, v3  }
0x267: {  	v2 =	vsel vm0, v2, v3  }
0x268: {  	vm0 =	vlt.s32 v2, v62  }
0x269: {  	v2 =	vsel vm0, v2, v62  }
0x26a: {  	vm0 =	vlt.s32 v2, v63  }
0x26b: {  	v2 =	vsel vm0, v2, v63  }
0x26c: {  	vm0 =	veq.s32 v2, $0x0  }
0x26d: {  	v2 =	vmpcnt.ones.xlane vm0;
	_ =	sdelay $0x1  }
0x26e: {  	(v2sf) =	vpush v2, $0x0;
	_ =	sdelay $0xe  }
0x26f: {  	s6 =	spop (v2sf)  }
0x270: {  	p0 =	slt.s32 s6, $0x1  }
.Ltmp6:
0x271: {  	_ = 	snop;
	(pc) =	sbr.rel @!p0 .LBB2_26-.Ltmp6, $1  }
0x272: {  	_ =	sdelay $0x3  }
.LBB2_31:
0x273: {  	s31 =	simm.s32 $0x0  }
0x274: {  	[hbm4b:s9+s31] =	stream.linear.scatter [tilespmem:s18], [sflag:$0x3], $0xA000, $0x38;
	[tilespmem:$0x15900] =	vst v63  }
0x275: {  	_ =	swait.ge [sflag:s29], $0xA000  }
0x276: {  	[sflag:s29] =	ssyncset.done $0x0  }
0x277: {  	s5 =	simm.s32 $0xF00;
	[sflag:s29] =	ssyncadd.s32 $0xFFFF6000  }
0x278: {  	[tilespmem:s18], [sflag:$0x1] =	stream.indirect.gather [hbm4b:s3+s17], $0x40, s5, s17, $0xb8;
	[tilespmem:$0x15900] =	vst v63  }
0x279: {  	s6 =	simm.s32 $0xF80  }
0x27a: {  	[tilespmem:s19], [sflag:$0x1] =	stream.indirect.gather [hbm4b:s3+s17], $0x40, s6, s17, $0xb8;
	[tilespmem:$0x15900] =	vst v63  }
0x27b: {  	s6 =	simm.s32 $0x1000  }
0x27c: {  	[tilespmem:s21], [sflag:$0x1] =	stream.indirect.gather [hbm4b:s3+s17], $0x40, s6, s17, $0xb8;
	[tilespmem:$0x15900] =	vst v63  }
0x27d: {  	s6 =	simm.s32 $0x1080  }
0x27e: {  	[tilespmem:s23], [sflag:$0x1] =	stream.indirect.gather [hbm4b:s3+s17], $0x40, s6, s17, $0xb8;
	[tilespmem:$0x15900] =	vst v63  }
0x27f: {  	s6 =	simm.s32 $0x1100  }
0x280: {  	[tilespmem:s25], [sflag:$0x1] =	stream.indirect.gather [hbm4b:s3+s17], $0x40, s6, s17, $0xb8;
	[tilespmem:$0x15900] =	vst v63  }
0x281: {  	_ =	swait.ge [sflag:s22], $0x2000  }
0x282: {  	[sflag:s22] =	ssyncset.done $0x0  }
0x283: {  	[sflag:s22] =	ssyncadd.s32 $0xFFFFE000  }
0x284: {  	_ =	swait.ge [sflag:s22], $0x2000  }
0x285: {  	[sflag:s22] =	ssyncset.done $0x0  }
0x286: {  	[sflag:s22] =	ssyncadd.s32 $0xFFFFE000  }
0x287: {  	_ =	swait.ge [sflag:s22], $0x2000  }
0x288: {  	[sflag:s22] =	ssyncset.done $0x0  }
0x289: {  	[sflag:s22] =	ssyncadd.s32 $0xFFFFE000  }
0x28a: {  	_ =	swait.ge [sflag:s22], $0x2000  }
0x28b: {  	[sflag:s22] =	ssyncset.done $0x0  }
0x28c: {  	[sflag:s22] =	ssyncadd.s32 $0xFFFFE000  }
0x28d: {  	_ =	swait.ge [sflag:s22], $0x2000  }
0x28e: {  	[sflag:s22] =	ssyncset.done $0x0  }
0x28f: {  	[sflag:s22] =	ssyncadd.s32 $0xFFFFE000  }
0x290: {  	v2 =	vld [tilespmem:$0xC80]  }
0x291: {  	v3 =	vld [tilespmem:$0xC90];
	_ =	sdelay $0x1  }
0x292: {  	v4 =	vld [tilespmem:$0xCA0];
	_ =	sdelay $0x1  }
0x293: {  	v5 =	vld [tilespmem:$0xCB0]  }
0x294: {  	vm0 =	vlt.s32 v2, v3  }
0x295: {  	v2 =	vsel vm0, v2, v3;
	v3 =	vld [tilespmem:$0xCC0]  }
0x296: {  	vm0 =	vlt.s32 v2, v4  }
0x297: {  	v40 =	vld [tilespmem:$0xCD0];
	v2 =	vsel vm0, v2, v4  }
0x298: {  	vm0 =	vlt.s32 v2, v5  }
0x299: {  	v41 =	vld [tilespmem:$0xCE0];
	v2 =	vsel vm0, v2, v5  }
0x29a: {  	vm0 =	vlt.s32 v2, v3  }
0x29b: {  	v2 =	vsel vm0, v2, v3;
	v3 =	vld [tilespmem:$0xCF0]  }
0x29c: {  	vm0 =	vlt.s32 v2, v40  }
0x29d: {  	v42 =	vld [tilespmem:$0xD00];
	v2 =	vsel vm0, v2, v40  }
0x29e: {  	vm0 =	vlt.s32 v2, v41  }
0x29f: {  	v43 =	vld [tilespmem:$0xD10];
	v2 =	vsel vm0, v2, v41  }
0x2a0: {  	vm0 =	vlt.s32 v2, v3  }
0x2a1: {  	v2 =	vsel vm0, v2, v3;
	v3 =	vld [tilespmem:$0xD20]  }
0x2a2: {  	vm0 =	vlt.s32 v2, v42  }
0x2a3: {  	v44 =	vld [tilespmem:$0xD30];
	v2 =	vsel vm0, v2, v42  }
0x2a4: {  	vm0 =	vlt.s32 v2, v43  }
0x2a5: {  	v45 =	vld [tilespmem:$0xD40];
	v2 =	vsel vm0, v2, v43  }
0x2a6: {  	vm0 =	vlt.s32 v2, v3  }
0x2a7: {  	v2 =	vsel vm0, v2, v3;
	v3 =	vld [tilespmem:$0xD50]  }
0x2a8: {  	vm0 =	vlt.s32 v2, v44  }
0x2a9: {  	v46 =	vld [tilespmem:$0xD60];
	v2 =	vsel vm0, v2, v44  }
0x2aa: {  	vm0 =	vlt.s32 v2, v45  }
0x2ab: {  	v47 =	vld [tilespmem:$0xD70];
	v2 =	vsel vm0, v2, v45  }
0x2ac: {  	vm0 =	vlt.s32 v2, v3  }
0x2ad: {  	v2 =	vsel vm0, v2, v3;
	v3 =	vld [tilespmem:$0xD80]  }
0x2ae: {  	vm0 =	vlt.s32 v2, v46  }
0x2af: {  	v48 =	vld [tilespmem:$0xD90];
	v2 =	vsel vm0, v2, v46  }
0x2b0: {  	vm0 =	vlt.s32 v2, v47  }
0x2b1: {  	v49 =	vld [tilespmem:$0xDA0];
	v2 =	vsel vm0, v2, v47  }
0x2b2: {  	vm0 =	vlt.s32 v2, v3  }
0x2b3: {  	v2 =	vsel vm0, v2, v3;
	v3 =	vld [tilespmem:$0xDB0]  }
0x2b4: {  	vm0 =	vlt.s32 v2, v48  }
0x2b5: {  	v50 =	vld [tilespmem:$0xDC0];
	v2 =	vsel vm0, v2, v48  }
0x2b6: {  	vm0 =	vlt.s32 v2, v49  }
0x2b7: {  	v51 =	vld [tilespmem:$0xDD0];
	v2 =	vsel vm0, v2, v49  }
0x2b8: {  	vm0 =	vlt.s32 v2, v3  }
0x2b9: {  	v2 =	vsel vm0, v2, v3;
	v3 =	vld [tilespmem:$0xDE0]  }
0x2ba: {  	vm0 =	vlt.s32 v2, v50  }
0x2bb: {  	v52 =	vld [tilespmem:$0xDF0];
	v2 =	vsel vm0, v2, v50  }
0x2bc: {  	vm0 =	vlt.s32 v2, v51  }
0x2bd: {  	v53 =	vld [tilespmem:$0xE00];
	v2 =	vsel vm0, v2, v51  }
0x2be: {  	vm0 =	vlt.s32 v2, v3  }
0x2bf: {  	v2 =	vsel vm0, v2, v3;
	v3 =	vld [tilespmem:$0xE10]  }
0x2c0: {  	vm0 =	vlt.s32 v2, v52  }
0x2c1: {  	v54 =	vld [tilespmem:$0xE20];
	v2 =	vsel vm0, v2, v52  }
0x2c2: {  	vm0 =	vlt.s32 v2, v53  }
0x2c3: {  	v55 =	vld [tilespmem:$0xE30];
	v2 =	vsel vm0, v2, v53  }
0x2c4: {  	vm0 =	vlt.s32 v2, v3  }
0x2c5: {  	v2 =	vsel vm0, v2, v3;
	v3 =	vld [tilespmem:$0xE40]  }
0x2c6: {  	vm0 =	vlt.s32 v2, v54  }
0x2c7: {  	v56 =	vld [tilespmem:$0xE50];
	v2 =	vsel vm0, v2, v54  }
0x2c8: {  	vm0 =	vlt.s32 v2, v55  }
0x2c9: {  	v57 =	vld [tilespmem:$0xE60];
	v2 =	vsel vm0, v2, v55  }
0x2ca: {  	vm0 =	vlt.s32 v2, v3  }
0x2cb: {  	v2 =	vsel vm0, v2, v3;
	v3 =	vld [tilespmem:$0xE70]  }
0x2cc: {  	vm0 =	vlt.s32 v2, v56  }
0x2cd: {  	v58 =	vld [tilespmem:$0xE80];
	v2 =	vsel vm0, v2, v56  }
0x2ce: {  	vm0 =	vlt.s32 v2, v57  }
0x2cf: {  	v59 =	vld [tilespmem:$0xE90];
	v2 =	vsel vm0, v2, v57  }
0x2d0: {  	vm0 =	vlt.s32 v2, v3  }
0x2d1: {  	v2 =	vsel vm0, v2, v3;
	v3 =	vld [tilespmem:$0xEA0]  }
0x2d2: {  	vm0 =	vlt.s32 v2, v58  }
0x2d3: {  	v60 =	vld [tilespmem:$0xEB0];
	v2 =	vsel vm0, v2, v58  }
0x2d4: {  	vm0 =	vlt.s32 v2, v59  }
0x2d5: {  	v61 =	vld [tilespmem:$0xEC0];
	v2 =	vsel vm0, v2, v59  }
0x2d6: {  	vm0 =	vlt.s32 v2, v3  }
0x2d7: {  	v2 =	vsel vm0, v2, v3;
	v3 =	vld [tilespmem:$0xED0]  }
0x2d8: {  	vm0 =	vlt.s32 v2, v60  }
0x2d9: {  	v62 =	vld [tilespmem:$0xEE0];
	v2 =	vsel vm0, v2, v60  }
0x2da: {  	vm0 =	vlt.s32 v2, v61  }
0x2db: {  	v63 =	vld [tilespmem:$0xEF0];
	v2 =	vsel vm0, v2, v61  }
0x2dc: {  	vm0 =	vlt.s32 v2, v3  }
0x2dd: {  	v2 =	vsel vm0, v2, v3  }
0x2de: {  	vm0 =	vlt.s32 v2, v62  }
0x2df: {  	v2 =	vsel vm0, v2, v62  }
0x2e0: {  	vm0 =	vlt.s32 v2, v63  }
0x2e1: {  	v2 =	vsel vm0, v2, v63  }
0x2e2: {  	vm0 =	veq.s32 v2, $0x0  }
0x2e3: {  	v2 =	vmpcnt.ones.xlane vm0;
	_ =	sdelay $0x1  }
0x2e4: {  	(v2sf) =	vpush v2, $0x0;
	_ =	sdelay $0xe  }
0x2e5: {  	s6 =	spop (v2sf)  }
0x2e6: {  	p0 =	slt.s32 s6, $0x1  }
.Ltmp7:
0x2e7: {  	_ = 	snop;
	(pc) =	sbr.rel @!p0 .LBB2_32-.Ltmp7, $1  }
0x2e8: {  	_ =	sdelay $0x3  }
.LBB2_37:
0x2e9: {  	s31 =	simm.s32 $0x0  }
0x2ea: {  	[hbm4b:s10+s31] =	stream.linear.scatter [tilespmem:s28], [sflag:$0x3], $0xA000, $0x38;
	[tilespmem:$0x15900] =	vst v63  }
0x2eb: {  	_ =	swait.ge [sflag:s29], $0xA000  }
0x2ec: {  	[sflag:s29] =	ssyncset.done $0x0  }
0x2ed: {  	s5 =	simm.s32 $0x1180;
	[sflag:s29] =	ssyncadd.s32 $0xFFFF6000  }
0x2ee: {  	[tilespmem:s28], [sflag:$0x2] =	stream.indirect.gather [hbm4b:s3+s17], $0x40, s5, s17, $0xb8;
	[tilespmem:$0x15900] =	vst v63  }
0x2ef: {  	s6 =	simm.s32 $0x1200  }
0x2f0: {  	[tilespmem:s30], [sflag:$0x2] =	stream.indirect.gather [hbm4b:s3+s17], $0x40, s6, s17, $0xb8;
	[tilespmem:$0x15900] =	vst v63  }
0x2f1: {  	s6 =	simm.s32 $0x1280  }
0x2f2: {  	[tilespmem:s1], [sflag:$0x2] =	stream.indirect.gather [hbm4b:s3+s17], $0x40, s6, s17, $0xb8;
	[tilespmem:$0x15900] =	vst v63  }
0x2f3: {  	s6 =	simm.s32 $0x1300  }
0x2f4: {  	[tilespmem:s20], [sflag:$0x2] =	stream.indirect.gather [hbm4b:s3+s17], $0x40, s6, s17, $0xb8;
	[tilespmem:$0x15900] =	vst v63  }
0x2f5: {  	s6 =	simm.s32 $0x1380  }
0x2f6: {  	[tilespmem:s24], [sflag:$0x2] =	stream.indirect.gather [hbm4b:s3+s17], $0x40, s6, s17, $0xb8;
	[tilespmem:$0x15900] =	vst v63  }
0x2f7: {  	_ =	swait.ge [sflag:s26], $0x2000  }
0x2f8: {  	[sflag:s26] =	ssyncset.done $0x0  }
0x2f9: {  	[sflag:s26] =	ssyncadd.s32 $0xFFFFE000  }
0x2fa: {  	_ =	swait.ge [sflag:s26], $0x2000  }
0x2fb: {  	[sflag:s26] =	ssyncset.done $0x0  }
0x2fc: {  	[sflag:s26] =	ssyncadd.s32 $0xFFFFE000  }
0x2fd: {  	_ =	swait.ge [sflag:s26], $0x2000  }
0x2fe: {  	[sflag:s26] =	ssyncset.done $0x0  }
0x2ff: {  	[sflag:s26] =	ssyncadd.s32 $0xFFFFE000  }
0x300: {  	_ =	swait.ge [sflag:s26], $0x2000  }
0x301: {  	[sflag:s26] =	ssyncset.done $0x0  }
0x302: {  	[sflag:s26] =	ssyncadd.s32 $0xFFFFE000  }
0x303: {  	_ =	swait.ge [sflag:s26], $0x2000  }
0x304: {  	[sflag:s26] =	ssyncset.done $0x0  }
0x305: {  	[sflag:s26] =	ssyncadd.s32 $0xFFFFE000  }
0x306: {  	v2 =	vld [tilespmem:$0xF00]  }
0x307: {  	v3 =	vld [tilespmem:$0xF10];
	_ =	sdelay $0x1  }
0x308: {  	v4 =	vld [tilespmem:$0xF20];
	_ =	sdelay $0x1  }
0x309: {  	v5 =	vld [tilespmem:$0xF30]  }
0x30a: {  	vm0 =	vlt.s32 v2, v3  }
0x30b: {  	v2 =	vsel vm0, v2, v3;
	v3 =	vld [tilespmem:$0xF40]  }
0x30c: {  	vm0 =	vlt.s32 v2, v4  }
0x30d: {  	v40 =	vld [tilespmem:$0xF50];
	v2 =	vsel vm0, v2, v4  }
0x30e: {  	vm0 =	vlt.s32 v2, v5  }
0x30f: {  	v41 =	vld [tilespmem:$0xF60];
	v2 =	vsel vm0, v2, v5  }
0x310: {  	vm0 =	vlt.s32 v2, v3  }
0x311: {  	v2 =	vsel vm0, v2, v3;
	v3 =	vld [tilespmem:$0xF70]  }
0x312: {  	vm0 =	vlt.s32 v2, v40  }
0x313: {  	v42 =	vld [tilespmem:$0xF80];
	v2 =	vsel vm0, v2, v40  }
0x314: {  	vm0 =	vlt.s32 v2, v41  }
0x315: {  	v43 =	vld [tilespmem:$0xF90];
	v2 =	vsel vm0, v2, v41  }
0x316: {  	vm0 =	vlt.s32 v2, v3  }
0x317: {  	v2 =	vsel vm0, v2, v3;
	v3 =	vld [tilespmem:$0xFA0]  }
0x318: {  	vm0 =	vlt.s32 v2, v42  }
0x319: {  	v44 =	vld [tilespmem:$0xFB0];
	v2 =	vsel vm0, v2, v42  }
0x31a: {  	vm0 =	vlt.s32 v2, v43  }
0x31b: {  	v45 =	vld [tilespmem:$0xFC0];
	v2 =	vsel vm0, v2, v43  }
0x31c: {  	vm0 =	vlt.s32 v2, v3  }
0x31d: {  	v2 =	vsel vm0, v2, v3;
	v3 =	vld [tilespmem:$0xFD0]  }
0x31e: {  	vm0 =	vlt.s32 v2, v44  }
0x31f: {  	v46 =	vld [tilespmem:$0xFE0];
	v2 =	vsel vm0, v2, v44  }
0x320: {  	vm0 =	vlt.s32 v2, v45  }
0x321: {  	v47 =	vld [tilespmem:$0xFF0];
	v2 =	vsel vm0, v2, v45  }
0x322: {  	vm0 =	vlt.s32 v2, v3  }
0x323: {  	v2 =	vsel vm0, v2, v3;
	v3 =	vld [tilespmem:$0x1000]  }
0x324: {  	vm0 =	vlt.s32 v2, v46  }
0x325: {  	v48 =	vld [tilespmem:$0x1010];
	v2 =	vsel vm0, v2, v46  }
0x326: {  	vm0 =	vlt.s32 v2, v47  }
0x327: {  	v49 =	vld [tilespmem:$0x1020];
	v2 =	vsel vm0, v2, v47  }
0x328: {  	vm0 =	vlt.s32 v2, v3  }
0x329: {  	v2 =	vsel vm0, v2, v3;
	v3 =	vld [tilespmem:$0x1030]  }
0x32a: {  	vm0 =	vlt.s32 v2, v48  }
0x32b: {  	v50 =	vld [tilespmem:$0x1040];
	v2 =	vsel vm0, v2, v48  }
0x32c: {  	vm0 =	vlt.s32 v2, v49  }
0x32d: {  	v51 =	vld [tilespmem:$0x1050];
	v2 =	vsel vm0, v2, v49  }
0x32e: {  	vm0 =	vlt.s32 v2, v3  }
0x32f: {  	v2 =	vsel vm0, v2, v3;
	v3 =	vld [tilespmem:$0x1060]  }
0x330: {  	vm0 =	vlt.s32 v2, v50  }
0x331: {  	v52 =	vld [tilespmem:$0x1070];
	v2 =	vsel vm0, v2, v50  }
0x332: {  	vm0 =	vlt.s32 v2, v51  }
0x333: {  	v53 =	vld [tilespmem:$0x1080];
	v2 =	vsel vm0, v2, v51  }
0x334: {  	vm0 =	vlt.s32 v2, v3  }
0x335: {  	v2 =	vsel vm0, v2, v3;
	v3 =	vld [tilespmem:$0x1090]  }
0x336: {  	vm0 =	vlt.s32 v2, v52  }
0x337: {  	v54 =	vld [tilespmem:$0x10A0];
	v2 =	vsel vm0, v2, v52  }
0x338: {  	vm0 =	vlt.s32 v2, v53  }
0x339: {  	v55 =	vld [tilespmem:$0x10B0];
	v2 =	vsel vm0, v2, v53  }
0x33a: {  	vm0 =	vlt.s32 v2, v3  }
0x33b: {  	v2 =	vsel vm0, v2, v3;
	v3 =	vld [tilespmem:$0x10C0]  }
0x33c: {  	vm0 =	vlt.s32 v2, v54  }
0x33d: {  	v56 =	vld [tilespmem:$0x10D0];
	v2 =	vsel vm0, v2, v54  }
0x33e: {  	vm0 =	vlt.s32 v2, v55  }
0x33f: {  	v57 =	vld [tilespmem:$0x10E0];
	v2 =	vsel vm0, v2, v55  }
0x340: {  	vm0 =	vlt.s32 v2, v3  }
0x341: {  	v2 =	vsel vm0, v2, v3;
	v3 =	vld [tilespmem:$0x10F0]  }
0x342: {  	vm0 =	vlt.s32 v2, v56  }
0x343: {  	v58 =	vld [tilespmem:$0x1100];
	v2 =	vsel vm0, v2, v56  }
0x344: {  	vm0 =	vlt.s32 v2, v57  }
0x345: {  	v59 =	vld [tilespmem:$0x1110];
	v2 =	vsel vm0, v2, v57  }
0x346: {  	vm0 =	vlt.s32 v2, v3  }
0x347: {  	v2 =	vsel vm0, v2, v3;
	v3 =	vld [tilespmem:$0x1120]  }
0x348: {  	vm0 =	vlt.s32 v2, v58  }
0x349: {  	v60 =	vld [tilespmem:$0x1130];
	v2 =	vsel vm0, v2, v58  }
0x34a: {  	vm0 =	vlt.s32 v2, v59  }
0x34b: {  	v61 =	vld [tilespmem:$0x1140];
	v2 =	vsel vm0, v2, v59  }
0x34c: {  	vm0 =	vlt.s32 v2, v3  }
0x34d: {  	v2 =	vsel vm0, v2, v3;
	v3 =	vld [tilespmem:$0x1150]  }
0x34e: {  	vm0 =	vlt.s32 v2, v60  }
0x34f: {  	v62 =	vld [tilespmem:$0x1160];
	v2 =	vsel vm0, v2, v60  }
0x350: {  	vm0 =	vlt.s32 v2, v61  }
0x351: {  	v63 =	vld [tilespmem:$0x1170];
	v2 =	vsel vm0, v2, v61  }
0x352: {  	vm0 =	vlt.s32 v2, v3  }
0x353: {  	v2 =	vsel vm0, v2, v3  }
0x354: {  	vm0 =	vlt.s32 v2, v62  }
0x355: {  	v2 =	vsel vm0, v2, v62  }
0x356: {  	vm0 =	vlt.s32 v2, v63  }
0x357: {  	v2 =	vsel vm0, v2, v63  }
0x358: {  	vm0 =	veq.s32 v2, $0x0  }
0x359: {  	v2 =	vmpcnt.ones.xlane vm0;
	_ =	sdelay $0x1  }
0x35a: {  	(v2sf) =	vpush v2, $0x0;
	_ =	sdelay $0xe  }
0x35b: {  	s6 =	spop (v2sf)  }
0x35c: {  	p0 =	slt.s32 s6, $0x1  }
.Ltmp8:
0x35d: {  	_ = 	snop;
	(pc) =	sbr.rel @!p0 .LBB2_38-.Ltmp8, $1  }
0x35e: {  	_ =	sdelay $0x3  }
.LBB2_43:
0x35f: {  	s31 =	simm.s32 $0x0  }
0x360: {  	[hbm4b:s11+s31] =	stream.linear.scatter [tilespmem:s18], [sflag:$0x3], $0xA000, $0x38;
	[tilespmem:$0x15900] =	vst v63  }
0x361: {  	_ =	swait.ge [sflag:s29], $0xA000  }
0x362: {  	[sflag:s29] =	ssyncset.done $0x0  }
0x363: {  	s5 =	simm.s32 $0x1400;
	[sflag:s29] =	ssyncadd.s32 $0xFFFF6000  }
0x364: {  	[tilespmem:s18], [sflag:$0x1] =	stream.indirect.gather [hbm4b:s3+s17], $0x40, s5, s17, $0xb8;
	[tilespmem:$0x15900] =	vst v63  }
0x365: {  	s6 =	simm.s32 $0x1480  }
0x366: {  	[tilespmem:s19], [sflag:$0x1] =	stream.indirect.gather [hbm4b:s3+s17], $0x40, s6, s17, $0xb8;
	[tilespmem:$0x15900] =	vst v63  }
0x367: {  	s6 =	simm.s32 $0x1500  }
0x368: {  	[tilespmem:s21], [sflag:$0x1] =	stream.indirect.gather [hbm4b:s3+s17], $0x40, s6, s17, $0xb8;
	[tilespmem:$0x15900] =	vst v63  }
0x369: {  	s6 =	simm.s32 $0x1580  }
0x36a: {  	[tilespmem:s23], [sflag:$0x1] =	stream.indirect.gather [hbm4b:s3+s17], $0x40, s6, s17, $0xb8;
	[tilespmem:$0x15900] =	vst v63  }
0x36b: {  	s6 =	simm.s32 $0x1600  }
0x36c: {  	[tilespmem:s25], [sflag:$0x1] =	stream.indirect.gather [hbm4b:s3+s17], $0x40, s6, s17, $0xb8;
	[tilespmem:$0x15900] =	vst v63  }
0x36d: {  	_ =	swait.ge [sflag:s22], $0x2000  }
0x36e: {  	[sflag:s22] =	ssyncset.done $0x0  }
0x36f: {  	[sflag:s22] =	ssyncadd.s32 $0xFFFFE000  }
0x370: {  	_ =	swait.ge [sflag:s22], $0x2000  }
0x371: {  	[sflag:s22] =	ssyncset.done $0x0  }
0x372: {  	[sflag:s22] =	ssyncadd.s32 $0xFFFFE000  }
0x373: {  	_ =	swait.ge [sflag:s22], $0x2000  }
0x374: {  	[sflag:s22] =	ssyncset.done $0x0  }
0x375: {  	[sflag:s22] =	ssyncadd.s32 $0xFFFFE000  }
0x376: {  	_ =	swait.ge [sflag:s22], $0x2000  }
0x377: {  	[sflag:s22] =	ssyncset.done $0x0  }
0x378: {  	[sflag:s22] =	ssyncadd.s32 $0xFFFFE000  }
0x379: {  	_ =	swait.ge [sflag:s22], $0x2000  }
0x37a: {  	[sflag:s22] =	ssyncset.done $0x0  }
0x37b: {  	[sflag:s22] =	ssyncadd.s32 $0xFFFFE000  }
0x37c: {  	v2 =	vld [tilespmem:$0x1180]  }
0x37d: {  	v3 =	vld [tilespmem:$0x1190];
	_ =	sdelay $0x1  }
0x37e: {  	v4 =	vld [tilespmem:$0x11A0];
	_ =	sdelay $0x1  }
0x37f: {  	v5 =	vld [tilespmem:$0x11B0]  }
0x380: {  	vm0 =	vlt.s32 v2, v3  }
0x381: {  	v2 =	vsel vm0, v2, v3;
	v3 =	vld [tilespmem:$0x11C0]  }
0x382: {  	vm0 =	vlt.s32 v2, v4  }
0x383: {  	v40 =	vld [tilespmem:$0x11D0];
	v2 =	vsel vm0, v2, v4  }
0x384: {  	vm0 =	vlt.s32 v2, v5  }
0x385: {  	v41 =	vld [tilespmem:$0x11E0];
	v2 =	vsel vm0, v2, v5  }
0x386: {  	vm0 =	vlt.s32 v2, v3  }
0x387: {  	v2 =	vsel vm0, v2, v3;
	v3 =	vld [tilespmem:$0x11F0]  }
0x388: {  	vm0 =	vlt.s32 v2, v40  }
0x389: {  	v42 =	vld [tilespmem:$0x1200];
	v2 =	vsel vm0, v2, v40  }
0x38a: {  	vm0 =	vlt.s32 v2, v41  }
0x38b: {  	v43 =	vld [tilespmem:$0x1210];
	v2 =	vsel vm0, v2, v41  }
0x38c: {  	vm0 =	vlt.s32 v2, v3  }
0x38d: {  	v2 =	vsel vm0, v2, v3;
	v3 =	vld [tilespmem:$0x1220]  }
0x38e: {  	vm0 =	vlt.s32 v2, v42  }
0x38f: {  	v44 =	vld [tilespmem:$0x1230];
	v2 =	vsel vm0, v2, v42  }
0x390: {  	vm0 =	vlt.s32 v2, v43  }
0x391: {  	v45 =	vld [tilespmem:$0x1240];
	v2 =	vsel vm0, v2, v43  }
0x392: {  	vm0 =	vlt.s32 v2, v3  }
0x393: {  	v2 =	vsel vm0, v2, v3;
	v3 =	vld [tilespmem:$0x1250]  }
0x394: {  	vm0 =	vlt.s32 v2, v44  }
0x395: {  	v46 =	vld [tilespmem:$0x1260];
	v2 =	vsel vm0, v2, v44  }
0x396: {  	vm0 =	vlt.s32 v2, v45  }
0x397: {  	v47 =	vld [tilespmem:$0x1270];
	v2 =	vsel vm0, v2, v45  }
0x398: {  	vm0 =	vlt.s32 v2, v3  }
0x399: {  	v2 =	vsel vm0, v2, v3;
	v3 =	vld [tilespmem:$0x1280]  }
0x39a: {  	vm0 =	vlt.s32 v2, v46  }
0x39b: {  	v48 =	vld [tilespmem:$0x1290];
	v2 =	vsel vm0, v2, v46  }
0x39c: {  	vm0 =	vlt.s32 v2, v47  }
0x39d: {  	v49 =	vld [tilespmem:$0x12A0];
	v2 =	vsel vm0, v2, v47  }
0x39e: {  	vm0 =	vlt.s32 v2, v3  }
0x39f: {  	v2 =	vsel vm0, v2, v3;
	v3 =	vld [tilespmem:$0x12B0]  }
0x3a0: {  	vm0 =	vlt.s32 v2, v48  }
0x3a1: {  	v50 =	vld [tilespmem:$0x12C0];
	v2 =	vsel vm0, v2, v48  }
0x3a2: {  	vm0 =	vlt.s32 v2, v49  }
0x3a3: {  	v51 =	vld [tilespmem:$0x12D0];
	v2 =	vsel vm0, v2, v49  }
0x3a4: {  	vm0 =	vlt.s32 v2, v3  }
0x3a5: {  	v2 =	vsel vm0, v2, v3;
	v3 =	vld [tilespmem:$0x12E0]  }
0x3a6: {  	vm0 =	vlt.s32 v2, v50  }
0x3a7: {  	v52 =	vld [tilespmem:$0x12F0];
	v2 =	vsel vm0, v2, v50  }
0x3a8: {  	vm0 =	vlt.s32 v2, v51  }
0x3a9: {  	v53 =	vld [tilespmem:$0x1300];
	v2 =	vsel vm0, v2, v51  }
0x3aa: {  	vm0 =	vlt.s32 v2, v3  }
0x3ab: {  	v2 =	vsel vm0, v2, v3;
	v3 =	vld [tilespmem:$0x1310]  }
0x3ac: {  	vm0 =	vlt.s32 v2, v52  }
0x3ad: {  	v54 =	vld [tilespmem:$0x1320];
	v2 =	vsel vm0, v2, v52  }
0x3ae: {  	vm0 =	vlt.s32 v2, v53  }
0x3af: {  	v55 =	vld [tilespmem:$0x1330];
	v2 =	vsel vm0, v2, v53  }
0x3b0: {  	vm0 =	vlt.s32 v2, v3  }
0x3b1: {  	v2 =	vsel vm0, v2, v3;
	v3 =	vld [tilespmem:$0x1340]  }
0x3b2: {  	vm0 =	vlt.s32 v2, v54  }
0x3b3: {  	v56 =	vld [tilespmem:$0x1350];
	v2 =	vsel vm0, v2, v54  }
0x3b4: {  	vm0 =	vlt.s32 v2, v55  }
0x3b5: {  	v57 =	vld [tilespmem:$0x1360];
	v2 =	vsel vm0, v2, v55  }
0x3b6: {  	vm0 =	vlt.s32 v2, v3  }
0x3b7: {  	v2 =	vsel vm0, v2, v3;
	v3 =	vld [tilespmem:$0x1370]  }
0x3b8: {  	vm0 =	vlt.s32 v2, v56  }
0x3b9: {  	v58 =	vld [tilespmem:$0x1380];
	v2 =	vsel vm0, v2, v56  }
0x3ba: {  	vm0 =	vlt.s32 v2, v57  }
0x3bb: {  	v59 =	vld [tilespmem:$0x1390];
	v2 =	vsel vm0, v2, v57  }
0x3bc: {  	vm0 =	vlt.s32 v2, v3  }
0x3bd: {  	v2 =	vsel vm0, v2, v3;
	v3 =	vld [tilespmem:$0x13A0]  }
0x3be: {  	vm0 =	vlt.s32 v2, v58  }
0x3bf: {  	v60 =	vld [tilespmem:$0x13B0];
	v2 =	vsel vm0, v2, v58  }
0x3c0: {  	vm0 =	vlt.s32 v2, v59  }
0x3c1: {  	v61 =	vld [tilespmem:$0x13C0];
	v2 =	vsel vm0, v2, v59  }
0x3c2: {  	vm0 =	vlt.s32 v2, v3  }
0x3c3: {  	v2 =	vsel vm0, v2, v3;
	v3 =	vld [tilespmem:$0x13D0]  }
0x3c4: {  	vm0 =	vlt.s32 v2, v60  }
0x3c5: {  	v62 =	vld [tilespmem:$0x13E0];
	v2 =	vsel vm0, v2, v60  }
0x3c6: {  	vm0 =	vlt.s32 v2, v61  }
0x3c7: {  	v63 =	vld [tilespmem:$0x13F0];
	v2 =	vsel vm0, v2, v61  }
0x3c8: {  	vm0 =	vlt.s32 v2, v3  }
0x3c9: {  	v2 =	vsel vm0, v2, v3  }
0x3ca: {  	vm0 =	vlt.s32 v2, v62  }
0x3cb: {  	v2 =	vsel vm0, v2, v62  }
0x3cc: {  	vm0 =	vlt.s32 v2, v63  }
0x3cd: {  	v2 =	vsel vm0, v2, v63  }
0x3ce: {  	vm0 =	veq.s32 v2, $0x0  }
0x3cf: {  	v2 =	vmpcnt.ones.xlane vm0;
	_ =	sdelay $0x1  }
0x3d0: {  	(v2sf) =	vpush v2, $0x0;
	_ =	sdelay $0xe  }
0x3d1: {  	s6 =	spop (v2sf)  }
0x3d2: {  	p0 =	slt.s32 s6, $0x1  }
.Ltmp9:
0x3d3: {  	_ = 	snop;
	(pc) =	sbr.rel @!p0 .LBB2_44-.Ltmp9, $1  }
0x3d4: {  	_ =	sdelay $0x3  }
.LBB2_49:
0x3d5: {  	s31 =	simm.s32 $0x0  }
0x3d6: {  	[hbm4b:s12+s31] =	stream.linear.scatter [tilespmem:s28], [sflag:$0x3], $0xA000, $0x38;
	[tilespmem:$0x15900] =	vst v63  }
0x3d7: {  	_ =	swait.ge [sflag:s29], $0xA000  }
0x3d8: {  	[sflag:s29] =	ssyncset.done $0x0  }
0x3d9: {  	s5 =	simm.s32 $0x1680;
	[sflag:s29] =	ssyncadd.s32 $0xFFFF6000  }
0x3da: {  	[tilespmem:s28], [sflag:$0x2] =	stream.indirect.gather [hbm4b:s3+s17], $0x40, s5, s17, $0xb8;
	[tilespmem:$0x15900] =	vst v63  }
0x3db: {  	s6 =	simm.s32 $0x1700  }
0x3dc: {  	[tilespmem:s30], [sflag:$0x2] =	stream.indirect.gather [hbm4b:s3+s17], $0x40, s6, s17, $0xb8;
	[tilespmem:$0x15900] =	vst v63  }
0x3dd: {  	s6 =	simm.s32 $0x1780  }
0x3de: {  	[tilespmem:s1], [sflag:$0x2] =	stream.indirect.gather [hbm4b:s3+s17], $0x40, s6, s17, $0xb8;
	[tilespmem:$0x15900] =	vst v63  }
0x3df: {  	s6 =	simm.s32 $0x1800  }
0x3e0: {  	[tilespmem:s20], [sflag:$0x2] =	stream.indirect.gather [hbm4b:s3+s17], $0x40, s6, s17, $0xb8;
	[tilespmem:$0x15900] =	vst v63  }
0x3e1: {  	s6 =	simm.s32 $0x1880  }
0x3e2: {  	[tilespmem:s24], [sflag:$0x2] =	stream.indirect.gather [hbm4b:s3+s17], $0x40, s6, s17, $0xb8;
	[tilespmem:$0x15900] =	vst v63  }
0x3e3: {  	_ =	swait.ge [sflag:s26], $0x2000  }
0x3e4: {  	[sflag:s26] =	ssyncset.done $0x0  }
0x3e5: {  	[sflag:s26] =	ssyncadd.s32 $0xFFFFE000  }
0x3e6: {  	_ =	swait.ge [sflag:s26], $0x2000  }
0x3e7: {  	[sflag:s26] =	ssyncset.done $0x0  }
0x3e8: {  	[sflag:s26] =	ssyncadd.s32 $0xFFFFE000  }
0x3e9: {  	_ =	swait.ge [sflag:s26], $0x2000  }
0x3ea: {  	[sflag:s26] =	ssyncset.done $0x0  }
0x3eb: {  	[sflag:s26] =	ssyncadd.s32 $0xFFFFE000  }
0x3ec: {  	_ =	swait.ge [sflag:s26], $0x2000  }
0x3ed: {  	[sflag:s26] =	ssyncset.done $0x0  }
0x3ee: {  	[sflag:s26] =	ssyncadd.s32 $0xFFFFE000  }
0x3ef: {  	_ =	swait.ge [sflag:s26], $0x2000  }
0x3f0: {  	[sflag:s26] =	ssyncset.done $0x0  }
0x3f1: {  	[sflag:s26] =	ssyncadd.s32 $0xFFFFE000  }
0x3f2: {  	v2 =	vld [tilespmem:$0x1400]  }
0x3f3: {  	v3 =	vld [tilespmem:$0x1410];
	_ =	sdelay $0x1  }
0x3f4: {  	v4 =	vld [tilespmem:$0x1420];
	_ =	sdelay $0x1  }
0x3f5: {  	v5 =	vld [tilespmem:$0x1430]  }
0x3f6: {  	vm0 =	vlt.s32 v2, v3  }
0x3f7: {  	v2 =	vsel vm0, v2, v3;
	v3 =	vld [tilespmem:$0x1440]  }
0x3f8: {  	vm0 =	vlt.s32 v2, v4  }
0x3f9: {  	v40 =	vld [tilespmem:$0x1450];
	v2 =	vsel vm0, v2, v4  }
0x3fa: {  	vm0 =	vlt.s32 v2, v5  }
0x3fb: {  	v41 =	vld [tilespmem:$0x1460];
	v2 =	vsel vm0, v2, v5  }
0x3fc: {  	vm0 =	vlt.s32 v2, v3  }
0x3fd: {  	v2 =	vsel vm0, v2, v3;
	v3 =	vld [tilespmem:$0x1470]  }
0x3fe: {  	vm0 =	vlt.s32 v2, v40  }
0x3ff: {  	v42 =	vld [tilespmem:$0x1480];
	v2 =	vsel vm0, v2, v40  }
0x400: {  	vm0 =	vlt.s32 v2, v41  }
0x401: {  	v43 =	vld [tilespmem:$0x1490];
	v2 =	vsel vm0, v2, v41  }
0x402: {  	vm0 =	vlt.s32 v2, v3  }
0x403: {  	v2 =	vsel vm0, v2, v3;
	v3 =	vld [tilespmem:$0x14A0]  }
0x404: {  	vm0 =	vlt.s32 v2, v42  }
0x405: {  	v44 =	vld [tilespmem:$0x14B0];
	v2 =	vsel vm0, v2, v42  }
0x406: {  	vm0 =	vlt.s32 v2, v43  }
0x407: {  	v45 =	vld [tilespmem:$0x14C0];
	v2 =	vsel vm0, v2, v43  }
0x408: {  	vm0 =	vlt.s32 v2, v3  }
0x409: {  	v2 =	vsel vm0, v2, v3;
	v3 =	vld [tilespmem:$0x14D0]  }
0x40a: {  	vm0 =	vlt.s32 v2, v44  }
0x40b: {  	v46 =	vld [tilespmem:$0x14E0];
	v2 =	vsel vm0, v2, v44  }
0x40c: {  	vm0 =	vlt.s32 v2, v45  }
0x40d: {  	v47 =	vld [tilespmem:$0x14F0];
	v2 =	vsel vm0, v2, v45  }
0x40e: {  	vm0 =	vlt.s32 v2, v3  }
0x40f: {  	v2 =	vsel vm0, v2, v3;
	v3 =	vld [tilespmem:$0x1500]  }
0x410: {  	vm0 =	vlt.s32 v2, v46  }
0x411: {  	v48 =	vld [tilespmem:$0x1510];
	v2 =	vsel vm0, v2, v46  }
0x412: {  	vm0 =	vlt.s32 v2, v47  }
0x413: {  	v49 =	vld [tilespmem:$0x1520];
	v2 =	vsel vm0, v2, v47  }
0x414: {  	vm0 =	vlt.s32 v2, v3  }
0x415: {  	v2 =	vsel vm0, v2, v3;
	v3 =	vld [tilespmem:$0x1530]  }
0x416: {  	vm0 =	vlt.s32 v2, v48  }
0x417: {  	v50 =	vld [tilespmem:$0x1540];
	v2 =	vsel vm0, v2, v48  }
0x418: {  	vm0 =	vlt.s32 v2, v49  }
0x419: {  	v51 =	vld [tilespmem:$0x1550];
	v2 =	vsel vm0, v2, v49  }
0x41a: {  	vm0 =	vlt.s32 v2, v3  }
0x41b: {  	v2 =	vsel vm0, v2, v3;
	v3 =	vld [tilespmem:$0x1560]  }
0x41c: {  	vm0 =	vlt.s32 v2, v50  }
0x41d: {  	v52 =	vld [tilespmem:$0x1570];
	v2 =	vsel vm0, v2, v50  }
0x41e: {  	vm0 =	vlt.s32 v2, v51  }
0x41f: {  	v53 =	vld [tilespmem:$0x1580];
	v2 =	vsel vm0, v2, v51  }
0x420: {  	vm0 =	vlt.s32 v2, v3  }
0x421: {  	v2 =	vsel vm0, v2, v3;
	v3 =	vld [tilespmem:$0x1590]  }
0x422: {  	vm0 =	vlt.s32 v2, v52  }
0x423: {  	v54 =	vld [tilespmem:$0x15A0];
	v2 =	vsel vm0, v2, v52  }
0x424: {  	vm0 =	vlt.s32 v2, v53  }
0x425: {  	v55 =	vld [tilespmem:$0x15B0];
	v2 =	vsel vm0, v2, v53  }
0x426: {  	vm0 =	vlt.s32 v2, v3  }
0x427: {  	v2 =	vsel vm0, v2, v3;
	v3 =	vld [tilespmem:$0x15C0]  }
0x428: {  	vm0 =	vlt.s32 v2, v54  }
0x429: {  	v56 =	vld [tilespmem:$0x15D0];
	v2 =	vsel vm0, v2, v54  }
0x42a: {  	vm0 =	vlt.s32 v2, v55  }
0x42b: {  	v57 =	vld [tilespmem:$0x15E0];
	v2 =	vsel vm0, v2, v55  }
0x42c: {  	vm0 =	vlt.s32 v2, v3  }
0x42d: {  	v2 =	vsel vm0, v2, v3;
	v3 =	vld [tilespmem:$0x15F0]  }
0x42e: {  	vm0 =	vlt.s32 v2, v56  }
0x42f: {  	v58 =	vld [tilespmem:$0x1600];
	v2 =	vsel vm0, v2, v56  }
0x430: {  	vm0 =	vlt.s32 v2, v57  }
0x431: {  	v59 =	vld [tilespmem:$0x1610];
	v2 =	vsel vm0, v2, v57  }
0x432: {  	vm0 =	vlt.s32 v2, v3  }
0x433: {  	v2 =	vsel vm0, v2, v3;
	v3 =	vld [tilespmem:$0x1620]  }
0x434: {  	vm0 =	vlt.s32 v2, v58  }
0x435: {  	v60 =	vld [tilespmem:$0x1630];
	v2 =	vsel vm0, v2, v58  }
0x436: {  	vm0 =	vlt.s32 v2, v59  }
0x437: {  	v61 =	vld [tilespmem:$0x1640];
	v2 =	vsel vm0, v2, v59  }
0x438: {  	vm0 =	vlt.s32 v2, v3  }
0x439: {  	v2 =	vsel vm0, v2, v3;
	v3 =	vld [tilespmem:$0x1650]  }
0x43a: {  	vm0 =	vlt.s32 v2, v60  }
0x43b: {  	v62 =	vld [tilespmem:$0x1660];
	v2 =	vsel vm0, v2, v60  }
0x43c: {  	vm0 =	vlt.s32 v2, v61  }
0x43d: {  	v63 =	vld [tilespmem:$0x1670];
	v2 =	vsel vm0, v2, v61  }
0x43e: {  	vm0 =	vlt.s32 v2, v3  }
0x43f: {  	v2 =	vsel vm0, v2, v3  }
0x440: {  	vm0 =	vlt.s32 v2, v62  }
0x441: {  	v2 =	vsel vm0, v2, v62  }
0x442: {  	vm0 =	vlt.s32 v2, v63  }
0x443: {  	v2 =	vsel vm0, v2, v63  }
0x444: {  	vm0 =	veq.s32 v2, $0x0  }
0x445: {  	v2 =	vmpcnt.ones.xlane vm0;
	_ =	sdelay $0x1  }
0x446: {  	(v2sf) =	vpush v2, $0x0;
	_ =	sdelay $0xe  }
0x447: {  	s6 =	spop (v2sf)  }
0x448: {  	p0 =	slt.s32 s6, $0x1  }
.Ltmp10:
0x449: {  	_ = 	snop;
	(pc) =	sbr.rel @!p0 .LBB2_50-.Ltmp10, $1  }
0x44a: {  	_ =	sdelay $0x3  }
.LBB2_55:
0x44b: {  	s31 =	simm.s32 $0x0  }
0x44c: {  	[hbm4b:s13+s31] =	stream.linear.scatter [tilespmem:s18], [sflag:$0x3], $0xA000, $0x38;
	[tilespmem:$0x15900] =	vst v63  }
0x44d: {  	_ =	swait.ge [sflag:s22], $0x2000  }
0x44e: {  	[sflag:s22] =	ssyncset.done $0x0  }
0x44f: {  	[sflag:s22] =	ssyncadd.s32 $0xFFFFE000  }
0x450: {  	_ =	swait.ge [sflag:s22], $0x2000  }
0x451: {  	[sflag:s22] =	ssyncset.done $0x0  }
0x452: {  	[sflag:s22] =	ssyncadd.s32 $0xFFFFE000  }
0x453: {  	_ =	swait.ge [sflag:s22], $0x2000  }
0x454: {  	[sflag:s22] =	ssyncset.done $0x0  }
0x455: {  	[sflag:s22] =	ssyncadd.s32 $0xFFFFE000  }
0x456: {  	_ =	swait.ge [sflag:s22], $0x2000  }
0x457: {  	[sflag:s22] =	ssyncset.done $0x0  }
0x458: {  	[sflag:s22] =	ssyncadd.s32 $0xFFFFE000  }
0x459: {  	_ =	swait.ge [sflag:s22], $0x2000  }
0x45a: {  	[sflag:s22] =	ssyncset.done $0x0  }
0x45b: {  	[sflag:s22] =	ssyncadd.s32 $0xFFFFE000  }
0x45c: {  	v2 =	vld [tilespmem:$0x1680]  }
0x45d: {  	v3 =	vld [tilespmem:$0x1690];
	_ =	sdelay $0x1  }
0x45e: {  	v4 =	vld [tilespmem:$0x16A0];
	_ =	sdelay $0x1  }
0x45f: {  	v5 =	vld [tilespmem:$0x16B0]  }
0x460: {  	vm0 =	vlt.s32 v2, v3  }
0x461: {  	v2 =	vsel vm0, v2, v3;
	v3 =	vld [tilespmem:$0x16C0]  }
0x462: {  	vm0 =	vlt.s32 v2, v4  }
0x463: {  	v40 =	vld [tilespmem:$0x16D0];
	v2 =	vsel vm0, v2, v4  }
0x464: {  	vm0 =	vlt.s32 v2, v5  }
0x465: {  	v41 =	vld [tilespmem:$0x16E0];
	v2 =	vsel vm0, v2, v5  }
0x466: {  	vm0 =	vlt.s32 v2, v3  }
0x467: {  	v2 =	vsel vm0, v2, v3;
	v3 =	vld [tilespmem:$0x16F0]  }
0x468: {  	vm0 =	vlt.s32 v2, v40  }
0x469: {  	v42 =	vld [tilespmem:$0x1700];
	v2 =	vsel vm0, v2, v40  }
0x46a: {  	vm0 =	vlt.s32 v2, v41  }
0x46b: {  	v43 =	vld [tilespmem:$0x1710];
	v2 =	vsel vm0, v2, v41  }
0x46c: {  	vm0 =	vlt.s32 v2, v3  }
0x46d: {  	v2 =	vsel vm0, v2, v3;
	v3 =	vld [tilespmem:$0x1720]  }
0x46e: {  	vm0 =	vlt.s32 v2, v42  }
0x46f: {  	v44 =	vld [tilespmem:$0x1730];
	v2 =	vsel vm0, v2, v42  }
0x470: {  	vm0 =	vlt.s32 v2, v43  }
0x471: {  	v45 =	vld [tilespmem:$0x1740];
	v2 =	vsel vm0, v2, v43  }
0x472: {  	vm0 =	vlt.s32 v2, v3  }
0x473: {  	v2 =	vsel vm0, v2, v3;
	v3 =	vld [tilespmem:$0x1750]  }
0x474: {  	vm0 =	vlt.s32 v2, v44  }
0x475: {  	v46 =	vld [tilespmem:$0x1760];
	v2 =	vsel vm0, v2, v44  }
0x476: {  	vm0 =	vlt.s32 v2, v45  }
0x477: {  	v47 =	vld [tilespmem:$0x1770];
	v2 =	vsel vm0, v2, v45  }
0x478: {  	vm0 =	vlt.s32 v2, v3  }
0x479: {  	v2 =	vsel vm0, v2, v3;
	v3 =	vld [tilespmem:$0x1780]  }
0x47a: {  	vm0 =	vlt.s32 v2, v46  }
0x47b: {  	v48 =	vld [tilespmem:$0x1790];
	v2 =	vsel vm0, v2, v46  }
0x47c: {  	vm0 =	vlt.s32 v2, v47  }
0x47d: {  	v49 =	vld [tilespmem:$0x17A0];
	v2 =	vsel vm0, v2, v47  }
0x47e: {  	vm0 =	vlt.s32 v2, v3  }
0x47f: {  	v2 =	vsel vm0, v2, v3;
	v3 =	vld [tilespmem:$0x17B0]  }
0x480: {  	vm0 =	vlt.s32 v2, v48  }
0x481: {  	v50 =	vld [tilespmem:$0x17C0];
	v2 =	vsel vm0, v2, v48  }
0x482: {  	vm0 =	vlt.s32 v2, v49  }
0x483: {  	v51 =	vld [tilespmem:$0x17D0];
	v2 =	vsel vm0, v2, v49  }
0x484: {  	vm0 =	vlt.s32 v2, v3  }
0x485: {  	v2 =	vsel vm0, v2, v3;
	v3 =	vld [tilespmem:$0x17E0]  }
0x486: {  	vm0 =	vlt.s32 v2, v50  }
0x487: {  	v52 =	vld [tilespmem:$0x17F0];
	v2 =	vsel vm0, v2, v50  }
0x488: {  	vm0 =	vlt.s32 v2, v51  }
0x489: {  	v53 =	vld [tilespmem:$0x1800];
	v2 =	vsel vm0, v2, v51  }
0x48a: {  	vm0 =	vlt.s32 v2, v3  }
0x48b: {  	v2 =	vsel vm0, v2, v3;
	v3 =	vld [tilespmem:$0x1810]  }
0x48c: {  	vm0 =	vlt.s32 v2, v52  }
0x48d: {  	v54 =	vld [tilespmem:$0x1820];
	v2 =	vsel vm0, v2, v52  }
0x48e: {  	vm0 =	vlt.s32 v2, v53  }
0x48f: {  	v55 =	vld [tilespmem:$0x1830];
	v2 =	vsel vm0, v2, v53  }
0x490: {  	vm0 =	vlt.s32 v2, v3  }
0x491: {  	v2 =	vsel vm0, v2, v3;
	v3 =	vld [tilespmem:$0x1840]  }
0x492: {  	vm0 =	vlt.s32 v2, v54  }
0x493: {  	v56 =	vld [tilespmem:$0x1850];
	v2 =	vsel vm0, v2, v54  }
0x494: {  	vm0 =	vlt.s32 v2, v55  }
0x495: {  	v57 =	vld [tilespmem:$0x1860];
	v2 =	vsel vm0, v2, v55  }
0x496: {  	vm0 =	vlt.s32 v2, v3  }
0x497: {  	v2 =	vsel vm0, v2, v3;
	v3 =	vld [tilespmem:$0x1870]  }
0x498: {  	vm0 =	vlt.s32 v2, v56  }
0x499: {  	v58 =	vld [tilespmem:$0x1880];
	v2 =	vsel vm0, v2, v56  }
0x49a: {  	vm0 =	vlt.s32 v2, v57  }
0x49b: {  	v59 =	vld [tilespmem:$0x1890];
	v2 =	vsel vm0, v2, v57  }
0x49c: {  	vm0 =	vlt.s32 v2, v3  }
0x49d: {  	v2 =	vsel vm0, v2, v3;
	v3 =	vld [tilespmem:$0x18A0]  }
0x49e: {  	vm0 =	vlt.s32 v2, v58  }
0x49f: {  	v60 =	vld [tilespmem:$0x18B0];
	v2 =	vsel vm0, v2, v58  }
0x4a0: {  	vm0 =	vlt.s32 v2, v59  }
0x4a1: {  	v61 =	vld [tilespmem:$0x18C0];
	v2 =	vsel vm0, v2, v59  }
0x4a2: {  	vm0 =	vlt.s32 v2, v3  }
0x4a3: {  	v2 =	vsel vm0, v2, v3;
	v3 =	vld [tilespmem:$0x18D0]  }
0x4a4: {  	vm0 =	vlt.s32 v2, v60  }
0x4a5: {  	v62 =	vld [tilespmem:$0x18E0];
	v2 =	vsel vm0, v2, v60  }
0x4a6: {  	vm0 =	vlt.s32 v2, v61  }
0x4a7: {  	v63 =	vld [tilespmem:$0x18F0];
	v2 =	vsel vm0, v2, v61  }
0x4a8: {  	vm0 =	vlt.s32 v2, v3  }
0x4a9: {  	v2 =	vsel vm0, v2, v3  }
0x4aa: {  	vm0 =	vlt.s32 v2, v62  }
0x4ab: {  	v2 =	vsel vm0, v2, v62  }
0x4ac: {  	vm0 =	vlt.s32 v2, v63  }
0x4ad: {  	v2 =	vsel vm0, v2, v63  }
0x4ae: {  	vm0 =	veq.s32 v2, $0x0  }
0x4af: {  	v2 =	vmpcnt.ones.xlane vm0;
	_ =	sdelay $0x1  }
0x4b0: {  	(v2sf) =	vpush v2, $0x0;
	_ =	sdelay $0xe  }
0x4b1: {  	s5 =	spop (v2sf)  }
0x4b2: {  	p0 =	slt.s32 s5, $0x1  }
.Ltmp11:
0x4b3: {  	_ = 	snop;
	(pc) =	sbr.rel @!p0 .LBB2_56-.Ltmp11, $4  }
.Ltmp12:
0x4b4: {  	_ = 	snop;
	(pc) =	sbr.rel @p0 .LBB2_61-.Ltmp12, $4  }
0x4b5: {  	_ = 	snop  }
0x4b6: {  	_ = 	snop  }
0x4b7: {  	_ = 	snop  }
0x4b8: {  	_ = 	snop  }
.LBB2_6:
0x4b9: {  	s31 =	sadd.s32 $0x1, s31  }
0x4ba: {  	p0 =	sne.s32 s31, $0x28  }
.Ltmp13:
0x4bb: {  	_ = 	snop;
	(pc) =	sbr.rel @!p0 .LBB2_7-.Ltmp13, $1  }
0x4bc: {  	_ =	sdelay $0x3  }
.LBB2_2:
0x4bd: {  	s5 =	sshll.u32 s31, $0x4  }
0x4be: {  	s6 =	sand.u32 $0x3F0, s5  }
0x4bf: {  	v2 =	vld [tilespmem:s6+$0x0];
	_ =	sdelay $0x4  }
0x4c0: {  	vm0 =	veq.s32 v2, $0x0  }
0x4c1: {  	v2 =	vmpcnt.ones.xlane vm0;
	_ =	sdelay $0x1  }
0x4c2: {  	(v2sf) =	vpush v2, $0x0;
	_ =	sdelay $0xe  }
0x4c3: {  	s6 =	spop (v2sf)  }
0x4c4: {  	p0 =	slt.s32 s6, $0x1  }
.Ltmp14:
0x4c5: {  	_ = 	snop;
	(pc) =	sbr.rel @p0 .LBB2_6-.Ltmp14, $1  }
0x4c6: {  	_ =	sdelay $0x3  }
0x4c7: {  	s6 =	simm.s32 $0x0  }
0x4c8: {  	v2 =	vmov s6  }
0x4c9: {  	v3 =	vmov s5;
	v2 =	vand.u32 $0x3F, v2  }
0x4ca: {  	v3 =	vshll.u32 v3, $0x6;
	v4 =	vbroadcast v2, $0x0  }
0x4cb: {  	v2 =	vor.u32 v0, v3  }
0x4cc: {  	s5 =	simm.s32 $0x1;
	v3 =	vor.u32 v2, v4  }
.LBB2_4:
0x4cd: {  	p0 =	sne.s32 s5, $0x3F  }
.Ltmp15:
0x4ce: {  	v4 =	vmov s5;
	s5 =	sadd.s32 $0x1, s5;
	(pc) =	sbr.rel @p0 .LBB2_4-.Ltmp15, $4  }
0x4cf: {  	v4 =	vand.u32 $0x3F, v4  }
0x4d0: {  	v4 =	vbroadcast v4, $0x0  }
0x4d1: {  	[tilespmem:v3+s18+$0x0] =	vst.idx.msk vm0, v1  }
0x4d2: {  	v3 =	vor.u32 v2, v4  }
0x4d3: {  	_ = 	snop  }
.Ltmp16:
0x4d4: {  	_ = 	snop;
	(pc) =	sbr.rel .LBB2_6-.Ltmp16, $2  }
0x4d5: {  	_ =	sdelay $0x2  }
0x4d6: {  	[tilespmem:v3+s18+$0x0] =	vst.idx.msk vm0, v1  }
.LBB2_12:
0x4d7: {  	s31 =	sadd.s32 $0x1, s31  }
0x4d8: {  	p0 =	sne.s32 s31, $0x28  }
.Ltmp17:
0x4d9: {  	_ = 	snop;
	(pc) =	sbr.rel @!p0 .LBB2_13-.Ltmp17, $1  }
0x4da: {  	_ =	sdelay $0x3  }
.LBB2_8:
0x4db: {  	s5 =	sshll.u32 s31, $0x4  }
0x4dc: {  	s6 =	sand.u32 $0x3F0, s5  }
0x4dd: {  	v2 =	vld [tilespmem:s6+$0x280];
	_ =	sdelay $0x4  }
0x4de: {  	vm0 =	veq.s32 v2, $0x0  }
0x4df: {  	v2 =	vmpcnt.ones.xlane vm0;
	_ =	sdelay $0x1  }
0x4e0: {  	(v2sf) =	vpush v2, $0x0;
	_ =	sdelay $0xe  }
0x4e1: {  	s6 =	spop (v2sf)  }
0x4e2: {  	p0 =	slt.s32 s6, $0x1  }
.Ltmp18:
0x4e3: {  	_ = 	snop;
	(pc) =	sbr.rel @p0 .LBB2_12-.Ltmp18, $1  }
0x4e4: {  	_ =	sdelay $0x3  }
0x4e5: {  	s6 =	simm.s32 $0x0  }
0x4e6: {  	v2 =	vmov s6  }
0x4e7: {  	v3 =	vmov s5;
	v2 =	vand.u32 $0x3F, v2  }
0x4e8: {  	v3 =	vshll.u32 v3, $0x6;
	v4 =	vbroadcast v2, $0x0  }
0x4e9: {  	v2 =	vor.u32 v0, v3  }
0x4ea: {  	s5 =	simm.s32 $0x1;
	v3 =	vor.u32 v2, v4  }
.LBB2_10:
0x4eb: {  	p0 =	sne.s32 s5, $0x3F  }
.Ltmp19:
0x4ec: {  	v4 =	vmov s5;
	s5 =	sadd.s32 $0x1, s5;
	(pc) =	sbr.rel @p0 .LBB2_10-.Ltmp19, $4  }
0x4ed: {  	v4 =	vand.u32 $0x3F, v4  }
0x4ee: {  	v4 =	vbroadcast v4, $0x0  }
0x4ef: {  	[tilespmem:v3+s28+$0x0] =	vst.idx.msk vm0, v1  }
0x4f0: {  	v3 =	vor.u32 v2, v4  }
0x4f1: {  	_ = 	snop  }
.Ltmp20:
0x4f2: {  	_ = 	snop;
	(pc) =	sbr.rel .LBB2_12-.Ltmp20, $2  }
0x4f3: {  	_ =	sdelay $0x2  }
0x4f4: {  	[tilespmem:v3+s28+$0x0] =	vst.idx.msk vm0, v1  }
.LBB2_18:
0x4f5: {  	s31 =	sadd.s32 $0x1, s31  }
0x4f6: {  	p0 =	sne.s32 s31, $0x28  }
.Ltmp21:
0x4f7: {  	_ = 	snop;
	(pc) =	sbr.rel @!p0 .LBB2_19-.Ltmp21, $1  }
0x4f8: {  	_ =	sdelay $0x3  }
.LBB2_14:
0x4f9: {  	s5 =	sshll.u32 s31, $0x4  }
0x4fa: {  	s6 =	sand.u32 $0x3F0, s5  }
0x4fb: {  	v2 =	vld [tilespmem:s6+$0x500];
	_ =	sdelay $0x4  }
0x4fc: {  	vm0 =	veq.s32 v2, $0x0  }
0x4fd: {  	v2 =	vmpcnt.ones.xlane vm0;
	_ =	sdelay $0x1  }
0x4fe: {  	(v2sf) =	vpush v2, $0x0;
	_ =	sdelay $0xe  }
0x4ff: {  	s6 =	spop (v2sf)  }
0x500: {  	p0 =	slt.s32 s6, $0x1  }
.Ltmp22:
0x501: {  	_ = 	snop;
	(pc) =	sbr.rel @p0 .LBB2_18-.Ltmp22, $1  }
0x502: {  	_ =	sdelay $0x3  }
0x503: {  	s6 =	simm.s32 $0x0  }
0x504: {  	v2 =	vmov s6  }
0x505: {  	v3 =	vmov s5;
	v2 =	vand.u32 $0x3F, v2  }
0x506: {  	v3 =	vshll.u32 v3, $0x6;
	v4 =	vbroadcast v2, $0x0  }
0x507: {  	v2 =	vor.u32 v0, v3  }
0x508: {  	s5 =	simm.s32 $0x1;
	v3 =	vor.u32 v2, v4  }
.LBB2_16:
0x509: {  	p0 =	sne.s32 s5, $0x3F  }
.Ltmp23:
0x50a: {  	v4 =	vmov s5;
	s5 =	sadd.s32 $0x1, s5;
	(pc) =	sbr.rel @p0 .LBB2_16-.Ltmp23, $4  }
0x50b: {  	v4 =	vand.u32 $0x3F, v4  }
0x50c: {  	v4 =	vbroadcast v4, $0x0  }
0x50d: {  	[tilespmem:v3+s18+$0x0] =	vst.idx.msk vm0, v1  }
0x50e: {  	v3 =	vor.u32 v2, v4  }
0x50f: {  	_ = 	snop  }
.Ltmp24:
0x510: {  	_ = 	snop;
	(pc) =	sbr.rel .LBB2_18-.Ltmp24, $2  }
0x511: {  	_ =	sdelay $0x2  }
0x512: {  	[tilespmem:v3+s18+$0x0] =	vst.idx.msk vm0, v1  }
.LBB2_24:
0x513: {  	s31 =	sadd.s32 $0x1, s31  }
0x514: {  	p0 =	sne.s32 s31, $0x28  }
.Ltmp25:
0x515: {  	_ = 	snop;
	(pc) =	sbr.rel @!p0 .LBB2_25-.Ltmp25, $1  }
0x516: {  	_ =	sdelay $0x3  }
.LBB2_20:
0x517: {  	s5 =	sshll.u32 s31, $0x4  }
0x518: {  	s6 =	sand.u32 $0x3F0, s5  }
0x519: {  	v2 =	vld [tilespmem:s6+$0x780];
	_ =	sdelay $0x4  }
0x51a: {  	vm0 =	veq.s32 v2, $0x0  }
0x51b: {  	v2 =	vmpcnt.ones.xlane vm0;
	_ =	sdelay $0x1  }
0x51c: {  	(v2sf) =	vpush v2, $0x0;
	_ =	sdelay $0xe  }
0x51d: {  	s6 =	spop (v2sf)  }
0x51e: {  	p0 =	slt.s32 s6, $0x1  }
.Ltmp26:
0x51f: {  	_ = 	snop;
	(pc) =	sbr.rel @p0 .LBB2_24-.Ltmp26, $1  }
0x520: {  	_ =	sdelay $0x3  }
0x521: {  	s6 =	simm.s32 $0x0  }
0x522: {  	v2 =	vmov s6  }
0x523: {  	v3 =	vmov s5;
	v2 =	vand.u32 $0x3F, v2  }
0x524: {  	v3 =	vshll.u32 v3, $0x6;
	v4 =	vbroadcast v2, $0x0  }
0x525: {  	v2 =	vor.u32 v0, v3  }
0x526: {  	s5 =	simm.s32 $0x1;
	v3 =	vor.u32 v2, v4  }
.LBB2_22:
0x527: {  	p0 =	sne.s32 s5, $0x3F  }
.Ltmp27:
0x528: {  	v4 =	vmov s5;
	s5 =	sadd.s32 $0x1, s5;
	(pc) =	sbr.rel @p0 .LBB2_22-.Ltmp27, $4  }
0x529: {  	v4 =	vand.u32 $0x3F, v4  }
0x52a: {  	v4 =	vbroadcast v4, $0x0  }
0x52b: {  	[tilespmem:v3+s28+$0x0] =	vst.idx.msk vm0, v1  }
0x52c: {  	v3 =	vor.u32 v2, v4  }
0x52d: {  	_ = 	snop  }
.Ltmp28:
0x52e: {  	_ = 	snop;
	(pc) =	sbr.rel .LBB2_24-.Ltmp28, $2  }
0x52f: {  	_ =	sdelay $0x2  }
0x530: {  	[tilespmem:v3+s28+$0x0] =	vst.idx.msk vm0, v1  }
.LBB2_30:
0x531: {  	s31 =	sadd.s32 $0x1, s31  }
0x532: {  	p0 =	sne.s32 s31, $0x28  }
.Ltmp29:
0x533: {  	_ = 	snop;
	(pc) =	sbr.rel @!p0 .LBB2_31-.Ltmp29, $1  }
0x534: {  	_ =	sdelay $0x3  }
.LBB2_26:
0x535: {  	s5 =	sshll.u32 s31, $0x4  }
0x536: {  	s6 =	sand.u32 $0x3F0, s5  }
0x537: {  	v2 =	vld [tilespmem:s6+$0xA00];
	_ =	sdelay $0x4  }
0x538: {  	vm0 =	veq.s32 v2, $0x0  }
0x539: {  	v2 =	vmpcnt.ones.xlane vm0;
	_ =	sdelay $0x1  }
0x53a: {  	(v2sf) =	vpush v2, $0x0;
	_ =	sdelay $0xe  }
0x53b: {  	s6 =	spop (v2sf)  }
0x53c: {  	p0 =	slt.s32 s6, $0x1  }
.Ltmp30:
0x53d: {  	_ = 	snop;
	(pc) =	sbr.rel @p0 .LBB2_30-.Ltmp30, $1  }
0x53e: {  	_ =	sdelay $0x3  }
0x53f: {  	s6 =	simm.s32 $0x0  }
0x540: {  	v2 =	vmov s6  }
0x541: {  	v3 =	vmov s5;
	v2 =	vand.u32 $0x3F, v2  }
0x542: {  	v3 =	vshll.u32 v3, $0x6;
	v4 =	vbroadcast v2, $0x0  }
0x543: {  	v2 =	vor.u32 v0, v3  }
0x544: {  	s5 =	simm.s32 $0x1;
	v3 =	vor.u32 v2, v4  }
.LBB2_28:
0x545: {  	p0 =	sne.s32 s5, $0x3F  }
.Ltmp31:
0x546: {  	v4 =	vmov s5;
	s5 =	sadd.s32 $0x1, s5;
	(pc) =	sbr.rel @p0 .LBB2_28-.Ltmp31, $4  }
0x547: {  	v4 =	vand.u32 $0x3F, v4  }
0x548: {  	v4 =	vbroadcast v4, $0x0  }
0x549: {  	[tilespmem:v3+s18+$0x0] =	vst.idx.msk vm0, v1  }
0x54a: {  	v3 =	vor.u32 v2, v4  }
0x54b: {  	_ = 	snop  }
.Ltmp32:
0x54c: {  	_ = 	snop;
	(pc) =	sbr.rel .LBB2_30-.Ltmp32, $2  }
0x54d: {  	_ =	sdelay $0x2  }
0x54e: {  	[tilespmem:v3+s18+$0x0] =	vst.idx.msk vm0, v1  }
.LBB2_36:
0x54f: {  	s31 =	sadd.s32 $0x1, s31  }
0x550: {  	p0 =	sne.s32 s31, $0x28  }
.Ltmp33:
0x551: {  	_ = 	snop;
	(pc) =	sbr.rel @!p0 .LBB2_37-.Ltmp33, $1  }
0x552: {  	_ =	sdelay $0x3  }
.LBB2_32:
0x553: {  	s5 =	sshll.u32 s31, $0x4  }
0x554: {  	s6 =	sand.u32 $0x3F0, s5  }
0x555: {  	v2 =	vld [tilespmem:s6+$0xC80];
	_ =	sdelay $0x4  }
0x556: {  	vm0 =	veq.s32 v2, $0x0  }
0x557: {  	v2 =	vmpcnt.ones.xlane vm0;
	_ =	sdelay $0x1  }
0x558: {  	(v2sf) =	vpush v2, $0x0;
	_ =	sdelay $0xe  }
0x559: {  	s6 =	spop (v2sf)  }
0x55a: {  	p0 =	slt.s32 s6, $0x1  }
.Ltmp34:
0x55b: {  	_ = 	snop;
	(pc) =	sbr.rel @p0 .LBB2_36-.Ltmp34, $1  }
0x55c: {  	_ =	sdelay $0x3  }
0x55d: {  	s6 =	simm.s32 $0x0  }
0x55e: {  	v2 =	vmov s6  }
0x55f: {  	v3 =	vmov s5;
	v2 =	vand.u32 $0x3F, v2  }
0x560: {  	v3 =	vshll.u32 v3, $0x6;
	v4 =	vbroadcast v2, $0x0  }
0x561: {  	v2 =	vor.u32 v0, v3  }
0x562: {  	s5 =	simm.s32 $0x1;
	v3 =	vor.u32 v2, v4  }
.LBB2_34:
0x563: {  	p0 =	sne.s32 s5, $0x3F  }
.Ltmp35:
0x564: {  	v4 =	vmov s5;
	s5 =	sadd.s32 $0x1, s5;
	(pc) =	sbr.rel @p0 .LBB2_34-.Ltmp35, $4  }
0x565: {  	v4 =	vand.u32 $0x3F, v4  }
0x566: {  	v4 =	vbroadcast v4, $0x0  }
0x567: {  	[tilespmem:v3+s28+$0x0] =	vst.idx.msk vm0, v1  }
0x568: {  	v3 =	vor.u32 v2, v4  }
0x569: {  	_ = 	snop  }
.Ltmp36:
0x56a: {  	_ = 	snop;
	(pc) =	sbr.rel .LBB2_36-.Ltmp36, $2  }
0x56b: {  	_ =	sdelay $0x2  }
0x56c: {  	[tilespmem:v3+s28+$0x0] =	vst.idx.msk vm0, v1  }
.LBB2_42:
0x56d: {  	s31 =	sadd.s32 $0x1, s31  }
0x56e: {  	p0 =	sne.s32 s31, $0x28  }
.Ltmp37:
0x56f: {  	_ = 	snop;
	(pc) =	sbr.rel @!p0 .LBB2_43-.Ltmp37, $1  }
0x570: {  	_ =	sdelay $0x3  }
.LBB2_38:
0x571: {  	s5 =	sshll.u32 s31, $0x4  }
0x572: {  	s6 =	sand.u32 $0x3F0, s5  }
0x573: {  	v2 =	vld [tilespmem:s6+$0xF00];
	_ =	sdelay $0x4  }
0x574: {  	vm0 =	veq.s32 v2, $0x0  }
0x575: {  	v2 =	vmpcnt.ones.xlane vm0;
	_ =	sdelay $0x1  }
0x576: {  	(v2sf) =	vpush v2, $0x0;
	_ =	sdelay $0xe  }
0x577: {  	s6 =	spop (v2sf)  }
0x578: {  	p0 =	slt.s32 s6, $0x1  }
.Ltmp38:
0x579: {  	_ = 	snop;
	(pc) =	sbr.rel @p0 .LBB2_42-.Ltmp38, $1  }
0x57a: {  	_ =	sdelay $0x3  }
0x57b: {  	s6 =	simm.s32 $0x0  }
0x57c: {  	v2 =	vmov s6  }
0x57d: {  	v3 =	vmov s5;
	v2 =	vand.u32 $0x3F, v2  }
0x57e: {  	v3 =	vshll.u32 v3, $0x6;
	v4 =	vbroadcast v2, $0x0  }
0x57f: {  	v2 =	vor.u32 v0, v3  }
0x580: {  	s5 =	simm.s32 $0x1;
	v3 =	vor.u32 v2, v4  }
.LBB2_40:
0x581: {  	p0 =	sne.s32 s5, $0x3F  }
.Ltmp39:
0x582: {  	v4 =	vmov s5;
	s5 =	sadd.s32 $0x1, s5;
	(pc) =	sbr.rel @p0 .LBB2_40-.Ltmp39, $4  }
0x583: {  	v4 =	vand.u32 $0x3F, v4  }
0x584: {  	v4 =	vbroadcast v4, $0x0  }
0x585: {  	[tilespmem:v3+s18+$0x0] =	vst.idx.msk vm0, v1  }
0x586: {  	v3 =	vor.u32 v2, v4  }
0x587: {  	_ = 	snop  }
.Ltmp40:
0x588: {  	_ = 	snop;
	(pc) =	sbr.rel .LBB2_42-.Ltmp40, $2  }
0x589: {  	_ =	sdelay $0x2  }
0x58a: {  	[tilespmem:v3+s18+$0x0] =	vst.idx.msk vm0, v1  }
.LBB2_48:
0x58b: {  	s31 =	sadd.s32 $0x1, s31  }
0x58c: {  	p0 =	sne.s32 s31, $0x28  }
.Ltmp41:
0x58d: {  	_ = 	snop;
	(pc) =	sbr.rel @!p0 .LBB2_49-.Ltmp41, $1  }
0x58e: {  	_ =	sdelay $0x3  }
.LBB2_44:
0x58f: {  	s5 =	sshll.u32 s31, $0x4  }
0x590: {  	s6 =	sand.u32 $0x3F0, s5  }
0x591: {  	v2 =	vld [tilespmem:s6+$0x1180];
	_ =	sdelay $0x4  }
0x592: {  	vm0 =	veq.s32 v2, $0x0  }
0x593: {  	v2 =	vmpcnt.ones.xlane vm0;
	_ =	sdelay $0x1  }
0x594: {  	(v2sf) =	vpush v2, $0x0;
	_ =	sdelay $0xe  }
0x595: {  	s6 =	spop (v2sf)  }
0x596: {  	p0 =	slt.s32 s6, $0x1  }
.Ltmp42:
0x597: {  	_ = 	snop;
	(pc) =	sbr.rel @p0 .LBB2_48-.Ltmp42, $1  }
0x598: {  	_ =	sdelay $0x3  }
0x599: {  	s6 =	simm.s32 $0x0  }
0x59a: {  	v2 =	vmov s6  }
0x59b: {  	v3 =	vmov s5;
	v2 =	vand.u32 $0x3F, v2  }
0x59c: {  	v3 =	vshll.u32 v3, $0x6;
	v4 =	vbroadcast v2, $0x0  }
0x59d: {  	v2 =	vor.u32 v0, v3  }
0x59e: {  	s5 =	simm.s32 $0x1;
	v3 =	vor.u32 v2, v4  }
.LBB2_46:
0x59f: {  	p0 =	sne.s32 s5, $0x3F  }
.Ltmp43:
0x5a0: {  	v4 =	vmov s5;
	s5 =	sadd.s32 $0x1, s5;
	(pc) =	sbr.rel @p0 .LBB2_46-.Ltmp43, $4  }
0x5a1: {  	v4 =	vand.u32 $0x3F, v4  }
0x5a2: {  	v4 =	vbroadcast v4, $0x0  }
0x5a3: {  	[tilespmem:v3+s28+$0x0] =	vst.idx.msk vm0, v1  }
0x5a4: {  	v3 =	vor.u32 v2, v4  }
0x5a5: {  	_ = 	snop  }
.Ltmp44:
0x5a6: {  	_ = 	snop;
	(pc) =	sbr.rel .LBB2_48-.Ltmp44, $2  }
0x5a7: {  	_ =	sdelay $0x2  }
0x5a8: {  	[tilespmem:v3+s28+$0x0] =	vst.idx.msk vm0, v1  }
.LBB2_54:
0x5a9: {  	s31 =	sadd.s32 $0x1, s31  }
0x5aa: {  	p0 =	sne.s32 s31, $0x28  }
.Ltmp45:
0x5ab: {  	_ = 	snop;
	(pc) =	sbr.rel @!p0 .LBB2_55-.Ltmp45, $1  }
0x5ac: {  	_ =	sdelay $0x3  }
.LBB2_50:
0x5ad: {  	s5 =	sshll.u32 s31, $0x4  }
0x5ae: {  	s6 =	sand.u32 $0x3F0, s5  }
0x5af: {  	v2 =	vld [tilespmem:s6+$0x1400];
	_ =	sdelay $0x4  }
0x5b0: {  	vm0 =	veq.s32 v2, $0x0  }
0x5b1: {  	v2 =	vmpcnt.ones.xlane vm0;
	_ =	sdelay $0x1  }
0x5b2: {  	(v2sf) =	vpush v2, $0x0;
	_ =	sdelay $0xe  }
0x5b3: {  	s6 =	spop (v2sf)  }
0x5b4: {  	p0 =	slt.s32 s6, $0x1  }
.Ltmp46:
0x5b5: {  	_ = 	snop;
	(pc) =	sbr.rel @p0 .LBB2_54-.Ltmp46, $1  }
0x5b6: {  	_ =	sdelay $0x3  }
0x5b7: {  	s6 =	simm.s32 $0x0  }
0x5b8: {  	v2 =	vmov s6  }
0x5b9: {  	v3 =	vmov s5;
	v2 =	vand.u32 $0x3F, v2  }
0x5ba: {  	v3 =	vshll.u32 v3, $0x6;
	v4 =	vbroadcast v2, $0x0  }
0x5bb: {  	v2 =	vor.u32 v0, v3  }
0x5bc: {  	s5 =	simm.s32 $0x1;
	v3 =	vor.u32 v2, v4  }
.LBB2_52:
0x5bd: {  	p0 =	sne.s32 s5, $0x3F  }
.Ltmp47:
0x5be: {  	v4 =	vmov s5;
	s5 =	sadd.s32 $0x1, s5;
	(pc) =	sbr.rel @p0 .LBB2_52-.Ltmp47, $4  }
0x5bf: {  	v4 =	vand.u32 $0x3F, v4  }
0x5c0: {  	v4 =	vbroadcast v4, $0x0  }
0x5c1: {  	[tilespmem:v3+s18+$0x0] =	vst.idx.msk vm0, v1  }
0x5c2: {  	v3 =	vor.u32 v2, v4  }
0x5c3: {  	_ = 	snop  }
.Ltmp48:
0x5c4: {  	_ = 	snop;
	(pc) =	sbr.rel .LBB2_54-.Ltmp48, $2  }
0x5c5: {  	_ =	sdelay $0x2  }
0x5c6: {  	[tilespmem:v3+s18+$0x0] =	vst.idx.msk vm0, v1  }
.LBB2_60:
0x5c7: {  	s31 =	sadd.s32 $0x1, s31  }
0x5c8: {  	p0 =	sne.s32 s31, $0x28  }
.Ltmp49:
0x5c9: {  	_ = 	snop;
	(pc) =	sbr.rel @!p0 .LBB2_61-.Ltmp49, $1  }
0x5ca: {  	_ =	sdelay $0x3  }
.LBB2_56:
0x5cb: {  	s5 =	sshll.u32 s31, $0x4  }
0x5cc: {  	s6 =	sand.u32 $0x3F0, s5  }
0x5cd: {  	v2 =	vld [tilespmem:s6+$0x1680];
	_ =	sdelay $0x4  }
0x5ce: {  	vm0 =	veq.s32 v2, $0x0  }
0x5cf: {  	v2 =	vmpcnt.ones.xlane vm0;
	_ =	sdelay $0x1  }
0x5d0: {  	(v2sf) =	vpush v2, $0x0;
	_ =	sdelay $0xe  }
0x5d1: {  	s6 =	spop (v2sf)  }
0x5d2: {  	p0 =	slt.s32 s6, $0x1  }
.Ltmp50:
0x5d3: {  	_ = 	snop;
	(pc) =	sbr.rel @p0 .LBB2_60-.Ltmp50, $1  }
0x5d4: {  	_ =	sdelay $0x3  }
0x5d5: {  	s6 =	simm.s32 $0x0  }
0x5d6: {  	v2 =	vmov s6  }
0x5d7: {  	v3 =	vmov s5;
	v2 =	vand.u32 $0x3F, v2  }
0x5d8: {  	v3 =	vshll.u32 v3, $0x6;
	v4 =	vbroadcast v2, $0x0  }
0x5d9: {  	v2 =	vor.u32 v0, v3  }
0x5da: {  	s5 =	simm.s32 $0x1;
	v3 =	vor.u32 v2, v4  }
.LBB2_58:
0x5db: {  	p0 =	sne.s32 s5, $0x3F  }
.Ltmp51:
0x5dc: {  	v4 =	vmov s5;
	s5 =	sadd.s32 $0x1, s5;
	(pc) =	sbr.rel @p0 .LBB2_58-.Ltmp51, $4  }
0x5dd: {  	v4 =	vand.u32 $0x3F, v4  }
0x5de: {  	v4 =	vbroadcast v4, $0x0  }
0x5df: {  	[tilespmem:v3+s28+$0x0] =	vst.idx.msk vm0, v1  }
0x5e0: {  	v3 =	vor.u32 v2, v4  }
0x5e1: {  	_ = 	snop  }
.Ltmp52:
0x5e2: {  	_ = 	snop;
	(pc) =	sbr.rel .LBB2_60-.Ltmp52, $2  }
0x5e3: {  	_ =	sdelay $0x2  }
0x5e4: {  	[tilespmem:v3+s28+$0x0] =	vst.idx.msk vm0, v1  }
.LBB2_62:
0x5e5: {  	_ =	sfence.sel $0x180000  }
0x5e6: {  	[bflag:$0x0] =	sbarrier.arrive $0xFFFF  }
0x5e7: {  	_ =	strace $0x90000047  }
0x5e8: {  	s0 =	stileid.u32;
	[bflag:$0x2] =	sbarrier.arrive $0xFFFF  }
0x5e9: {  	p0 =	sne.s32 s0, $0x0;
	s0 =	rddreg [dreg:$0x2]  }
0x5ea: {  	s0 =	sadd.s32 @!p0 $0x100000, s0  }
0x5eb: {  	[sflag:s0] =	ssyncadd.tile.s32 @!p0 $0x1;
	_ =	shalt  }
.Lfunc_end2:
_tile_overlayer_lowered:
.L_overlay_start_2:
0x5ec: {  	(tag) =	ssettag $0x2  }
0x5ed: {  	s0 =	rddreg [dreg:$0x0];
	s2 =	stileid.u32  }
0x5ee: {  	s1 =	rddreg [dreg:$0x1];
	p0 =	sne.s32 s2, $0x0  }
0x5ef: {  	s3 =	rddreg [dreg:$0x2];
	[bflag:$0x3] =	sbarrier.arrive $0xFFFF;
	s2 =	simm.s32 @!p0 $0x1C04  }
0x5f0: {  	[timem:s3], [sflag:s2] =	dma.local @!p0 [hbm:s0], s1  }
0x5f1: {  	s0 =	simm.s32 @!p0 $0x4  }
0x5f2: {  	_ =	swait.ge @!p0 [sflag:s0], s1  }
0x5f3: {  	s1 =	ssub.s32 @!p0 $0x0, s1;
	[sflag:s0] =	ssyncset.done @!p0 $0x0  }
0x5f4: {  	[sflag:s0] =	ssyncadd.s32 @!p0 s1  }
0x5f5: {  	[bflag:$0x3] =	sbarrier.arrive $0xFFFF  }
0x5f6: {  	_ =	shalt  }

// kernel: sparse-core-data-format-call.cloned.1.call-start
scs
called_computation_lowered:
.L_overlay_start_0:
0x0: {  	s2 =	sld [smem:$0x3FD9]  }
0x1: {  	s3 =	sld [smem:$0x3FFE];
	_ =	sdelay $0x1  }
0x2: {  	s1 =	srdreg.scid  }
0x3: {  	s0 =	sand.u32 $0x1, s1  }
0x4: {  	s18 =	sshll.u32 s0, $0xA;
	s2 =	sadd.s32 s3, s2  }
0x5: {  	s2 =	sadd.s32 s2, s18  }
0x6: {  	[smem:$0x3FC6] =	sst s2  }
0x7: {  	_ = 	snop  }
0x8: {  	s2 =	sld [smem:$0x3FD0];
	(tm) =	ssettm $0x1  }
0x9: {  	s19 =	sld [smem:$0x3FFB];
	_ =	sdelay $0x3  }
0xa: {  	_ =	strace s19  }
0xb: {  	s3 =	sld [smem:$0x3FFC];
	_ =	sdelay $0x3  }
0xc: {  	_ =	strace s3  }
0xd: {  	s3 =	sld [smem:$0x3FFD];
	_ =	sdelay $0x3  }
0xe: {  	_ =	strace s3  }
0xf: {  	_ =	strace $0x8FFFFFFF  }
0x10: {  	s20 =	sld [smem:$0x3FDB];
	_ =	sdelay $0x1  }
0x11: {  	s4 =	simm.s32 $_scs_section_size  }
0x12: {  	s5 =	simm.s32 $_size__tile_overlayer_lowered;
	s6 =	simm.s32 $_tile_overlayer_lowered  }
0x13: {  	s23 =	simm.s32 $0x1BFF;
	s22 =	sshll.u32 s6, $0x1;
	s3 =	sadd.s32 s4, s20  }
0x14: {  	s7 =	simm.s32 $0x0;
	s21 =	sshll.u32 s5, $0x1;
	s5 =	sadd.s32 s22, s3  }
0x15: {  	[timem:s7], [sflag:s23] =	dma.local [hbm:s5], s21  }
0x16: {  	_ =	swait.ge [sflag:s23], s21  }
0x17: {  	s4 =	ssub.s32 $0x0, s21;
	[sflag:s23] =	ssyncset.done $0x0  }
0x18: {  	[sflag:s23] =	ssyncadd.s32 s4;
	_ =	sdelay $0x1  }
0x19: {  	s24 =	simm.s32 $0x1B8B  }
0x1a: {  	_ =	swait.ge [sflag:s24], $0x1  }
0x1b: {  	[sflag:s24] =	ssyncset.done $0x0  }
0x1c: {  	s26 =	simm.s32 $0x1B8E;
	s25 =	sld [smem:$0x3FFE];
	[sflag:s24] =	ssyncadd.s32 $0xFFFFFFFF  }
0x1d: {  	s27 =	simm.s32 $execute0_lowered;
	[smem:$0x3FD2] =	sst s26  }
0x1e: {  	s5 =	sshll.u32 s27, $0x1;
	_ =	strace $0x80000049;
	[dreg:$0x1] =	wrdreg $0xFFFFFFFF  }
0x1f: {  	s28 =	simm.s32 $_size_execute0_lowered;
	s3 =	sadd.s32 s3, s5;
	[dreg:$0x0] =	wrdreg $0x0  }
0x20: {  	s5 =	sshll.u32 s28, $0x1;
	[dreg:$0x2] =	wrdreg s3  }
0x21: {  	[dreg:$0x3] =	wrdreg s5  }
0x22: {  	[dreg:$0x4] =	wrdreg $0xC0  }
0x23: {  	_ =	task [dreg:s7], $0x5FFFF  }
0x24: {  	[dreg:$0x1] =	wrdreg $0xFFFFFFFF  }
0x25: {  	[dreg:$0x0] =	wrdreg $0x60  }
0x26: {  	[dreg:$0x2] =	wrdreg s25  }
0x27: {  	[dreg:$0x3] =	wrdreg s2  }
0x28: {  	[dreg:$0x4] =	wrdreg $0x9  }
0x29: {  	_ =	task.clear_ibuf [dreg:s7], $0x5FFFF;
	_ =	strace $0x90000049  }
0x2a: {  	s29 =	simm.s32 $0x9;
	_ =	strace $0x8000004B  }
0x2b: {  	_ =	swait.ge [sflag:s29], $0x1  }
0x2c: {  	[sflag:s29] =	ssyncadd.s32 $0xFFFFFFFF  }
0x2d: {  	_ =	strace $0x9000004B  }
0x2e: {  	_ =	sfence  }
0x2f: {  	s30 =	sld [smem:$0x0];
	_ =	sdelay $0x2  }
0x30: {  	s31 =	sshll.u32 s1, $0xD;
	s1 =	sshrl.u32 s1, $0x2  }
0x31: {  	s3 =	sand.u32 $0x4000, s31;
	s1 =	sadd.s32 s1, s30  }
0x32: {  	s0 =	sor.u32 s3, s0;
	s1 =	sshll.u32 s1, $0x11  }
0x33: {  	s0 =	sor.u32 s1, s0  }
0x34: {  	s0 =	sadd.s32 $0x8F2B, s0  }
0x35: {  	[sflag:s0] =	ssyncadd.remote.s32 $0x1  }
0x36: {  	_ =	sfence.sel $0xFFFF  }
0x37: {  	[dreg:$0x0] =	wrdreg $0xFFFFFFFF;
	(pc) =	sbr.abs _section_cstart, $3  }
0x38: {  	[dreg:$0x1] =	wrdreg $0xFFFFFFFF  }
0x39: {  	_ =	task.clear_ibuf [dreg:s7], $0x2FFFF;
	_ =	strace $0x9FFFFFFF  }
0x3a: {  	(tm) =	ssettm $0x7FFFFFFF  }
0x3b: {  	_ =	shalt  }
tec
execute0_lowered:
.L_overlay_start_1:
0x0: {  	(tag) =	ssettag $0x1  }
0x1: {  	s0 =	srdreg.scid  }
0x2: {  	s1 =	sshll.u32 s0, $0x4  }
0x3: {  	s0 =	stileid.u32;
	s1 =	sand.u32 $0x10, s1  }
0x4: {  	s1 =	sor.u32 s0, s1  }
0x5: {  	s6 =	rddreg [dreg:$0x0];
	s4 =	simm.s32 $0x1;
	s2 =	sshll.u32 s1, $0x7  }
0x6: {  	s7 =	simm.s32 $0x2;
	s12 =	simm.s32 $0x0;
	s1 =	ssub.s32 $0x1000, s2  }
0x7: {  	s8 =	simm.s32 $0x8000;
	s13 =	simm.s32 $0x0;
	s3 =	sand.u32 $0xF80, s1  }
0x8: {  	s9 =	simm.s32 $0x0;
	s5 =	sshrl.u32 s1, $0xC;
	p0 =	sne.s32 s3, $0x0  }
.Ltmp0:
0x9: {  	s1 =	rddreg [dreg:$0x2];
	s4 =	simm.s32 @!p0 $0x0;
	(pc) =	sbr.rel .LBB1_1-.Ltmp0, $4  }
0xa: {  	s11 =	simm.s32 $0x0;
	s3 =	rddreg [dreg:$0x1];
	s5 =	sadd.s32 s4, s5  }
0xb: {  	_ =	strace $0x8000004A;
	s4 =	simm.s32 $0x1;
	s5 =	smul.u32 $0x32, s5  }
0xc: {  	s6 =	sadd.s32 $0xA00, s6;
	s10 =	smov.u32 s2;
	[sflag:s4] =	ssyncpa.u1 $0x0  }
0xd: {  	p0 =	por $0x0, $0x0;
	[sflag:s7] =	ssyncpa.u1 $0x0;
	s7 =	sor.u32 $0x1, s5  }
.LBB1_4:
0xe: {  	s16 =	sshll.u32 s13, $0x3;
	s17 =	sand.u32 $0x78, s13  }
0xf: {  	s30 =	sand.u32 $0x7E00, s13;
	s12 =	sshll.u32 s12, $0xF;
	s16 =	sand.u32 $0xC00, s16  }
0x10: {  	[tilespmem:s15+$0x810 ss:$0x81] =	vst.msk $0xffff, v2;
	s31 =	sand.u32 $0x7, s13;
	s16 =	sor.u32 s17, s16;
	s17 =	sadd.s32 s3, s30  }
0x11: {  	[tilespmem:s15+$0x1020 ss:$0x81] =	vst.msk $0xffff, v0;
	s13 =	sshll.u32 s31, $0x12;
	s12 =	sadd.s32 s12, s17;
	s16 =	sshrl.u32 s16, $0x3  }
0x12: {  	[tilespmem:s15+$0x0 ss:$0x81] =	vst.msk $0xffff, v1;
	s13 =	sor.u32 $0x400, s13;
	s12 =	sadd.s32 s16, s12  }
0x13: {  	[hbm4b:s12+s13] =	stream.strided.scatter [tilespmem:s14], [sflag:$0x2], $0x2000, s8, s13, $0x20;
	[tilespmem:$0x8080] =	vst v63  }
.LBB1_5:
0x14: {  	s14 =	sadd.s32 $0x1, s9  }
0x15: {  	s12 =	sadd.s32 $0x1000, s10;
	s16 =	smov.u32 s10;
	p2 =	sgt.s32 s14, $0x31  }
0x16: {  	s16 =	smov.u32 @p2 s12  }
0x17: {  	s14 =	simm.s32 @p2 $0x0;
	p2 =	sgt.s32 s16, $0xFFF  }
0x18: {  	s16 =	smov.u32 @p2 s2;
	p2 =	sne.s32 s11, s7  }
.Ltmp1:
0x19: {  	p1 =	slt.u32 s11, $0x2;
	(pc) =	sbr.rel @!p2 .LBB1_6-.Ltmp1, $4  }
0x1a: {  	s15 =	simm.s32 @!p1 $0x2  }
0x1b: {  	s13 =	smov.u32 s10;
	p0 =	por !p0, !p0;
	_ =	swait.ge @!p1 [sflag:s15], $0x2000  }
0x1c: {  	s12 =	smov.u32 s9;
	[sflag:s15] =	ssyncset.done @!p1 $0x0;
	s9 =	smov.u32 s14  }
0x1d: {  	s11 =	sadd.s32 $0x1, s11;
	[sflag:s15] =	ssyncadd.s32 @!p1 $0xFFFFE000;
	s10 =	smov.u32 s16  }
.LBB1_1:
0x1e: {  	p1 =	sge.u32 s11, s5  }
0x1f: {  	s14 =	sand.u32 @!p1 $0x1FFFFFF, s9  }
0x20: {  	s15 =	smulhi.u32 @!p1 $0x4924925, s14;
	_ =	sdelay $0x1  }
0x21: {  	s15 =	smul.u32 @!p1 $0x38, s15  }
0x22: {  	s16 =	sxor.u32 @!p1 $0xFFFFFFFF, s11;
	s17 =	smul.u32 @!p1 $0x380, s10  }
0x23: {  	s31 =	sadd.s32 $0xFFFFFFFF, s11;
	s16 =	sshll.u32 @!p1 s16, $0xD;
	s14 =	ssub.s32 @!p1 s14, s15  }
0x24: {  	s15 =	sand.u32 @!p1 $0x2000, s16;
	s16 =	sadd.s32 @!p1 s6, s17;
	s14 =	sshll.u32 @!p1 s14, $0x4  }
0x25: {  	s17 =	simm.s32 @!p1 $0x1C00;
	s14 =	sadd.s32 @!p1 s14, s16;
	s16 =	simm.s32 @!p1 $0x40  }
0x26: {  	[tilespmem:s15], [sflag:$0x1] =	stream.strided.gather @!p1 [hbm4b:s14+s16], $0x2000, s17, s16, $0x38;
	[tilespmem:$0x8080] =	vst v63  }
0x27: {  	p1 =	sge.u32 s31, s5  }
.Ltmp2:
0x28: {  	_ = 	snop;
	(pc) =	sbr.rel @p1 .LBB1_5-.Ltmp2, $1  }
0x29: {  	_ =	sdelay $0x3  }
0x2a: {  	s14 =	simm.s32 $0x1  }
0x2b: {  	_ =	swait.ge [sflag:s4], $0x2000;
	s14 =	simm.s32 @!p0 $0x0  }
0x2c: {  	[sflag:s4] =	ssyncset.done $0x0;
	s15 =	sshll.u32 s14, $0xD  }
0x2d: {  	[sflag:s4] =	ssyncadd.s32 $0xFFFFE000;
	s18 =	sor.u32 $0x20, s15  }
0x2e: {  	s14 =	smul.u32 $0x8100, s14;
	v3 =	vld [tilespmem:s18+$0x10]  }
0x2f: {  	s30 =	sand.u32 $0x1, s11;
	v2 =	vld [tilespmem:s18+$0xFFFFFFF0]  }
0x30: {  	s15 =	smul.u32 $0x8100, s30;
	s14 =	sshrl.u32 s14, $0x2;
	v0 =	vld [tilespmem:s18+$0x0]  }
0x31: {  	v1 =	vld [tilespmem:s18+$0xFFFFFFE0];
	s16 =	sor.u32 $0x4000, s14  }
0x32: {  	s31 =	sshrl.u32 s15, $0x2;
	s15 =	sadd.s32 $0x0, s16  }
0x33: {  	s17 =	simm.s32 $0x4;
	s18 =	sadd.s32 $0x40, s18;
	s14 =	sor.u32 $0x4000, s31;
	[tilespmem:s15+$0x1830 ss:$0x81] =	vst.msk $0xffff, v3  }
.LBB1_3:
0x34: {  	v3 =	vld [tilespmem:s18+$0x10];
	p1 =	sne.s32 s17, $0x1FC;
	[tilespmem:s15+$0x810 ss:$0x81] =	vst.msk $0xffff, v2;
	s19 =	smov.u32 s17;
	s17 =	sadd.s32 $0x4, s17  }
.Ltmp3:
0x35: {  	v2 =	vld [tilespmem:s18+$0xFFFFFFF0];
	[tilespmem:s15+$0x1020 ss:$0x81] =	vst.msk $0xffff, v0;
	(pc) =	sbr.rel @p1 .LBB1_3-.Ltmp3, $4  }
0x36: {  	v0 =	vld [tilespmem:s18+$0x0];
	[tilespmem:s15+$0x0 ss:$0x81] =	vst.msk $0xffff, v1  }
0x37: {  	s15 =	sshra.s32 s19, $0x2;
	v1 =	vld [tilespmem:s18+$0xFFFFFFE0]  }
0x38: {  	s15 =	sadd.s32 s15, s16  }
0x39: {  	s18 =	sadd.s32 $0x40, s18;
	[tilespmem:s15+$0x1830 ss:$0x81] =	vst.msk $0xffff, v3  }
.Ltmp4:
0x3a: {  	_ = 	snop;
	(pc) =	sbr.rel .LBB1_4-.Ltmp4, $1  }
0x3b: {  	_ =	sdelay $0x3  }
.LBB1_6:
0x3c: {  	_ =	sfence.sel $0x180000  }
0x3d: {  	s2 =	simm.s32 $0x1;
	[bflag:$0x0] =	sbarrier.arrive $0xFFFF  }
0x3e: {  	s31 =	simm.s32 $0x2;
	[sflag:s2] =	ssyncpa.u1 $0x1  }
0x3f: {  	[sflag:s31] =	ssyncpa.u1 $0x1  }
0x40: {  	p0 =	sne.s32 s0, $0x0;
	_ =	strace $0x9000004A  }
0x41: {  	s0 =	sadd.s32 @!p0 $0x100000, s1;
	[bflag:$0x2] =	sbarrier.arrive $0xFFFF  }
0x42: {  	[sflag:s0] =	ssyncadd.tile.s32 @!p0 $0x1;
	_ =	shalt  }
.Lfunc_end1:
_tile_overlayer_lowered:
.L_overlay_start_2:
0x43: {  	(tag) =	ssettag $0x2  }
0x44: {  	s0 =	rddreg [dreg:$0x0];
	s2 =	stileid.u32  }
0x45: {  	s1 =	rddreg [dreg:$0x1];
	p0 =	sne.s32 s2, $0x0  }
0x46: {  	s3 =	rddreg [dreg:$0x2];
	[bflag:$0x3] =	sbarrier.arrive $0xFFFF;
	s2 =	simm.s32 @!p0 $0x1C01  }
0x47: {  	[timem:s3], [sflag:s2] =	dma.local @!p0 [hbm:s0], s1  }
0x48: {  	s0 =	simm.s32 @!p0 $0x1  }
0x49: {  	_ =	swait.ge @!p0 [sflag:s0], s1  }
0x4a: {  	s1 =	ssub.s32 @!p0 $0x0, s1;
	[sflag:s0] =	ssyncset.done @!p0 $0x0  }
0x4b: {  	[sflag:s0] =	ssyncadd.s32 @!p0 s1  }
0x4c: {  	[bflag:$0x3] =	sbarrier.arrive $0xFFFF  }
0x4d: {  	_ =	shalt  }

</sc_bundles>
